<compile_context>
chip_gen: v7x
topology: tpu7x:2x2x1
jax: 0.10.2.dev20260603
libtpu: 0.0.44.dev20260713+nightly
codegen_flags: <defaults>
</compile_context>

<pallas_src>
import functools

import jax
import jax.numpy as jnp
from jax import lax
from jax.experimental import pallas as pl
from jax.experimental.pallas import tpu as pltpu
from jax.experimental.pallas import tpu_sc as plsc

INF = 100000.0
T = 300
LANES = 16
NTILES = 170
TILE = 256
SL = NTILES * TILE
N = 21760
HT = 85
HF = HT * TILE
TOT = T * SL

_PREF = (0, 128, 160, 168, 170)
_PH = tuple(tuple(min(max(p - HT * h, 0), HT) for p in _PREF)
            for h in range(2))


@functools.partial(
    pl.kernel,
    out_type=jax.ShapeDtypeStruct((TOT,), jnp.float32),
    mesh=plsc.VectorSubcoreMesh(core_axis_name="c", subcore_axis_name="s"),
    compiler_params=pltpu.CompilerParams(needs_layout_passes=False),
    scratch_types=[
        pltpu.VMEM((304,), jnp.float32),
        pltpu.VMEM((64,), jnp.float32),
        pltpu.VMEM((HF,), jnp.float32),
        pltpu.VMEM((HF,), jnp.float32),
        pltpu.VMEM((HF,), jnp.float32),
        pltpu.VMEM((HF,), jnp.float32),
        pltpu.VMEM((HF,), jnp.float32),
        pltpu.SemaphoreType.DMA,
        pltpu.SemaphoreType.DMA,
        pltpu.SemaphoreType.DMA,
        pltpu.SemaphoreType.DMA,
    ],
)
def _sc_select(x_hbm, ts_hbm, b_hbm, out_hbm,
               ts_v, b_v, stg_a, stg_b, ob_a, ob_b, inf_v,
               sia, sib, soa, sob):
    cid = lax.axis_index("c")
    sid = lax.axis_index("s")
    wid = sid * 2 + cid

    pltpu.sync_copy(ts_hbm, ts_v)
    pltpu.sync_copy(b_hbm, b_v)
    brep = [b_v[pl.ds(s * LANES, LANES)] for s in range(4)]
    iota = lax.iota(jnp.int32, LANES)

    t0 = (wid * 75) >> 3
    cnt = (((wid + 1) * 75) >> 3) - t0

    stg = (stg_a, stg_b)
    obuf = (ob_a, ob_b)
    sin = (sia, sib)
    sout = (soa, sob)

    zero_v = jnp.zeros((LANES,), jnp.int32)
    one_v = zero_v + 1
    inf_vec = jnp.full((LANES,), INF, jnp.float32)

    def fill_inf(v, carry):
        inf_v[pl.ds(v * LANES, LANES)] = inf_vec
        return carry

    lax.fori_loop(0, HF // LANES, fill_inf, 0)

    def slice_K(t):
        t_al = (t >> 4) << 4
        tsv = ts_v[pl.ds(t_al, LANES)]
        kvec = sum(jnp.where(b < tsv, one_v, zero_v) for b in brep)
        lane_m = iota == (zero_v + (t - t_al))
        return jnp.sum(jnp.where(lane_m, kvec, zero_v), axis=0)

    def start_in(t, h):
        K = slice_K(t)
        for k in range(5):
            ph = _PH[h][k]
            sfx = HT - ph
            if sfx:
                @pl.when(K == k)
                def _(ph=ph, sfx=sfx):
                    n0 = (HT * h + ph) * 128
                    for c in range(2):
                        pltpu.async_copy(
                            x_hbm.at[pl.ds(t * SL + c * N + n0, sfx * 128)],
                            stg[h].at[pl.ds(c * sfx * 128, sfx * 128)],
                            sin[h])

    def wait_in(t, h):
        K = slice_K(t)
        for k in range(5):
            sfx = HT - _PH[h][k]
            if sfx:
                @pl.when(K == k)
                def _(sfx=sfx):
                    pltpu.make_async_copy(
                        x_hbm.at[pl.ds(0, 2 * sfx * 128)],
                        stg[h].at[pl.ds(0, 2 * sfx * 128)],
                        sin[h]).wait()

    def body(t, h):
        K = slice_K(t)
        base = t * SL + HT * h * TILE
        for k in range(5):
            ph = _PH[h][k]
            if ph:
                @pl.when(K == k)
                def _(ph=ph):
                    pltpu.async_copy(
                        inf_v.at[pl.ds(0, ph * TILE)],
                        out_hbm.at[pl.ds(base, ph * TILE)], sout[h])
        wait_in(t, h)
        for k in range(5):
            ph = _PH[h][k]
            sfx = HT - ph
            if sfx:
                @pl.when(K == k)
                def _(ph=ph, sfx=sfx):
                    def shuf2(j2, carry):
                        for u in range(2):
                            j = j2 * 2 + u
                            for c in range(2):
                                so = (c * sfx + j) * 128
                                do = j * TILE + c * 128
                                for v in range(8):
                                    obuf[h][pl.ds(do + v * LANES, LANES)] = (
                                        stg[h][pl.ds(so + v * LANES, LANES)])
                        return carry

                    lax.fori_loop(0, sfx // 2, shuf2, 0)
                    for j in range(sfx - (sfx % 2), sfx):
                        for c in range(2):
                            so = (c * sfx + j) * 128
                            do = j * TILE + c * 128
                            for v in range(8):
                                obuf[h][pl.ds(do + v * LANES, LANES)] = (
                                    stg[h][pl.ds(so + v * LANES, LANES)])
                    pltpu.async_copy(
                        obuf[h].at[pl.ds(0, sfx * TILE)],
                        out_hbm.at[pl.ds(base + ph * TILE, sfx * TILE)],
                        sout[h])

    def wait_out(h):
        pltpu.make_async_copy(
            obuf[h].at[pl.ds(0, HF)],
            out_hbm.at[pl.ds(0, HF)], sout[h]).wait()

    for h in range(2):
        start_in(t0, h)

    def step(i, carry):
        t = t0 + i
        for h in range(2):
            @pl.when(i >= 1)
            def _(h=h):
                wait_out(h)
            body(t, h)

            @pl.when(i + 1 < cnt)
            def _(h=h):
                start_in(t + 1, h)
        return carry

    lax.fori_loop(0, cnt, step, 0)
    wait_out(0)
    wait_out(1)


def kernel(cost_matrix, shapes, target_sizes, bounds):
    del shapes
    xin = jnp.transpose(cost_matrix, (2, 0, 1)).reshape(TOT)
    ts_pad = jnp.zeros((304,), jnp.float32).at[:T].set(
        target_sizes.astype(jnp.float32))
    b_rep = jnp.repeat(bounds.astype(jnp.float32), LANES)
    out = _sc_select(xin, ts_pad, b_rep)
    out4 = out.reshape(T, NTILES, 2, 128)
    return jnp.transpose(out4, (2, 1, 3, 0)).reshape(cost_matrix.shape)

# --- scband reference (transcript-rebuilt; emitter-appended) ---
"""Pipeline reference for scband-scale-selection-84250078478652 (READ-ONLY COPY).

The authoritative reference and input builder live on the scoring server;
editing this copy changes nothing except your own understanding.
"""

import jax, jax.numpy as jnp
import numpy as np

INF = 100000.0
OUTPUT_SIZE = 1024
NUM_SCALE = 4
# Deformable-DETR style 4-level feature pyramid for a 1024px image (strides 8/16/32/64)
SHAPES_NP = np.array([[128, 128], [64, 64], [32, 32], [16, 16]], dtype=np.int64)


def setup_inputs(seed: int = 0) -> dict:
    key = jax.random.key(seed)
    k1, k2 = jax.random.split(key)
    N = int((SHAPES_NP[:, 0] * SHAPES_NP[:, 1]).sum())  # 21760 anchors
    T = 300  # padded number of targets
    cost_matrix = jax.random.normal(k1, (2, N, T), dtype=jnp.float32)
    shapes = jnp.asarray(SHAPES_NP)
    target_sizes = jax.random.randint(k2, (T,), 0, 1024).astype(jnp.int32)
    # buffer from __init__(output_size=1024, num_scale=4): [128, 256, 512, 1024]
    bounds = jnp.array([OUTPUT_SIZE / 2 ** (NUM_SCALE - 1 - n) for n in range(NUM_SCALE)], dtype=jnp.float32)
    return {"cost_matrix": cost_matrix, "shapes": shapes, "target_sizes": target_sizes, "bounds": bounds}


def reference(cost_matrix, shapes, target_sizes, bounds):
    # Faithful translation of the torch forward:
    #   d = target_sizes[None, :] - bounds[:, None]           -> [num_scale, T]
    #   for each scale i with step = h_i * w_i:
    #       cost_matrix[:, ind:ind+step, d[i] > 0] = INF
    steps = shapes[:, 0] * shapes[:, 1]  # [S], traced
    d = target_sizes[None, :].astype(jnp.float32) - bounds[:, None]  # [S, T]
    # scale id of each anchor row (fixed shape N from cost_matrix, values traced from shapes)
    N = cost_matrix.shape[1]
    anchor_idx = jnp.arange(N)
    scale_ids = jnp.searchsorted(jnp.cumsum(steps), anchor_idx, side="right")  # [N]
    mask = (d > 0)[scale_ids]  # [N, T] gather of per-scale masks
    out = jnp.where(mask[None, :, :], INF, cost_matrix)
    return out

if __name__ == "__main__":
    import jax
    _d = setup_inputs()
    print(jax.jit(kernel)(*tuple(_d.values())))

</pallas_src>

<mosaic_0001>
#map = affine_map<(d0, d1) -> (0)>
module attributes {stable_mosaic.version = 14 : i64} {
  func.func @_sc_select(%arg0: i32, %arg1: i32, %arg2: memref<13056000xf32, #tpu.memory_space<hbm>>, %arg3: memref<304xf32, #tpu.memory_space<hbm>>, %arg4: memref<64xf32, #tpu.memory_space<hbm>>, %arg5: memref<13056000xf32, #tpu.memory_space<hbm>>, %arg6: memref<304xf32, #tpu.memory_space<vmem>>, %arg7: memref<64xf32, #tpu.memory_space<vmem>>, %arg8: memref<21760xf32, #tpu.memory_space<vmem>>, %arg9: memref<21760xf32, #tpu.memory_space<vmem>>, %arg10: memref<21760xf32, #tpu.memory_space<vmem>>, %arg11: memref<21760xf32, #tpu.memory_space<vmem>>, %arg12: memref<21760xf32, #tpu.memory_space<vmem>>, %arg13: memref<!tpu.dma_semaphore, #tpu.memory_space<semaphore_mem>>, %arg14: memref<!tpu.dma_semaphore, #tpu.memory_space<semaphore_mem>>, %arg15: memref<!tpu.dma_semaphore, #tpu.memory_space<semaphore_mem>>, %arg16: memref<!tpu.dma_semaphore, #tpu.memory_space<semaphore_mem>>) attributes {dimension_semantics = [#tpu.dimension_semantics<core_parallel>, #tpu.dimension_semantics<subcore_parallel>], iteration_bounds = array<i64: 2, 16>, scalar_prefetch = 0 : i64, scratch_operands = 11 : i64, tpu.core_type = #tpu.core_type<sc_vector_subcore>, window_params = [{transform_indices = #map}, {transform_indices = #map}, {transform_indices = #map}, {transform_indices = #map}]} {
    %mul3A = arith.constant 2 : i32
    %mul3A_0 = arith.muli %arg1, %mul3A : i32
    %add3A = arith.addi %mul3A_0, %arg0 : i32
    "tpu.region"() ({
      %run_scoped3A = tpu.sem_alloc : memref<!tpu.dma_semaphore, #tpu.memory_space<semaphore_mem>>
      tpu.enqueue_dma source(%arg3 : memref<304xf32, #tpu.memory_space<hbm>>) target(%arg6 : memref<304xf32, #tpu.memory_space<vmem>>) target_semaphore(%run_scoped3A : memref<!tpu.dma_semaphore, #tpu.memory_space<semaphore_mem>>)
      tpu.wait_dma2 semaphore(%run_scoped3A : memref<!tpu.dma_semaphore, #tpu.memory_space<semaphore_mem>>) src(%arg3 : memref<304xf32, #tpu.memory_space<hbm>>) dst(%arg6 : memref<304xf32, #tpu.memory_space<vmem>>)
      tpu.yield
    }) : () -> ()
    "tpu.region"() ({
      %run_scoped3A = tpu.sem_alloc : memref<!tpu.dma_semaphore, #tpu.memory_space<semaphore_mem>>
      tpu.enqueue_dma source(%arg4 : memref<64xf32, #tpu.memory_space<hbm>>) target(%arg7 : memref<64xf32, #tpu.memory_space<vmem>>) target_semaphore(%run_scoped3A : memref<!tpu.dma_semaphore, #tpu.memory_space<semaphore_mem>>)
      tpu.wait_dma2 semaphore(%run_scoped3A : memref<!tpu.dma_semaphore, #tpu.memory_space<semaphore_mem>>) src(%arg4 : memref<64xf32, #tpu.memory_space<hbm>>) dst(%arg7 : memref<64xf32, #tpu.memory_space<vmem>>)
      tpu.yield
    }) : () -> ()
    %get3A = arith.constant 0 : index
    %get3A_1 = tpu.vector_load %arg7[%get3A] {strides = array<i32>} : memref<64xf32, #tpu.memory_space<vmem>>, vector<16xf32>,
    %get3A_2 = arith.constant 16 : index
    %get3A_3 = tpu.vector_load %arg7[%get3A_2] {strides = array<i32>} : memref<64xf32, #tpu.memory_space<vmem>>, vector<16xf32>,
    %get3A_4 = arith.constant 32 : index
    %get3A_5 = tpu.vector_load %arg7[%get3A_4] {strides = array<i32>} : memref<64xf32, #tpu.memory_space<vmem>>, vector<16xf32>,
    %get3A_6 = arith.constant 48 : index
    %get3A_7 = tpu.vector_load %arg7[%get3A_6] {strides = array<i32>} : memref<64xf32, #tpu.memory_space<vmem>>, vector<16xf32>,
    %iota3A = tpu.iota {dimensions = array<i32: 0>} : vector<16xi32>
    %mul3A_8 = arith.constant 75 : i32
    %mul3A_9 = arith.muli %add3A, %mul3A_8 : i32
    %shift_right_arithmetic3A = arith.constant 3 : i32
    %shift_right_arithmetic3A_10 = arith.shrsi %mul3A_9, %shift_right_arithmetic3A : i32
    %add3A_11 = arith.constant 1 : i32
    %add3A_12 = arith.addi %add3A, %add3A_11 : i32
    %mul3A_13 = arith.constant 75 : i32
    %mul3A_14 = arith.muli %add3A_12, %mul3A_13 : i32
    %shift_right_arithmetic3A_15 = arith.constant 3 : i32
    %shift_right_arithmetic3A_16 = arith.shrsi %mul3A_14, %shift_right_arithmetic3A_15 : i32
    %sub3A = arith.subi %shift_right_arithmetic3A_16, %shift_right_arithmetic3A_10 : i32
    %broadcast_in_dim3A = arith.constant 0 : i32
    %broadcast_in_dim3A_17 = vector.broadcast %broadcast_in_dim3A : i32 to vector<16xi32>
    %add3A_18 = arith.constant 1 : i32
    %add3A_19 = vector.broadcast %add3A_18 : i32 to vector<16xi32>
    %add3A_20 = arith.addi %broadcast_in_dim3A_17, %add3A_19 : vector<16xi32>
    %broadcast_in_dim3A_21 = arith.constant 1.000000e+05 : f32
    %broadcast_in_dim3A_22 = vector.broadcast %broadcast_in_dim3A_21 : f32 to vector<16xf32>
    %scan3A = arith.constant 0 : i32
    %scan3A_23 = arith.constant 0 : i32
    %scan3A_24 = arith.constant 1360 : i32
    %scan3A_25 = arith.addi %scan3A_23, %scan3A_24 : i32
    %scan3A_26 = arith.constant 1 : i32
    scf.for %scan3A_128 = %scan3A_23 to %scan3A_25 step %scan3A_26  : i32 {
      %mul3A_129 = arith.constant 16 : i32
      %mul3A_130 = arith.muli %scan3A_128, %mul3A_129 : i32
      %swap3A = arith.index_cast %mul3A_130 : i32 to index
      %swap3A_131 = tpu.vector_load %arg12[%swap3A] {strides = array<i32>} : memref<21760xf32, #tpu.memory_space<vmem>>, vector<16xf32>,
      tpu.vector_store %arg12[%swap3A], %broadcast_in_dim3A_22 {strides = array<i32>} : memref<21760xf32, #tpu.memory_space<vmem>>, vector<16xf32>,
    }
    %scan3A_27 = arith.constant 1360 : i32
    %shift_right_arithmetic3A_28 = arith.constant 4 : i32
    %shift_right_arithmetic3A_29 = arith.shrsi %shift_right_arithmetic3A_10, %shift_right_arithmetic3A_28 : i32
    %shift_left3A = arith.constant 4 : i32
    %shift_left3A_30 = arith.shli %shift_right_arithmetic3A_29, %shift_left3A : i32
    %get3A_31 = arith.index_cast %shift_left3A_30 : i32 to index
    %get3A_32 = tpu.vector_load %arg6[%get3A_31] {strides = array<i32>} : memref<304xf32, #tpu.memory_space<vmem>>, vector<16xf32>,
    %lt3A = arith.cmpf olt, %get3A_1, %get3A_32 : vector<16xf32>
    %select_n3A = arith.select %lt3A, %add3A_20, %broadcast_in_dim3A_17 : vector<16xi1>, vector<16xi32>
    %add3A_33 = arith.constant 0 : i32
    %add3A_34 = vector.broadcast %add3A_33 : i32 to vector<16xi32>
    %add3A_35 = arith.addi %add3A_34, %select_n3A : vector<16xi32>
    %lt3A_36 = arith.cmpf olt, %get3A_3, %get3A_32 : vector<16xf32>
    %select_n3A_37 = arith.select %lt3A_36, %add3A_20, %broadcast_in_dim3A_17 : vector<16xi1>, vector<16xi32>
    %add3A_38 = arith.addi %add3A_35, %select_n3A_37 : vector<16xi32>
    %lt3A_39 = arith.cmpf olt, %get3A_5, %get3A_32 : vector<16xf32>
    %select_n3A_40 = arith.select %lt3A_39, %add3A_20, %broadcast_in_dim3A_17 : vector<16xi1>, vector<16xi32>
    %add3A_41 = arith.addi %add3A_38, %select_n3A_40 : vector<16xi32>
    %lt3A_42 = arith.cmpf olt, %get3A_7, %get3A_32 : vector<16xf32>
    %select_n3A_43 = arith.select %lt3A_42, %add3A_20, %broadcast_in_dim3A_17 : vector<16xi1>, vector<16xi32>
    %add3A_44 = arith.addi %add3A_41, %select_n3A_43 : vector<16xi32>
    %sub3A_45 = arith.subi %shift_right_arithmetic3A_10, %shift_left3A_30 : i32
    %add3A_46 = vector.broadcast %sub3A_45 : i32 to vector<16xi32>
    %add3A_47 = arith.addi %broadcast_in_dim3A_17, %add3A_46 : vector<16xi32>
    %eq3A = arith.cmpi eq, %iota3A, %add3A_47 : vector<16xi32>
    %select_n3A_48 = arith.select %eq3A, %add3A_44, %broadcast_in_dim3A_17 : vector<16xi1>, vector<16xi32>
    %reduce_sum3A = arith.constant true
    %reduce_sum3A_49 = vector.broadcast %reduce_sum3A : i1 to vector<16xi1>
    %reduce_sum3A_50 = tpu.scan <sum>, %select_n3A_48 masked %reduce_sum3A_49 : vector<16xi32>, vector<16xi1> -> vector<16xi32>
    %reduce_sum3A_51 = vector.extract %reduce_sum3A_50[15] : i32 from vector<16xi32>
    %eq3A_52 = arith.constant 0 : i32
    %eq3A_53 = arith.cmpi eq, %reduce_sum3A_51, %eq3A_52 : i32
    %convert_element_type3A = arith.extui %eq3A_53 : i1 to i32
    %cond3A = arith.constant 0 : i32
    %cond3A_54 = arith.cmpi ne, %convert_element_type3A, %cond3A : i32
    scf.if %cond3A_54 {
      %mul3A_128 = arith.constant 43520 : i32
      %mul3A_129 = arith.muli %shift_right_arithmetic3A_10, %mul3A_128 : i32
      %add3A_130 = arith.constant 0 : i32
      %add3A_131 = arith.addi %mul3A_129, %add3A_130 : i32
      %add3A_132 = arith.constant 0 : i32
      %add3A_133 = arith.addi %add3A_131, %add3A_132 : i32
      %dma_start3A = arith.constant 0 : i32
      %dma_start3A_134 = tpu.memref_slice %arg8[%dma_start3A] : memref<21760xf32, #tpu.memory_space<vmem>> -> memref<10880xf32, #tpu.memory_space<vmem>>
      %dma_start3A_135 = tpu.memref_slice %arg2[%add3A_133] : memref<13056000xf32, #tpu.memory_space<hbm>> -> memref<10880xf32, #tpu.memory_space<hbm>>
      %dma_start3A_136 = arith.constant 0 : i32
      %dma_start3A_137 = tpu.memref_slice %arg8[%dma_start3A_136] : memref<21760xf32, #tpu.memory_space<vmem>> -> memref<10880xf32, #tpu.memory_space<vmem>>
      %dma_start3A_138 = tpu.memref_slice %arg2[%add3A_133] : memref<13056000xf32, #tpu.memory_space<hbm>> -> memref<10880xf32, #tpu.memory_space<hbm>>
      tpu.enqueue_dma source(%dma_start3A_138 : memref<10880xf32, #tpu.memory_space<hbm>>) target(%dma_start3A_137 : memref<10880xf32, #tpu.memory_space<vmem>>) target_semaphore(%arg13 : memref<!tpu.dma_semaphore, #tpu.memory_space<semaphore_mem>>)
      %mul3A_139 = arith.constant 43520 : i32
      %mul3A_140 = arith.muli %shift_right_arithmetic3A_10, %mul3A_139 : i32
      %add3A_141 = arith.constant 21760 : i32
      %add3A_142 = arith.addi %mul3A_140, %add3A_141 : i32
      %add3A_143 = arith.constant 0 : i32
      %add3A_144 = arith.addi %add3A_142, %add3A_143 : i32
      %dma_start3A_145 = arith.constant 10880 : i32
      %dma_start3A_146 = tpu.memref_slice %arg8[%dma_start3A_145] : memref<21760xf32, #tpu.memory_space<vmem>> -> memref<10880xf32, #tpu.memory_space<vmem>>
      %dma_start3A_147 = tpu.memref_slice %arg2[%add3A_144] : memref<13056000xf32, #tpu.memory_space<hbm>> -> memref<10880xf32, #tpu.memory_space<hbm>>
      %dma_start3A_148 = arith.constant 10880 : i32
      %dma_start3A_149 = tpu.memref_slice %arg8[%dma_start3A_148] : memref<21760xf32, #tpu.memory_space<vmem>> -> memref<10880xf32, #tpu.memory_space<vmem>>
      %dma_start3A_150 = tpu.memref_slice %arg2[%add3A_144] : memref<13056000xf32, #tpu.memory_space<hbm>> -> memref<10880xf32, #tpu.memory_space<hbm>>
      tpu.enqueue_dma source(%dma_start3A_150 : memref<10880xf32, #tpu.memory_space<hbm>>) target(%dma_start3A_149 : memref<10880xf32, #tpu.memory_space<vmem>>) target_semaphore(%arg13 : memref<!tpu.dma_semaphore, #tpu.memory_space<semaphore_mem>>)
    } else {
    }
    %shift_right_arithmetic3A_55 = arith.constant 4 : i32
    %shift_right_arithmetic3A_56 = arith.shrsi %shift_right_arithmetic3A_10, %shift_right_arithmetic3A_55 : i32
    %shift_left3A_57 = arith.constant 4 : i32
    %shift_left3A_58 = arith.shli %shift_right_arithmetic3A_56, %shift_left3A_57 : i32
    %get3A_59 = arith.index_cast %shift_left3A_58 : i32 to index
    %get3A_60 = tpu.vector_load %arg6[%get3A_59] {strides = array<i32>} : memref<304xf32, #tpu.memory_space<vmem>>, vector<16xf32>,
    %lt3A_61 = arith.cmpf olt, %get3A_1, %get3A_60 : vector<16xf32>
    %select_n3A_62 = arith.select %lt3A_61, %add3A_20, %broadcast_in_dim3A_17 : vector<16xi1>, vector<16xi32>
    %add3A_63 = arith.constant 0 : i32
    %add3A_64 = vector.broadcast %add3A_63 : i32 to vector<16xi32>
    %add3A_65 = arith.addi %add3A_64, %select_n3A_62 : vector<16xi32>
    %lt3A_66 = arith.cmpf olt, %get3A_3, %get3A_60 : vector<16xf32>
    %select_n3A_67 = arith.select %lt3A_66, %add3A_20, %broadcast_in_dim3A_17 : vector<16xi1>, vector<16xi32>
    %add3A_68 = arith.addi %add3A_65, %select_n3A_67 : vector<16xi32>
    %lt3A_69 = arith.cmpf olt, %get3A_5, %get3A_60 : vector<16xf32>
    %select_n3A_70 = arith.select %lt3A_69, %add3A_20, %broadcast_in_dim3A_17 : vector<16xi1>, vector<16xi32>
    %add3A_71 = arith.addi %add3A_68, %select_n3A_70 : vector<16xi32>
    %lt3A_72 = arith.cmpf olt, %get3A_7, %get3A_60 : vector<16xf32>
    %select_n3A_73 = arith.select %lt3A_72, %add3A_20, %broadcast_in_dim3A_17 : vector<16xi1>, vector<16xi32>
    %add3A_74 = arith.addi %add3A_71, %select_n3A_73 : vector<16xi32>
    %sub3A_75 = arith.subi %shift_right_arithmetic3A_10, %shift_left3A_58 : i32
    %add3A_76 = vector.broadcast %sub3A_75 : i32 to vector<16xi32>
    %add3A_77 = arith.addi %broadcast_in_dim3A_17, %add3A_76 : vector<16xi32>
    %eq3A_78 = arith.cmpi eq, %iota3A, %add3A_77 : vector<16xi32>
    %select_n3A_79 = arith.select %eq3A_78, %add3A_74, %broadcast_in_dim3A_17 : vector<16xi1>, vector<16xi32>
    %reduce_sum3A_80 = arith.constant true
    %reduce_sum3A_81 = vector.broadcast %reduce_sum3A_80 : i1 to vector<16xi1>
    %reduce_sum3A_82 = tpu.scan <sum>, %select_n3A_79 masked %reduce_sum3A_81 : vector<16xi32>, vector<16xi1> -> vector<16xi32>
    %reduce_sum3A_83 = vector.extract %reduce_sum3A_82[15] : i32 from vector<16xi32>
    %eq3A_84 = arith.constant 0 : i32
    %eq3A_85 = arith.cmpi eq, %reduce_sum3A_83, %eq3A_84 : i32
    %convert_element_type3A_86 = arith.extui %eq3A_85 : i1 to i32
    %cond3A_87 = arith.constant 0 : i32
    %cond3A_88 = arith.cmpi ne, %convert_element_type3A_86, %cond3A_87 : i32
    scf.if %cond3A_88 {
      %mul3A_128 = arith.constant 43520 : i32
      %mul3A_129 = arith.muli %shift_right_arithmetic3A_10, %mul3A_128 : i32
      %add3A_130 = arith.constant 0 : i32
      %add3A_131 = arith.addi %mul3A_129, %add3A_130 : i32
      %add3A_132 = arith.constant 10880 : i32
      %add3A_133 = arith.addi %add3A_131, %add3A_132 : i32
      %dma_start3A = arith.constant 0 : i32
      %dma_start3A_134 = tpu.memref_slice %arg9[%dma_start3A] : memref<21760xf32, #tpu.memory_space<vmem>> -> memref<10880xf32, #tpu.memory_space<vmem>>
      %dma_start3A_135 = tpu.memref_slice %arg2[%add3A_133] : memref<13056000xf32, #tpu.memory_space<hbm>> -> memref<10880xf32, #tpu.memory_space<hbm>>
      %dma_start3A_136 = arith.constant 0 : i32
      %dma_start3A_137 = tpu.memref_slice %arg9[%dma_start3A_136] : memref<21760xf32, #tpu.memory_space<vmem>> -> memref<10880xf32, #tpu.memory_space<vmem>>
      %dma_start3A_138 = tpu.memref_slice %arg2[%add3A_133] : memref<13056000xf32, #tpu.memory_space<hbm>> -> memref<10880xf32, #tpu.memory_space<hbm>>
      tpu.enqueue_dma source(%dma_start3A_138 : memref<10880xf32, #tpu.memory_space<hbm>>) target(%dma_start3A_137 : memref<10880xf32, #tpu.memory_space<vmem>>) target_semaphore(%arg14 : memref<!tpu.dma_semaphore, #tpu.memory_space<semaphore_mem>>)
      %mul3A_139 = arith.constant 43520 : i32
      %mul3A_140 = arith.muli %shift_right_arithmetic3A_10, %mul3A_139 : i32
      %add3A_141 = arith.constant 21760 : i32
      %add3A_142 = arith.addi %mul3A_140, %add3A_141 : i32
      %add3A_143 = arith.constant 10880 : i32
      %add3A_144 = arith.addi %add3A_142, %add3A_143 : i32
      %dma_start3A_145 = arith.constant 10880 : i32
      %dma_start3A_146 = tpu.memref_slice %arg9[%dma_start3A_145] : memref<21760xf32, #tpu.memory_space<vmem>> -> memref<10880xf32, #tpu.memory_space<vmem>>
      %dma_start3A_147 = tpu.memref_slice %arg2[%add3A_144] : memref<13056000xf32, #tpu.memory_space<hbm>> -> memref<10880xf32, #tpu.memory_space<hbm>>
      %dma_start3A_148 = arith.constant 10880 : i32
      %dma_start3A_149 = tpu.memref_slice %arg9[%dma_start3A_148] : memref<21760xf32, #tpu.memory_space<vmem>> -> memref<10880xf32, #tpu.memory_space<vmem>>
      %dma_start3A_150 = tpu.memref_slice %arg2[%add3A_144] : memref<13056000xf32, #tpu.memory_space<hbm>> -> memref<10880xf32, #tpu.memory_space<hbm>>
      tpu.enqueue_dma source(%dma_start3A_150 : memref<10880xf32, #tpu.memory_space<hbm>>) target(%dma_start3A_149 : memref<10880xf32, #tpu.memory_space<vmem>>) target_semaphore(%arg14 : memref<!tpu.dma_semaphore, #tpu.memory_space<semaphore_mem>>)
    } else {
    }
    %eq3A_89 = arith.constant 1 : i32
    %eq3A_90 = arith.cmpi eq, %reduce_sum3A_83, %eq3A_89 : i32
    %convert_element_type3A_91 = arith.extui %eq3A_90 : i1 to i32
    %cond3A_92 = arith.constant 0 : i32
    %cond3A_93 = arith.cmpi ne, %convert_element_type3A_91, %cond3A_92 : i32
    scf.if %cond3A_93 {
      %mul3A_128 = arith.constant 43520 : i32
      %mul3A_129 = arith.muli %shift_right_arithmetic3A_10, %mul3A_128 : i32
      %add3A_130 = arith.constant 0 : i32
      %add3A_131 = arith.addi %mul3A_129, %add3A_130 : i32
      %add3A_132 = arith.constant 16384 : i32
      %add3A_133 = arith.addi %add3A_131, %add3A_132 : i32
      %dma_start3A = arith.constant 0 : i32
      %dma_start3A_134 = tpu.memref_slice %arg9[%dma_start3A] : memref<21760xf32, #tpu.memory_space<vmem>> -> memref<5376xf32, #tpu.memory_space<vmem>>
      %dma_start3A_135 = tpu.memref_slice %arg2[%add3A_133] : memref<13056000xf32, #tpu.memory_space<hbm>> -> memref<5376xf32, #tpu.memory_space<hbm>>
      %dma_start3A_136 = arith.constant 0 : i32
      %dma_start3A_137 = tpu.memref_slice %arg9[%dma_start3A_136] : memref<21760xf32, #tpu.memory_space<vmem>> -> memref<5376xf32, #tpu.memory_space<vmem>>
      %dma_start3A_138 = tpu.memref_slice %arg2[%add3A_133] : memref<13056000xf32, #tpu.memory_space<hbm>> -> memref<5376xf32, #tpu.memory_space<hbm>>
      tpu.enqueue_dma source(%dma_start3A_138 : memref<5376xf32, #tpu.memory_space<hbm>>) target(%dma_start3A_137 : memref<5376xf32, #tpu.memory_space<vmem>>) target_semaphore(%arg14 : memref<!tpu.dma_semaphore, #tpu.memory_space<semaphore_mem>>)
      %mul3A_139 = arith.constant 43520 : i32
      %mul3A_140 = arith.muli %shift_right_arithmetic3A_10, %mul3A_139 : i32
      %add3A_141 = arith.constant 21760 : i32
      %add3A_142 = arith.addi %mul3A_140, %add3A_141 : i32
      %add3A_143 = arith.constant 16384 : i32
      %add3A_144 = arith.addi %add3A_142, %add3A_143 : i32
      %dma_start3A_145 = arith.constant 5376 : i32
      %dma_start3A_146 = tpu.memref_slice %arg9[%dma_start3A_145] : memref<21760xf32, #tpu.memory_space<vmem>> -> memref<5376xf32, #tpu.memory_space<vmem>>
      %dma_start3A_147 = tpu.memref_slice %arg2[%add3A_144] : memref<13056000xf32, #tpu.memory_space<hbm>> -> memref<5376xf32, #tpu.memory_space<hbm>>
      %dma_start3A_148 = arith.constant 5376 : i32
      %dma_start3A_149 = tpu.memref_slice %arg9[%dma_start3A_148] : memref<21760xf32, #tpu.memory_space<vmem>> -> memref<5376xf32, #tpu.memory_space<vmem>>
      %dma_start3A_150 = tpu.memref_slice %arg2[%add3A_144] : memref<13056000xf32, #tpu.memory_space<hbm>> -> memref<5376xf32, #tpu.memory_space<hbm>>
      tpu.enqueue_dma source(%dma_start3A_150 : memref<5376xf32, #tpu.memory_space<hbm>>) target(%dma_start3A_149 : memref<5376xf32, #tpu.memory_space<vmem>>) target_semaphore(%arg14 : memref<!tpu.dma_semaphore, #tpu.memory_space<semaphore_mem>>)
    } else {
    }
    %eq3A_94 = arith.constant 2 : i32
    %eq3A_95 = arith.cmpi eq, %reduce_sum3A_83, %eq3A_94 : i32
    %convert_element_type3A_96 = arith.extui %eq3A_95 : i1 to i32
    %cond3A_97 = arith.constant 0 : i32
    %cond3A_98 = arith.cmpi ne, %convert_element_type3A_96, %cond3A_97 : i32
    scf.if %cond3A_98 {
      %mul3A_128 = arith.constant 43520 : i32
      %mul3A_129 = arith.muli %shift_right_arithmetic3A_10, %mul3A_128 : i32
      %add3A_130 = arith.constant 0 : i32
      %add3A_131 = arith.addi %mul3A_129, %add3A_130 : i32
      %add3A_132 = arith.constant 20480 : i32
      %add3A_133 = arith.addi %add3A_131, %add3A_132 : i32
      %dma_start3A = arith.constant 0 : i32
      %dma_start3A_134 = tpu.memref_slice %arg9[%dma_start3A] : memref<21760xf32, #tpu.memory_space<vmem>> -> memref<1280xf32, #tpu.memory_space<vmem>>
      %dma_start3A_135 = tpu.memref_slice %arg2[%add3A_133] : memref<13056000xf32, #tpu.memory_space<hbm>> -> memref<1280xf32, #tpu.memory_space<hbm>>
      %dma_start3A_136 = arith.constant 0 : i32
      %dma_start3A_137 = tpu.memref_slice %arg9[%dma_start3A_136] : memref<21760xf32, #tpu.memory_space<vmem>> -> memref<1280xf32, #tpu.memory_space<vmem>>
      %dma_start3A_138 = tpu.memref_slice %arg2[%add3A_133] : memref<13056000xf32, #tpu.memory_space<hbm>> -> memref<1280xf32, #tpu.memory_space<hbm>>
      tpu.enqueue_dma source(%dma_start3A_138 : memref<1280xf32, #tpu.memory_space<hbm>>) target(%dma_start3A_137 : memref<1280xf32, #tpu.memory_space<vmem>>) target_semaphore(%arg14 : memref<!tpu.dma_semaphore, #tpu.memory_space<semaphore_mem>>)
      %mul3A_139 = arith.constant 43520 : i32
      %mul3A_140 = arith.muli %shift_right_arithmetic3A_10, %mul3A_139 : i32
      %add3A_141 = arith.constant 21760 : i32
      %add3A_142 = arith.addi %mul3A_140, %add3A_141 : i32
      %add3A_143 = arith.constant 20480 : i32
      %add3A_144 = arith.addi %add3A_142, %add3A_143 : i32
      %dma_start3A_145 = arith.constant 1280 : i32
      %dma_start3A_146 = tpu.memref_slice %arg9[%dma_start3A_145] : memref<21760xf32, #tpu.memory_space<vmem>> -> memref<1280xf32, #tpu.memory_space<vmem>>
      %dma_start3A_147 = tpu.memref_slice %arg2[%add3A_144] : memref<13056000xf32, #tpu.memory_space<hbm>> -> memref<1280xf32, #tpu.memory_space<hbm>>
      %dma_start3A_148 = arith.constant 1280 : i32
      %dma_start3A_149 = tpu.memref_slice %arg9[%dma_start3A_148] : memref<21760xf32, #tpu.memory_space<vmem>> -> memref<1280xf32, #tpu.memory_space<vmem>>
      %dma_start3A_150 = tpu.memref_slice %arg2[%add3A_144] : memref<13056000xf32, #tpu.memory_space<hbm>> -> memref<1280xf32, #tpu.memory_space<hbm>>
      tpu.enqueue_dma source(%dma_start3A_150 : memref<1280xf32, #tpu.memory_space<hbm>>) target(%dma_start3A_149 : memref<1280xf32, #tpu.memory_space<vmem>>) target_semaphore(%arg14 : memref<!tpu.dma_semaphore, #tpu.memory_space<semaphore_mem>>)
    } else {
    }
    %eq3A_99 = arith.constant 3 : i32
    %eq3A_100 = arith.cmpi eq, %reduce_sum3A_83, %eq3A_99 : i32
    %convert_element_type3A_101 = arith.extui %eq3A_100 : i1 to i32
    %cond3A_102 = arith.constant 0 : i32
    %cond3A_103 = arith.cmpi ne, %convert_element_type3A_101, %cond3A_102 : i32
    scf.if %cond3A_103 {
      %mul3A_128 = arith.constant 43520 : i32
      %mul3A_129 = arith.muli %shift_right_arithmetic3A_10, %mul3A_128 : i32
      %add3A_130 = arith.constant 0 : i32
      %add3A_131 = arith.addi %mul3A_129, %add3A_130 : i32
      %add3A_132 = arith.constant 21504 : i32
      %add3A_133 = arith.addi %add3A_131, %add3A_132 : i32
      %dma_start3A = arith.constant 0 : i32
      %dma_start3A_134 = tpu.memref_slice %arg9[%dma_start3A] : memref<21760xf32, #tpu.memory_space<vmem>> -> memref<256xf32, #tpu.memory_space<vmem>>
      %dma_start3A_135 = tpu.memref_slice %arg2[%add3A_133] : memref<13056000xf32, #tpu.memory_space<hbm>> -> memref<256xf32, #tpu.memory_space<hbm>>
      %dma_start3A_136 = arith.constant 0 : i32
      %dma_start3A_137 = tpu.memref_slice %arg9[%dma_start3A_136] : memref<21760xf32, #tpu.memory_space<vmem>> -> memref<256xf32, #tpu.memory_space<vmem>>
      %dma_start3A_138 = tpu.memref_slice %arg2[%add3A_133] : memref<13056000xf32, #tpu.memory_space<hbm>> -> memref<256xf32, #tpu.memory_space<hbm>>
      tpu.enqueue_dma source(%dma_start3A_138 : memref<256xf32, #tpu.memory_space<hbm>>) target(%dma_start3A_137 : memref<256xf32, #tpu.memory_space<vmem>>) target_semaphore(%arg14 : memref<!tpu.dma_semaphore, #tpu.memory_space<semaphore_mem>>)
      %mul3A_139 = arith.constant 43520 : i32
      %mul3A_140 = arith.muli %shift_right_arithmetic3A_10, %mul3A_139 : i32
      %add3A_141 = arith.constant 21760 : i32
      %add3A_142 = arith.addi %mul3A_140, %add3A_141 : i32
      %add3A_143 = arith.constant 21504 : i32
      %add3A_144 = arith.addi %add3A_142, %add3A_143 : i32
      %dma_start3A_145 = arith.constant 256 : i32
      %dma_start3A_146 = tpu.memref_slice %arg9[%dma_start3A_145] : memref<21760xf32, #tpu.memory_space<vmem>> -> memref<256xf32, #tpu.memory_space<vmem>>
      %dma_start3A_147 = tpu.memref_slice %arg2[%add3A_144] : memref<13056000xf32, #tpu.memory_space<hbm>> -> memref<256xf32, #tpu.memory_space<hbm>>
      %dma_start3A_148 = arith.constant 256 : i32
      %dma_start3A_149 = tpu.memref_slice %arg9[%dma_start3A_148] : memref<21760xf32, #tpu.memory_space<vmem>> -> memref<256xf32, #tpu.memory_space<vmem>>
      %dma_start3A_150 = tpu.memref_slice %arg2[%add3A_144] : memref<13056000xf32, #tpu.memory_space<hbm>> -> memref<256xf32, #tpu.memory_space<hbm>>
      tpu.enqueue_dma source(%dma_start3A_150 : memref<256xf32, #tpu.memory_space<hbm>>) target(%dma_start3A_149 : memref<256xf32, #tpu.memory_space<vmem>>) target_semaphore(%arg14 : memref<!tpu.dma_semaphore, #tpu.memory_space<semaphore_mem>>)
    } else {
    }
    %while3A = arith.constant 0 : i32
    %while3A_104 = arith.constant 0 : i32
    %while3A_105 = arith.subi %sub3A, %while3A_104 : i32
    %while3A_106 = arith.addi %while3A_104, %while3A_105 : i32
    %while3A_107 = arith.constant 1 : i32
    %while3A_108 = arith.divsi %while3A_105, %while3A_107 : i32
    %while3A_109 = arith.muli %while3A_108, %while3A_107 : i32
    %while3A_110 = arith.addi %while3A_104, %while3A_109 : i32
    %while3A_111 = arith.constant 1 : i32
    scf.for %while3A_128 = %while3A_104 to %while3A_110 step %while3A_111  : i32 {
      %add3A_129 = arith.addi %shift_right_arithmetic3A_10, %while3A_128 : i32
      %ge3A = arith.constant 1 : i32
      %ge3A_130 = arith.cmpi sge, %while3A_128, %ge3A : i32
      %convert_element_type3A_131 = arith.extui %ge3A_130 : i1 to i32
      %cond3A_132 = arith.constant 0 : i32
      %cond3A_133 = arith.cmpi ne, %convert_element_type3A_131, %cond3A_132 : i32
      scf.if %cond3A_133 {
        %dma_wait3A_365 = arith.constant 0 : i32
        %dma_wait3A_366 = tpu.memref_slice %arg10[%dma_wait3A_365] : memref<21760xf32, #tpu.memory_space<vmem>> -> memref<21760xf32, #tpu.memory_space<vmem>>
        %dma_wait3A_367 = arith.constant 0 : i32
        %dma_wait3A_368 = tpu.memref_slice %arg5[%dma_wait3A_367] : memref<13056000xf32, #tpu.memory_space<hbm>> -> memref<21760xf32, #tpu.memory_space<hbm>>
        %dma_wait3A_369 = arith.constant 0 : i32
        %dma_wait3A_370 = tpu.memref_slice %arg5[%dma_wait3A_369] : memref<13056000xf32, #tpu.memory_space<hbm>> -> memref<21760xf32, #tpu.memory_space<hbm>>
        %dma_wait3A_371 = arith.constant 0 : i32
        %dma_wait3A_372 = tpu.memref_slice %arg10[%dma_wait3A_371] : memref<21760xf32, #tpu.memory_space<vmem>> -> memref<21760xf32, #tpu.memory_space<vmem>>
        tpu.wait_dma2 semaphore(%arg15 : memref<!tpu.dma_semaphore, #tpu.memory_space<semaphore_mem>>) src(%dma_wait3A_372 : memref<21760xf32, #tpu.memory_space<vmem>>) dst(%dma_wait3A_370 : memref<21760xf32, #tpu.memory_space<hbm>>)
      } else {
      }
      %shift_right_arithmetic3A_134 = arith.constant 4 : i32
      %shift_right_arithmetic3A_135 = arith.shrsi %add3A_129, %shift_right_arithmetic3A_134 : i32
      %shift_left3A_136 = arith.constant 4 : i32
      %shift_left3A_137 = arith.shli %shift_right_arithmetic3A_135, %shift_left3A_136 : i32
      %get3A_138 = arith.index_cast %shift_left3A_137 : i32 to index
      %get3A_139 = tpu.vector_load %arg6[%get3A_138] {strides = array<i32>} : memref<304xf32, #tpu.memory_space<vmem>>, vector<16xf32>,
      %lt3A_140 = arith.cmpf olt, %get3A_1, %get3A_139 : vector<16xf32>
      %select_n3A_141 = arith.select %lt3A_140, %add3A_20, %broadcast_in_dim3A_17 : vector<16xi1>, vector<16xi32>
      %add3A_142 = arith.constant 0 : i32
      %add3A_143 = vector.broadcast %add3A_142 : i32 to vector<16xi32>
      %add3A_144 = arith.addi %add3A_143, %select_n3A_141 : vector<16xi32>
      %lt3A_145 = arith.cmpf olt, %get3A_3, %get3A_139 : vector<16xf32>
      %select_n3A_146 = arith.select %lt3A_145, %add3A_20, %broadcast_in_dim3A_17 : vector<16xi1>, vector<16xi32>
      %add3A_147 = arith.addi %add3A_144, %select_n3A_146 : vector<16xi32>
      %lt3A_148 = arith.cmpf olt, %get3A_5, %get3A_139 : vector<16xf32>
      %select_n3A_149 = arith.select %lt3A_148, %add3A_20, %broadcast_in_dim3A_17 : vector<16xi1>, vector<16xi32>
      %add3A_150 = arith.addi %add3A_147, %select_n3A_149 : vector<16xi32>
      %lt3A_151 = arith.cmpf olt, %get3A_7, %get3A_139 : vector<16xf32>
      %select_n3A_152 = arith.select %lt3A_151, %add3A_20, %broadcast_in_dim3A_17 : vector<16xi1>, vector<16xi32>
      %add3A_153 = arith.addi %add3A_150, %select_n3A_152 : vector<16xi32>
      %sub3A_154 = arith.subi %add3A_129, %shift_left3A_137 : i32
      %add3A_155 = vector.broadcast %sub3A_154 : i32 to vector<16xi32>
      %add3A_156 = arith.addi %broadcast_in_dim3A_17, %add3A_155 : vector<16xi32>
      %eq3A_157 = arith.cmpi eq, %iota3A, %add3A_156 : vector<16xi32>
      %select_n3A_158 = arith.select %eq3A_157, %add3A_153, %broadcast_in_dim3A_17 : vector<16xi1>, vector<16xi32>
      %reduce_sum3A_159 = arith.constant true
      %reduce_sum3A_160 = vector.broadcast %reduce_sum3A_159 : i1 to vector<16xi1>
      %reduce_sum3A_161 = tpu.scan <sum>, %select_n3A_158 masked %reduce_sum3A_160 : vector<16xi32>, vector<16xi1> -> vector<16xi32>
      %reduce_sum3A_162 = vector.extract %reduce_sum3A_161[15] : i32 from vector<16xi32>
      %mul3A_163 = arith.constant 43520 : i32
      %mul3A_164 = arith.muli %add3A_129, %mul3A_163 : i32
      %add3A_165 = arith.constant 0 : i32
      %add3A_166 = arith.addi %mul3A_164, %add3A_165 : i32
      %eq3A_167 = arith.constant 1 : i32
      %eq3A_168 = arith.cmpi eq, %reduce_sum3A_162, %eq3A_167 : i32
      %convert_element_type3A_169 = arith.extui %eq3A_168 : i1 to i32
      %cond3A_170 = arith.constant 0 : i32
      %cond3A_171 = arith.cmpi ne, %convert_element_type3A_169, %cond3A_170 : i32
      scf.if %cond3A_171 {
        %dma_start3A = arith.constant 0 : i32
        %dma_start3A_365 = tpu.memref_slice %arg12[%dma_start3A] : memref<21760xf32, #tpu.memory_space<vmem>> -> memref<21760xf32, #tpu.memory_space<vmem>>
        %dma_start3A_366 = tpu.memref_slice %arg5[%add3A_166] : memref<13056000xf32, #tpu.memory_space<hbm>> -> memref<21760xf32, #tpu.memory_space<hbm>>
        %dma_start3A_367 = tpu.memref_slice %arg5[%add3A_166] : memref<13056000xf32, #tpu.memory_space<hbm>> -> memref<21760xf32, #tpu.memory_space<hbm>>
        %dma_start3A_368 = arith.constant 0 : i32
        %dma_start3A_369 = tpu.memref_slice %arg12[%dma_start3A_368] : memref<21760xf32, #tpu.memory_space<vmem>> -> memref<21760xf32, #tpu.memory_space<vmem>>
        tpu.enqueue_dma source(%dma_start3A_369 : memref<21760xf32, #tpu.memory_space<vmem>>) target(%dma_start3A_367 : memref<21760xf32, #tpu.memory_space<hbm>>) target_semaphore(%arg15 : memref<!tpu.dma_semaphore, #tpu.memory_space<semaphore_mem>>)
      } else {
      }
      %eq3A_172 = arith.constant 2 : i32
      %eq3A_173 = arith.cmpi eq, %reduce_sum3A_162, %eq3A_172 : i32
      %convert_element_type3A_174 = arith.extui %eq3A_173 : i1 to i32
      %cond3A_175 = arith.constant 0 : i32
      %cond3A_176 = arith.cmpi ne, %convert_element_type3A_174, %cond3A_175 : i32
      scf.if %cond3A_176 {
        %dma_start3A = arith.constant 0 : i32
        %dma_start3A_365 = tpu.memref_slice %arg12[%dma_start3A] : memref<21760xf32, #tpu.memory_space<vmem>> -> memref<21760xf32, #tpu.memory_space<vmem>>
        %dma_start3A_366 = tpu.memref_slice %arg5[%add3A_166] : memref<13056000xf32, #tpu.memory_space<hbm>> -> memref<21760xf32, #tpu.memory_space<hbm>>
        %dma_start3A_367 = tpu.memref_slice %arg5[%add3A_166] : memref<13056000xf32, #tpu.memory_space<hbm>> -> memref<21760xf32, #tpu.memory_space<hbm>>
        %dma_start3A_368 = arith.constant 0 : i32
        %dma_start3A_369 = tpu.memref_slice %arg12[%dma_start3A_368] : memref<21760xf32, #tpu.memory_space<vmem>> -> memref<21760xf32, #tpu.memory_space<vmem>>
        tpu.enqueue_dma source(%dma_start3A_369 : memref<21760xf32, #tpu.memory_space<vmem>>) target(%dma_start3A_367 : memref<21760xf32, #tpu.memory_space<hbm>>) target_semaphore(%arg15 : memref<!tpu.dma_semaphore, #tpu.memory_space<semaphore_mem>>)
      } else {
      }
      %eq3A_177 = arith.constant 3 : i32
      %eq3A_178 = arith.cmpi eq, %reduce_sum3A_162, %eq3A_177 : i32
      %convert_element_type3A_179 = arith.extui %eq3A_178 : i1 to i32
      %cond3A_180 = arith.constant 0 : i32
      %cond3A_181 = arith.cmpi ne, %convert_element_type3A_179, %cond3A_180 : i32
      scf.if %cond3A_181 {
        %dma_start3A = arith.constant 0 : i32
        %dma_start3A_365 = tpu.memref_slice %arg12[%dma_start3A] : memref<21760xf32, #tpu.memory_space<vmem>> -> memref<21760xf32, #tpu.memory_space<vmem>>
        %dma_start3A_366 = tpu.memref_slice %arg5[%add3A_166] : memref<13056000xf32, #tpu.memory_space<hbm>> -> memref<21760xf32, #tpu.memory_space<hbm>>
        %dma_start3A_367 = tpu.memref_slice %arg5[%add3A_166] : memref<13056000xf32, #tpu.memory_space<hbm>> -> memref<21760xf32, #tpu.memory_space<hbm>>
        %dma_start3A_368 = arith.constant 0 : i32
        %dma_start3A_369 = tpu.memref_slice %arg12[%dma_start3A_368] : memref<21760xf32, #tpu.memory_space<vmem>> -> memref<21760xf32, #tpu.memory_space<vmem>>
        tpu.enqueue_dma source(%dma_start3A_369 : memref<21760xf32, #tpu.memory_space<vmem>>) target(%dma_start3A_367 : memref<21760xf32, #tpu.memory_space<hbm>>) target_semaphore(%arg15 : memref<!tpu.dma_semaphore, #tpu.memory_space<semaphore_mem>>)
      } else {
      }
      %eq3A_182 = arith.constant 4 : i32
      %eq3A_183 = arith.cmpi eq, %reduce_sum3A_162, %eq3A_182 : i32
      %convert_element_type3A_184 = arith.extui %eq3A_183 : i1 to i32
      %cond3A_185 = arith.constant 0 : i32
      %cond3A_186 = arith.cmpi ne, %convert_element_type3A_184, %cond3A_185 : i32
      scf.if %cond3A_186 {
        %dma_start3A = arith.constant 0 : i32
        %dma_start3A_365 = tpu.memref_slice %arg12[%dma_start3A] : memref<21760xf32, #tpu.memory_space<vmem>> -> memref<21760xf32, #tpu.memory_space<vmem>>
        %dma_start3A_366 = tpu.memref_slice %arg5[%add3A_166] : memref<13056000xf32, #tpu.memory_space<hbm>> -> memref<21760xf32, #tpu.memory_space<hbm>>
        %dma_start3A_367 = tpu.memref_slice %arg5[%add3A_166] : memref<13056000xf32, #tpu.memory_space<hbm>> -> memref<21760xf32, #tpu.memory_space<hbm>>
        %dma_start3A_368 = arith.constant 0 : i32
        %dma_start3A_369 = tpu.memref_slice %arg12[%dma_start3A_368] : memref<21760xf32, #tpu.memory_space<vmem>> -> memref<21760xf32, #tpu.memory_space<vmem>>
        tpu.enqueue_dma source(%dma_start3A_369 : memref<21760xf32, #tpu.memory_space<vmem>>) target(%dma_start3A_367 : memref<21760xf32, #tpu.memory_space<hbm>>) target_semaphore(%arg15 : memref<!tpu.dma_semaphore, #tpu.memory_space<semaphore_mem>>)
      } else {
      }
      %shift_right_arithmetic3A_187 = arith.constant 4 : i32
      %shift_right_arithmetic3A_188 = arith.shrsi %add3A_129, %shift_right_arithmetic3A_187 : i32
      %shift_left3A_189 = arith.constant 4 : i32
      %shift_left3A_190 = arith.shli %shift_right_arithmetic3A_188, %shift_left3A_189 : i32
      %get3A_191 = arith.index_cast %shift_left3A_190 : i32 to index
      %get3A_192 = tpu.vector_load %arg6[%get3A_191] {strides = array<i32>} : memref<304xf32, #tpu.memory_space<vmem>>, vector<16xf32>,
      %lt3A_193 = arith.cmpf olt, %get3A_1, %get3A_192 : vector<16xf32>
      %select_n3A_194 = arith.select %lt3A_193, %add3A_20, %broadcast_in_dim3A_17 : vector<16xi1>, vector<16xi32>
      %add3A_195 = arith.constant 0 : i32
      %add3A_196 = vector.broadcast %add3A_195 : i32 to vector<16xi32>
      %add3A_197 = arith.addi %add3A_196, %select_n3A_194 : vector<16xi32>
      %lt3A_198 = arith.cmpf olt, %get3A_3, %get3A_192 : vector<16xf32>
      %select_n3A_199 = arith.select %lt3A_198, %add3A_20, %broadcast_in_dim3A_17 : vector<16xi1>, vector<16xi32>
      %add3A_200 = arith.addi %add3A_197, %select_n3A_199 : vector<16xi32>
      %lt3A_201 = arith.cmpf olt, %get3A_5, %get3A_192 : vector<16xf32>
      %select_n3A_202 = arith.select %lt3A_201, %add3A_20, %broadcast_in_dim3A_17 : vector<16xi1>, vector<16xi32>
      %add3A_203 = arith.addi %add3A_200, %select_n3A_202 : vector<16xi32>
      %lt3A_204 = arith.cmpf olt, %get3A_7, %get3A_192 : vector<16xf32>
      %select_n3A_205 = arith.select %lt3A_204, %add3A_20, %broadcast_in_dim3A_17 : vector<16xi1>, vector<16xi32>
      %add3A_206 = arith.addi %add3A_203, %select_n3A_205 : vector<16xi32>
      %sub3A_207 = arith.subi %add3A_129, %shift_left3A_190 : i32
      %add3A_208 = vector.broadcast %sub3A_207 : i32 to vector<16xi32>
      %add3A_209 = arith.addi %broadcast_in_dim3A_17, %add3A_208 : vector<16xi32>
      %eq3A_210 = arith.cmpi eq, %iota3A, %add3A_209 : vector<16xi32>
      %select_n3A_211 = arith.select %eq3A_210, %add3A_206, %broadcast_in_dim3A_17 : vector<16xi1>, vector<16xi32>
      %reduce_sum3A_212 = arith.constant true
      %reduce_sum3A_213 = vector.broadcast %reduce_sum3A_212 : i1 to vector<16xi1>
      %reduce_sum3A_214 = tpu.scan <sum>, %select_n3A_211 masked %reduce_sum3A_213 : vector<16xi32>, vector<16xi1> -> vector<16xi32>
      %reduce_sum3A_215 = vector.extract %reduce_sum3A_214[15] : i32 from vector<16xi32>
      %eq3A_216 = arith.constant 0 : i32
      %eq3A_217 = arith.cmpi eq, %reduce_sum3A_215, %eq3A_216 : i32
      %convert_element_type3A_218 = arith.extui %eq3A_217 : i1 to i32
      %cond3A_219 = arith.constant 0 : i32
      %cond3A_220 = arith.cmpi ne, %convert_element_type3A_218, %cond3A_219 : i32
      scf.if %cond3A_220 {
        %dma_wait3A_365 = arith.constant 0 : i32
        %dma_wait3A_366 = tpu.memref_slice %arg8[%dma_wait3A_365] : memref<21760xf32, #tpu.memory_space<vmem>> -> memref<21760xf32, #tpu.memory_space<vmem>>
        %dma_wait3A_367 = arith.constant 0 : i32
        %dma_wait3A_368 = tpu.memref_slice %arg2[%dma_wait3A_367] : memref<13056000xf32, #tpu.memory_space<hbm>> -> memref<21760xf32, #tpu.memory_space<hbm>>
        %dma_wait3A_369 = arith.constant 0 : i32
        %dma_wait3A_370 = tpu.memref_slice %arg8[%dma_wait3A_369] : memref<21760xf32, #tpu.memory_space<vmem>> -> memref<21760xf32, #tpu.memory_space<vmem>>
        %dma_wait3A_371 = arith.constant 0 : i32
        %dma_wait3A_372 = tpu.memref_slice %arg2[%dma_wait3A_371] : memref<13056000xf32, #tpu.memory_space<hbm>> -> memref<21760xf32, #tpu.memory_space<hbm>>
        tpu.wait_dma2 semaphore(%arg13 : memref<!tpu.dma_semaphore, #tpu.memory_space<semaphore_mem>>) src(%dma_wait3A_372 : memref<21760xf32, #tpu.memory_space<hbm>>) dst(%dma_wait3A_370 : memref<21760xf32, #tpu.memory_space<vmem>>)
      } else {
      }
      %eq3A_221 = arith.constant 0 : i32
      %eq3A_222 = arith.cmpi eq, %reduce_sum3A_162, %eq3A_221 : i32
      %convert_element_type3A_223 = arith.extui %eq3A_222 : i1 to i32
      %cond3A_224 = arith.constant 0 : i32
      %cond3A_225 = arith.cmpi ne, %convert_element_type3A_223, %cond3A_224 : i32
      scf.if %cond3A_225 {
        %scan3A_365 = arith.constant 0 : i32
        %scan3A_366 = arith.constant 0 : i32
        %scan3A_367 = arith.constant 42 : i32
        %scan3A_368 = arith.addi %scan3A_366, %scan3A_367 : i32
        %scan3A_369 = arith.constant 1 : i32
        scf.for %scan3A_441 = %scan3A_366 to %scan3A_368 step %scan3A_369  : i32 {
          %mul3A_442 = arith.constant 2 : i32
          %mul3A_443 = arith.muli %scan3A_441, %mul3A_442 : i32
          %add3A_444 = arith.constant 0 : i32
          %add3A_445 = arith.addi %mul3A_443, %add3A_444 : i32
          %add3A_446 = arith.constant 0 : i32
          %add3A_447 = arith.addi %add3A_446, %add3A_445 : i32
          %mul3A_448 = arith.constant 128 : i32
          %mul3A_449 = arith.muli %add3A_447, %mul3A_448 : i32
          %mul3A_450 = arith.constant 256 : i32
          %mul3A_451 = arith.muli %add3A_445, %mul3A_450 : i32
          %add3A_452 = arith.constant 0 : i32
          %add3A_453 = arith.addi %mul3A_451, %add3A_452 : i32
          %add3A_454 = arith.constant 0 : i32
          %add3A_455 = arith.addi %mul3A_449, %add3A_454 : i32
          %get3A_456 = arith.index_cast %add3A_455 : i32 to index
          %get3A_457 = tpu.vector_load %arg8[%get3A_456] {strides = array<i32>} : memref<21760xf32, #tpu.memory_space<vmem>>, vector<16xf32>,
          %add3A_458 = arith.constant 0 : i32
          %add3A_459 = arith.addi %add3A_453, %add3A_458 : i32
          %swap3A_460 = arith.index_cast %add3A_459 : i32 to index
          %swap3A_461 = tpu.vector_load %arg10[%swap3A_460] {strides = array<i32>} : memref<21760xf32, #tpu.memory_space<vmem>>, vector<16xf32>,
          tpu.vector_store %arg10[%swap3A_460], %get3A_457 {strides = array<i32>} : memref<21760xf32, #tpu.memory_space<vmem>>, vector<16xf32>,
          %add3A_462 = arith.constant 16 : i32
          %add3A_463 = arith.addi %mul3A_449, %add3A_462 : i32
          %get3A_464 = arith.index_cast %add3A_463 : i32 to index
          %get3A_465 = tpu.vector_load %arg8[%get3A_464] {strides = array<i32>} : memref<21760xf32, #tpu.memory_space<vmem>>, vector<16xf32>,
          %add3A_466 = arith.constant 16 : i32
          %add3A_467 = arith.addi %add3A_453, %add3A_466 : i32
          %swap3A_468 = arith.index_cast %add3A_467 : i32 to index
          %swap3A_469 = tpu.vector_load %arg10[%swap3A_468] {strides = array<i32>} : memref<21760xf32, #tpu.memory_space<vmem>>, vector<16xf32>,
          tpu.vector_store %arg10[%swap3A_468], %get3A_465 {strides = array<i32>} : memref<21760xf32, #tpu.memory_space<vmem>>, vector<16xf32>,
          %add3A_470 = arith.constant 32 : i32
          %add3A_471 = arith.addi %mul3A_449, %add3A_470 : i32
          %get3A_472 = arith.index_cast %add3A_471 : i32 to index
          %get3A_473 = tpu.vector_load %arg8[%get3A_472] {strides = array<i32>} : memref<21760xf32, #tpu.memory_space<vmem>>, vector<16xf32>,
          %add3A_474 = arith.constant 32 : i32
          %add3A_475 = arith.addi %add3A_453, %add3A_474 : i32
          %swap3A_476 = arith.index_cast %add3A_475 : i32 to index
          %swap3A_477 = tpu.vector_load %arg10[%swap3A_476] {strides = array<i32>} : memref<21760xf32, #tpu.memory_space<vmem>>, vector<16xf32>,
          tpu.vector_store %arg10[%swap3A_476], %get3A_473 {strides = array<i32>} : memref<21760xf32, #tpu.memory_space<vmem>>, vector<16xf32>,
          %add3A_478 = arith.constant 48 : i32
          %add3A_479 = arith.addi %mul3A_449, %add3A_478 : i32
          %get3A_480 = arith.index_cast %add3A_479 : i32 to index
          %get3A_481 = tpu.vector_load %arg8[%get3A_480] {strides = array<i32>} : memref<21760xf32, #tpu.memory_space<vmem>>, vector<16xf32>,
          %add3A_482 = arith.constant 48 : i32
          %add3A_483 = arith.addi %add3A_453, %add3A_482 : i32
          %swap3A_484 = arith.index_cast %add3A_483 : i32 to index
          %swap3A_485 = tpu.vector_load %arg10[%swap3A_484] {strides = array<i32>} : memref<21760xf32, #tpu.memory_space<vmem>>, vector<16xf32>,
          tpu.vector_store %arg10[%swap3A_484], %get3A_481 {strides = array<i32>} : memref<21760xf32, #tpu.memory_space<vmem>>, vector<16xf32>,
          %add3A_486 = arith.constant 64 : i32
          %add3A_487 = arith.addi %mul3A_449, %add3A_486 : i32
          %get3A_488 = arith.index_cast %add3A_487 : i32 to index
          %get3A_489 = tpu.vector_load %arg8[%get3A_488] {strides = array<i32>} : memref<21760xf32, #tpu.memory_space<vmem>>, vector<16xf32>,
          %add3A_490 = arith.constant 64 : i32
          %add3A_491 = arith.addi %add3A_453, %add3A_490 : i32
          %swap3A_492 = arith.index_cast %add3A_491 : i32 to index
          %swap3A_493 = tpu.vector_load %arg10[%swap3A_492] {strides = array<i32>} : memref<21760xf32, #tpu.memory_space<vmem>>, vector<16xf32>,
          tpu.vector_store %arg10[%swap3A_492], %get3A_489 {strides = array<i32>} : memref<21760xf32, #tpu.memory_space<vmem>>, vector<16xf32>,
          %add3A_494 = arith.constant 80 : i32
          %add3A_495 = arith.addi %mul3A_449, %add3A_494 : i32
          %get3A_496 = arith.index_cast %add3A_495 : i32 to index
          %get3A_497 = tpu.vector_load %arg8[%get3A_496] {strides = array<i32>} : memref<21760xf32, #tpu.memory_space<vmem>>, vector<16xf32>,
          %add3A_498 = arith.constant 80 : i32
          %add3A_499 = arith.addi %add3A_453, %add3A_498 : i32
          %swap3A_500 = arith.index_cast %add3A_499 : i32 to index
          %swap3A_501 = tpu.vector_load %arg10[%swap3A_500] {strides = array<i32>} : memref<21760xf32, #tpu.memory_space<vmem>>, vector<16xf32>,
          tpu.vector_store %arg10[%swap3A_500], %get3A_497 {strides = array<i32>} : memref<21760xf32, #tpu.memory_space<vmem>>, vector<16xf32>,
          %add3A_502 = arith.constant 96 : i32
          %add3A_503 = arith.addi %mul3A_449, %add3A_502 : i32
          %get3A_504 = arith.index_cast %add3A_503 : i32 to index
          %get3A_505 = tpu.vector_load %arg8[%get3A_504] {strides = array<i32>} : memref<21760xf32, #tpu.memory_space<vmem>>, vector<16xf32>,
          %add3A_506 = arith.constant 96 : i32
          %add3A_507 = arith.addi %add3A_453, %add3A_506 : i32
          %swap3A_508 = arith.index_cast %add3A_507 : i32 to index
          %swap3A_509 = tpu.vector_load %arg10[%swap3A_508] {strides = array<i32>} : memref<21760xf32, #tpu.memory_space<vmem>>, vector<16xf32>,
          tpu.vector_store %arg10[%swap3A_508], %get3A_505 {strides = array<i32>} : memref<21760xf32, #tpu.memory_space<vmem>>, vector<16xf32>,
          %add3A_510 = arith.constant 112 : i32
          %add3A_511 = arith.addi %mul3A_449, %add3A_510 : i32
          %get3A_512 = arith.index_cast %add3A_511 : i32 to index
          %get3A_513 = tpu.vector_load %arg8[%get3A_512] {strides = array<i32>} : memref<21760xf32, #tpu.memory_space<vmem>>, vector<16xf32>,
          %add3A_514 = arith.constant 112 : i32
          %add3A_515 = arith.addi %add3A_453, %add3A_514 : i32
          %swap3A_516 = arith.index_cast %add3A_515 : i32 to index
          %swap3A_517 = tpu.vector_load %arg10[%swap3A_516] {strides = array<i32>} : memref<21760xf32, #tpu.memory_space<vmem>>, vector<16xf32>,
          tpu.vector_store %arg10[%swap3A_516], %get3A_513 {strides = array<i32>} : memref<21760xf32, #tpu.memory_space<vmem>>, vector<16xf32>,
          %add3A_518 = arith.constant 85 : i32
          %add3A_519 = arith.addi %add3A_518, %add3A_445 : i32
          %mul3A_520 = arith.constant 128 : i32
          %mul3A_521 = arith.muli %add3A_519, %mul3A_520 : i32
          %mul3A_522 = arith.constant 256 : i32
          %mul3A_523 = arith.muli %add3A_445, %mul3A_522 : i32
          %add3A_524 = arith.constant 128 : i32
          %add3A_525 = arith.addi %mul3A_523, %add3A_524 : i32
          %add3A_526 = arith.constant 0 : i32
          %add3A_527 = arith.addi %mul3A_521, %add3A_526 : i32
          %get3A_528 = arith.index_cast %add3A_527 : i32 to index
          %get3A_529 = tpu.vector_load %arg8[%get3A_528] {strides = array<i32>} : memref<21760xf32, #tpu.memory_space<vmem>>, vector<16xf32>,
          %add3A_530 = arith.constant 0 : i32
          %add3A_531 = arith.addi %add3A_525, %add3A_530 : i32
          %swap3A_532 = arith.index_cast %add3A_531 : i32 to index
          %swap3A_533 = tpu.vector_load %arg10[%swap3A_532] {strides = array<i32>} : memref<21760xf32, #tpu.memory_space<vmem>>, vector<16xf32>,
          tpu.vector_store %arg10[%swap3A_532], %get3A_529 {strides = array<i32>} : memref<21760xf32, #tpu.memory_space<vmem>>, vector<16xf32>,
          %add3A_534 = arith.constant 16 : i32
          %add3A_535 = arith.addi %mul3A_521, %add3A_534 : i32
          %get3A_536 = arith.index_cast %add3A_535 : i32 to index
          %get3A_537 = tpu.vector_load %arg8[%get3A_536] {strides = array<i32>} : memref<21760xf32, #tpu.memory_space<vmem>>, vector<16xf32>,
          %add3A_538 = arith.constant 16 : i32
          %add3A_539 = arith.addi %add3A_525, %add3A_538 : i32
          %swap3A_540 = arith.index_cast %add3A_539 : i32 to index
          %swap3A_541 = tpu.vector_load %arg10[%swap3A_540] {strides = array<i32>} : memref<21760xf32, #tpu.memory_space<vmem>>, vector<16xf32>,
          tpu.vector_store %arg10[%swap3A_540], %get3A_537 {strides = array<i32>} : memref<21760xf32, #tpu.memory_space<vmem>>, vector<16xf32>,
          %add3A_542 = arith.constant 32 : i32
          %add3A_543 = arith.addi %mul3A_521, %add3A_542 : i32
          %get3A_544 = arith.index_cast %add3A_543 : i32 to index
          %get3A_545 = tpu.vector_load %arg8[%get3A_544] {strides = array<i32>} : memref<21760xf32, #tpu.memory_space<vmem>>, vector<16xf32>,
          %add3A_546 = arith.constant 32 : i32
          %add3A_547 = arith.addi %add3A_525, %add3A_546 : i32
          %swap3A_548 = arith.index_cast %add3A_547 : i32 to index
          %swap3A_549 = tpu.vector_load %arg10[%swap3A_548] {strides = array<i32>} : memref<21760xf32, #tpu.memory_space<vmem>>, vector<16xf32>,
          tpu.vector_store %arg10[%swap3A_548], %get3A_545 {strides = array<i32>} : memref<21760xf32, #tpu.memory_space<vmem>>, vector<16xf32>,
          %add3A_550 = arith.constant 48 : i32
          %add3A_551 = arith.addi %mul3A_521, %add3A_550 : i32
          %get3A_552 = arith.index_cast %add3A_551 : i32 to index
          %get3A_553 = tpu.vector_load %arg8[%get3A_552] {strides = array<i32>} : memref<21760xf32, #tpu.memory_space<vmem>>, vector<16xf32>,
          %add3A_554 = arith.constant 48 : i32
          %add3A_555 = arith.addi %add3A_525, %add3A_554 : i32
          %swap3A_556 = arith.index_cast %add3A_555 : i32 to index
          %swap3A_557 = tpu.vector_load %arg10[%swap3A_556] {strides = array<i32>} : memref<21760xf32, #tpu.memory_space<vmem>>, vector<16xf32>,
          tpu.vector_store %arg10[%swap3A_556], %get3A_553 {strides = array<i32>} : memref<21760xf32, #tpu.memory_space<vmem>>, vector<16xf32>,
          %add3A_558 = arith.constant 64 : i32
          %add3A_559 = arith.addi %mul3A_521, %add3A_558 : i32
          %get3A_560 = arith.index_cast %add3A_559 : i32 to index
          %get3A_561 = tpu.vector_load %arg8[%get3A_560] {strides = array<i32>} : memref<21760xf32, #tpu.memory_space<vmem>>, vector<16xf32>,
          %add3A_562 = arith.constant 64 : i32
          %add3A_563 = arith.addi %add3A_525, %add3A_562 : i32
          %swap3A_564 = arith.index_cast %add3A_563 : i32 to index
          %swap3A_565 = tpu.vector_load %arg10[%swap3A_564] {strides = array<i32>} : memref<21760xf32, #tpu.memory_space<vmem>>, vector<16xf32>,
          tpu.vector_store %arg10[%swap3A_564], %get3A_561 {strides = array<i32>} : memref<21760xf32, #tpu.memory_space<vmem>>, vector<16xf32>,
          %add3A_566 = arith.constant 80 : i32
          %add3A_567 = arith.addi %mul3A_521, %add3A_566 : i32
          %get3A_568 = arith.index_cast %add3A_567 : i32 to index
          %get3A_569 = tpu.vector_load %arg8[%get3A_568] {strides = array<i32>} : memref<21760xf32, #tpu.memory_space<vmem>>, vector<16xf32>,
          %add3A_570 = arith.constant 80 : i32
          %add3A_571 = arith.addi %add3A_525, %add3A_570 : i32
          %swap3A_572 = arith.index_cast %add3A_571 : i32 to index
          %swap3A_573 = tpu.vector_load %arg10[%swap3A_572] {strides = array<i32>} : memref<21760xf32, #tpu.memory_space<vmem>>, vector<16xf32>,
          tpu.vector_store %arg10[%swap3A_572], %get3A_569 {strides = array<i32>} : memref<21760xf32, #tpu.memory_space<vmem>>, vector<16xf32>,
          %add3A_574 = arith.constant 96 : i32
          %add3A_575 = arith.addi %mul3A_521, %add3A_574 : i32
          %get3A_576 = arith.index_cast %add3A_575 : i32 to index
          %get3A_577 = tpu.vector_load %arg8[%get3A_576] {strides = array<i32>} : memref<21760xf32, #tpu.memory_space<vmem>>, vector<16xf32>,
          %add3A_578 = arith.constant 96 : i32
          %add3A_579 = arith.addi %add3A_525, %add3A_578 : i32
          %swap3A_580 = arith.index_cast %add3A_579 : i32 to index
          %swap3A_581 = tpu.vector_load %arg10[%swap3A_580] {strides = array<i32>} : memref<21760xf32, #tpu.memory_space<vmem>>, vector<16xf32>,
          tpu.vector_store %arg10[%swap3A_580], %get3A_577 {strides = array<i32>} : memref<21760xf32, #tpu.memory_space<vmem>>, vector<16xf32>,
          %add3A_582 = arith.constant 112 : i32
          %add3A_583 = arith.addi %mul3A_521, %add3A_582 : i32
          %get3A_584 = arith.index_cast %add3A_583 : i32 to index
          %get3A_585 = tpu.vector_load %arg8[%get3A_584] {strides = array<i32>} : memref<21760xf32, #tpu.memory_space<vmem>>, vector<16xf32>,
          %add3A_586 = arith.constant 112 : i32
          %add3A_587 = arith.addi %add3A_525, %add3A_586 : i32
          %swap3A_588 = arith.index_cast %add3A_587 : i32 to index
          %swap3A_589 = tpu.vector_load %arg10[%swap3A_588] {strides = array<i32>} : memref<21760xf32, #tpu.memory_space<vmem>>, vector<16xf32>,
          tpu.vector_store %arg10[%swap3A_588], %get3A_585 {strides = array<i32>} : memref<21760xf32, #tpu.memory_space<vmem>>, vector<16xf32>,
          %mul3A_590 = arith.constant 2 : i32
          %mul3A_591 = arith.muli %scan3A_441, %mul3A_590 : i32
          %add3A_592 = arith.constant 1 : i32
          %add3A_593 = arith.addi %mul3A_591, %add3A_592 : i32
          %add3A_594 = arith.constant 0 : i32
          %add3A_595 = arith.addi %add3A_594, %add3A_593 : i32
          %mul3A_596 = arith.constant 128 : i32
          %mul3A_597 = arith.muli %add3A_595, %mul3A_596 : i32
          %mul3A_598 = arith.constant 256 : i32
          %mul3A_599 = arith.muli %add3A_593, %mul3A_598 : i32
          %add3A_600 = arith.constant 0 : i32
          %add3A_601 = arith.addi %mul3A_599, %add3A_600 : i32
          %add3A_602 = arith.constant 0 : i32
          %add3A_603 = arith.addi %mul3A_597, %add3A_602 : i32
          %get3A_604 = arith.index_cast %add3A_603 : i32 to index
          %get3A_605 = tpu.vector_load %arg8[%get3A_604] {strides = array<i32>} : memref<21760xf32, #tpu.memory_space<vmem>>, vector<16xf32>,
          %add3A_606 = arith.constant 0 : i32
          %add3A_607 = arith.addi %add3A_601, %add3A_606 : i32
          %swap3A_608 = arith.index_cast %add3A_607 : i32 to index
          %swap3A_609 = tpu.vector_load %arg10[%swap3A_608] {strides = array<i32>} : memref<21760xf32, #tpu.memory_space<vmem>>, vector<16xf32>,
          tpu.vector_store %arg10[%swap3A_608], %get3A_605 {strides = array<i32>} : memref<21760xf32, #tpu.memory_space<vmem>>, vector<16xf32>,
          %add3A_610 = arith.constant 16 : i32
          %add3A_611 = arith.addi %mul3A_597, %add3A_610 : i32
          %get3A_612 = arith.index_cast %add3A_611 : i32 to index
          %get3A_613 = tpu.vector_load %arg8[%get3A_612] {strides = array<i32>} : memref<21760xf32, #tpu.memory_space<vmem>>, vector<16xf32>,
          %add3A_614 = arith.constant 16 : i32
          %add3A_615 = arith.addi %add3A_601, %add3A_614 : i32
          %swap3A_616 = arith.index_cast %add3A_615 : i32 to index
          %swap3A_617 = tpu.vector_load %arg10[%swap3A_616] {strides = array<i32>} : memref<21760xf32, #tpu.memory_space<vmem>>, vector<16xf32>,
          tpu.vector_store %arg10[%swap3A_616], %get3A_613 {strides = array<i32>} : memref<21760xf32, #tpu.memory_space<vmem>>, vector<16xf32>,
          %add3A_618 = arith.constant 32 : i32
          %add3A_619 = arith.addi %mul3A_597, %add3A_618 : i32
          %get3A_620 = arith.index_cast %add3A_619 : i32 to index
          %get3A_621 = tpu.vector_load %arg8[%get3A_620] {strides = array<i32>} : memref<21760xf32, #tpu.memory_space<vmem>>, vector<16xf32>,
          %add3A_622 = arith.constant 32 : i32
          %add3A_623 = arith.addi %add3A_601, %add3A_622 : i32
          %swap3A_624 = arith.index_cast %add3A_623 : i32 to index
          %swap3A_625 = tpu.vector_load %arg10[%swap3A_624] {strides = array<i32>} : memref<21760xf32, #tpu.memory_space<vmem>>, vector<16xf32>,
          tpu.vector_store %arg10[%swap3A_624], %get3A_621 {strides = array<i32>} : memref<21760xf32, #tpu.memory_space<vmem>>, vector<16xf32>,
          %add3A_626 = arith.constant 48 : i32
          %add3A_627 = arith.addi %mul3A_597, %add3A_626 : i32
          %get3A_628 = arith.index_cast %add3A_627 : i32 to index
          %get3A_629 = tpu.vector_load %arg8[%get3A_628] {strides = array<i32>} : memref<21760xf32, #tpu.memory_space<vmem>>, vector<16xf32>,
          %add3A_630 = arith.constant 48 : i32
          %add3A_631 = arith.addi %add3A_601, %add3A_630 : i32
          %swap3A_632 = arith.index_cast %add3A_631 : i32 to index
          %swap3A_633 = tpu.vector_load %arg10[%swap3A_632] {strides = array<i32>} : memref<21760xf32, #tpu.memory_space<vmem>>, vector<16xf32>,
          tpu.vector_store %arg10[%swap3A_632], %get3A_629 {strides = array<i32>} : memref<21760xf32, #tpu.memory_space<vmem>>, vector<16xf32>,
          %add3A_634 = arith.constant 64 : i32
          %add3A_635 = arith.addi %mul3A_597, %add3A_634 : i32
          %get3A_636 = arith.index_cast %add3A_635 : i32 to index
          %get3A_637 = tpu.vector_load %arg8[%get3A_636] {strides = array<i32>} : memref<21760xf32, #tpu.memory_space<vmem>>, vector<16xf32>,
          %add3A_638 = arith.constant 64 : i32
          %add3A_639 = arith.addi %add3A_601, %add3A_638 : i32
          %swap3A_640 = arith.index_cast %add3A_639 : i32 to index
          %swap3A_641 = tpu.vector_load %arg10[%swap3A_640] {strides = array<i32>} : memref<21760xf32, #tpu.memory_space<vmem>>, vector<16xf32>,
          tpu.vector_store %arg10[%swap3A_640], %get3A_637 {strides = array<i32>} : memref<21760xf32, #tpu.memory_space<vmem>>, vector<16xf32>,
          %add3A_642 = arith.constant 80 : i32
          %add3A_643 = arith.addi %mul3A_597, %add3A_642 : i32
          %get3A_644 = arith.index_cast %add3A_643 : i32 to index
          %get3A_645 = tpu.vector_load %arg8[%get3A_644] {strides = array<i32>} : memref<21760xf32, #tpu.memory_space<vmem>>, vector<16xf32>,
          %add3A_646 = arith.constant 80 : i32
          %add3A_647 = arith.addi %add3A_601, %add3A_646 : i32
          %swap3A_648 = arith.index_cast %add3A_647 : i32 to index
          %swap3A_649 = tpu.vector_load %arg10[%swap3A_648] {strides = array<i32>} : memref<21760xf32, #tpu.memory_space<vmem>>, vector<16xf32>,
          tpu.vector_store %arg10[%swap3A_648], %get3A_645 {strides = array<i32>} : memref<21760xf32, #tpu.memory_space<vmem>>, vector<16xf32>,
          %add3A_650 = arith.constant 96 : i32
          %add3A_651 = arith.addi %mul3A_597, %add3A_650 : i32
          %get3A_652 = arith.index_cast %add3A_651 : i32 to index
          %get3A_653 = tpu.vector_load %arg8[%get3A_652] {strides = array<i32>} : memref<21760xf32, #tpu.memory_space<vmem>>, vector<16xf32>,
          %add3A_654 = arith.constant 96 : i32
          %add3A_655 = arith.addi %add3A_601, %add3A_654 : i32
          %swap3A_656 = arith.index_cast %add3A_655 : i32 to index
          %swap3A_657 = tpu.vector_load %arg10[%swap3A_656] {strides = array<i32>} : memref<21760xf32, #tpu.memory_space<vmem>>, vector<16xf32>,
          tpu.vector_store %arg10[%swap3A_656], %get3A_653 {strides = array<i32>} : memref<21760xf32, #tpu.memory_space<vmem>>, vector<16xf32>,
          %add3A_658 = arith.constant 112 : i32
          %add3A_659 = arith.addi %mul3A_597, %add3A_658 : i32
          %get3A_660 = arith.index_cast %add3A_659 : i32 to index
          %get3A_661 = tpu.vector_load %arg8[%get3A_660] {strides = array<i32>} : memref<21760xf32, #tpu.memory_space<vmem>>, vector<16xf32>,
          %add3A_662 = arith.constant 112 : i32
          %add3A_663 = arith.addi %add3A_601, %add3A_662 : i32
          %swap3A_664 = arith.index_cast %add3A_663 : i32 to index
          %swap3A_665 = tpu.vector_load %arg10[%swap3A_664] {strides = array<i32>} : memref<21760xf32, #tpu.memory_space<vmem>>, vector<16xf32>,
          tpu.vector_store %arg10[%swap3A_664], %get3A_661 {strides = array<i32>} : memref<21760xf32, #tpu.memory_space<vmem>>, vector<16xf32>,
          %add3A_666 = arith.constant 85 : i32
          %add3A_667 = arith.addi %add3A_666, %add3A_593 : i32
          %mul3A_668 = arith.constant 128 : i32
          %mul3A_669 = arith.muli %add3A_667, %mul3A_668 : i32
          %mul3A_670 = arith.constant 256 : i32
          %mul3A_671 = arith.muli %add3A_593, %mul3A_670 : i32
          %add3A_672 = arith.constant 128 : i32
          %add3A_673 = arith.addi %mul3A_671, %add3A_672 : i32
          %add3A_674 = arith.constant 0 : i32
          %add3A_675 = arith.addi %mul3A_669, %add3A_674 : i32
          %get3A_676 = arith.index_cast %add3A_675 : i32 to index
          %get3A_677 = tpu.vector_load %arg8[%get3A_676] {strides = array<i32>} : memref<21760xf32, #tpu.memory_space<vmem>>, vector<16xf32>,
          %add3A_678 = arith.constant 0 : i32
          %add3A_679 = arith.addi %add3A_673, %add3A_678 : i32
          %swap3A_680 = arith.index_cast %add3A_679 : i32 to index
          %swap3A_681 = tpu.vector_load %arg10[%swap3A_680] {strides = array<i32>} : memref<21760xf32, #tpu.memory_space<vmem>>, vector<16xf32>,
          tpu.vector_store %arg10[%swap3A_680], %get3A_677 {strides = array<i32>} : memref<21760xf32, #tpu.memory_space<vmem>>, vector<16xf32>,
          %add3A_682 = arith.constant 16 : i32
          %add3A_683 = arith.addi %mul3A_669, %add3A_682 : i32
          %get3A_684 = arith.index_cast %add3A_683 : i32 to index
          %get3A_685 = tpu.vector_load %arg8[%get3A_684] {strides = array<i32>} : memref<21760xf32, #tpu.memory_space<vmem>>, vector<16xf32>,
          %add3A_686 = arith.constant 16 : i32
          %add3A_687 = arith.addi %add3A_673, %add3A_686 : i32
          %swap3A_688 = arith.index_cast %add3A_687 : i32 to index
          %swap3A_689 = tpu.vector_load %arg10[%swap3A_688] {strides = array<i32>} : memref<21760xf32, #tpu.memory_space<vmem>>, vector<16xf32>,
          tpu.vector_store %arg10[%swap3A_688], %get3A_685 {strides = array<i32>} : memref<21760xf32, #tpu.memory_space<vmem>>, vector<16xf32>,
          %add3A_690 = arith.constant 32 : i32
          %add3A_691 = arith.addi %mul3A_669, %add3A_690 : i32
          %get3A_692 = arith.index_cast %add3A_691 : i32 to index
          %get3A_693 = tpu.vector_load %arg8[%get3A_692] {strides = array<i32>} : memref<21760xf32, #tpu.memory_space<vmem>>, vector<16xf32>,
          %add3A_694 = arith.constant 32 : i32
          %add3A_695 = arith.addi %add3A_673, %add3A_694 : i32
          %swap3A_696 = arith.index_cast %add3A_695 : i32 to index
          %swap3A_697 = tpu.vector_load %arg10[%swap3A_696] {strides = array<i32>} : memref<21760xf32, #tpu.memory_space<vmem>>, vector<16xf32>,
          tpu.vector_store %arg10[%swap3A_696], %get3A_693 {strides = array<i32>} : memref<21760xf32, #tpu.memory_space<vmem>>, vector<16xf32>,
          %add3A_698 = arith.constant 48 : i32
          %add3A_699 = arith.addi %mul3A_669, %add3A_698 : i32
          %get3A_700 = arith.index_cast %add3A_699 : i32 to index
          %get3A_701 = tpu.vector_load %arg8[%get3A_700] {strides = array<i32>} : memref<21760xf32, #tpu.memory_space<vmem>>, vector<16xf32>,
          %add3A_702 = arith.constant 48 : i32
          %add3A_703 = arith.addi %add3A_673, %add3A_702 : i32
          %swap3A_704 = arith.index_cast %add3A_703 : i32 to index
          %swap3A_705 = tpu.vector_load %arg10[%swap3A_704] {strides = array<i32>} : memref<21760xf32, #tpu.memory_space<vmem>>, vector<16xf32>,
          tpu.vector_store %arg10[%swap3A_704], %get3A_701 {strides = array<i32>} : memref<21760xf32, #tpu.memory_space<vmem>>, vector<16xf32>,
          %add3A_706 = arith.constant 64 : i32
          %add3A_707 = arith.addi %mul3A_669, %add3A_706 : i32
          %get3A_708 = arith.index_cast %add3A_707 : i32 to index
          %get3A_709 = tpu.vector_load %arg8[%get3A_708] {strides = array<i32>} : memref<21760xf32, #tpu.memory_space<vmem>>, vector<16xf32>,
          %add3A_710 = arith.constant 64 : i32
          %add3A_711 = arith.addi %add3A_673, %add3A_710 : i32
          %swap3A_712 = arith.index_cast %add3A_711 : i32 to index
          %swap3A_713 = tpu.vector_load %arg10[%swap3A_712] {strides = array<i32>} : memref<21760xf32, #tpu.memory_space<vmem>>, vector<16xf32>,
          tpu.vector_store %arg10[%swap3A_712], %get3A_709 {strides = array<i32>} : memref<21760xf32, #tpu.memory_space<vmem>>, vector<16xf32>,
          %add3A_714 = arith.constant 80 : i32
          %add3A_715 = arith.addi %mul3A_669, %add3A_714 : i32
          %get3A_716 = arith.index_cast %add3A_715 : i32 to index
          %get3A_717 = tpu.vector_load %arg8[%get3A_716] {strides = array<i32>} : memref<21760xf32, #tpu.memory_space<vmem>>, vector<16xf32>,
          %add3A_718 = arith.constant 80 : i32
          %add3A_719 = arith.addi %add3A_673, %add3A_718 : i32
          %swap3A_720 = arith.index_cast %add3A_719 : i32 to index
          %swap3A_721 = tpu.vector_load %arg10[%swap3A_720] {strides = array<i32>} : memref<21760xf32, #tpu.memory_space<vmem>>, vector<16xf32>,
          tpu.vector_store %arg10[%swap3A_720], %get3A_717 {strides = array<i32>} : memref<21760xf32, #tpu.memory_space<vmem>>, vector<16xf32>,
          %add3A_722 = arith.constant 96 : i32
          %add3A_723 = arith.addi %mul3A_669, %add3A_722 : i32
          %get3A_724 = arith.index_cast %add3A_723 : i32 to index
          %get3A_725 = tpu.vector_load %arg8[%get3A_724] {strides = array<i32>} : memref<21760xf32, #tpu.memory_space<vmem>>, vector<16xf32>,
          %add3A_726 = arith.constant 96 : i32
          %add3A_727 = arith.addi %add3A_673, %add3A_726 : i32
          %swap3A_728 = arith.index_cast %add3A_727 : i32 to index
          %swap3A_729 = tpu.vector_load %arg10[%swap3A_728] {strides = array<i32>} : memref<21760xf32, #tpu.memory_space<vmem>>, vector<16xf32>,
          tpu.vector_store %arg10[%swap3A_728], %get3A_725 {strides = array<i32>} : memref<21760xf32, #tpu.memory_space<vmem>>, vector<16xf32>,
          %add3A_730 = arith.constant 112 : i32
          %add3A_731 = arith.addi %mul3A_669, %add3A_730 : i32
          %get3A_732 = arith.index_cast %add3A_731 : i32 to index
          %get3A_733 = tpu.vector_load %arg8[%get3A_732] {strides = array<i32>} : memref<21760xf32, #tpu.memory_space<vmem>>, vector<16xf32>,
          %add3A_734 = arith.constant 112 : i32
          %add3A_735 = arith.addi %add3A_673, %add3A_734 : i32
          %swap3A_736 = arith.index_cast %add3A_735 : i32 to index
          %swap3A_737 = tpu.vector_load %arg10[%swap3A_736] {strides = array<i32>} : memref<21760xf32, #tpu.memory_space<vmem>>, vector<16xf32>,
          tpu.vector_store %arg10[%swap3A_736], %get3A_733 {strides = array<i32>} : memref<21760xf32, #tpu.memory_space<vmem>>, vector<16xf32>,
        }
        %scan3A_370 = arith.constant 42 : i32
        %get3A_371 = arith.constant 10752 : index
        %get3A_372 = tpu.vector_load %arg8[%get3A_371] {strides = array<i32>} : memref<21760xf32, #tpu.memory_space<vmem>>, vector<16xf32>,
        %swap3A = arith.constant 21504 : index
        %swap3A_373 = tpu.vector_load %arg10[%swap3A] {strides = array<i32>} : memref<21760xf32, #tpu.memory_space<vmem>>, vector<16xf32>,
        tpu.vector_store %arg10[%swap3A], %get3A_372 {strides = array<i32>} : memref<21760xf32, #tpu.memory_space<vmem>>, vector<16xf32>,
        %get3A_374 = arith.constant 10768 : index
        %get3A_375 = tpu.vector_load %arg8[%get3A_374] {strides = array<i32>} : memref<21760xf32, #tpu.memory_space<vmem>>, vector<16xf32>,
        %swap3A_376 = arith.constant 21520 : index
        %swap3A_377 = tpu.vector_load %arg10[%swap3A_376] {strides = array<i32>} : memref<21760xf32, #tpu.memory_space<vmem>>, vector<16xf32>,
        tpu.vector_store %arg10[%swap3A_376], %get3A_375 {strides = array<i32>} : memref<21760xf32, #tpu.memory_space<vmem>>, vector<16xf32>,
        %get3A_378 = arith.constant 10784 : index
        %get3A_379 = tpu.vector_load %arg8[%get3A_378] {strides = array<i32>} : memref<21760xf32, #tpu.memory_space<vmem>>, vector<16xf32>,
        %swap3A_380 = arith.constant 21536 : index
        %swap3A_381 = tpu.vector_load %arg10[%swap3A_380] {strides = array<i32>} : memref<21760xf32, #tpu.memory_space<vmem>>, vector<16xf32>,
        tpu.vector_store %arg10[%swap3A_380], %get3A_379 {strides = array<i32>} : memref<21760xf32, #tpu.memory_space<vmem>>, vector<16xf32>,
        %get3A_382 = arith.constant 10800 : index
        %get3A_383 = tpu.vector_load %arg8[%get3A_382] {strides = array<i32>} : memref<21760xf32, #tpu.memory_space<vmem>>, vector<16xf32>,
        %swap3A_384 = arith.constant 21552 : index
        %swap3A_385 = tpu.vector_load %arg10[%swap3A_384] {strides = array<i32>} : memref<21760xf32, #tpu.memory_space<vmem>>, vector<16xf32>,
        tpu.vector_store %arg10[%swap3A_384], %get3A_383 {strides = array<i32>} : memref<21760xf32, #tpu.memory_space<vmem>>, vector<16xf32>,
        %get3A_386 = arith.constant 10816 : index
        %get3A_387 = tpu.vector_load %arg8[%get3A_386] {strides = array<i32>} : memref<21760xf32, #tpu.memory_space<vmem>>, vector<16xf32>,
        %swap3A_388 = arith.constant 21568 : index
        %swap3A_389 = tpu.vector_load %arg10[%swap3A_388] {strides = array<i32>} : memref<21760xf32, #tpu.memory_space<vmem>>, vector<16xf32>,
        tpu.vector_store %arg10[%swap3A_388], %get3A_387 {strides = array<i32>} : memref<21760xf32, #tpu.memory_space<vmem>>, vector<16xf32>,
        %get3A_390 = arith.constant 10832 : index
        %get3A_391 = tpu.vector_load %arg8[%get3A_390] {strides = array<i32>} : memref<21760xf32, #tpu.memory_space<vmem>>, vector<16xf32>,
        %swap3A_392 = arith.constant 21584 : index
        %swap3A_393 = tpu.vector_load %arg10[%swap3A_392] {strides = array<i32>} : memref<21760xf32, #tpu.memory_space<vmem>>, vector<16xf32>,
        tpu.vector_store %arg10[%swap3A_392], %get3A_391 {strides = array<i32>} : memref<21760xf32, #tpu.memory_space<vmem>>, vector<16xf32>,
        %get3A_394 = arith.constant 10848 : index
        %get3A_395 = tpu.vector_load %arg8[%get3A_394] {strides = array<i32>} : memref<21760xf32, #tpu.memory_space<vmem>>, vector<16xf32>,
        %swap3A_396 = arith.constant 21600 : index
        %swap3A_397 = tpu.vector_load %arg10[%swap3A_396] {strides = array<i32>} : memref<21760xf32, #tpu.memory_space<vmem>>, vector<16xf32>,
        tpu.vector_store %arg10[%swap3A_396], %get3A_395 {strides = array<i32>} : memref<21760xf32, #tpu.memory_space<vmem>>, vector<16xf32>,
        %get3A_398 = arith.constant 10864 : index
        %get3A_399 = tpu.vector_load %arg8[%get3A_398] {strides = array<i32>} : memref<21760xf32, #tpu.memory_space<vmem>>, vector<16xf32>,
        %swap3A_400 = arith.constant 21616 : index
        %swap3A_401 = tpu.vector_load %arg10[%swap3A_400] {strides = array<i32>} : memref<21760xf32, #tpu.memory_space<vmem>>, vector<16xf32>,
        tpu.vector_store %arg10[%swap3A_400], %get3A_399 {strides = array<i32>} : memref<21760xf32, #tpu.memory_space<vmem>>, vector<16xf32>,
        %get3A_402 = arith.constant 21632 : index
        %get3A_403 = tpu.vector_load %arg8[%get3A_402] {strides = array<i32>} : memref<21760xf32, #tpu.memory_space<vmem>>, vector<16xf32>,
        %swap3A_404 = arith.constant 21632 : index
        %swap3A_405 = tpu.vector_load %arg10[%swap3A_404] {strides = array<i32>} : memref<21760xf32, #tpu.memory_space<vmem>>, vector<16xf32>,
        tpu.vector_store %arg10[%swap3A_404], %get3A_403 {strides = array<i32>} : memref<21760xf32, #tpu.memory_space<vmem>>, vector<16xf32>,
        %get3A_406 = arith.constant 21648 : index
        %get3A_407 = tpu.vector_load %arg8[%get3A_406] {strides = array<i32>} : memref<21760xf32, #tpu.memory_space<vmem>>, vector<16xf32>,
        %swap3A_408 = arith.constant 21648 : index
        %swap3A_409 = tpu.vector_load %arg10[%swap3A_408] {strides = array<i32>} : memref<21760xf32, #tpu.memory_space<vmem>>, vector<16xf32>,
        tpu.vector_store %arg10[%swap3A_408], %get3A_407 {strides = array<i32>} : memref<21760xf32, #tpu.memory_space<vmem>>, vector<16xf32>,
        %get3A_410 = arith.constant 21664 : index
        %get3A_411 = tpu.vector_load %arg8[%get3A_410] {strides = array<i32>} : memref<21760xf32, #tpu.memory_space<vmem>>, vector<16xf32>,
        %swap3A_412 = arith.constant 21664 : index
        %swap3A_413 = tpu.vector_load %arg10[%swap3A_412] {strides = array<i32>} : memref<21760xf32, #tpu.memory_space<vmem>>, vector<16xf32>,
        tpu.vector_store %arg10[%swap3A_412], %get3A_411 {strides = array<i32>} : memref<21760xf32, #tpu.memory_space<vmem>>, vector<16xf32>,
        %get3A_414 = arith.constant 21680 : index
        %get3A_415 = tpu.vector_load %arg8[%get3A_414] {strides = array<i32>} : memref<21760xf32, #tpu.memory_space<vmem>>, vector<16xf32>,
        %swap3A_416 = arith.constant 21680 : index
        %swap3A_417 = tpu.vector_load %arg10[%swap3A_416] {strides = array<i32>} : memref<21760xf32, #tpu.memory_space<vmem>>, vector<16xf32>,
        tpu.vector_store %arg10[%swap3A_416], %get3A_415 {strides = array<i32>} : memref<21760xf32, #tpu.memory_space<vmem>>, vector<16xf32>,
        %get3A_418 = arith.constant 21696 : index
        %get3A_419 = tpu.vector_load %arg8[%get3A_418] {strides = array<i32>} : memref<21760xf32, #tpu.memory_space<vmem>>, vector<16xf32>,
        %swap3A_420 = arith.constant 21696 : index
        %swap3A_421 = tpu.vector_load %arg10[%swap3A_420] {strides = array<i32>} : memref<21760xf32, #tpu.memory_space<vmem>>, vector<16xf32>,
        tpu.vector_store %arg10[%swap3A_420], %get3A_419 {strides = array<i32>} : memref<21760xf32, #tpu.memory_space<vmem>>, vector<16xf32>,
        %get3A_422 = arith.constant 21712 : index
        %get3A_423 = tpu.vector_load %arg8[%get3A_422] {strides = array<i32>} : memref<21760xf32, #tpu.memory_space<vmem>>, vector<16xf32>,
        %swap3A_424 = arith.constant 21712 : index
        %swap3A_425 = tpu.vector_load %arg10[%swap3A_424] {strides = array<i32>} : memref<21760xf32, #tpu.memory_space<vmem>>, vector<16xf32>,
        tpu.vector_store %arg10[%swap3A_424], %get3A_423 {strides = array<i32>} : memref<21760xf32, #tpu.memory_space<vmem>>, vector<16xf32>,
        %get3A_426 = arith.constant 21728 : index
        %get3A_427 = tpu.vector_load %arg8[%get3A_426] {strides = array<i32>} : memref<21760xf32, #tpu.memory_space<vmem>>, vector<16xf32>,
        %swap3A_428 = arith.constant 21728 : index
        %swap3A_429 = tpu.vector_load %arg10[%swap3A_428] {strides = array<i32>} : memref<21760xf32, #tpu.memory_space<vmem>>, vector<16xf32>,
        tpu.vector_store %arg10[%swap3A_428], %get3A_427 {strides = array<i32>} : memref<21760xf32, #tpu.memory_space<vmem>>, vector<16xf32>,
        %get3A_430 = arith.constant 21744 : index
        %get3A_431 = tpu.vector_load %arg8[%get3A_430] {strides = array<i32>} : memref<21760xf32, #tpu.memory_space<vmem>>, vector<16xf32>,
        %swap3A_432 = arith.constant 21744 : index
        %swap3A_433 = tpu.vector_load %arg10[%swap3A_432] {strides = array<i32>} : memref<21760xf32, #tpu.memory_space<vmem>>, vector<16xf32>,
        tpu.vector_store %arg10[%swap3A_432], %get3A_431 {strides = array<i32>} : memref<21760xf32, #tpu.memory_space<vmem>>, vector<16xf32>,
        %add3A_434 = arith.constant 0 : i32
        %add3A_435 = arith.addi %add3A_166, %add3A_434 : i32
        %dma_start3A = arith.constant 0 : i32
        %dma_start3A_436 = tpu.memref_slice %arg10[%dma_start3A] : memref<21760xf32, #tpu.memory_space<vmem>> -> memref<21760xf32, #tpu.memory_space<vmem>>
        %dma_start3A_437 = tpu.memref_slice %arg5[%add3A_435] : memref<13056000xf32, #tpu.memory_space<hbm>> -> memref<21760xf32, #tpu.memory_space<hbm>>
        %dma_start3A_438 = tpu.memref_slice %arg5[%add3A_435] : memref<13056000xf32, #tpu.memory_space<hbm>> -> memref<21760xf32, #tpu.memory_space<hbm>>
        %dma_start3A_439 = arith.constant 0 : i32
        %dma_start3A_440 = tpu.memref_slice %arg10[%dma_start3A_439] : memref<21760xf32, #tpu.memory_space<vmem>> -> memref<21760xf32, #tpu.memory_space<vmem>>
        tpu.enqueue_dma source(%dma_start3A_440 : memref<21760xf32, #tpu.memory_space<vmem>>) target(%dma_start3A_438 : memref<21760xf32, #tpu.memory_space<hbm>>) target_semaphore(%arg15 : memref<!tpu.dma_semaphore, #tpu.memory_space<semaphore_mem>>)
      } else {
      }
      %add3A_226 = arith.constant 1 : i32
      %add3A_227 = arith.addi %while3A_128, %add3A_226 : i32
      %lt3A_228 = arith.cmpi slt, %add3A_227, %sub3A : i32
      %convert_element_type3A_229 = arith.extui %lt3A_228 : i1 to i32
      %cond3A_230 = arith.constant 0 : i32
      %cond3A_231 = arith.cmpi ne, %convert_element_type3A_229, %cond3A_230 : i32
      scf.if %cond3A_231 {
        %add3A_365 = arith.constant 1 : i32
        %add3A_366 = arith.addi %add3A_129, %add3A_365 : i32
        %shift_right_arithmetic3A_367 = arith.constant 4 : i32
        %shift_right_arithmetic3A_368 = arith.shrsi %add3A_366, %shift_right_arithmetic3A_367 : i32
        %shift_left3A_369 = arith.constant 4 : i32
        %shift_left3A_370 = arith.shli %shift_right_arithmetic3A_368, %shift_left3A_369 : i32
        %get3A_371 = arith.index_cast %shift_left3A_370 : i32 to index
        %get3A_372 = tpu.vector_load %arg6[%get3A_371] {strides = array<i32>} : memref<304xf32, #tpu.memory_space<vmem>>, vector<16xf32>,
        %lt3A_373 = arith.cmpf olt, %get3A_1, %get3A_372 : vector<16xf32>
        %select_n3A_374 = arith.select %lt3A_373, %add3A_20, %broadcast_in_dim3A_17 : vector<16xi1>, vector<16xi32>
        %add3A_375 = arith.constant 0 : i32
        %add3A_376 = vector.broadcast %add3A_375 : i32 to vector<16xi32>
        %add3A_377 = arith.addi %add3A_376, %select_n3A_374 : vector<16xi32>
        %lt3A_378 = arith.cmpf olt, %get3A_3, %get3A_372 : vector<16xf32>
        %select_n3A_379 = arith.select %lt3A_378, %add3A_20, %broadcast_in_dim3A_17 : vector<16xi1>, vector<16xi32>
        %add3A_380 = arith.addi %add3A_377, %select_n3A_379 : vector<16xi32>
        %lt3A_381 = arith.cmpf olt, %get3A_5, %get3A_372 : vector<16xf32>
        %select_n3A_382 = arith.select %lt3A_381, %add3A_20, %broadcast_in_dim3A_17 : vector<16xi1>, vector<16xi32>
        %add3A_383 = arith.addi %add3A_380, %select_n3A_382 : vector<16xi32>
        %lt3A_384 = arith.cmpf olt, %get3A_7, %get3A_372 : vector<16xf32>
        %select_n3A_385 = arith.select %lt3A_384, %add3A_20, %broadcast_in_dim3A_17 : vector<16xi1>, vector<16xi32>
        %add3A_386 = arith.addi %add3A_383, %select_n3A_385 : vector<16xi32>
        %sub3A_387 = arith.subi %add3A_366, %shift_left3A_370 : i32
        %add3A_388 = vector.broadcast %sub3A_387 : i32 to vector<16xi32>
        %add3A_389 = arith.addi %broadcast_in_dim3A_17, %add3A_388 : vector<16xi32>
        %eq3A_390 = arith.cmpi eq, %iota3A, %add3A_389 : vector<16xi32>
        %select_n3A_391 = arith.select %eq3A_390, %add3A_386, %broadcast_in_dim3A_17 : vector<16xi1>, vector<16xi32>
        %reduce_sum3A_392 = arith.constant true
        %reduce_sum3A_393 = vector.broadcast %reduce_sum3A_392 : i1 to vector<16xi1>
        %reduce_sum3A_394 = tpu.scan <sum>, %select_n3A_391 masked %reduce_sum3A_393 : vector<16xi32>, vector<16xi1> -> vector<16xi32>
        %reduce_sum3A_395 = vector.extract %reduce_sum3A_394[15] : i32 from vector<16xi32>
        %eq3A_396 = arith.constant 0 : i32
        %eq3A_397 = arith.cmpi eq, %reduce_sum3A_395, %eq3A_396 : i32
        %convert_element_type3A_398 = arith.extui %eq3A_397 : i1 to i32
        %cond3A_399 = arith.constant 0 : i32
        %cond3A_400 = arith.cmpi ne, %convert_element_type3A_398, %cond3A_399 : i32
        scf.if %cond3A_400 {
          %mul3A_401 = arith.constant 43520 : i32
          %mul3A_402 = arith.muli %add3A_366, %mul3A_401 : i32
          %add3A_403 = arith.constant 0 : i32
          %add3A_404 = arith.addi %mul3A_402, %add3A_403 : i32
          %add3A_405 = arith.constant 0 : i32
          %add3A_406 = arith.addi %add3A_404, %add3A_405 : i32
          %dma_start3A = arith.constant 0 : i32
          %dma_start3A_407 = tpu.memref_slice %arg8[%dma_start3A] : memref<21760xf32, #tpu.memory_space<vmem>> -> memref<10880xf32, #tpu.memory_space<vmem>>
          %dma_start3A_408 = tpu.memref_slice %arg2[%add3A_406] : memref<13056000xf32, #tpu.memory_space<hbm>> -> memref<10880xf32, #tpu.memory_space<hbm>>
          %dma_start3A_409 = arith.constant 0 : i32
          %dma_start3A_410 = tpu.memref_slice %arg8[%dma_start3A_409] : memref<21760xf32, #tpu.memory_space<vmem>> -> memref<10880xf32, #tpu.memory_space<vmem>>
          %dma_start3A_411 = tpu.memref_slice %arg2[%add3A_406] : memref<13056000xf32, #tpu.memory_space<hbm>> -> memref<10880xf32, #tpu.memory_space<hbm>>
          tpu.enqueue_dma source(%dma_start3A_411 : memref<10880xf32, #tpu.memory_space<hbm>>) target(%dma_start3A_410 : memref<10880xf32, #tpu.memory_space<vmem>>) target_semaphore(%arg13 : memref<!tpu.dma_semaphore, #tpu.memory_space<semaphore_mem>>)
          %mul3A_412 = arith.constant 43520 : i32
          %mul3A_413 = arith.muli %add3A_366, %mul3A_412 : i32
          %add3A_414 = arith.constant 21760 : i32
          %add3A_415 = arith.addi %mul3A_413, %add3A_414 : i32
          %add3A_416 = arith.constant 0 : i32
          %add3A_417 = arith.addi %add3A_415, %add3A_416 : i32
          %dma_start3A_418 = arith.constant 10880 : i32
          %dma_start3A_419 = tpu.memref_slice %arg8[%dma_start3A_418] : memref<21760xf32, #tpu.memory_space<vmem>> -> memref<10880xf32, #tpu.memory_space<vmem>>
          %dma_start3A_420 = tpu.memref_slice %arg2[%add3A_417] : memref<13056000xf32, #tpu.memory_space<hbm>> -> memref<10880xf32, #tpu.memory_space<hbm>>
          %dma_start3A_421 = arith.constant 10880 : i32
          %dma_start3A_422 = tpu.memref_slice %arg8[%dma_start3A_421] : memref<21760xf32, #tpu.memory_space<vmem>> -> memref<10880xf32, #tpu.memory_space<vmem>>
          %dma_start3A_423 = tpu.memref_slice %arg2[%add3A_417] : memref<13056000xf32, #tpu.memory_space<hbm>> -> memref<10880xf32, #tpu.memory_space<hbm>>
          tpu.enqueue_dma source(%dma_start3A_423 : memref<10880xf32, #tpu.memory_space<hbm>>) target(%dma_start3A_422 : memref<10880xf32, #tpu.memory_space<vmem>>) target_semaphore(%arg13 : memref<!tpu.dma_semaphore, #tpu.memory_space<semaphore_mem>>)
        } else {
        }
      } else {
      }
      %ge3A_232 = arith.constant 1 : i32
      %ge3A_233 = arith.cmpi sge, %while3A_128, %ge3A_232 : i32
      %convert_element_type3A_234 = arith.extui %ge3A_233 : i1 to i32
      %cond3A_235 = arith.constant 0 : i32
      %cond3A_236 = arith.cmpi ne, %convert_element_type3A_234, %cond3A_235 : i32
      scf.if %cond3A_236 {
        %dma_wait3A_365 = arith.constant 0 : i32
        %dma_wait3A_366 = tpu.memref_slice %arg11[%dma_wait3A_365] : memref<21760xf32, #tpu.memory_space<vmem>> -> memref<21760xf32, #tpu.memory_space<vmem>>
        %dma_wait3A_367 = arith.constant 0 : i32
        %dma_wait3A_368 = tpu.memref_slice %arg5[%dma_wait3A_367] : memref<13056000xf32, #tpu.memory_space<hbm>> -> memref<21760xf32, #tpu.memory_space<hbm>>
        %dma_wait3A_369 = arith.constant 0 : i32
        %dma_wait3A_370 = tpu.memref_slice %arg5[%dma_wait3A_369] : memref<13056000xf32, #tpu.memory_space<hbm>> -> memref<21760xf32, #tpu.memory_space<hbm>>
        %dma_wait3A_371 = arith.constant 0 : i32
        %dma_wait3A_372 = tpu.memref_slice %arg11[%dma_wait3A_371] : memref<21760xf32, #tpu.memory_space<vmem>> -> memref<21760xf32, #tpu.memory_space<vmem>>
        tpu.wait_dma2 semaphore(%arg16 : memref<!tpu.dma_semaphore, #tpu.memory_space<semaphore_mem>>) src(%dma_wait3A_372 : memref<21760xf32, #tpu.memory_space<vmem>>) dst(%dma_wait3A_370 : memref<21760xf32, #tpu.memory_space<hbm>>)
      } else {
      }
      %shift_right_arithmetic3A_237 = arith.constant 4 : i32
      %shift_right_arithmetic3A_238 = arith.shrsi %add3A_129, %shift_right_arithmetic3A_237 : i32
      %shift_left3A_239 = arith.constant 4 : i32
      %shift_left3A_240 = arith.shli %shift_right_arithmetic3A_238, %shift_left3A_239 : i32
      %get3A_241 = arith.index_cast %shift_left3A_240 : i32 to index
      %get3A_242 = tpu.vector_load %arg6[%get3A_241] {strides = array<i32>} : memref<304xf32, #tpu.memory_space<vmem>>, vector<16xf32>,
      %lt3A_243 = arith.cmpf olt, %get3A_1, %get3A_242 : vector<16xf32>
      %select_n3A_244 = arith.select %lt3A_243, %add3A_20, %broadcast_in_dim3A_17 : vector<16xi1>, vector<16xi32>
      %add3A_245 = arith.constant 0 : i32
      %add3A_246 = vector.broadcast %add3A_245 : i32 to vector<16xi32>
      %add3A_247 = arith.addi %add3A_246, %select_n3A_244 : vector<16xi32>
      %lt3A_248 = arith.cmpf olt, %get3A_3, %get3A_242 : vector<16xf32>
      %select_n3A_249 = arith.select %lt3A_248, %add3A_20, %broadcast_in_dim3A_17 : vector<16xi1>, vector<16xi32>
      %add3A_250 = arith.addi %add3A_247, %select_n3A_249 : vector<16xi32>
      %lt3A_251 = arith.cmpf olt, %get3A_5, %get3A_242 : vector<16xf32>
      %select_n3A_252 = arith.select %lt3A_251, %add3A_20, %broadcast_in_dim3A_17 : vector<16xi1>, vector<16xi32>
      %add3A_253 = arith.addi %add3A_250, %select_n3A_252 : vector<16xi32>
      %lt3A_254 = arith.cmpf olt, %get3A_7, %get3A_242 : vector<16xf32>
      %select_n3A_255 = arith.select %lt3A_254, %add3A_20, %broadcast_in_dim3A_17 : vector<16xi1>, vector<16xi32>
      %add3A_256 = arith.addi %add3A_253, %select_n3A_255 : vector<16xi32>
      %sub3A_257 = arith.subi %add3A_129, %shift_left3A_240 : i32
      %add3A_258 = vector.broadcast %sub3A_257 : i32 to vector<16xi32>
      %add3A_259 = arith.addi %broadcast_in_dim3A_17, %add3A_258 : vector<16xi32>
      %eq3A_260 = arith.cmpi eq, %iota3A, %add3A_259 : vector<16xi32>
      %select_n3A_261 = arith.select %eq3A_260, %add3A_256, %broadcast_in_dim3A_17 : vector<16xi1>, vector<16xi32>
      %reduce_sum3A_262 = arith.constant true
      %reduce_sum3A_263 = vector.broadcast %reduce_sum3A_262 : i1 to vector<16xi1>
      %reduce_sum3A_264 = tpu.scan <sum>, %select_n3A_261 masked %reduce_sum3A_263 : vector<16xi32>, vector<16xi1> -> vector<16xi32>
      %reduce_sum3A_265 = vector.extract %reduce_sum3A_264[15] : i32 from vector<16xi32>
      %mul3A_266 = arith.constant 43520 : i32
      %mul3A_267 = arith.muli %add3A_129, %mul3A_266 : i32
      %add3A_268 = arith.constant 21760 : i32
      %add3A_269 = arith.addi %mul3A_267, %add3A_268 : i32
      %eq3A_270 = arith.constant 1 : i32
      %eq3A_271 = arith.cmpi eq, %reduce_sum3A_265, %eq3A_270 : i32
      %convert_element_type3A_272 = arith.extui %eq3A_271 : i1 to i32
      %cond3A_273 = arith.constant 0 : i32
      %cond3A_274 = arith.cmpi ne, %convert_element_type3A_272, %cond3A_273 : i32
      scf.if %cond3A_274 {
        %dma_start3A = arith.constant 0 : i32
        %dma_start3A_365 = tpu.memref_slice %arg12[%dma_start3A] : memref<21760xf32, #tpu.memory_space<vmem>> -> memref<11008xf32, #tpu.memory_space<vmem>>
        %dma_start3A_366 = tpu.memref_slice %arg5[%add3A_269] : memref<13056000xf32, #tpu.memory_space<hbm>> -> memref<11008xf32, #tpu.memory_space<hbm>>
        %dma_start3A_367 = tpu.memref_slice %arg5[%add3A_269] : memref<13056000xf32, #tpu.memory_space<hbm>> -> memref<11008xf32, #tpu.memory_space<hbm>>
        %dma_start3A_368 = arith.constant 0 : i32
        %dma_start3A_369 = tpu.memref_slice %arg12[%dma_start3A_368] : memref<21760xf32, #tpu.memory_space<vmem>> -> memref<11008xf32, #tpu.memory_space<vmem>>
        tpu.enqueue_dma source(%dma_start3A_369 : memref<11008xf32, #tpu.memory_space<vmem>>) target(%dma_start3A_367 : memref<11008xf32, #tpu.memory_space<hbm>>) target_semaphore(%arg16 : memref<!tpu.dma_semaphore, #tpu.memory_space<semaphore_mem>>)
      } else {
      }
      %eq3A_275 = arith.constant 2 : i32
      %eq3A_276 = arith.cmpi eq, %reduce_sum3A_265, %eq3A_275 : i32
      %convert_element_type3A_277 = arith.extui %eq3A_276 : i1 to i32
      %cond3A_278 = arith.constant 0 : i32
      %cond3A_279 = arith.cmpi ne, %convert_element_type3A_277, %cond3A_278 : i32
      scf.if %cond3A_279 {
        %dma_start3A = arith.constant 0 : i32
        %dma_start3A_365 = tpu.memref_slice %arg12[%dma_start3A] : memref<21760xf32, #tpu.memory_space<vmem>> -> memref<19200xf32, #tpu.memory_space<vmem>>
        %dma_start3A_366 = tpu.memref_slice %arg5[%add3A_269] : memref<13056000xf32, #tpu.memory_space<hbm>> -> memref<19200xf32, #tpu.memory_space<hbm>>
        %dma_start3A_367 = tpu.memref_slice %arg5[%add3A_269] : memref<13056000xf32, #tpu.memory_space<hbm>> -> memref<19200xf32, #tpu.memory_space<hbm>>
        %dma_start3A_368 = arith.constant 0 : i32
        %dma_start3A_369 = tpu.memref_slice %arg12[%dma_start3A_368] : memref<21760xf32, #tpu.memory_space<vmem>> -> memref<19200xf32, #tpu.memory_space<vmem>>
        tpu.enqueue_dma source(%dma_start3A_369 : memref<19200xf32, #tpu.memory_space<vmem>>) target(%dma_start3A_367 : memref<19200xf32, #tpu.memory_space<hbm>>) target_semaphore(%arg16 : memref<!tpu.dma_semaphore, #tpu.memory_space<semaphore_mem>>)
      } else {
      }
      %eq3A_280 = arith.constant 3 : i32
      %eq3A_281 = arith.cmpi eq, %reduce_sum3A_265, %eq3A_280 : i32
      %convert_element_type3A_282 = arith.extui %eq3A_281 : i1 to i32
      %cond3A_283 = arith.constant 0 : i32
      %cond3A_284 = arith.cmpi ne, %convert_element_type3A_282, %cond3A_283 : i32
      scf.if %cond3A_284 {
        %dma_start3A = arith.constant 0 : i32
        %dma_start3A_365 = tpu.memref_slice %arg12[%dma_start3A] : memref<21760xf32, #tpu.memory_space<vmem>> -> memref<21248xf32, #tpu.memory_space<vmem>>
        %dma_start3A_366 = tpu.memref_slice %arg5[%add3A_269] : memref<13056000xf32, #tpu.memory_space<hbm>> -> memref<21248xf32, #tpu.memory_space<hbm>>
        %dma_start3A_367 = tpu.memref_slice %arg5[%add3A_269] : memref<13056000xf32, #tpu.memory_space<hbm>> -> memref<21248xf32, #tpu.memory_space<hbm>>
        %dma_start3A_368 = arith.constant 0 : i32
        %dma_start3A_369 = tpu.memref_slice %arg12[%dma_start3A_368] : memref<21760xf32, #tpu.memory_space<vmem>> -> memref<21248xf32, #tpu.memory_space<vmem>>
        tpu.enqueue_dma source(%dma_start3A_369 : memref<21248xf32, #tpu.memory_space<vmem>>) target(%dma_start3A_367 : memref<21248xf32, #tpu.memory_space<hbm>>) target_semaphore(%arg16 : memref<!tpu.dma_semaphore, #tpu.memory_space<semaphore_mem>>)
      } else {
      }
      %eq3A_285 = arith.constant 4 : i32
      %eq3A_286 = arith.cmpi eq, %reduce_sum3A_265, %eq3A_285 : i32
      %convert_element_type3A_287 = arith.extui %eq3A_286 : i1 to i32
      %cond3A_288 = arith.constant 0 : i32
      %cond3A_289 = arith.cmpi ne, %convert_element_type3A_287, %cond3A_288 : i32
      scf.if %cond3A_289 {
        %dma_start3A = arith.constant 0 : i32
        %dma_start3A_365 = tpu.memref_slice %arg12[%dma_start3A] : memref<21760xf32, #tpu.memory_space<vmem>> -> memref<21760xf32, #tpu.memory_space<vmem>>
        %dma_start3A_366 = tpu.memref_slice %arg5[%add3A_269] : memref<13056000xf32, #tpu.memory_space<hbm>> -> memref<21760xf32, #tpu.memory_space<hbm>>
        %dma_start3A_367 = tpu.memref_slice %arg5[%add3A_269] : memref<13056000xf32, #tpu.memory_space<hbm>> -> memref<21760xf32, #tpu.memory_space<hbm>>
        %dma_start3A_368 = arith.constant 0 : i32
        %dma_start3A_369 = tpu.memref_slice %arg12[%dma_start3A_368] : memref<21760xf32, #tpu.memory_space<vmem>> -> memref<21760xf32, #tpu.memory_space<vmem>>
        tpu.enqueue_dma source(%dma_start3A_369 : memref<21760xf32, #tpu.memory_space<vmem>>) target(%dma_start3A_367 : memref<21760xf32, #tpu.memory_space<hbm>>) target_semaphore(%arg16 : memref<!tpu.dma_semaphore, #tpu.memory_space<semaphore_mem>>)
      } else {
      }
      %shift_right_arithmetic3A_290 = arith.constant 4 : i32
      %shift_right_arithmetic3A_291 = arith.shrsi %add3A_129, %shift_right_arithmetic3A_290 : i32
      %shift_left3A_292 = arith.constant 4 : i32
      %shift_left3A_293 = arith.shli %shift_right_arithmetic3A_291, %shift_left3A_292 : i32
      %get3A_294 = arith.index_cast %shift_left3A_293 : i32 to index
      %get3A_295 = tpu.vector_load %arg6[%get3A_294] {strides = array<i32>} : memref<304xf32, #tpu.memory_space<vmem>>, vector<16xf32>,
      %lt3A_296 = arith.cmpf olt, %get3A_1, %get3A_295 : vector<16xf32>
      %select_n3A_297 = arith.select %lt3A_296, %add3A_20, %broadcast_in_dim3A_17 : vector<16xi1>, vector<16xi32>
      %add3A_298 = arith.constant 0 : i32
      %add3A_299 = vector.broadcast %add3A_298 : i32 to vector<16xi32>
      %add3A_300 = arith.addi %add3A_299, %select_n3A_297 : vector<16xi32>
      %lt3A_301 = arith.cmpf olt, %get3A_3, %get3A_295 : vector<16xf32>
      %select_n3A_302 = arith.select %lt3A_301, %add3A_20, %broadcast_in_dim3A_17 : vector<16xi1>, vector<16xi32>
      %add3A_303 = arith.addi %add3A_300, %select_n3A_302 : vector<16xi32>
      %lt3A_304 = arith.cmpf olt, %get3A_5, %get3A_295 : vector<16xf32>
      %select_n3A_305 = arith.select %lt3A_304, %add3A_20, %broadcast_in_dim3A_17 : vector<16xi1>, vector<16xi32>
      %add3A_306 = arith.addi %add3A_303, %select_n3A_305 : vector<16xi32>
      %lt3A_307 = arith.cmpf olt, %get3A_7, %get3A_295 : vector<16xf32>
      %select_n3A_308 = arith.select %lt3A_307, %add3A_20, %broadcast_in_dim3A_17 : vector<16xi1>, vector<16xi32>
      %add3A_309 = arith.addi %add3A_306, %select_n3A_308 : vector<16xi32>
      %sub3A_310 = arith.subi %add3A_129, %shift_left3A_293 : i32
      %add3A_311 = vector.broadcast %sub3A_310 : i32 to vector<16xi32>
      %add3A_312 = arith.addi %broadcast_in_dim3A_17, %add3A_311 : vector<16xi32>
      %eq3A_313 = arith.cmpi eq, %iota3A, %add3A_312 : vector<16xi32>
      %select_n3A_314 = arith.select %eq3A_313, %add3A_309, %broadcast_in_dim3A_17 : vector<16xi1>, vector<16xi32>
      %reduce_sum3A_315 = arith.constant true
      %reduce_sum3A_316 = vector.broadcast %reduce_sum3A_315 : i1 to vector<16xi1>
      %reduce_sum3A_317 = tpu.scan <sum>, %select_n3A_314 masked %reduce_sum3A_316 : vector<16xi32>, vector<16xi1> -> vector<16xi32>
      %reduce_sum3A_318 = vector.extract %reduce_sum3A_317[15] : i32 from vector<16xi32>
      %eq3A_319 = arith.constant 0 : i32
      %eq3A_320 = arith.cmpi eq, %reduce_sum3A_318, %eq3A_319 : i32
      %convert_element_type3A_321 = arith.extui %eq3A_320 : i1 to i32
      %cond3A_322 = arith.constant 0 : i32
      %cond3A_323 = arith.cmpi ne, %convert_element_type3A_321, %cond3A_322 : i32
      scf.if %cond3A_323 {
        %dma_wait3A_365 = arith.constant 0 : i32
        %dma_wait3A_366 = tpu.memref_slice %arg9[%dma_wait3A_365] : memref<21760xf32, #tpu.memory_space<vmem>> -> memref<21760xf32, #tpu.memory_space<vmem>>
        %dma_wait3A_367 = arith.constant 0 : i32
        %dma_wait3A_368 = tpu.memref_slice %arg2[%dma_wait3A_367] : memref<13056000xf32, #tpu.memory_space<hbm>> -> memref<21760xf32, #tpu.memory_space<hbm>>
        %dma_wait3A_369 = arith.constant 0 : i32
        %dma_wait3A_370 = tpu.memref_slice %arg9[%dma_wait3A_369] : memref<21760xf32, #tpu.memory_space<vmem>> -> memref<21760xf32, #tpu.memory_space<vmem>>
        %dma_wait3A_371 = arith.constant 0 : i32
        %dma_wait3A_372 = tpu.memref_slice %arg2[%dma_wait3A_371] : memref<13056000xf32, #tpu.memory_space<hbm>> -> memref<21760xf32, #tpu.memory_space<hbm>>
        tpu.wait_dma2 semaphore(%arg14 : memref<!tpu.dma_semaphore, #tpu.memory_space<semaphore_mem>>) src(%dma_wait3A_372 : memref<21760xf32, #tpu.memory_space<hbm>>) dst(%dma_wait3A_370 : memref<21760xf32, #tpu.memory_space<vmem>>)
      } else {
      }
      %eq3A_324 = arith.constant 1 : i32
      %eq3A_325 = arith.cmpi eq, %reduce_sum3A_318, %eq3A_324 : i32
      %convert_element_type3A_326 = arith.extui %eq3A_325 : i1 to i32
      %cond3A_327 = arith.constant 0 : i32
      %cond3A_328 = arith.cmpi ne, %convert_element_type3A_326, %cond3A_327 : i32
      scf.if %cond3A_328 {
        %dma_wait3A_365 = arith.constant 0 : i32
        %dma_wait3A_366 = tpu.memref_slice %arg9[%dma_wait3A_365] : memref<21760xf32, #tpu.memory_space<vmem>> -> memref<10752xf32, #tpu.memory_space<vmem>>
        %dma_wait3A_367 = arith.constant 0 : i32
        %dma_wait3A_368 = tpu.memref_slice %arg2[%dma_wait3A_367] : memref<13056000xf32, #tpu.memory_space<hbm>> -> memref<10752xf32, #tpu.memory_space<hbm>>
        %dma_wait3A_369 = arith.constant 0 : i32
        %dma_wait3A_370 = tpu.memref_slice %arg9[%dma_wait3A_369] : memref<21760xf32, #tpu.memory_space<vmem>> -> memref<10752xf32, #tpu.memory_space<vmem>>
        %dma_wait3A_371 = arith.constant 0 : i32
        %dma_wait3A_372 = tpu.memref_slice %arg2[%dma_wait3A_371] : memref<13056000xf32, #tpu.memory_space<hbm>> -> memref<10752xf32, #tpu.memory_space<hbm>>
        tpu.wait_dma2 semaphore(%arg14 : memref<!tpu.dma_semaphore, #tpu.memory_space<semaphore_mem>>) src(%dma_wait3A_372 : memref<10752xf32, #tpu.memory_space<hbm>>) dst(%dma_wait3A_370 : memref<10752xf32, #tpu.memory_space<vmem>>)
      } else {
      }
      %eq3A_329 = arith.constant 2 : i32
      %eq3A_330 = arith.cmpi eq, %reduce_sum3A_318, %eq3A_329 : i32
      %convert_element_type3A_331 = arith.extui %eq3A_330 : i1 to i32
      %cond3A_332 = arith.constant 0 : i32
      %cond3A_333 = arith.cmpi ne, %convert_element_type3A_331, %cond3A_332 : i32
      scf.if %cond3A_333 {
        %dma_wait3A_365 = arith.constant 0 : i32
        %dma_wait3A_366 = tpu.memref_slice %arg9[%dma_wait3A_365] : memref<21760xf32, #tpu.memory_space<vmem>> -> memref<2560xf32, #tpu.memory_space<vmem>>
        %dma_wait3A_367 = arith.constant 0 : i32
        %dma_wait3A_368 = tpu.memref_slice %arg2[%dma_wait3A_367] : memref<13056000xf32, #tpu.memory_space<hbm>> -> memref<2560xf32, #tpu.memory_space<hbm>>
        %dma_wait3A_369 = arith.constant 0 : i32
        %dma_wait3A_370 = tpu.memref_slice %arg9[%dma_wait3A_369] : memref<21760xf32, #tpu.memory_space<vmem>> -> memref<2560xf32, #tpu.memory_space<vmem>>
        %dma_wait3A_371 = arith.constant 0 : i32
        %dma_wait3A_372 = tpu.memref_slice %arg2[%dma_wait3A_371] : memref<13056000xf32, #tpu.memory_space<hbm>> -> memref<2560xf32, #tpu.memory_space<hbm>>
        tpu.wait_dma2 semaphore(%arg14 : memref<!tpu.dma_semaphore, #tpu.memory_space<semaphore_mem>>) src(%dma_wait3A_372 : memref<2560xf32, #tpu.memory_space<hbm>>) dst(%dma_wait3A_370 : memref<2560xf32, #tpu.memory_space<vmem>>)
      } else {
      }
      %eq3A_334 = arith.constant 3 : i32
      %eq3A_335 = arith.cmpi eq, %reduce_sum3A_318, %eq3A_334 : i32
      %convert_element_type3A_336 = arith.extui %eq3A_335 : i1 to i32
      %cond3A_337 = arith.constant 0 : i32
      %cond3A_338 = arith.cmpi ne, %convert_element_type3A_336, %cond3A_337 : i32
      scf.if %cond3A_338 {
        %dma_wait3A_365 = arith.constant 0 : i32
        %dma_wait3A_366 = tpu.memref_slice %arg9[%dma_wait3A_365] : memref<21760xf32, #tpu.memory_space<vmem>> -> memref<512xf32, #tpu.memory_space<vmem>>
        %dma_wait3A_367 = arith.constant 0 : i32
        %dma_wait3A_368 = tpu.memref_slice %arg2[%dma_wait3A_367] : memref<13056000xf32, #tpu.memory_space<hbm>> -> memref<512xf32, #tpu.memory_space<hbm>>
        %dma_wait3A_369 = arith.constant 0 : i32
        %dma_wait3A_370 = tpu.memref_slice %arg9[%dma_wait3A_369] : memref<21760xf32, #tpu.memory_space<vmem>> -> memref<512xf32, #tpu.memory_space<vmem>>
        %dma_wait3A_371 = arith.constant 0 : i32
        %dma_wait3A_372 = tpu.memref_slice %arg2[%dma_wait3A_371] : memref<13056000xf32, #tpu.memory_space<hbm>> -> memref<512xf32, #tpu.memory_space<hbm>>
        tpu.wait_dma2 semaphore(%arg14 : memref<!tpu.dma_semaphore, #tpu.memory_space<semaphore_mem>>) src(%dma_wait3A_372 : memref<512xf32, #tpu.memory_space<hbm>>) dst(%dma_wait3A_370 : memref<512xf32, #tpu.memory_space<vmem>>)
      } else {
      }
      %eq3A_339 = arith.constant 0 : i32
      %eq3A_340 = arith.cmpi eq, %reduce_sum3A_265, %eq3A_339 : i32
      %convert_element_type3A_341 = arith.extui %eq3A_340 : i1 to i32
      %cond3A_342 = arith.constant 0 : i32
      %cond3A_343 = arith.cmpi ne, %convert_element_type3A_341, %cond3A_342 : i32
      scf.if %cond3A_343 {
        %scan3A_365 = arith.constant 0 : i32
        %scan3A_366 = arith.constant 0 : i32
        %scan3A_367 = arith.constant 42 : i32
        %scan3A_368 = arith.addi %scan3A_366, %scan3A_367 : i32
        %scan3A_369 = arith.constant 1 : i32
        scf.for %scan3A_441 = %scan3A_366 to %scan3A_368 step %scan3A_369  : i32 {
          %mul3A_442 = arith.constant 2 : i32
          %mul3A_443 = arith.muli %scan3A_441, %mul3A_442 : i32
          %add3A_444 = arith.constant 0 : i32
          %add3A_445 = arith.addi %mul3A_443, %add3A_444 : i32
          %add3A_446 = arith.constant 0 : i32
          %add3A_447 = arith.addi %add3A_446, %add3A_445 : i32
          %mul3A_448 = arith.constant 128 : i32
          %mul3A_449 = arith.muli %add3A_447, %mul3A_448 : i32
          %mul3A_450 = arith.constant 256 : i32
          %mul3A_451 = arith.muli %add3A_445, %mul3A_450 : i32
          %add3A_452 = arith.constant 0 : i32
          %add3A_453 = arith.addi %mul3A_451, %add3A_452 : i32
          %add3A_454 = arith.constant 0 : i32
          %add3A_455 = arith.addi %mul3A_449, %add3A_454 : i32
          %get3A_456 = arith.index_cast %add3A_455 : i32 to index
          %get3A_457 = tpu.vector_load %arg9[%get3A_456] {strides = array<i32>} : memref<21760xf32, #tpu.memory_space<vmem>>, vector<16xf32>,
          %add3A_458 = arith.constant 0 : i32
          %add3A_459 = arith.addi %add3A_453, %add3A_458 : i32
          %swap3A_460 = arith.index_cast %add3A_459 : i32 to index
          %swap3A_461 = tpu.vector_load %arg11[%swap3A_460] {strides = array<i32>} : memref<21760xf32, #tpu.memory_space<vmem>>, vector<16xf32>,
          tpu.vector_store %arg11[%swap3A_460], %get3A_457 {strides = array<i32>} : memref<21760xf32, #tpu.memory_space<vmem>>, vector<16xf32>,
          %add3A_462 = arith.constant 16 : i32
          %add3A_463 = arith.addi %mul3A_449, %add3A_462 : i32
          %get3A_464 = arith.index_cast %add3A_463 : i32 to index
          %get3A_465 = tpu.vector_load %arg9[%get3A_464] {strides = array<i32>} : memref<21760xf32, #tpu.memory_space<vmem>>, vector<16xf32>,
          %add3A_466 = arith.constant 16 : i32
          %add3A_467 = arith.addi %add3A_453, %add3A_466 : i32
          %swap3A_468 = arith.index_cast %add3A_467 : i32 to index
          %swap3A_469 = tpu.vector_load %arg11[%swap3A_468] {strides = array<i32>} : memref<21760xf32, #tpu.memory_space<vmem>>, vector<16xf32>,
          tpu.vector_store %arg11[%swap3A_468], %get3A_465 {strides = array<i32>} : memref<21760xf32, #tpu.memory_space<vmem>>, vector<16xf32>,
          %add3A_470 = arith.constant 32 : i32
          %add3A_471 = arith.addi %mul3A_449, %add3A_470 : i32
          %get3A_472 = arith.index_cast %add3A_471 : i32 to index
          %get3A_473 = tpu.vector_load %arg9[%get3A_472] {strides = array<i32>} : memref<21760xf32, #tpu.memory_space<vmem>>, vector<16xf32>,
          %add3A_474 = arith.constant 32 : i32
          %add3A_475 = arith.addi %add3A_453, %add3A_474 : i32
          %swap3A_476 = arith.index_cast %add3A_475 : i32 to index
          %swap3A_477 = tpu.vector_load %arg11[%swap3A_476] {strides = array<i32>} : memref<21760xf32, #tpu.memory_space<vmem>>, vector<16xf32>,
          tpu.vector_store %arg11[%swap3A_476], %get3A_473 {strides = array<i32>} : memref<21760xf32, #tpu.memory_space<vmem>>, vector<16xf32>,
          %add3A_478 = arith.constant 48 : i32
          %add3A_479 = arith.addi %mul3A_449, %add3A_478 : i32
          %get3A_480 = arith.index_cast %add3A_479 : i32 to index
          %get3A_481 = tpu.vector_load %arg9[%get3A_480] {strides = array<i32>} : memref<21760xf32, #tpu.memory_space<vmem>>, vector<16xf32>,
          %add3A_482 = arith.constant 48 : i32
          %add3A_483 = arith.addi %add3A_453, %add3A_482 : i32
          %swap3A_484 = arith.index_cast %add3A_483 : i32 to index
          %swap3A_485 = tpu.vector_load %arg11[%swap3A_484] {strides = array<i32>} : memref<21760xf32, #tpu.memory_space<vmem>>, vector<16xf32>,
          tpu.vector_store %arg11[%swap3A_484], %get3A_481 {strides = array<i32>} : memref<21760xf32, #tpu.memory_space<vmem>>, vector<16xf32>,
          %add3A_486 = arith.constant 64 : i32
          %add3A_487 = arith.addi %mul3A_449, %add3A_486 : i32
          %get3A_488 = arith.index_cast %add3A_487 : i32 to index
          %get3A_489 = tpu.vector_load %arg9[%get3A_488] {strides = array<i32>} : memref<21760xf32, #tpu.memory_space<vmem>>, vector<16xf32>,
          %add3A_490 = arith.constant 64 : i32
          %add3A_491 = arith.addi %add3A_453, %add3A_490 : i32
          %swap3A_492 = arith.index_cast %add3A_491 : i32 to index
          %swap3A_493 = tpu.vector_load %arg11[%swap3A_492] {strides = array<i32>} : memref<21760xf32, #tpu.memory_space<vmem>>, vector<16xf32>,
          tpu.vector_store %arg11[%swap3A_492], %get3A_489 {strides = array<i32>} : memref<21760xf32, #tpu.memory_space<vmem>>, vector<16xf32>,
          %add3A_494 = arith.constant 80 : i32
          %add3A_495 = arith.addi %mul3A_449, %add3A_494 : i32
          %get3A_496 = arith.index_cast %add3A_495 : i32 to index
          %get3A_497 = tpu.vector_load %arg9[%get3A_496] {strides = array<i32>} : memref<21760xf32, #tpu.memory_space<vmem>>, vector<16xf32>,
          %add3A_498 = arith.constant 80 : i32
          %add3A_499 = arith.addi %add3A_453, %add3A_498 : i32
          %swap3A_500 = arith.index_cast %add3A_499 : i32 to index
          %swap3A_501 = tpu.vector_load %arg11[%swap3A_500] {strides = array<i32>} : memref<21760xf32, #tpu.memory_space<vmem>>, vector<16xf32>,
          tpu.vector_store %arg11[%swap3A_500], %get3A_497 {strides = array<i32>} : memref<21760xf32, #tpu.memory_space<vmem>>, vector<16xf32>,
          %add3A_502 = arith.constant 96 : i32
          %add3A_503 = arith.addi %mul3A_449, %add3A_502 : i32
          %get3A_504 = arith.index_cast %add3A_503 : i32 to index
          %get3A_505 = tpu.vector_load %arg9[%get3A_504] {strides = array<i32>} : memref<21760xf32, #tpu.memory_space<vmem>>, vector<16xf32>,
          %add3A_506 = arith.constant 96 : i32
          %add3A_507 = arith.addi %add3A_453, %add3A_506 : i32
          %swap3A_508 = arith.index_cast %add3A_507 : i32 to index
          %swap3A_509 = tpu.vector_load %arg11[%swap3A_508] {strides = array<i32>} : memref<21760xf32, #tpu.memory_space<vmem>>, vector<16xf32>,
          tpu.vector_store %arg11[%swap3A_508], %get3A_505 {strides = array<i32>} : memref<21760xf32, #tpu.memory_space<vmem>>, vector<16xf32>,
          %add3A_510 = arith.constant 112 : i32
          %add3A_511 = arith.addi %mul3A_449, %add3A_510 : i32
          %get3A_512 = arith.index_cast %add3A_511 : i32 to index
          %get3A_513 = tpu.vector_load %arg9[%get3A_512] {strides = array<i32>} : memref<21760xf32, #tpu.memory_space<vmem>>, vector<16xf32>,
          %add3A_514 = arith.constant 112 : i32
          %add3A_515 = arith.addi %add3A_453, %add3A_514 : i32
          %swap3A_516 = arith.index_cast %add3A_515 : i32 to index
          %swap3A_517 = tpu.vector_load %arg11[%swap3A_516] {strides = array<i32>} : memref<21760xf32, #tpu.memory_space<vmem>>, vector<16xf32>,
          tpu.vector_store %arg11[%swap3A_516], %get3A_513 {strides = array<i32>} : memref<21760xf32, #tpu.memory_space<vmem>>, vector<16xf32>,
          %add3A_518 = arith.constant 85 : i32
          %add3A_519 = arith.addi %add3A_518, %add3A_445 : i32
          %mul3A_520 = arith.constant 128 : i32
          %mul3A_521 = arith.muli %add3A_519, %mul3A_520 : i32
          %mul3A_522 = arith.constant 256 : i32
          %mul3A_523 = arith.muli %add3A_445, %mul3A_522 : i32
          %add3A_524 = arith.constant 128 : i32
          %add3A_525 = arith.addi %mul3A_523, %add3A_524 : i32
          %add3A_526 = arith.constant 0 : i32
          %add3A_527 = arith.addi %mul3A_521, %add3A_526 : i32
          %get3A_528 = arith.index_cast %add3A_527 : i32 to index
          %get3A_529 = tpu.vector_load %arg9[%get3A_528] {strides = array<i32>} : memref<21760xf32, #tpu.memory_space<vmem>>, vector<16xf32>,
          %add3A_530 = arith.constant 0 : i32
          %add3A_531 = arith.addi %add3A_525, %add3A_530 : i32
          %swap3A_532 = arith.index_cast %add3A_531 : i32 to index
          %swap3A_533 = tpu.vector_load %arg11[%swap3A_532] {strides = array<i32>} : memref<21760xf32, #tpu.memory_space<vmem>>, vector<16xf32>,
          tpu.vector_store %arg11[%swap3A_532], %get3A_529 {strides = array<i32>} : memref<21760xf32, #tpu.memory_space<vmem>>, vector<16xf32>,
          %add3A_534 = arith.constant 16 : i32
          %add3A_535 = arith.addi %mul3A_521, %add3A_534 : i32
          %get3A_536 = arith.index_cast %add3A_535 : i32 to index
          %get3A_537 = tpu.vector_load %arg9[%get3A_536] {strides = array<i32>} : memref<21760xf32, #tpu.memory_space<vmem>>, vector<16xf32>,
          %add3A_538 = arith.constant 16 : i32
          %add3A_539 = arith.addi %add3A_525, %add3A_538 : i32
          %swap3A_540 = arith.index_cast %add3A_539 : i32 to index
          %swap3A_541 = tpu.vector_load %arg11[%swap3A_540] {strides = array<i32>} : memref<21760xf32, #tpu.memory_space<vmem>>, vector<16xf32>,
          tpu.vector_store %arg11[%swap3A_540], %get3A_537 {strides = array<i32>} : memref<21760xf32, #tpu.memory_space<vmem>>, vector<16xf32>,
          %add3A_542 = arith.constant 32 : i32
          %add3A_543 = arith.addi %mul3A_521, %add3A_542 : i32
          %get3A_544 = arith.index_cast %add3A_543 : i32 to index
          %get3A_545 = tpu.vector_load %arg9[%get3A_544] {strides = array<i32>} : memref<21760xf32, #tpu.memory_space<vmem>>, vector<16xf32>,
          %add3A_546 = arith.constant 32 : i32
          %add3A_547 = arith.addi %add3A_525, %add3A_546 : i32
          %swap3A_548 = arith.index_cast %add3A_547 : i32 to index
          %swap3A_549 = tpu.vector_load %arg11[%swap3A_548] {strides = array<i32>} : memref<21760xf32, #tpu.memory_space<vmem>>, vector<16xf32>,
          tpu.vector_store %arg11[%swap3A_548], %get3A_545 {strides = array<i32>} : memref<21760xf32, #tpu.memory_space<vmem>>, vector<16xf32>,
          %add3A_550 = arith.constant 48 : i32
          %add3A_551 = arith.addi %mul3A_521, %add3A_550 : i32
          %get3A_552 = arith.index_cast %add3A_551 : i32 to index
          %get3A_553 = tpu.vector_load %arg9[%get3A_552] {strides = array<i32>} : memref<21760xf32, #tpu.memory_space<vmem>>, vector<16xf32>,
          %add3A_554 = arith.constant 48 : i32
          %add3A_555 = arith.addi %add3A_525, %add3A_554 : i32
          %swap3A_556 = arith.index_cast %add3A_555 : i32 to index
          %swap3A_557 = tpu.vector_load %arg11[%swap3A_556] {strides = array<i32>} : memref<21760xf32, #tpu.memory_space<vmem>>, vector<16xf32>,
          tpu.vector_store %arg11[%swap3A_556], %get3A_553 {strides = array<i32>} : memref<21760xf32, #tpu.memory_space<vmem>>, vector<16xf32>,
          %add3A_558 = arith.constant 64 : i32
          %add3A_559 = arith.addi %mul3A_521, %add3A_558 : i32
          %get3A_560 = arith.index_cast %add3A_559 : i32 to index
          %get3A_561 = tpu.vector_load %arg9[%get3A_560] {strides = array<i32>} : memref<21760xf32, #tpu.memory_space<vmem>>, vector<16xf32>,
          %add3A_562 = arith.constant 64 : i32
          %add3A_563 = arith.addi %add3A_525, %add3A_562 : i32
          %swap3A_564 = arith.index_cast %add3A_563 : i32 to index
          %swap3A_565 = tpu.vector_load %arg11[%swap3A_564] {strides = array<i32>} : memref<21760xf32, #tpu.memory_space<vmem>>, vector<16xf32>,
          tpu.vector_store %arg11[%swap3A_564], %get3A_561 {strides = array<i32>} : memref<21760xf32, #tpu.memory_space<vmem>>, vector<16xf32>,
          %add3A_566 = arith.constant 80 : i32
          %add3A_567 = arith.addi %mul3A_521, %add3A_566 : i32
          %get3A_568 = arith.index_cast %add3A_567 : i32 to index
          %get3A_569 = tpu.vector_load %arg9[%get3A_568] {strides = array<i32>} : memref<21760xf32, #tpu.memory_space<vmem>>, vector<16xf32>,
          %add3A_570 = arith.constant 80 : i32
          %add3A_571 = arith.addi %add3A_525, %add3A_570 : i32
          %swap3A_572 = arith.index_cast %add3A_571 : i32 to index
          %swap3A_573 = tpu.vector_load %arg11[%swap3A_572] {strides = array<i32>} : memref<21760xf32, #tpu.memory_space<vmem>>, vector<16xf32>,
          tpu.vector_store %arg11[%swap3A_572], %get3A_569 {strides = array<i32>} : memref<21760xf32, #tpu.memory_space<vmem>>, vector<16xf32>,
          %add3A_574 = arith.constant 96 : i32
          %add3A_575 = arith.addi %mul3A_521, %add3A_574 : i32
          %get3A_576 = arith.index_cast %add3A_575 : i32 to index
          %get3A_577 = tpu.vector_load %arg9[%get3A_576] {strides = array<i32>} : memref<21760xf32, #tpu.memory_space<vmem>>, vector<16xf32>,
          %add3A_578 = arith.constant 96 : i32
          %add3A_579 = arith.addi %add3A_525, %add3A_578 : i32
          %swap3A_580 = arith.index_cast %add3A_579 : i32 to index
          %swap3A_581 = tpu.vector_load %arg11[%swap3A_580] {strides = array<i32>} : memref<21760xf32, #tpu.memory_space<vmem>>, vector<16xf32>,
          tpu.vector_store %arg11[%swap3A_580], %get3A_577 {strides = array<i32>} : memref<21760xf32, #tpu.memory_space<vmem>>, vector<16xf32>,
          %add3A_582 = arith.constant 112 : i32
          %add3A_583 = arith.addi %mul3A_521, %add3A_582 : i32
          %get3A_584 = arith.index_cast %add3A_583 : i32 to index
          %get3A_585 = tpu.vector_load %arg9[%get3A_584] {strides = array<i32>} : memref<21760xf32, #tpu.memory_space<vmem>>, vector<16xf32>,
          %add3A_586 = arith.constant 112 : i32
          %add3A_587 = arith.addi %add3A_525, %add3A_586 : i32
          %swap3A_588 = arith.index_cast %add3A_587 : i32 to index
          %swap3A_589 = tpu.vector_load %arg11[%swap3A_588] {strides = array<i32>} : memref<21760xf32, #tpu.memory_space<vmem>>, vector<16xf32>,
          tpu.vector_store %arg11[%swap3A_588], %get3A_585 {strides = array<i32>} : memref<21760xf32, #tpu.memory_space<vmem>>, vector<16xf32>,
          %mul3A_590 = arith.constant 2 : i32
          %mul3A_591 = arith.muli %scan3A_441, %mul3A_590 : i32
          %add3A_592 = arith.constant 1 : i32
          %add3A_593 = arith.addi %mul3A_591, %add3A_592 : i32
          %add3A_594 = arith.constant 0 : i32
          %add3A_595 = arith.addi %add3A_594, %add3A_593 : i32
          %mul3A_596 = arith.constant 128 : i32
          %mul3A_597 = arith.muli %add3A_595, %mul3A_596 : i32
          %mul3A_598 = arith.constant 256 : i32
          %mul3A_599 = arith.muli %add3A_593, %mul3A_598 : i32
          %add3A_600 = arith.constant 0 : i32
          %add3A_601 = arith.addi %mul3A_599, %add3A_600 : i32
          %add3A_602 = arith.constant 0 : i32
          %add3A_603 = arith.addi %mul3A_597, %add3A_602 : i32
          %get3A_604 = arith.index_cast %add3A_603 : i32 to index
          %get3A_605 = tpu.vector_load %arg9[%get3A_604] {strides = array<i32>} : memref<21760xf32, #tpu.memory_space<vmem>>, vector<16xf32>,
          %add3A_606 = arith.constant 0 : i32
          %add3A_607 = arith.addi %add3A_601, %add3A_606 : i32
          %swap3A_608 = arith.index_cast %add3A_607 : i32 to index
          %swap3A_609 = tpu.vector_load %arg11[%swap3A_608] {strides = array<i32>} : memref<21760xf32, #tpu.memory_space<vmem>>, vector<16xf32>,
          tpu.vector_store %arg11[%swap3A_608], %get3A_605 {strides = array<i32>} : memref<21760xf32, #tpu.memory_space<vmem>>, vector<16xf32>,
          %add3A_610 = arith.constant 16 : i32
          %add3A_611 = arith.addi %mul3A_597, %add3A_610 : i32
          %get3A_612 = arith.index_cast %add3A_611 : i32 to index
          %get3A_613 = tpu.vector_load %arg9[%get3A_612] {strides = array<i32>} : memref<21760xf32, #tpu.memory_space<vmem>>, vector<16xf32>,
          %add3A_614 = arith.constant 16 : i32
          %add3A_615 = arith.addi %add3A_601, %add3A_614 : i32
          %swap3A_616 = arith.index_cast %add3A_615 : i32 to index
          %swap3A_617 = tpu.vector_load %arg11[%swap3A_616] {strides = array<i32>} : memref<21760xf32, #tpu.memory_space<vmem>>, vector<16xf32>,
          tpu.vector_store %arg11[%swap3A_616], %get3A_613 {strides = array<i32>} : memref<21760xf32, #tpu.memory_space<vmem>>, vector<16xf32>,
          %add3A_618 = arith.constant 32 : i32
          %add3A_619 = arith.addi %mul3A_597, %add3A_618 : i32
          %get3A_620 = arith.index_cast %add3A_619 : i32 to index
          %get3A_621 = tpu.vector_load %arg9[%get3A_620] {strides = array<i32>} : memref<21760xf32, #tpu.memory_space<vmem>>, vector<16xf32>,
          %add3A_622 = arith.constant 32 : i32
          %add3A_623 = arith.addi %add3A_601, %add3A_622 : i32
          %swap3A_624 = arith.index_cast %add3A_623 : i32 to index
          %swap3A_625 = tpu.vector_load %arg11[%swap3A_624] {strides = array<i32>} : memref<21760xf32, #tpu.memory_space<vmem>>, vector<16xf32>,
          tpu.vector_store %arg11[%swap3A_624], %get3A_621 {strides = array<i32>} : memref<21760xf32, #tpu.memory_space<vmem>>, vector<16xf32>,
          %add3A_626 = arith.constant 48 : i32
          %add3A_627 = arith.addi %mul3A_597, %add3A_626 : i32
          %get3A_628 = arith.index_cast %add3A_627 : i32 to index
          %get3A_629 = tpu.vector_load %arg9[%get3A_628] {strides = array<i32>} : memref<21760xf32, #tpu.memory_space<vmem>>, vector<16xf32>,
          %add3A_630 = arith.constant 48 : i32
          %add3A_631 = arith.addi %add3A_601, %add3A_630 : i32
          %swap3A_632 = arith.index_cast %add3A_631 : i32 to index
          %swap3A_633 = tpu.vector_load %arg11[%swap3A_632] {strides = array<i32>} : memref<21760xf32, #tpu.memory_space<vmem>>, vector<16xf32>,
          tpu.vector_store %arg11[%swap3A_632], %get3A_629 {strides = array<i32>} : memref<21760xf32, #tpu.memory_space<vmem>>, vector<16xf32>,
          %add3A_634 = arith.constant 64 : i32
          %add3A_635 = arith.addi %mul3A_597, %add3A_634 : i32
          %get3A_636 = arith.index_cast %add3A_635 : i32 to index
          %get3A_637 = tpu.vector_load %arg9[%get3A_636] {strides = array<i32>} : memref<21760xf32, #tpu.memory_space<vmem>>, vector<16xf32>,
          %add3A_638 = arith.constant 64 : i32
          %add3A_639 = arith.addi %add3A_601, %add3A_638 : i32
          %swap3A_640 = arith.index_cast %add3A_639 : i32 to index
          %swap3A_641 = tpu.vector_load %arg11[%swap3A_640] {strides = array<i32>} : memref<21760xf32, #tpu.memory_space<vmem>>, vector<16xf32>,
          tpu.vector_store %arg11[%swap3A_640], %get3A_637 {strides = array<i32>} : memref<21760xf32, #tpu.memory_space<vmem>>, vector<16xf32>,
          %add3A_642 = arith.constant 80 : i32
          %add3A_643 = arith.addi %mul3A_597, %add3A_642 : i32
          %get3A_644 = arith.index_cast %add3A_643 : i32 to index
          %get3A_645 = tpu.vector_load %arg9[%get3A_644] {strides = array<i32>} : memref<21760xf32, #tpu.memory_space<vmem>>, vector<16xf32>,
          %add3A_646 = arith.constant 80 : i32
          %add3A_647 = arith.addi %add3A_601, %add3A_646 : i32
          %swap3A_648 = arith.index_cast %add3A_647 : i32 to index
          %swap3A_649 = tpu.vector_load %arg11[%swap3A_648] {strides = array<i32>} : memref<21760xf32, #tpu.memory_space<vmem>>, vector<16xf32>,
          tpu.vector_store %arg11[%swap3A_648], %get3A_645 {strides = array<i32>} : memref<21760xf32, #tpu.memory_space<vmem>>, vector<16xf32>,
          %add3A_650 = arith.constant 96 : i32
          %add3A_651 = arith.addi %mul3A_597, %add3A_650 : i32
          %get3A_652 = arith.index_cast %add3A_651 : i32 to index
          %get3A_653 = tpu.vector_load %arg9[%get3A_652] {strides = array<i32>} : memref<21760xf32, #tpu.memory_space<vmem>>, vector<16xf32>,
          %add3A_654 = arith.constant 96 : i32
          %add3A_655 = arith.addi %add3A_601, %add3A_654 : i32
          %swap3A_656 = arith.index_cast %add3A_655 : i32 to index
          %swap3A_657 = tpu.vector_load %arg11[%swap3A_656] {strides = array<i32>} : memref<21760xf32, #tpu.memory_space<vmem>>, vector<16xf32>,
          tpu.vector_store %arg11[%swap3A_656], %get3A_653 {strides = array<i32>} : memref<21760xf32, #tpu.memory_space<vmem>>, vector<16xf32>,
          %add3A_658 = arith.constant 112 : i32
          %add3A_659 = arith.addi %mul3A_597, %add3A_658 : i32
          %get3A_660 = arith.index_cast %add3A_659 : i32 to index
          %get3A_661 = tpu.vector_load %arg9[%get3A_660] {strides = array<i32>} : memref<21760xf32, #tpu.memory_space<vmem>>, vector<16xf32>,
          %add3A_662 = arith.constant 112 : i32
          %add3A_663 = arith.addi %add3A_601, %add3A_662 : i32
          %swap3A_664 = arith.index_cast %add3A_663 : i32 to index
          %swap3A_665 = tpu.vector_load %arg11[%swap3A_664] {strides = array<i32>} : memref<21760xf32, #tpu.memory_space<vmem>>, vector<16xf32>,
          tpu.vector_store %arg11[%swap3A_664], %get3A_661 {strides = array<i32>} : memref<21760xf32, #tpu.memory_space<vmem>>, vector<16xf32>,
          %add3A_666 = arith.constant 85 : i32
          %add3A_667 = arith.addi %add3A_666, %add3A_593 : i32
          %mul3A_668 = arith.constant 128 : i32
          %mul3A_669 = arith.muli %add3A_667, %mul3A_668 : i32
          %mul3A_670 = arith.constant 256 : i32
          %mul3A_671 = arith.muli %add3A_593, %mul3A_670 : i32
          %add3A_672 = arith.constant 128 : i32
          %add3A_673 = arith.addi %mul3A_671, %add3A_672 : i32
          %add3A_674 = arith.constant 0 : i32
          %add3A_675 = arith.addi %mul3A_669, %add3A_674 : i32
          %get3A_676 = arith.index_cast %add3A_675 : i32 to index
          %get3A_677 = tpu.vector_load %arg9[%get3A_676] {strides = array<i32>} : memref<21760xf32, #tpu.memory_space<vmem>>, vector<16xf32>,
          %add3A_678 = arith.constant 0 : i32
          %add3A_679 = arith.addi %add3A_673, %add3A_678 : i32
          %swap3A_680 = arith.index_cast %add3A_679 : i32 to index
          %swap3A_681 = tpu.vector_load %arg11[%swap3A_680] {strides = array<i32>} : memref<21760xf32, #tpu.memory_space<vmem>>, vector<16xf32>,
          tpu.vector_store %arg11[%swap3A_680], %get3A_677 {strides = array<i32>} : memref<21760xf32, #tpu.memory_space<vmem>>, vector<16xf32>,
          %add3A_682 = arith.constant 16 : i32
          %add3A_683 = arith.addi %mul3A_669, %add3A_682 : i32
          %get3A_684 = arith.index_cast %add3A_683 : i32 to index
          %get3A_685 = tpu.vector_load %arg9[%get3A_684] {strides = array<i32>} : memref<21760xf32, #tpu.memory_space<vmem>>, vector<16xf32>,
          %add3A_686 = arith.constant 16 : i32
          %add3A_687 = arith.addi %add3A_673, %add3A_686 : i32
          %swap3A_688 = arith.index_cast %add3A_687 : i32 to index
          %swap3A_689 = tpu.vector_load %arg11[%swap3A_688] {strides = array<i32>} : memref<21760xf32, #tpu.memory_space<vmem>>, vector<16xf32>,
          tpu.vector_store %arg11[%swap3A_688], %get3A_685 {strides = array<i32>} : memref<21760xf32, #tpu.memory_space<vmem>>, vector<16xf32>,
          %add3A_690 = arith.constant 32 : i32
          %add3A_691 = arith.addi %mul3A_669, %add3A_690 : i32
          %get3A_692 = arith.index_cast %add3A_691 : i32 to index
          %get3A_693 = tpu.vector_load %arg9[%get3A_692] {strides = array<i32>} : memref<21760xf32, #tpu.memory_space<vmem>>, vector<16xf32>,
          %add3A_694 = arith.constant 32 : i32
          %add3A_695 = arith.addi %add3A_673, %add3A_694 : i32
          %swap3A_696 = arith.index_cast %add3A_695 : i32 to index
          %swap3A_697 = tpu.vector_load %arg11[%swap3A_696] {strides = array<i32>} : memref<21760xf32, #tpu.memory_space<vmem>>, vector<16xf32>,
          tpu.vector_store %arg11[%swap3A_696], %get3A_693 {strides = array<i32>} : memref<21760xf32, #tpu.memory_space<vmem>>, vector<16xf32>,
          %add3A_698 = arith.constant 48 : i32
          %add3A_699 = arith.addi %mul3A_669, %add3A_698 : i32
          %get3A_700 = arith.index_cast %add3A_699 : i32 to index
          %get3A_701 = tpu.vector_load %arg9[%get3A_700] {strides = array<i32>} : memref<21760xf32, #tpu.memory_space<vmem>>, vector<16xf32>,
          %add3A_702 = arith.constant 48 : i32
          %add3A_703 = arith.addi %add3A_673, %add3A_702 : i32
          %swap3A_704 = arith.index_cast %add3A_703 : i32 to index
          %swap3A_705 = tpu.vector_load %arg11[%swap3A_704] {strides = array<i32>} : memref<21760xf32, #tpu.memory_space<vmem>>, vector<16xf32>,
          tpu.vector_store %arg11[%swap3A_704], %get3A_701 {strides = array<i32>} : memref<21760xf32, #tpu.memory_space<vmem>>, vector<16xf32>,
          %add3A_706 = arith.constant 64 : i32
          %add3A_707 = arith.addi %mul3A_669, %add3A_706 : i32
          %get3A_708 = arith.index_cast %add3A_707 : i32 to index
          %get3A_709 = tpu.vector_load %arg9[%get3A_708] {strides = array<i32>} : memref<21760xf32, #tpu.memory_space<vmem>>, vector<16xf32>,
          %add3A_710 = arith.constant 64 : i32
          %add3A_711 = arith.addi %add3A_673, %add3A_710 : i32
          %swap3A_712 = arith.index_cast %add3A_711 : i32 to index
          %swap3A_713 = tpu.vector_load %arg11[%swap3A_712] {strides = array<i32>} : memref<21760xf32, #tpu.memory_space<vmem>>, vector<16xf32>,
          tpu.vector_store %arg11[%swap3A_712], %get3A_709 {strides = array<i32>} : memref<21760xf32, #tpu.memory_space<vmem>>, vector<16xf32>,
          %add3A_714 = arith.constant 80 : i32
          %add3A_715 = arith.addi %mul3A_669, %add3A_714 : i32
          %get3A_716 = arith.index_cast %add3A_715 : i32 to index
          %get3A_717 = tpu.vector_load %arg9[%get3A_716] {strides = array<i32>} : memref<21760xf32, #tpu.memory_space<vmem>>, vector<16xf32>,
          %add3A_718 = arith.constant 80 : i32
          %add3A_719 = arith.addi %add3A_673, %add3A_718 : i32
          %swap3A_720 = arith.index_cast %add3A_719 : i32 to index
          %swap3A_721 = tpu.vector_load %arg11[%swap3A_720] {strides = array<i32>} : memref<21760xf32, #tpu.memory_space<vmem>>, vector<16xf32>,
          tpu.vector_store %arg11[%swap3A_720], %get3A_717 {strides = array<i32>} : memref<21760xf32, #tpu.memory_space<vmem>>, vector<16xf32>,
          %add3A_722 = arith.constant 96 : i32
          %add3A_723 = arith.addi %mul3A_669, %add3A_722 : i32
          %get3A_724 = arith.index_cast %add3A_723 : i32 to index
          %get3A_725 = tpu.vector_load %arg9[%get3A_724] {strides = array<i32>} : memref<21760xf32, #tpu.memory_space<vmem>>, vector<16xf32>,
          %add3A_726 = arith.constant 96 : i32
          %add3A_727 = arith.addi %add3A_673, %add3A_726 : i32
          %swap3A_728 = arith.index_cast %add3A_727 : i32 to index
          %swap3A_729 = tpu.vector_load %arg11[%swap3A_728] {strides = array<i32>} : memref<21760xf32, #tpu.memory_space<vmem>>, vector<16xf32>,
          tpu.vector_store %arg11[%swap3A_728], %get3A_725 {strides = array<i32>} : memref<21760xf32, #tpu.memory_space<vmem>>, vector<16xf32>,
          %add3A_730 = arith.constant 112 : i32
          %add3A_731 = arith.addi %mul3A_669, %add3A_730 : i32
          %get3A_732 = arith.index_cast %add3A_731 : i32 to index
          %get3A_733 = tpu.vector_load %arg9[%get3A_732] {strides = array<i32>} : memref<21760xf32, #tpu.memory_space<vmem>>, vector<16xf32>,
          %add3A_734 = arith.constant 112 : i32
          %add3A_735 = arith.addi %add3A_673, %add3A_734 : i32
          %swap3A_736 = arith.index_cast %add3A_735 : i32 to index
          %swap3A_737 = tpu.vector_load %arg11[%swap3A_736] {strides = array<i32>} : memref<21760xf32, #tpu.memory_space<vmem>>, vector<16xf32>,
          tpu.vector_store %arg11[%swap3A_736], %get3A_733 {strides = array<i32>} : memref<21760xf32, #tpu.memory_space<vmem>>, vector<16xf32>,
        }
        %scan3A_370 = arith.constant 42 : i32
        %get3A_371 = arith.constant 10752 : index
        %get3A_372 = tpu.vector_load %arg9[%get3A_371] {strides = array<i32>} : memref<21760xf32, #tpu.memory_space<vmem>>, vector<16xf32>,
        %swap3A = arith.constant 21504 : index
        %swap3A_373 = tpu.vector_load %arg11[%swap3A] {strides = array<i32>} : memref<21760xf32, #tpu.memory_space<vmem>>, vector<16xf32>,
        tpu.vector_store %arg11[%swap3A], %get3A_372 {strides = array<i32>} : memref<21760xf32, #tpu.memory_space<vmem>>, vector<16xf32>,
        %get3A_374 = arith.constant 10768 : index
        %get3A_375 = tpu.vector_load %arg9[%get3A_374] {strides = array<i32>} : memref<21760xf32, #tpu.memory_space<vmem>>, vector<16xf32>,
        %swap3A_376 = arith.constant 21520 : index
        %swap3A_377 = tpu.vector_load %arg11[%swap3A_376] {strides = array<i32>} : memref<21760xf32, #tpu.memory_space<vmem>>, vector<16xf32>,
        tpu.vector_store %arg11[%swap3A_376], %get3A_375 {strides = array<i32>} : memref<21760xf32, #tpu.memory_space<vmem>>, vector<16xf32>,
        %get3A_378 = arith.constant 10784 : index
        %get3A_379 = tpu.vector_load %arg9[%get3A_378] {strides = array<i32>} : memref<21760xf32, #tpu.memory_space<vmem>>, vector<16xf32>,
        %swap3A_380 = arith.constant 21536 : index
        %swap3A_381 = tpu.vector_load %arg11[%swap3A_380] {strides = array<i32>} : memref<21760xf32, #tpu.memory_space<vmem>>, vector<16xf32>,
        tpu.vector_store %arg11[%swap3A_380], %get3A_379 {strides = array<i32>} : memref<21760xf32, #tpu.memory_space<vmem>>, vector<16xf32>,
        %get3A_382 = arith.constant 10800 : index
        %get3A_383 = tpu.vector_load %arg9[%get3A_382] {strides = array<i32>} : memref<21760xf32, #tpu.memory_space<vmem>>, vector<16xf32>,
        %swap3A_384 = arith.constant 21552 : index
        %swap3A_385 = tpu.vector_load %arg11[%swap3A_384] {strides = array<i32>} : memref<21760xf32, #tpu.memory_space<vmem>>, vector<16xf32>,
        tpu.vector_store %arg11[%swap3A_384], %get3A_383 {strides = array<i32>} : memref<21760xf32, #tpu.memory_space<vmem>>, vector<16xf32>,
        %get3A_386 = arith.constant 10816 : index
        %get3A_387 = tpu.vector_load %arg9[%get3A_386] {strides = array<i32>} : memref<21760xf32, #tpu.memory_space<vmem>>, vector<16xf32>,
        %swap3A_388 = arith.constant 21568 : index
        %swap3A_389 = tpu.vector_load %arg11[%swap3A_388] {strides = array<i32>} : memref<21760xf32, #tpu.memory_space<vmem>>, vector<16xf32>,
        tpu.vector_store %arg11[%swap3A_388], %get3A_387 {strides = array<i32>} : memref<21760xf32, #tpu.memory_space<vmem>>, vector<16xf32>,
        %get3A_390 = arith.constant 10832 : index
        %get3A_391 = tpu.vector_load %arg9[%get3A_390] {strides = array<i32>} : memref<21760xf32, #tpu.memory_space<vmem>>, vector<16xf32>,
        %swap3A_392 = arith.constant 21584 : index
        %swap3A_393 = tpu.vector_load %arg11[%swap3A_392] {strides = array<i32>} : memref<21760xf32, #tpu.memory_space<vmem>>, vector<16xf32>,
        tpu.vector_store %arg11[%swap3A_392], %get3A_391 {strides = array<i32>} : memref<21760xf32, #tpu.memory_space<vmem>>, vector<16xf32>,
        %get3A_394 = arith.constant 10848 : index
        %get3A_395 = tpu.vector_load %arg9[%get3A_394] {strides = array<i32>} : memref<21760xf32, #tpu.memory_space<vmem>>, vector<16xf32>,
        %swap3A_396 = arith.constant 21600 : index
        %swap3A_397 = tpu.vector_load %arg11[%swap3A_396] {strides = array<i32>} : memref<21760xf32, #tpu.memory_space<vmem>>, vector<16xf32>,
        tpu.vector_store %arg11[%swap3A_396], %get3A_395 {strides = array<i32>} : memref<21760xf32, #tpu.memory_space<vmem>>, vector<16xf32>,
        %get3A_398 = arith.constant 10864 : index
        %get3A_399 = tpu.vector_load %arg9[%get3A_398] {strides = array<i32>} : memref<21760xf32, #tpu.memory_space<vmem>>, vector<16xf32>,
        %swap3A_400 = arith.constant 21616 : index
        %swap3A_401 = tpu.vector_load %arg11[%swap3A_400] {strides = array<i32>} : memref<21760xf32, #tpu.memory_space<vmem>>, vector<16xf32>,
        tpu.vector_store %arg11[%swap3A_400], %get3A_399 {strides = array<i32>} : memref<21760xf32, #tpu.memory_space<vmem>>, vector<16xf32>,
        %get3A_402 = arith.constant 21632 : index
        %get3A_403 = tpu.vector_load %arg9[%get3A_402] {strides = array<i32>} : memref<21760xf32, #tpu.memory_space<vmem>>, vector<16xf32>,
        %swap3A_404 = arith.constant 21632 : index
        %swap3A_405 = tpu.vector_load %arg11[%swap3A_404] {strides = array<i32>} : memref<21760xf32, #tpu.memory_space<vmem>>, vector<16xf32>,
        tpu.vector_store %arg11[%swap3A_404], %get3A_403 {strides = array<i32>} : memref<21760xf32, #tpu.memory_space<vmem>>, vector<16xf32>,
        %get3A_406 = arith.constant 21648 : index
        %get3A_407 = tpu.vector_load %arg9[%get3A_406] {strides = array<i32>} : memref<21760xf32, #tpu.memory_space<vmem>>, vector<16xf32>,
        %swap3A_408 = arith.constant 21648 : index
        %swap3A_409 = tpu.vector_load %arg11[%swap3A_408] {strides = array<i32>} : memref<21760xf32, #tpu.memory_space<vmem>>, vector<16xf32>,
        tpu.vector_store %arg11[%swap3A_408], %get3A_407 {strides = array<i32>} : memref<21760xf32, #tpu.memory_space<vmem>>, vector<16xf32>,
        %get3A_410 = arith.constant 21664 : index
        %get3A_411 = tpu.vector_load %arg9[%get3A_410] {strides = array<i32>} : memref<21760xf32, #tpu.memory_space<vmem>>, vector<16xf32>,
        %swap3A_412 = arith.constant 21664 : index
        %swap3A_413 = tpu.vector_load %arg11[%swap3A_412] {strides = array<i32>} : memref<21760xf32, #tpu.memory_space<vmem>>, vector<16xf32>,
        tpu.vector_store %arg11[%swap3A_412], %get3A_411 {strides = array<i32>} : memref<21760xf32, #tpu.memory_space<vmem>>, vector<16xf32>,
        %get3A_414 = arith.constant 21680 : index
        %get3A_415 = tpu.vector_load %arg9[%get3A_414] {strides = array<i32>} : memref<21760xf32, #tpu.memory_space<vmem>>, vector<16xf32>,
        %swap3A_416 = arith.constant 21680 : index
        %swap3A_417 = tpu.vector_load %arg11[%swap3A_416] {strides = array<i32>} : memref<21760xf32, #tpu.memory_space<vmem>>, vector<16xf32>,
        tpu.vector_store %arg11[%swap3A_416], %get3A_415 {strides = array<i32>} : memref<21760xf32, #tpu.memory_space<vmem>>, vector<16xf32>,
        %get3A_418 = arith.constant 21696 : index
        %get3A_419 = tpu.vector_load %arg9[%get3A_418] {strides = array<i32>} : memref<21760xf32, #tpu.memory_space<vmem>>, vector<16xf32>,
        %swap3A_420 = arith.constant 21696 : index
        %swap3A_421 = tpu.vector_load %arg11[%swap3A_420] {strides = array<i32>} : memref<21760xf32, #tpu.memory_space<vmem>>, vector<16xf32>,
        tpu.vector_store %arg11[%swap3A_420], %get3A_419 {strides = array<i32>} : memref<21760xf32, #tpu.memory_space<vmem>>, vector<16xf32>,
        %get3A_422 = arith.constant 21712 : index
        %get3A_423 = tpu.vector_load %arg9[%get3A_422] {strides = array<i32>} : memref<21760xf32, #tpu.memory_space<vmem>>, vector<16xf32>,
        %swap3A_424 = arith.constant 21712 : index
        %swap3A_425 = tpu.vector_load %arg11[%swap3A_424] {strides = array<i32>} : memref<21760xf32, #tpu.memory_space<vmem>>, vector<16xf32>,
        tpu.vector_store %arg11[%swap3A_424], %get3A_423 {strides = array<i32>} : memref<21760xf32, #tpu.memory_space<vmem>>, vector<16xf32>,
        %get3A_426 = arith.constant 21728 : index
        %get3A_427 = tpu.vector_load %arg9[%get3A_426] {strides = array<i32>} : memref<21760xf32, #tpu.memory_space<vmem>>, vector<16xf32>,
        %swap3A_428 = arith.constant 21728 : index
        %swap3A_429 = tpu.vector_load %arg11[%swap3A_428] {strides = array<i32>} : memref<21760xf32, #tpu.memory_space<vmem>>, vector<16xf32>,
        tpu.vector_store %arg11[%swap3A_428], %get3A_427 {strides = array<i32>} : memref<21760xf32, #tpu.memory_space<vmem>>, vector<16xf32>,
        %get3A_430 = arith.constant 21744 : index
        %get3A_431 = tpu.vector_load %arg9[%get3A_430] {strides = array<i32>} : memref<21760xf32, #tpu.memory_space<vmem>>, vector<16xf32>,
        %swap3A_432 = arith.constant 21744 : index
        %swap3A_433 = tpu.vector_load %arg11[%swap3A_432] {strides = array<i32>} : memref<21760xf32, #tpu.memory_space<vmem>>, vector<16xf32>,
        tpu.vector_store %arg11[%swap3A_432], %get3A_431 {strides = array<i32>} : memref<21760xf32, #tpu.memory_space<vmem>>, vector<16xf32>,
        %add3A_434 = arith.constant 0 : i32
        %add3A_435 = arith.addi %add3A_269, %add3A_434 : i32
        %dma_start3A = arith.constant 0 : i32
        %dma_start3A_436 = tpu.memref_slice %arg11[%dma_start3A] : memref<21760xf32, #tpu.memory_space<vmem>> -> memref<21760xf32, #tpu.memory_space<vmem>>
        %dma_start3A_437 = tpu.memref_slice %arg5[%add3A_435] : memref<13056000xf32, #tpu.memory_space<hbm>> -> memref<21760xf32, #tpu.memory_space<hbm>>
        %dma_start3A_438 = tpu.memref_slice %arg5[%add3A_435] : memref<13056000xf32, #tpu.memory_space<hbm>> -> memref<21760xf32, #tpu.memory_space<hbm>>
        %dma_start3A_439 = arith.constant 0 : i32
        %dma_start3A_440 = tpu.memref_slice %arg11[%dma_start3A_439] : memref<21760xf32, #tpu.memory_space<vmem>> -> memref<21760xf32, #tpu.memory_space<vmem>>
        tpu.enqueue_dma source(%dma_start3A_440 : memref<21760xf32, #tpu.memory_space<vmem>>) target(%dma_start3A_438 : memref<21760xf32, #tpu.memory_space<hbm>>) target_semaphore(%arg16 : memref<!tpu.dma_semaphore, #tpu.memory_space<semaphore_mem>>)
      } else {
      }
      %eq3A_344 = arith.constant 1 : i32
      %eq3A_345 = arith.cmpi eq, %reduce_sum3A_265, %eq3A_344 : i32
      %convert_element_type3A_346 = arith.extui %eq3A_345 : i1 to i32
      %cond3A_347 = arith.constant 0 : i32
      %cond3A_348 = arith.cmpi ne, %convert_element_type3A_346, %cond3A_347 : i32
      scf.if %cond3A_348 {
        %scan3A_365 = arith.constant 0 : i32
        %scan3A_366 = arith.constant 0 : i32
        %scan3A_367 = arith.constant 21 : i32
        %scan3A_368 = arith.addi %scan3A_366, %scan3A_367 : i32
        %scan3A_369 = arith.constant 1 : i32
        scf.for %scan3A_378 = %scan3A_366 to %scan3A_368 step %scan3A_369  : i32 {
          %mul3A_379 = arith.constant 2 : i32
          %mul3A_380 = arith.muli %scan3A_378, %mul3A_379 : i32
          %add3A_381 = arith.constant 0 : i32
          %add3A_382 = arith.addi %mul3A_380, %add3A_381 : i32
          %add3A_383 = arith.constant 0 : i32
          %add3A_384 = arith.addi %add3A_383, %add3A_382 : i32
          %mul3A_385 = arith.constant 128 : i32
          %mul3A_386 = arith.muli %add3A_384, %mul3A_385 : i32
          %mul3A_387 = arith.constant 256 : i32
          %mul3A_388 = arith.muli %add3A_382, %mul3A_387 : i32
          %add3A_389 = arith.constant 0 : i32
          %add3A_390 = arith.addi %mul3A_388, %add3A_389 : i32
          %add3A_391 = arith.constant 0 : i32
          %add3A_392 = arith.addi %mul3A_386, %add3A_391 : i32
          %get3A_393 = arith.index_cast %add3A_392 : i32 to index
          %get3A_394 = tpu.vector_load %arg9[%get3A_393] {strides = array<i32>} : memref<21760xf32, #tpu.memory_space<vmem>>, vector<16xf32>,
          %add3A_395 = arith.constant 0 : i32
          %add3A_396 = arith.addi %add3A_390, %add3A_395 : i32
          %swap3A = arith.index_cast %add3A_396 : i32 to index
          %swap3A_397 = tpu.vector_load %arg11[%swap3A] {strides = array<i32>} : memref<21760xf32, #tpu.memory_space<vmem>>, vector<16xf32>,
          tpu.vector_store %arg11[%swap3A], %get3A_394 {strides = array<i32>} : memref<21760xf32, #tpu.memory_space<vmem>>, vector<16xf32>,
          %add3A_398 = arith.constant 16 : i32
          %add3A_399 = arith.addi %mul3A_386, %add3A_398 : i32
          %get3A_400 = arith.index_cast %add3A_399 : i32 to index
          %get3A_401 = tpu.vector_load %arg9[%get3A_400] {strides = array<i32>} : memref<21760xf32, #tpu.memory_space<vmem>>, vector<16xf32>,
          %add3A_402 = arith.constant 16 : i32
          %add3A_403 = arith.addi %add3A_390, %add3A_402 : i32
          %swap3A_404 = arith.index_cast %add3A_403 : i32 to index
          %swap3A_405 = tpu.vector_load %arg11[%swap3A_404] {strides = array<i32>} : memref<21760xf32, #tpu.memory_space<vmem>>, vector<16xf32>,
          tpu.vector_store %arg11[%swap3A_404], %get3A_401 {strides = array<i32>} : memref<21760xf32, #tpu.memory_space<vmem>>, vector<16xf32>,
          %add3A_406 = arith.constant 32 : i32
          %add3A_407 = arith.addi %mul3A_386, %add3A_406 : i32
          %get3A_408 = arith.index_cast %add3A_407 : i32 to index
          %get3A_409 = tpu.vector_load %arg9[%get3A_408] {strides = array<i32>} : memref<21760xf32, #tpu.memory_space<vmem>>, vector<16xf32>,
          %add3A_410 = arith.constant 32 : i32
          %add3A_411 = arith.addi %add3A_390, %add3A_410 : i32
          %swap3A_412 = arith.index_cast %add3A_411 : i32 to index
          %swap3A_413 = tpu.vector_load %arg11[%swap3A_412] {strides = array<i32>} : memref<21760xf32, #tpu.memory_space<vmem>>, vector<16xf32>,
          tpu.vector_store %arg11[%swap3A_412], %get3A_409 {strides = array<i32>} : memref<21760xf32, #tpu.memory_space<vmem>>, vector<16xf32>,
          %add3A_414 = arith.constant 48 : i32
          %add3A_415 = arith.addi %mul3A_386, %add3A_414 : i32
          %get3A_416 = arith.index_cast %add3A_415 : i32 to index
          %get3A_417 = tpu.vector_load %arg9[%get3A_416] {strides = array<i32>} : memref<21760xf32, #tpu.memory_space<vmem>>, vector<16xf32>,
          %add3A_418 = arith.constant 48 : i32
          %add3A_419 = arith.addi %add3A_390, %add3A_418 : i32
          %swap3A_420 = arith.index_cast %add3A_419 : i32 to index
          %swap3A_421 = tpu.vector_load %arg11[%swap3A_420] {strides = array<i32>} : memref<21760xf32, #tpu.memory_space<vmem>>, vector<16xf32>,
          tpu.vector_store %arg11[%swap3A_420], %get3A_417 {strides = array<i32>} : memref<21760xf32, #tpu.memory_space<vmem>>, vector<16xf32>,
          %add3A_422 = arith.constant 64 : i32
          %add3A_423 = arith.addi %mul3A_386, %add3A_422 : i32
          %get3A_424 = arith.index_cast %add3A_423 : i32 to index
          %get3A_425 = tpu.vector_load %arg9[%get3A_424] {strides = array<i32>} : memref<21760xf32, #tpu.memory_space<vmem>>, vector<16xf32>,
          %add3A_426 = arith.constant 64 : i32
          %add3A_427 = arith.addi %add3A_390, %add3A_426 : i32
          %swap3A_428 = arith.index_cast %add3A_427 : i32 to index
          %swap3A_429 = tpu.vector_load %arg11[%swap3A_428] {strides = array<i32>} : memref<21760xf32, #tpu.memory_space<vmem>>, vector<16xf32>,
          tpu.vector_store %arg11[%swap3A_428], %get3A_425 {strides = array<i32>} : memref<21760xf32, #tpu.memory_space<vmem>>, vector<16xf32>,
          %add3A_430 = arith.constant 80 : i32
          %add3A_431 = arith.addi %mul3A_386, %add3A_430 : i32
          %get3A_432 = arith.index_cast %add3A_431 : i32 to index
          %get3A_433 = tpu.vector_load %arg9[%get3A_432] {strides = array<i32>} : memref<21760xf32, #tpu.memory_space<vmem>>, vector<16xf32>,
          %add3A_434 = arith.constant 80 : i32
          %add3A_435 = arith.addi %add3A_390, %add3A_434 : i32
          %swap3A_436 = arith.index_cast %add3A_435 : i32 to index
          %swap3A_437 = tpu.vector_load %arg11[%swap3A_436] {strides = array<i32>} : memref<21760xf32, #tpu.memory_space<vmem>>, vector<16xf32>,
          tpu.vector_store %arg11[%swap3A_436], %get3A_433 {strides = array<i32>} : memref<21760xf32, #tpu.memory_space<vmem>>, vector<16xf32>,
          %add3A_438 = arith.constant 96 : i32
          %add3A_439 = arith.addi %mul3A_386, %add3A_438 : i32
          %get3A_440 = arith.index_cast %add3A_439 : i32 to index
          %get3A_441 = tpu.vector_load %arg9[%get3A_440] {strides = array<i32>} : memref<21760xf32, #tpu.memory_space<vmem>>, vector<16xf32>,
          %add3A_442 = arith.constant 96 : i32
          %add3A_443 = arith.addi %add3A_390, %add3A_442 : i32
          %swap3A_444 = arith.index_cast %add3A_443 : i32 to index
          %swap3A_445 = tpu.vector_load %arg11[%swap3A_444] {strides = array<i32>} : memref<21760xf32, #tpu.memory_space<vmem>>, vector<16xf32>,
          tpu.vector_store %arg11[%swap3A_444], %get3A_441 {strides = array<i32>} : memref<21760xf32, #tpu.memory_space<vmem>>, vector<16xf32>,
          %add3A_446 = arith.constant 112 : i32
          %add3A_447 = arith.addi %mul3A_386, %add3A_446 : i32
          %get3A_448 = arith.index_cast %add3A_447 : i32 to index
          %get3A_449 = tpu.vector_load %arg9[%get3A_448] {strides = array<i32>} : memref<21760xf32, #tpu.memory_space<vmem>>, vector<16xf32>,
          %add3A_450 = arith.constant 112 : i32
          %add3A_451 = arith.addi %add3A_390, %add3A_450 : i32
          %swap3A_452 = arith.index_cast %add3A_451 : i32 to index
          %swap3A_453 = tpu.vector_load %arg11[%swap3A_452] {strides = array<i32>} : memref<21760xf32, #tpu.memory_space<vmem>>, vector<16xf32>,
          tpu.vector_store %arg11[%swap3A_452], %get3A_449 {strides = array<i32>} : memref<21760xf32, #tpu.memory_space<vmem>>, vector<16xf32>,
          %add3A_454 = arith.constant 42 : i32
          %add3A_455 = arith.addi %add3A_454, %add3A_382 : i32
          %mul3A_456 = arith.constant 128 : i32
          %mul3A_457 = arith.muli %add3A_455, %mul3A_456 : i32
          %mul3A_458 = arith.constant 256 : i32
          %mul3A_459 = arith.muli %add3A_382, %mul3A_458 : i32
          %add3A_460 = arith.constant 128 : i32
          %add3A_461 = arith.addi %mul3A_459, %add3A_460 : i32
          %add3A_462 = arith.constant 0 : i32
          %add3A_463 = arith.addi %mul3A_457, %add3A_462 : i32
          %get3A_464 = arith.index_cast %add3A_463 : i32 to index
          %get3A_465 = tpu.vector_load %arg9[%get3A_464] {strides = array<i32>} : memref<21760xf32, #tpu.memory_space<vmem>>, vector<16xf32>,
          %add3A_466 = arith.constant 0 : i32
          %add3A_467 = arith.addi %add3A_461, %add3A_466 : i32
          %swap3A_468 = arith.index_cast %add3A_467 : i32 to index
          %swap3A_469 = tpu.vector_load %arg11[%swap3A_468] {strides = array<i32>} : memref<21760xf32, #tpu.memory_space<vmem>>, vector<16xf32>,
          tpu.vector_store %arg11[%swap3A_468], %get3A_465 {strides = array<i32>} : memref<21760xf32, #tpu.memory_space<vmem>>, vector<16xf32>,
          %add3A_470 = arith.constant 16 : i32
          %add3A_471 = arith.addi %mul3A_457, %add3A_470 : i32
          %get3A_472 = arith.index_cast %add3A_471 : i32 to index
          %get3A_473 = tpu.vector_load %arg9[%get3A_472] {strides = array<i32>} : memref<21760xf32, #tpu.memory_space<vmem>>, vector<16xf32>,
          %add3A_474 = arith.constant 16 : i32
          %add3A_475 = arith.addi %add3A_461, %add3A_474 : i32
          %swap3A_476 = arith.index_cast %add3A_475 : i32 to index
          %swap3A_477 = tpu.vector_load %arg11[%swap3A_476] {strides = array<i32>} : memref<21760xf32, #tpu.memory_space<vmem>>, vector<16xf32>,
          tpu.vector_store %arg11[%swap3A_476], %get3A_473 {strides = array<i32>} : memref<21760xf32, #tpu.memory_space<vmem>>, vector<16xf32>,
          %add3A_478 = arith.constant 32 : i32
          %add3A_479 = arith.addi %mul3A_457, %add3A_478 : i32
          %get3A_480 = arith.index_cast %add3A_479 : i32 to index
          %get3A_481 = tpu.vector_load %arg9[%get3A_480] {strides = array<i32>} : memref<21760xf32, #tpu.memory_space<vmem>>, vector<16xf32>,
          %add3A_482 = arith.constant 32 : i32
          %add3A_483 = arith.addi %add3A_461, %add3A_482 : i32
          %swap3A_484 = arith.index_cast %add3A_483 : i32 to index
          %swap3A_485 = tpu.vector_load %arg11[%swap3A_484] {strides = array<i32>} : memref<21760xf32, #tpu.memory_space<vmem>>, vector<16xf32>,
          tpu.vector_store %arg11[%swap3A_484], %get3A_481 {strides = array<i32>} : memref<21760xf32, #tpu.memory_space<vmem>>, vector<16xf32>,
          %add3A_486 = arith.constant 48 : i32
          %add3A_487 = arith.addi %mul3A_457, %add3A_486 : i32
          %get3A_488 = arith.index_cast %add3A_487 : i32 to index
          %get3A_489 = tpu.vector_load %arg9[%get3A_488] {strides = array<i32>} : memref<21760xf32, #tpu.memory_space<vmem>>, vector<16xf32>,
          %add3A_490 = arith.constant 48 : i32
          %add3A_491 = arith.addi %add3A_461, %add3A_490 : i32
          %swap3A_492 = arith.index_cast %add3A_491 : i32 to index
          %swap3A_493 = tpu.vector_load %arg11[%swap3A_492] {strides = array<i32>} : memref<21760xf32, #tpu.memory_space<vmem>>, vector<16xf32>,
          tpu.vector_store %arg11[%swap3A_492], %get3A_489 {strides = array<i32>} : memref<21760xf32, #tpu.memory_space<vmem>>, vector<16xf32>,
          %add3A_494 = arith.constant 64 : i32
          %add3A_495 = arith.addi %mul3A_457, %add3A_494 : i32
          %get3A_496 = arith.index_cast %add3A_495 : i32 to index
          %get3A_497 = tpu.vector_load %arg9[%get3A_496] {strides = array<i32>} : memref<21760xf32, #tpu.memory_space<vmem>>, vector<16xf32>,
          %add3A_498 = arith.constant 64 : i32
          %add3A_499 = arith.addi %add3A_461, %add3A_498 : i32
          %swap3A_500 = arith.index_cast %add3A_499 : i32 to index
          %swap3A_501 = tpu.vector_load %arg11[%swap3A_500] {strides = array<i32>} : memref<21760xf32, #tpu.memory_space<vmem>>, vector<16xf32>,
          tpu.vector_store %arg11[%swap3A_500], %get3A_497 {strides = array<i32>} : memref<21760xf32, #tpu.memory_space<vmem>>, vector<16xf32>,
          %add3A_502 = arith.constant 80 : i32
          %add3A_503 = arith.addi %mul3A_457, %add3A_502 : i32
          %get3A_504 = arith.index_cast %add3A_503 : i32 to index
          %get3A_505 = tpu.vector_load %arg9[%get3A_504] {strides = array<i32>} : memref<21760xf32, #tpu.memory_space<vmem>>, vector<16xf32>,
          %add3A_506 = arith.constant 80 : i32
          %add3A_507 = arith.addi %add3A_461, %add3A_506 : i32
          %swap3A_508 = arith.index_cast %add3A_507 : i32 to index
          %swap3A_509 = tpu.vector_load %arg11[%swap3A_508] {strides = array<i32>} : memref<21760xf32, #tpu.memory_space<vmem>>, vector<16xf32>,
          tpu.vector_store %arg11[%swap3A_508], %get3A_505 {strides = array<i32>} : memref<21760xf32, #tpu.memory_space<vmem>>, vector<16xf32>,
          %add3A_510 = arith.constant 96 : i32
          %add3A_511 = arith.addi %mul3A_457, %add3A_510 : i32
          %get3A_512 = arith.index_cast %add3A_511 : i32 to index
          %get3A_513 = tpu.vector_load %arg9[%get3A_512] {strides = array<i32>} : memref<21760xf32, #tpu.memory_space<vmem>>, vector<16xf32>,
          %add3A_514 = arith.constant 96 : i32
          %add3A_515 = arith.addi %add3A_461, %add3A_514 : i32
          %swap3A_516 = arith.index_cast %add3A_515 : i32 to index
          %swap3A_517 = tpu.vector_load %arg11[%swap3A_516] {strides = array<i32>} : memref<21760xf32, #tpu.memory_space<vmem>>, vector<16xf32>,
          tpu.vector_store %arg11[%swap3A_516], %get3A_513 {strides = array<i32>} : memref<21760xf32, #tpu.memory_space<vmem>>, vector<16xf32>,
          %add3A_518 = arith.constant 112 : i32
          %add3A_519 = arith.addi %mul3A_457, %add3A_518 : i32
          %get3A_520 = arith.index_cast %add3A_519 : i32 to index
          %get3A_521 = tpu.vector_load %arg9[%get3A_520] {strides = array<i32>} : memref<21760xf32, #tpu.memory_space<vmem>>, vector<16xf32>,
          %add3A_522 = arith.constant 112 : i32
          %add3A_523 = arith.addi %add3A_461, %add3A_522 : i32
          %swap3A_524 = arith.index_cast %add3A_523 : i32 to index
          %swap3A_525 = tpu.vector_load %arg11[%swap3A_524] {strides = array<i32>} : memref<21760xf32, #tpu.memory_space<vmem>>, vector<16xf32>,
          tpu.vector_store %arg11[%swap3A_524], %get3A_521 {strides = array<i32>} : memref<21760xf32, #tpu.memory_space<vmem>>, vector<16xf32>,
          %mul3A_526 = arith.constant 2 : i32
          %mul3A_527 = arith.muli %scan3A_378, %mul3A_526 : i32
          %add3A_528 = arith.constant 1 : i32
          %add3A_529 = arith.addi %mul3A_527, %add3A_528 : i32
          %add3A_530 = arith.constant 0 : i32
          %add3A_531 = arith.addi %add3A_530, %add3A_529 : i32
          %mul3A_532 = arith.constant 128 : i32
          %mul3A_533 = arith.muli %add3A_531, %mul3A_532 : i32
          %mul3A_534 = arith.constant 256 : i32
          %mul3A_535 = arith.muli %add3A_529, %mul3A_534 : i32
          %add3A_536 = arith.constant 0 : i32
          %add3A_537 = arith.addi %mul3A_535, %add3A_536 : i32
          %add3A_538 = arith.constant 0 : i32
          %add3A_539 = arith.addi %mul3A_533, %add3A_538 : i32
          %get3A_540 = arith.index_cast %add3A_539 : i32 to index
          %get3A_541 = tpu.vector_load %arg9[%get3A_540] {strides = array<i32>} : memref<21760xf32, #tpu.memory_space<vmem>>, vector<16xf32>,
          %add3A_542 = arith.constant 0 : i32
          %add3A_543 = arith.addi %add3A_537, %add3A_542 : i32
          %swap3A_544 = arith.index_cast %add3A_543 : i32 to index
          %swap3A_545 = tpu.vector_load %arg11[%swap3A_544] {strides = array<i32>} : memref<21760xf32, #tpu.memory_space<vmem>>, vector<16xf32>,
          tpu.vector_store %arg11[%swap3A_544], %get3A_541 {strides = array<i32>} : memref<21760xf32, #tpu.memory_space<vmem>>, vector<16xf32>,
          %add3A_546 = arith.constant 16 : i32
          %add3A_547 = arith.addi %mul3A_533, %add3A_546 : i32
          %get3A_548 = arith.index_cast %add3A_547 : i32 to index
          %get3A_549 = tpu.vector_load %arg9[%get3A_548] {strides = array<i32>} : memref<21760xf32, #tpu.memory_space<vmem>>, vector<16xf32>,
          %add3A_550 = arith.constant 16 : i32
          %add3A_551 = arith.addi %add3A_537, %add3A_550 : i32
          %swap3A_552 = arith.index_cast %add3A_551 : i32 to index
          %swap3A_553 = tpu.vector_load %arg11[%swap3A_552] {strides = array<i32>} : memref<21760xf32, #tpu.memory_space<vmem>>, vector<16xf32>,
          tpu.vector_store %arg11[%swap3A_552], %get3A_549 {strides = array<i32>} : memref<21760xf32, #tpu.memory_space<vmem>>, vector<16xf32>,
          %add3A_554 = arith.constant 32 : i32
          %add3A_555 = arith.addi %mul3A_533, %add3A_554 : i32
          %get3A_556 = arith.index_cast %add3A_555 : i32 to index
          %get3A_557 = tpu.vector_load %arg9[%get3A_556] {strides = array<i32>} : memref<21760xf32, #tpu.memory_space<vmem>>, vector<16xf32>,
          %add3A_558 = arith.constant 32 : i32
          %add3A_559 = arith.addi %add3A_537, %add3A_558 : i32
          %swap3A_560 = arith.index_cast %add3A_559 : i32 to index
          %swap3A_561 = tpu.vector_load %arg11[%swap3A_560] {strides = array<i32>} : memref<21760xf32, #tpu.memory_space<vmem>>, vector<16xf32>,
          tpu.vector_store %arg11[%swap3A_560], %get3A_557 {strides = array<i32>} : memref<21760xf32, #tpu.memory_space<vmem>>, vector<16xf32>,
          %add3A_562 = arith.constant 48 : i32
          %add3A_563 = arith.addi %mul3A_533, %add3A_562 : i32
          %get3A_564 = arith.index_cast %add3A_563 : i32 to index
          %get3A_565 = tpu.vector_load %arg9[%get3A_564] {strides = array<i32>} : memref<21760xf32, #tpu.memory_space<vmem>>, vector<16xf32>,
          %add3A_566 = arith.constant 48 : i32
          %add3A_567 = arith.addi %add3A_537, %add3A_566 : i32
          %swap3A_568 = arith.index_cast %add3A_567 : i32 to index
          %swap3A_569 = tpu.vector_load %arg11[%swap3A_568] {strides = array<i32>} : memref<21760xf32, #tpu.memory_space<vmem>>, vector<16xf32>,
          tpu.vector_store %arg11[%swap3A_568], %get3A_565 {strides = array<i32>} : memref<21760xf32, #tpu.memory_space<vmem>>, vector<16xf32>,
          %add3A_570 = arith.constant 64 : i32
          %add3A_571 = arith.addi %mul3A_533, %add3A_570 : i32
          %get3A_572 = arith.index_cast %add3A_571 : i32 to index
          %get3A_573 = tpu.vector_load %arg9[%get3A_572] {strides = array<i32>} : memref<21760xf32, #tpu.memory_space<vmem>>, vector<16xf32>,
          %add3A_574 = arith.constant 64 : i32
          %add3A_575 = arith.addi %add3A_537, %add3A_574 : i32
          %swap3A_576 = arith.index_cast %add3A_575 : i32 to index
          %swap3A_577 = tpu.vector_load %arg11[%swap3A_576] {strides = array<i32>} : memref<21760xf32, #tpu.memory_space<vmem>>, vector<16xf32>,
          tpu.vector_store %arg11[%swap3A_576], %get3A_573 {strides = array<i32>} : memref<21760xf32, #tpu.memory_space<vmem>>, vector<16xf32>,
          %add3A_578 = arith.constant 80 : i32
          %add3A_579 = arith.addi %mul3A_533, %add3A_578 : i32
          %get3A_580 = arith.index_cast %add3A_579 : i32 to index
          %get3A_581 = tpu.vector_load %arg9[%get3A_580] {strides = array<i32>} : memref<21760xf32, #tpu.memory_space<vmem>>, vector<16xf32>,
          %add3A_582 = arith.constant 80 : i32
          %add3A_583 = arith.addi %add3A_537, %add3A_582 : i32
          %swap3A_584 = arith.index_cast %add3A_583 : i32 to index
          %swap3A_585 = tpu.vector_load %arg11[%swap3A_584] {strides = array<i32>} : memref<21760xf32, #tpu.memory_space<vmem>>, vector<16xf32>,
          tpu.vector_store %arg11[%swap3A_584], %get3A_581 {strides = array<i32>} : memref<21760xf32, #tpu.memory_space<vmem>>, vector<16xf32>,
          %add3A_586 = arith.constant 96 : i32
          %add3A_587 = arith.addi %mul3A_533, %add3A_586 : i32
          %get3A_588 = arith.index_cast %add3A_587 : i32 to index
          %get3A_589 = tpu.vector_load %arg9[%get3A_588] {strides = array<i32>} : memref<21760xf32, #tpu.memory_space<vmem>>, vector<16xf32>,
          %add3A_590 = arith.constant 96 : i32
          %add3A_591 = arith.addi %add3A_537, %add3A_590 : i32
          %swap3A_592 = arith.index_cast %add3A_591 : i32 to index
          %swap3A_593 = tpu.vector_load %arg11[%swap3A_592] {strides = array<i32>} : memref<21760xf32, #tpu.memory_space<vmem>>, vector<16xf32>,
          tpu.vector_store %arg11[%swap3A_592], %get3A_589 {strides = array<i32>} : memref<21760xf32, #tpu.memory_space<vmem>>, vector<16xf32>,
          %add3A_594 = arith.constant 112 : i32
          %add3A_595 = arith.addi %mul3A_533, %add3A_594 : i32
          %get3A_596 = arith.index_cast %add3A_595 : i32 to index
          %get3A_597 = tpu.vector_load %arg9[%get3A_596] {strides = array<i32>} : memref<21760xf32, #tpu.memory_space<vmem>>, vector<16xf32>,
          %add3A_598 = arith.constant 112 : i32
          %add3A_599 = arith.addi %add3A_537, %add3A_598 : i32
          %swap3A_600 = arith.index_cast %add3A_599 : i32 to index
          %swap3A_601 = tpu.vector_load %arg11[%swap3A_600] {strides = array<i32>} : memref<21760xf32, #tpu.memory_space<vmem>>, vector<16xf32>,
          tpu.vector_store %arg11[%swap3A_600], %get3A_597 {strides = array<i32>} : memref<21760xf32, #tpu.memory_space<vmem>>, vector<16xf32>,
          %add3A_602 = arith.constant 42 : i32
          %add3A_603 = arith.addi %add3A_602, %add3A_529 : i32
          %mul3A_604 = arith.constant 128 : i32
          %mul3A_605 = arith.muli %add3A_603, %mul3A_604 : i32
          %mul3A_606 = arith.constant 256 : i32
          %mul3A_607 = arith.muli %add3A_529, %mul3A_606 : i32
          %add3A_608 = arith.constant 128 : i32
          %add3A_609 = arith.addi %mul3A_607, %add3A_608 : i32
          %add3A_610 = arith.constant 0 : i32
          %add3A_611 = arith.addi %mul3A_605, %add3A_610 : i32
          %get3A_612 = arith.index_cast %add3A_611 : i32 to index
          %get3A_613 = tpu.vector_load %arg9[%get3A_612] {strides = array<i32>} : memref<21760xf32, #tpu.memory_space<vmem>>, vector<16xf32>,
          %add3A_614 = arith.constant 0 : i32
          %add3A_615 = arith.addi %add3A_609, %add3A_614 : i32
          %swap3A_616 = arith.index_cast %add3A_615 : i32 to index
          %swap3A_617 = tpu.vector_load %arg11[%swap3A_616] {strides = array<i32>} : memref<21760xf32, #tpu.memory_space<vmem>>, vector<16xf32>,
          tpu.vector_store %arg11[%swap3A_616], %get3A_613 {strides = array<i32>} : memref<21760xf32, #tpu.memory_space<vmem>>, vector<16xf32>,
          %add3A_618 = arith.constant 16 : i32
          %add3A_619 = arith.addi %mul3A_605, %add3A_618 : i32
          %get3A_620 = arith.index_cast %add3A_619 : i32 to index
          %get3A_621 = tpu.vector_load %arg9[%get3A_620] {strides = array<i32>} : memref<21760xf32, #tpu.memory_space<vmem>>, vector<16xf32>,
          %add3A_622 = arith.constant 16 : i32
          %add3A_623 = arith.addi %add3A_609, %add3A_622 : i32
          %swap3A_624 = arith.index_cast %add3A_623 : i32 to index
          %swap3A_625 = tpu.vector_load %arg11[%swap3A_624] {strides = array<i32>} : memref<21760xf32, #tpu.memory_space<vmem>>, vector<16xf32>,
          tpu.vector_store %arg11[%swap3A_624], %get3A_621 {strides = array<i32>} : memref<21760xf32, #tpu.memory_space<vmem>>, vector<16xf32>,
          %add3A_626 = arith.constant 32 : i32
          %add3A_627 = arith.addi %mul3A_605, %add3A_626 : i32
          %get3A_628 = arith.index_cast %add3A_627 : i32 to index
          %get3A_629 = tpu.vector_load %arg9[%get3A_628] {strides = array<i32>} : memref<21760xf32, #tpu.memory_space<vmem>>, vector<16xf32>,
          %add3A_630 = arith.constant 32 : i32
          %add3A_631 = arith.addi %add3A_609, %add3A_630 : i32
          %swap3A_632 = arith.index_cast %add3A_631 : i32 to index
          %swap3A_633 = tpu.vector_load %arg11[%swap3A_632] {strides = array<i32>} : memref<21760xf32, #tpu.memory_space<vmem>>, vector<16xf32>,
          tpu.vector_store %arg11[%swap3A_632], %get3A_629 {strides = array<i32>} : memref<21760xf32, #tpu.memory_space<vmem>>, vector<16xf32>,
          %add3A_634 = arith.constant 48 : i32
          %add3A_635 = arith.addi %mul3A_605, %add3A_634 : i32
          %get3A_636 = arith.index_cast %add3A_635 : i32 to index
          %get3A_637 = tpu.vector_load %arg9[%get3A_636] {strides = array<i32>} : memref<21760xf32, #tpu.memory_space<vmem>>, vector<16xf32>,
          %add3A_638 = arith.constant 48 : i32
          %add3A_639 = arith.addi %add3A_609, %add3A_638 : i32
          %swap3A_640 = arith.index_cast %add3A_639 : i32 to index
          %swap3A_641 = tpu.vector_load %arg11[%swap3A_640] {strides = array<i32>} : memref<21760xf32, #tpu.memory_space<vmem>>, vector<16xf32>,
          tpu.vector_store %arg11[%swap3A_640], %get3A_637 {strides = array<i32>} : memref<21760xf32, #tpu.memory_space<vmem>>, vector<16xf32>,
          %add3A_642 = arith.constant 64 : i32
          %add3A_643 = arith.addi %mul3A_605, %add3A_642 : i32
          %get3A_644 = arith.index_cast %add3A_643 : i32 to index
          %get3A_645 = tpu.vector_load %arg9[%get3A_644] {strides = array<i32>} : memref<21760xf32, #tpu.memory_space<vmem>>, vector<16xf32>,
          %add3A_646 = arith.constant 64 : i32
          %add3A_647 = arith.addi %add3A_609, %add3A_646 : i32
          %swap3A_648 = arith.index_cast %add3A_647 : i32 to index
          %swap3A_649 = tpu.vector_load %arg11[%swap3A_648] {strides = array<i32>} : memref<21760xf32, #tpu.memory_space<vmem>>, vector<16xf32>,
          tpu.vector_store %arg11[%swap3A_648], %get3A_645 {strides = array<i32>} : memref<21760xf32, #tpu.memory_space<vmem>>, vector<16xf32>,
          %add3A_650 = arith.constant 80 : i32
          %add3A_651 = arith.addi %mul3A_605, %add3A_650 : i32
          %get3A_652 = arith.index_cast %add3A_651 : i32 to index
          %get3A_653 = tpu.vector_load %arg9[%get3A_652] {strides = array<i32>} : memref<21760xf32, #tpu.memory_space<vmem>>, vector<16xf32>,
          %add3A_654 = arith.constant 80 : i32
          %add3A_655 = arith.addi %add3A_609, %add3A_654 : i32
          %swap3A_656 = arith.index_cast %add3A_655 : i32 to index
          %swap3A_657 = tpu.vector_load %arg11[%swap3A_656] {strides = array<i32>} : memref<21760xf32, #tpu.memory_space<vmem>>, vector<16xf32>,
          tpu.vector_store %arg11[%swap3A_656], %get3A_653 {strides = array<i32>} : memref<21760xf32, #tpu.memory_space<vmem>>, vector<16xf32>,
          %add3A_658 = arith.constant 96 : i32
          %add3A_659 = arith.addi %mul3A_605, %add3A_658 : i32
          %get3A_660 = arith.index_cast %add3A_659 : i32 to index
          %get3A_661 = tpu.vector_load %arg9[%get3A_660] {strides = array<i32>} : memref<21760xf32, #tpu.memory_space<vmem>>, vector<16xf32>,
          %add3A_662 = arith.constant 96 : i32
          %add3A_663 = arith.addi %add3A_609, %add3A_662 : i32
          %swap3A_664 = arith.index_cast %add3A_663 : i32 to index
          %swap3A_665 = tpu.vector_load %arg11[%swap3A_664] {strides = array<i32>} : memref<21760xf32, #tpu.memory_space<vmem>>, vector<16xf32>,
          tpu.vector_store %arg11[%swap3A_664], %get3A_661 {strides = array<i32>} : memref<21760xf32, #tpu.memory_space<vmem>>, vector<16xf32>,
          %add3A_666 = arith.constant 112 : i32
          %add3A_667 = arith.addi %mul3A_605, %add3A_666 : i32
          %get3A_668 = arith.index_cast %add3A_667 : i32 to index
          %get3A_669 = tpu.vector_load %arg9[%get3A_668] {strides = array<i32>} : memref<21760xf32, #tpu.memory_space<vmem>>, vector<16xf32>,
          %add3A_670 = arith.constant 112 : i32
          %add3A_671 = arith.addi %add3A_609, %add3A_670 : i32
          %swap3A_672 = arith.index_cast %add3A_671 : i32 to index
          %swap3A_673 = tpu.vector_load %arg11[%swap3A_672] {strides = array<i32>} : memref<21760xf32, #tpu.memory_space<vmem>>, vector<16xf32>,
          tpu.vector_store %arg11[%swap3A_672], %get3A_669 {strides = array<i32>} : memref<21760xf32, #tpu.memory_space<vmem>>, vector<16xf32>,
        }
        %scan3A_370 = arith.constant 21 : i32
        %add3A_371 = arith.constant 11008 : i32
        %add3A_372 = arith.addi %add3A_269, %add3A_371 : i32
        %dma_start3A = arith.constant 0 : i32
        %dma_start3A_373 = tpu.memref_slice %arg11[%dma_start3A] : memref<21760xf32, #tpu.memory_space<vmem>> -> memref<10752xf32, #tpu.memory_space<vmem>>
        %dma_start3A_374 = tpu.memref_slice %arg5[%add3A_372] : memref<13056000xf32, #tpu.memory_space<hbm>> -> memref<10752xf32, #tpu.memory_space<hbm>>
        %dma_start3A_375 = tpu.memref_slice %arg5[%add3A_372] : memref<13056000xf32, #tpu.memory_space<hbm>> -> memref<10752xf32, #tpu.memory_space<hbm>>
        %dma_start3A_376 = arith.constant 0 : i32
        %dma_start3A_377 = tpu.memref_slice %arg11[%dma_start3A_376] : memref<21760xf32, #tpu.memory_space<vmem>> -> memref<10752xf32, #tpu.memory_space<vmem>>
        tpu.enqueue_dma source(%dma_start3A_377 : memref<10752xf32, #tpu.memory_space<vmem>>) target(%dma_start3A_375 : memref<10752xf32, #tpu.memory_space<hbm>>) target_semaphore(%arg16 : memref<!tpu.dma_semaphore, #tpu.memory_space<semaphore_mem>>)
      } else {
      }
      %eq3A_349 = arith.constant 2 : i32
      %eq3A_350 = arith.cmpi eq, %reduce_sum3A_265, %eq3A_349 : i32
      %convert_element_type3A_351 = arith.extui %eq3A_350 : i1 to i32
      %cond3A_352 = arith.constant 0 : i32
      %cond3A_353 = arith.cmpi ne, %convert_element_type3A_351, %cond3A_352 : i32
      scf.if %cond3A_353 {
        %scan3A_365 = arith.constant 0 : i32
        %scan3A_366 = arith.constant 0 : i32
        %scan3A_367 = arith.constant 5 : i32
        %scan3A_368 = arith.addi %scan3A_366, %scan3A_367 : i32
        %scan3A_369 = arith.constant 1 : i32
        scf.for %scan3A_378 = %scan3A_366 to %scan3A_368 step %scan3A_369  : i32 {
          %mul3A_379 = arith.constant 2 : i32
          %mul3A_380 = arith.muli %scan3A_378, %mul3A_379 : i32
          %add3A_381 = arith.constant 0 : i32
          %add3A_382 = arith.addi %mul3A_380, %add3A_381 : i32
          %add3A_383 = arith.constant 0 : i32
          %add3A_384 = arith.addi %add3A_383, %add3A_382 : i32
          %mul3A_385 = arith.constant 128 : i32
          %mul3A_386 = arith.muli %add3A_384, %mul3A_385 : i32
          %mul3A_387 = arith.constant 256 : i32
          %mul3A_388 = arith.muli %add3A_382, %mul3A_387 : i32
          %add3A_389 = arith.constant 0 : i32
          %add3A_390 = arith.addi %mul3A_388, %add3A_389 : i32
          %add3A_391 = arith.constant 0 : i32
          %add3A_392 = arith.addi %mul3A_386, %add3A_391 : i32
          %get3A_393 = arith.index_cast %add3A_392 : i32 to index
          %get3A_394 = tpu.vector_load %arg9[%get3A_393] {strides = array<i32>} : memref<21760xf32, #tpu.memory_space<vmem>>, vector<16xf32>,
          %add3A_395 = arith.constant 0 : i32
          %add3A_396 = arith.addi %add3A_390, %add3A_395 : i32
          %swap3A = arith.index_cast %add3A_396 : i32 to index
          %swap3A_397 = tpu.vector_load %arg11[%swap3A] {strides = array<i32>} : memref<21760xf32, #tpu.memory_space<vmem>>, vector<16xf32>,
          tpu.vector_store %arg11[%swap3A], %get3A_394 {strides = array<i32>} : memref<21760xf32, #tpu.memory_space<vmem>>, vector<16xf32>,
          %add3A_398 = arith.constant 16 : i32
          %add3A_399 = arith.addi %mul3A_386, %add3A_398 : i32
          %get3A_400 = arith.index_cast %add3A_399 : i32 to index
          %get3A_401 = tpu.vector_load %arg9[%get3A_400] {strides = array<i32>} : memref<21760xf32, #tpu.memory_space<vmem>>, vector<16xf32>,
          %add3A_402 = arith.constant 16 : i32
          %add3A_403 = arith.addi %add3A_390, %add3A_402 : i32
          %swap3A_404 = arith.index_cast %add3A_403 : i32 to index
          %swap3A_405 = tpu.vector_load %arg11[%swap3A_404] {strides = array<i32>} : memref<21760xf32, #tpu.memory_space<vmem>>, vector<16xf32>,
          tpu.vector_store %arg11[%swap3A_404], %get3A_401 {strides = array<i32>} : memref<21760xf32, #tpu.memory_space<vmem>>, vector<16xf32>,
          %add3A_406 = arith.constant 32 : i32
          %add3A_407 = arith.addi %mul3A_386, %add3A_406 : i32
          %get3A_408 = arith.index_cast %add3A_407 : i32 to index
          %get3A_409 = tpu.vector_load %arg9[%get3A_408] {strides = array<i32>} : memref<21760xf32, #tpu.memory_space<vmem>>, vector<16xf32>,
          %add3A_410 = arith.constant 32 : i32
          %add3A_411 = arith.addi %add3A_390, %add3A_410 : i32
          %swap3A_412 = arith.index_cast %add3A_411 : i32 to index
          %swap3A_413 = tpu.vector_load %arg11[%swap3A_412] {strides = array<i32>} : memref<21760xf32, #tpu.memory_space<vmem>>, vector<16xf32>,
          tpu.vector_store %arg11[%swap3A_412], %get3A_409 {strides = array<i32>} : memref<21760xf32, #tpu.memory_space<vmem>>, vector<16xf32>,
          %add3A_414 = arith.constant 48 : i32
          %add3A_415 = arith.addi %mul3A_386, %add3A_414 : i32
          %get3A_416 = arith.index_cast %add3A_415 : i32 to index
          %get3A_417 = tpu.vector_load %arg9[%get3A_416] {strides = array<i32>} : memref<21760xf32, #tpu.memory_space<vmem>>, vector<16xf32>,
          %add3A_418 = arith.constant 48 : i32
          %add3A_419 = arith.addi %add3A_390, %add3A_418 : i32
          %swap3A_420 = arith.index_cast %add3A_419 : i32 to index
          %swap3A_421 = tpu.vector_load %arg11[%swap3A_420] {strides = array<i32>} : memref<21760xf32, #tpu.memory_space<vmem>>, vector<16xf32>,
          tpu.vector_store %arg11[%swap3A_420], %get3A_417 {strides = array<i32>} : memref<21760xf32, #tpu.memory_space<vmem>>, vector<16xf32>,
          %add3A_422 = arith.constant 64 : i32
          %add3A_423 = arith.addi %mul3A_386, %add3A_422 : i32
          %get3A_424 = arith.index_cast %add3A_423 : i32 to index
          %get3A_425 = tpu.vector_load %arg9[%get3A_424] {strides = array<i32>} : memref<21760xf32, #tpu.memory_space<vmem>>, vector<16xf32>,
          %add3A_426 = arith.constant 64 : i32
          %add3A_427 = arith.addi %add3A_390, %add3A_426 : i32
          %swap3A_428 = arith.index_cast %add3A_427 : i32 to index
          %swap3A_429 = tpu.vector_load %arg11[%swap3A_428] {strides = array<i32>} : memref<21760xf32, #tpu.memory_space<vmem>>, vector<16xf32>,
          tpu.vector_store %arg11[%swap3A_428], %get3A_425 {strides = array<i32>} : memref<21760xf32, #tpu.memory_space<vmem>>, vector<16xf32>,
          %add3A_430 = arith.constant 80 : i32
          %add3A_431 = arith.addi %mul3A_386, %add3A_430 : i32
          %get3A_432 = arith.index_cast %add3A_431 : i32 to index
          %get3A_433 = tpu.vector_load %arg9[%get3A_432] {strides = array<i32>} : memref<21760xf32, #tpu.memory_space<vmem>>, vector<16xf32>,
          %add3A_434 = arith.constant 80 : i32
          %add3A_435 = arith.addi %add3A_390, %add3A_434 : i32
          %swap3A_436 = arith.index_cast %add3A_435 : i32 to index
          %swap3A_437 = tpu.vector_load %arg11[%swap3A_436] {strides = array<i32>} : memref<21760xf32, #tpu.memory_space<vmem>>, vector<16xf32>,
          tpu.vector_store %arg11[%swap3A_436], %get3A_433 {strides = array<i32>} : memref<21760xf32, #tpu.memory_space<vmem>>, vector<16xf32>,
          %add3A_438 = arith.constant 96 : i32
          %add3A_439 = arith.addi %mul3A_386, %add3A_438 : i32
          %get3A_440 = arith.index_cast %add3A_439 : i32 to index
          %get3A_441 = tpu.vector_load %arg9[%get3A_440] {strides = array<i32>} : memref<21760xf32, #tpu.memory_space<vmem>>, vector<16xf32>,
          %add3A_442 = arith.constant 96 : i32
          %add3A_443 = arith.addi %add3A_390, %add3A_442 : i32
          %swap3A_444 = arith.index_cast %add3A_443 : i32 to index
          %swap3A_445 = tpu.vector_load %arg11[%swap3A_444] {strides = array<i32>} : memref<21760xf32, #tpu.memory_space<vmem>>, vector<16xf32>,
          tpu.vector_store %arg11[%swap3A_444], %get3A_441 {strides = array<i32>} : memref<21760xf32, #tpu.memory_space<vmem>>, vector<16xf32>,
          %add3A_446 = arith.constant 112 : i32
          %add3A_447 = arith.addi %mul3A_386, %add3A_446 : i32
          %get3A_448 = arith.index_cast %add3A_447 : i32 to index
          %get3A_449 = tpu.vector_load %arg9[%get3A_448] {strides = array<i32>} : memref<21760xf32, #tpu.memory_space<vmem>>, vector<16xf32>,
          %add3A_450 = arith.constant 112 : i32
          %add3A_451 = arith.addi %add3A_390, %add3A_450 : i32
          %swap3A_452 = arith.index_cast %add3A_451 : i32 to index
          %swap3A_453 = tpu.vector_load %arg11[%swap3A_452] {strides = array<i32>} : memref<21760xf32, #tpu.memory_space<vmem>>, vector<16xf32>,
          tpu.vector_store %arg11[%swap3A_452], %get3A_449 {strides = array<i32>} : memref<21760xf32, #tpu.memory_space<vmem>>, vector<16xf32>,
          %add3A_454 = arith.constant 10 : i32
          %add3A_455 = arith.addi %add3A_454, %add3A_382 : i32
          %mul3A_456 = arith.constant 128 : i32
          %mul3A_457 = arith.muli %add3A_455, %mul3A_456 : i32
          %mul3A_458 = arith.constant 256 : i32
          %mul3A_459 = arith.muli %add3A_382, %mul3A_458 : i32
          %add3A_460 = arith.constant 128 : i32
          %add3A_461 = arith.addi %mul3A_459, %add3A_460 : i32
          %add3A_462 = arith.constant 0 : i32
          %add3A_463 = arith.addi %mul3A_457, %add3A_462 : i32
          %get3A_464 = arith.index_cast %add3A_463 : i32 to index
          %get3A_465 = tpu.vector_load %arg9[%get3A_464] {strides = array<i32>} : memref<21760xf32, #tpu.memory_space<vmem>>, vector<16xf32>,
          %add3A_466 = arith.constant 0 : i32
          %add3A_467 = arith.addi %add3A_461, %add3A_466 : i32
          %swap3A_468 = arith.index_cast %add3A_467 : i32 to index
          %swap3A_469 = tpu.vector_load %arg11[%swap3A_468] {strides = array<i32>} : memref<21760xf32, #tpu.memory_space<vmem>>, vector<16xf32>,
          tpu.vector_store %arg11[%swap3A_468], %get3A_465 {strides = array<i32>} : memref<21760xf32, #tpu.memory_space<vmem>>, vector<16xf32>,
          %add3A_470 = arith.constant 16 : i32
          %add3A_471 = arith.addi %mul3A_457, %add3A_470 : i32
          %get3A_472 = arith.index_cast %add3A_471 : i32 to index
          %get3A_473 = tpu.vector_load %arg9[%get3A_472] {strides = array<i32>} : memref<21760xf32, #tpu.memory_space<vmem>>, vector<16xf32>,
          %add3A_474 = arith.constant 16 : i32
          %add3A_475 = arith.addi %add3A_461, %add3A_474 : i32
          %swap3A_476 = arith.index_cast %add3A_475 : i32 to index
          %swap3A_477 = tpu.vector_load %arg11[%swap3A_476] {strides = array<i32>} : memref<21760xf32, #tpu.memory_space<vmem>>, vector<16xf32>,
          tpu.vector_store %arg11[%swap3A_476], %get3A_473 {strides = array<i32>} : memref<21760xf32, #tpu.memory_space<vmem>>, vector<16xf32>,
          %add3A_478 = arith.constant 32 : i32
          %add3A_479 = arith.addi %mul3A_457, %add3A_478 : i32
          %get3A_480 = arith.index_cast %add3A_479 : i32 to index
          %get3A_481 = tpu.vector_load %arg9[%get3A_480] {strides = array<i32>} : memref<21760xf32, #tpu.memory_space<vmem>>, vector<16xf32>,
          %add3A_482 = arith.constant 32 : i32
          %add3A_483 = arith.addi %add3A_461, %add3A_482 : i32
          %swap3A_484 = arith.index_cast %add3A_483 : i32 to index
          %swap3A_485 = tpu.vector_load %arg11[%swap3A_484] {strides = array<i32>} : memref<21760xf32, #tpu.memory_space<vmem>>, vector<16xf32>,
          tpu.vector_store %arg11[%swap3A_484], %get3A_481 {strides = array<i32>} : memref<21760xf32, #tpu.memory_space<vmem>>, vector<16xf32>,
          %add3A_486 = arith.constant 48 : i32
          %add3A_487 = arith.addi %mul3A_457, %add3A_486 : i32
          %get3A_488 = arith.index_cast %add3A_487 : i32 to index
          %get3A_489 = tpu.vector_load %arg9[%get3A_488] {strides = array<i32>} : memref<21760xf32, #tpu.memory_space<vmem>>, vector<16xf32>,
          %add3A_490 = arith.constant 48 : i32
          %add3A_491 = arith.addi %add3A_461, %add3A_490 : i32
          %swap3A_492 = arith.index_cast %add3A_491 : i32 to index
          %swap3A_493 = tpu.vector_load %arg11[%swap3A_492] {strides = array<i32>} : memref<21760xf32, #tpu.memory_space<vmem>>, vector<16xf32>,
          tpu.vector_store %arg11[%swap3A_492], %get3A_489 {strides = array<i32>} : memref<21760xf32, #tpu.memory_space<vmem>>, vector<16xf32>,
          %add3A_494 = arith.constant 64 : i32
          %add3A_495 = arith.addi %mul3A_457, %add3A_494 : i32
          %get3A_496 = arith.index_cast %add3A_495 : i32 to index
          %get3A_497 = tpu.vector_load %arg9[%get3A_496] {strides = array<i32>} : memref<21760xf32, #tpu.memory_space<vmem>>, vector<16xf32>,
          %add3A_498 = arith.constant 64 : i32
          %add3A_499 = arith.addi %add3A_461, %add3A_498 : i32
          %swap3A_500 = arith.index_cast %add3A_499 : i32 to index
          %swap3A_501 = tpu.vector_load %arg11[%swap3A_500] {strides = array<i32>} : memref<21760xf32, #tpu.memory_space<vmem>>, vector<16xf32>,
          tpu.vector_store %arg11[%swap3A_500], %get3A_497 {strides = array<i32>} : memref<21760xf32, #tpu.memory_space<vmem>>, vector<16xf32>,
          %add3A_502 = arith.constant 80 : i32
          %add3A_503 = arith.addi %mul3A_457, %add3A_502 : i32
          %get3A_504 = arith.index_cast %add3A_503 : i32 to index
          %get3A_505 = tpu.vector_load %arg9[%get3A_504] {strides = array<i32>} : memref<21760xf32, #tpu.memory_space<vmem>>, vector<16xf32>,
          %add3A_506 = arith.constant 80 : i32
          %add3A_507 = arith.addi %add3A_461, %add3A_506 : i32
          %swap3A_508 = arith.index_cast %add3A_507 : i32 to index
          %swap3A_509 = tpu.vector_load %arg11[%swap3A_508] {strides = array<i32>} : memref<21760xf32, #tpu.memory_space<vmem>>, vector<16xf32>,
          tpu.vector_store %arg11[%swap3A_508], %get3A_505 {strides = array<i32>} : memref<21760xf32, #tpu.memory_space<vmem>>, vector<16xf32>,
          %add3A_510 = arith.constant 96 : i32
          %add3A_511 = arith.addi %mul3A_457, %add3A_510 : i32
          %get3A_512 = arith.index_cast %add3A_511 : i32 to index
          %get3A_513 = tpu.vector_load %arg9[%get3A_512] {strides = array<i32>} : memref<21760xf32, #tpu.memory_space<vmem>>, vector<16xf32>,
          %add3A_514 = arith.constant 96 : i32
          %add3A_515 = arith.addi %add3A_461, %add3A_514 : i32
          %swap3A_516 = arith.index_cast %add3A_515 : i32 to index
          %swap3A_517 = tpu.vector_load %arg11[%swap3A_516] {strides = array<i32>} : memref<21760xf32, #tpu.memory_space<vmem>>, vector<16xf32>,
          tpu.vector_store %arg11[%swap3A_516], %get3A_513 {strides = array<i32>} : memref<21760xf32, #tpu.memory_space<vmem>>, vector<16xf32>,
          %add3A_518 = arith.constant 112 : i32
          %add3A_519 = arith.addi %mul3A_457, %add3A_518 : i32
          %get3A_520 = arith.index_cast %add3A_519 : i32 to index
          %get3A_521 = tpu.vector_load %arg9[%get3A_520] {strides = array<i32>} : memref<21760xf32, #tpu.memory_space<vmem>>, vector<16xf32>,
          %add3A_522 = arith.constant 112 : i32
          %add3A_523 = arith.addi %add3A_461, %add3A_522 : i32
          %swap3A_524 = arith.index_cast %add3A_523 : i32 to index
          %swap3A_525 = tpu.vector_load %arg11[%swap3A_524] {strides = array<i32>} : memref<21760xf32, #tpu.memory_space<vmem>>, vector<16xf32>,
          tpu.vector_store %arg11[%swap3A_524], %get3A_521 {strides = array<i32>} : memref<21760xf32, #tpu.memory_space<vmem>>, vector<16xf32>,
          %mul3A_526 = arith.constant 2 : i32
          %mul3A_527 = arith.muli %scan3A_378, %mul3A_526 : i32
          %add3A_528 = arith.constant 1 : i32
          %add3A_529 = arith.addi %mul3A_527, %add3A_528 : i32
          %add3A_530 = arith.constant 0 : i32
          %add3A_531 = arith.addi %add3A_530, %add3A_529 : i32
          %mul3A_532 = arith.constant 128 : i32
          %mul3A_533 = arith.muli %add3A_531, %mul3A_532 : i32
          %mul3A_534 = arith.constant 256 : i32
          %mul3A_535 = arith.muli %add3A_529, %mul3A_534 : i32
          %add3A_536 = arith.constant 0 : i32
          %add3A_537 = arith.addi %mul3A_535, %add3A_536 : i32
          %add3A_538 = arith.constant 0 : i32
          %add3A_539 = arith.addi %mul3A_533, %add3A_538 : i32
          %get3A_540 = arith.index_cast %add3A_539 : i32 to index
          %get3A_541 = tpu.vector_load %arg9[%get3A_540] {strides = array<i32>} : memref<21760xf32, #tpu.memory_space<vmem>>, vector<16xf32>,
          %add3A_542 = arith.constant 0 : i32
          %add3A_543 = arith.addi %add3A_537, %add3A_542 : i32
          %swap3A_544 = arith.index_cast %add3A_543 : i32 to index
          %swap3A_545 = tpu.vector_load %arg11[%swap3A_544] {strides = array<i32>} : memref<21760xf32, #tpu.memory_space<vmem>>, vector<16xf32>,
          tpu.vector_store %arg11[%swap3A_544], %get3A_541 {strides = array<i32>} : memref<21760xf32, #tpu.memory_space<vmem>>, vector<16xf32>,
          %add3A_546 = arith.constant 16 : i32
          %add3A_547 = arith.addi %mul3A_533, %add3A_546 : i32
          %get3A_548 = arith.index_cast %add3A_547 : i32 to index
          %get3A_549 = tpu.vector_load %arg9[%get3A_548] {strides = array<i32>} : memref<21760xf32, #tpu.memory_space<vmem>>, vector<16xf32>,
          %add3A_550 = arith.constant 16 : i32
          %add3A_551 = arith.addi %add3A_537, %add3A_550 : i32
          %swap3A_552 = arith.index_cast %add3A_551 : i32 to index
          %swap3A_553 = tpu.vector_load %arg11[%swap3A_552] {strides = array<i32>} : memref<21760xf32, #tpu.memory_space<vmem>>, vector<16xf32>,
          tpu.vector_store %arg11[%swap3A_552], %get3A_549 {strides = array<i32>} : memref<21760xf32, #tpu.memory_space<vmem>>, vector<16xf32>,
          %add3A_554 = arith.constant 32 : i32
          %add3A_555 = arith.addi %mul3A_533, %add3A_554 : i32
          %get3A_556 = arith.index_cast %add3A_555 : i32 to index
          %get3A_557 = tpu.vector_load %arg9[%get3A_556] {strides = array<i32>} : memref<21760xf32, #tpu.memory_space<vmem>>, vector<16xf32>,
          %add3A_558 = arith.constant 32 : i32
          %add3A_559 = arith.addi %add3A_537, %add3A_558 : i32
          %swap3A_560 = arith.index_cast %add3A_559 : i32 to index
          %swap3A_561 = tpu.vector_load %arg11[%swap3A_560] {strides = array<i32>} : memref<21760xf32, #tpu.memory_space<vmem>>, vector<16xf32>,
          tpu.vector_store %arg11[%swap3A_560], %get3A_557 {strides = array<i32>} : memref<21760xf32, #tpu.memory_space<vmem>>, vector<16xf32>,
          %add3A_562 = arith.constant 48 : i32
          %add3A_563 = arith.addi %mul3A_533, %add3A_562 : i32
          %get3A_564 = arith.index_cast %add3A_563 : i32 to index
          %get3A_565 = tpu.vector_load %arg9[%get3A_564] {strides = array<i32>} : memref<21760xf32, #tpu.memory_space<vmem>>, vector<16xf32>,
          %add3A_566 = arith.constant 48 : i32
          %add3A_567 = arith.addi %add3A_537, %add3A_566 : i32
          %swap3A_568 = arith.index_cast %add3A_567 : i32 to index
          %swap3A_569 = tpu.vector_load %arg11[%swap3A_568] {strides = array<i32>} : memref<21760xf32, #tpu.memory_space<vmem>>, vector<16xf32>,
          tpu.vector_store %arg11[%swap3A_568], %get3A_565 {strides = array<i32>} : memref<21760xf32, #tpu.memory_space<vmem>>, vector<16xf32>,
          %add3A_570 = arith.constant 64 : i32
          %add3A_571 = arith.addi %mul3A_533, %add3A_570 : i32
          %get3A_572 = arith.index_cast %add3A_571 : i32 to index
          %get3A_573 = tpu.vector_load %arg9[%get3A_572] {strides = array<i32>} : memref<21760xf32, #tpu.memory_space<vmem>>, vector<16xf32>,
          %add3A_574 = arith.constant 64 : i32
          %add3A_575 = arith.addi %add3A_537, %add3A_574 : i32
          %swap3A_576 = arith.index_cast %add3A_575 : i32 to index
          %swap3A_577 = tpu.vector_load %arg11[%swap3A_576] {strides = array<i32>} : memref<21760xf32, #tpu.memory_space<vmem>>, vector<16xf32>,
          tpu.vector_store %arg11[%swap3A_576], %get3A_573 {strides = array<i32>} : memref<21760xf32, #tpu.memory_space<vmem>>, vector<16xf32>,
          %add3A_578 = arith.constant 80 : i32
          %add3A_579 = arith.addi %mul3A_533, %add3A_578 : i32
          %get3A_580 = arith.index_cast %add3A_579 : i32 to index
          %get3A_581 = tpu.vector_load %arg9[%get3A_580] {strides = array<i32>} : memref<21760xf32, #tpu.memory_space<vmem>>, vector<16xf32>,
          %add3A_582 = arith.constant 80 : i32
          %add3A_583 = arith.addi %add3A_537, %add3A_582 : i32
          %swap3A_584 = arith.index_cast %add3A_583 : i32 to index
          %swap3A_585 = tpu.vector_load %arg11[%swap3A_584] {strides = array<i32>} : memref<21760xf32, #tpu.memory_space<vmem>>, vector<16xf32>,
          tpu.vector_store %arg11[%swap3A_584], %get3A_581 {strides = array<i32>} : memref<21760xf32, #tpu.memory_space<vmem>>, vector<16xf32>,
          %add3A_586 = arith.constant 96 : i32
          %add3A_587 = arith.addi %mul3A_533, %add3A_586 : i32
          %get3A_588 = arith.index_cast %add3A_587 : i32 to index
          %get3A_589 = tpu.vector_load %arg9[%get3A_588] {strides = array<i32>} : memref<21760xf32, #tpu.memory_space<vmem>>, vector<16xf32>,
          %add3A_590 = arith.constant 96 : i32
          %add3A_591 = arith.addi %add3A_537, %add3A_590 : i32
          %swap3A_592 = arith.index_cast %add3A_591 : i32 to index
          %swap3A_593 = tpu.vector_load %arg11[%swap3A_592] {strides = array<i32>} : memref<21760xf32, #tpu.memory_space<vmem>>, vector<16xf32>,
          tpu.vector_store %arg11[%swap3A_592], %get3A_589 {strides = array<i32>} : memref<21760xf32, #tpu.memory_space<vmem>>, vector<16xf32>,
          %add3A_594 = arith.constant 112 : i32
          %add3A_595 = arith.addi %mul3A_533, %add3A_594 : i32
          %get3A_596 = arith.index_cast %add3A_595 : i32 to index
          %get3A_597 = tpu.vector_load %arg9[%get3A_596] {strides = array<i32>} : memref<21760xf32, #tpu.memory_space<vmem>>, vector<16xf32>,
          %add3A_598 = arith.constant 112 : i32
          %add3A_599 = arith.addi %add3A_537, %add3A_598 : i32
          %swap3A_600 = arith.index_cast %add3A_599 : i32 to index
          %swap3A_601 = tpu.vector_load %arg11[%swap3A_600] {strides = array<i32>} : memref<21760xf32, #tpu.memory_space<vmem>>, vector<16xf32>,
          tpu.vector_store %arg11[%swap3A_600], %get3A_597 {strides = array<i32>} : memref<21760xf32, #tpu.memory_space<vmem>>, vector<16xf32>,
          %add3A_602 = arith.constant 10 : i32
          %add3A_603 = arith.addi %add3A_602, %add3A_529 : i32
          %mul3A_604 = arith.constant 128 : i32
          %mul3A_605 = arith.muli %add3A_603, %mul3A_604 : i32
          %mul3A_606 = arith.constant 256 : i32
          %mul3A_607 = arith.muli %add3A_529, %mul3A_606 : i32
          %add3A_608 = arith.constant 128 : i32
          %add3A_609 = arith.addi %mul3A_607, %add3A_608 : i32
          %add3A_610 = arith.constant 0 : i32
          %add3A_611 = arith.addi %mul3A_605, %add3A_610 : i32
          %get3A_612 = arith.index_cast %add3A_611 : i32 to index
          %get3A_613 = tpu.vector_load %arg9[%get3A_612] {strides = array<i32>} : memref<21760xf32, #tpu.memory_space<vmem>>, vector<16xf32>,
          %add3A_614 = arith.constant 0 : i32
          %add3A_615 = arith.addi %add3A_609, %add3A_614 : i32
          %swap3A_616 = arith.index_cast %add3A_615 : i32 to index
          %swap3A_617 = tpu.vector_load %arg11[%swap3A_616] {strides = array<i32>} : memref<21760xf32, #tpu.memory_space<vmem>>, vector<16xf32>,
          tpu.vector_store %arg11[%swap3A_616], %get3A_613 {strides = array<i32>} : memref<21760xf32, #tpu.memory_space<vmem>>, vector<16xf32>,
          %add3A_618 = arith.constant 16 : i32
          %add3A_619 = arith.addi %mul3A_605, %add3A_618 : i32
          %get3A_620 = arith.index_cast %add3A_619 : i32 to index
          %get3A_621 = tpu.vector_load %arg9[%get3A_620] {strides = array<i32>} : memref<21760xf32, #tpu.memory_space<vmem>>, vector<16xf32>,
          %add3A_622 = arith.constant 16 : i32
          %add3A_623 = arith.addi %add3A_609, %add3A_622 : i32
          %swap3A_624 = arith.index_cast %add3A_623 : i32 to index
          %swap3A_625 = tpu.vector_load %arg11[%swap3A_624] {strides = array<i32>} : memref<21760xf32, #tpu.memory_space<vmem>>, vector<16xf32>,
          tpu.vector_store %arg11[%swap3A_624], %get3A_621 {strides = array<i32>} : memref<21760xf32, #tpu.memory_space<vmem>>, vector<16xf32>,
          %add3A_626 = arith.constant 32 : i32
          %add3A_627 = arith.addi %mul3A_605, %add3A_626 : i32
          %get3A_628 = arith.index_cast %add3A_627 : i32 to index
          %get3A_629 = tpu.vector_load %arg9[%get3A_628] {strides = array<i32>} : memref<21760xf32, #tpu.memory_space<vmem>>, vector<16xf32>,
          %add3A_630 = arith.constant 32 : i32
          %add3A_631 = arith.addi %add3A_609, %add3A_630 : i32
          %swap3A_632 = arith.index_cast %add3A_631 : i32 to index
          %swap3A_633 = tpu.vector_load %arg11[%swap3A_632] {strides = array<i32>} : memref<21760xf32, #tpu.memory_space<vmem>>, vector<16xf32>,
          tpu.vector_store %arg11[%swap3A_632], %get3A_629 {strides = array<i32>} : memref<21760xf32, #tpu.memory_space<vmem>>, vector<16xf32>,
          %add3A_634 = arith.constant 48 : i32
          %add3A_635 = arith.addi %mul3A_605, %add3A_634 : i32
          %get3A_636 = arith.index_cast %add3A_635 : i32 to index
          %get3A_637 = tpu.vector_load %arg9[%get3A_636] {strides = array<i32>} : memref<21760xf32, #tpu.memory_space<vmem>>, vector<16xf32>,
          %add3A_638 = arith.constant 48 : i32
          %add3A_639 = arith.addi %add3A_609, %add3A_638 : i32
          %swap3A_640 = arith.index_cast %add3A_639 : i32 to index
          %swap3A_641 = tpu.vector_load %arg11[%swap3A_640] {strides = array<i32>} : memref<21760xf32, #tpu.memory_space<vmem>>, vector<16xf32>,
          tpu.vector_store %arg11[%swap3A_640], %get3A_637 {strides = array<i32>} : memref<21760xf32, #tpu.memory_space<vmem>>, vector<16xf32>,
          %add3A_642 = arith.constant 64 : i32
          %add3A_643 = arith.addi %mul3A_605, %add3A_642 : i32
          %get3A_644 = arith.index_cast %add3A_643 : i32 to index
          %get3A_645 = tpu.vector_load %arg9[%get3A_644] {strides = array<i32>} : memref<21760xf32, #tpu.memory_space<vmem>>, vector<16xf32>,
          %add3A_646 = arith.constant 64 : i32
          %add3A_647 = arith.addi %add3A_609, %add3A_646 : i32
          %swap3A_648 = arith.index_cast %add3A_647 : i32 to index
          %swap3A_649 = tpu.vector_load %arg11[%swap3A_648] {strides = array<i32>} : memref<21760xf32, #tpu.memory_space<vmem>>, vector<16xf32>,
          tpu.vector_store %arg11[%swap3A_648], %get3A_645 {strides = array<i32>} : memref<21760xf32, #tpu.memory_space<vmem>>, vector<16xf32>,
          %add3A_650 = arith.constant 80 : i32
          %add3A_651 = arith.addi %mul3A_605, %add3A_650 : i32
          %get3A_652 = arith.index_cast %add3A_651 : i32 to index
          %get3A_653 = tpu.vector_load %arg9[%get3A_652] {strides = array<i32>} : memref<21760xf32, #tpu.memory_space<vmem>>, vector<16xf32>,
          %add3A_654 = arith.constant 80 : i32
          %add3A_655 = arith.addi %add3A_609, %add3A_654 : i32
          %swap3A_656 = arith.index_cast %add3A_655 : i32 to index
          %swap3A_657 = tpu.vector_load %arg11[%swap3A_656] {strides = array<i32>} : memref<21760xf32, #tpu.memory_space<vmem>>, vector<16xf32>,
          tpu.vector_store %arg11[%swap3A_656], %get3A_653 {strides = array<i32>} : memref<21760xf32, #tpu.memory_space<vmem>>, vector<16xf32>,
          %add3A_658 = arith.constant 96 : i32
          %add3A_659 = arith.addi %mul3A_605, %add3A_658 : i32
          %get3A_660 = arith.index_cast %add3A_659 : i32 to index
          %get3A_661 = tpu.vector_load %arg9[%get3A_660] {strides = array<i32>} : memref<21760xf32, #tpu.memory_space<vmem>>, vector<16xf32>,
          %add3A_662 = arith.constant 96 : i32
          %add3A_663 = arith.addi %add3A_609, %add3A_662 : i32
          %swap3A_664 = arith.index_cast %add3A_663 : i32 to index
          %swap3A_665 = tpu.vector_load %arg11[%swap3A_664] {strides = array<i32>} : memref<21760xf32, #tpu.memory_space<vmem>>, vector<16xf32>,
          tpu.vector_store %arg11[%swap3A_664], %get3A_661 {strides = array<i32>} : memref<21760xf32, #tpu.memory_space<vmem>>, vector<16xf32>,
          %add3A_666 = arith.constant 112 : i32
          %add3A_667 = arith.addi %mul3A_605, %add3A_666 : i32
          %get3A_668 = arith.index_cast %add3A_667 : i32 to index
          %get3A_669 = tpu.vector_load %arg9[%get3A_668] {strides = array<i32>} : memref<21760xf32, #tpu.memory_space<vmem>>, vector<16xf32>,
          %add3A_670 = arith.constant 112 : i32
          %add3A_671 = arith.addi %add3A_609, %add3A_670 : i32
          %swap3A_672 = arith.index_cast %add3A_671 : i32 to index
          %swap3A_673 = tpu.vector_load %arg11[%swap3A_672] {strides = array<i32>} : memref<21760xf32, #tpu.memory_space<vmem>>, vector<16xf32>,
          tpu.vector_store %arg11[%swap3A_672], %get3A_669 {strides = array<i32>} : memref<21760xf32, #tpu.memory_space<vmem>>, vector<16xf32>,
        }
        %scan3A_370 = arith.constant 5 : i32
        %add3A_371 = arith.constant 19200 : i32
        %add3A_372 = arith.addi %add3A_269, %add3A_371 : i32
        %dma_start3A = arith.constant 0 : i32
        %dma_start3A_373 = tpu.memref_slice %arg11[%dma_start3A] : memref<21760xf32, #tpu.memory_space<vmem>> -> memref<2560xf32, #tpu.memory_space<vmem>>
        %dma_start3A_374 = tpu.memref_slice %arg5[%add3A_372] : memref<13056000xf32, #tpu.memory_space<hbm>> -> memref<2560xf32, #tpu.memory_space<hbm>>
        %dma_start3A_375 = tpu.memref_slice %arg5[%add3A_372] : memref<13056000xf32, #tpu.memory_space<hbm>> -> memref<2560xf32, #tpu.memory_space<hbm>>
        %dma_start3A_376 = arith.constant 0 : i32
        %dma_start3A_377 = tpu.memref_slice %arg11[%dma_start3A_376] : memref<21760xf32, #tpu.memory_space<vmem>> -> memref<2560xf32, #tpu.memory_space<vmem>>
        tpu.enqueue_dma source(%dma_start3A_377 : memref<2560xf32, #tpu.memory_space<vmem>>) target(%dma_start3A_375 : memref<2560xf32, #tpu.memory_space<hbm>>) target_semaphore(%arg16 : memref<!tpu.dma_semaphore, #tpu.memory_space<semaphore_mem>>)
      } else {
      }
      %eq3A_354 = arith.constant 3 : i32
      %eq3A_355 = arith.cmpi eq, %reduce_sum3A_265, %eq3A_354 : i32
      %convert_element_type3A_356 = arith.extui %eq3A_355 : i1 to i32
      %cond3A_357 = arith.constant 0 : i32
      %cond3A_358 = arith.cmpi ne, %convert_element_type3A_356, %cond3A_357 : i32
      scf.if %cond3A_358 {
        %scan3A_365 = arith.constant 0 : i32
        %scan3A_366 = arith.constant 0 : i32
        %mul3A_367 = arith.constant 2 : i32
        %mul3A_368 = arith.muli %scan3A_366, %mul3A_367 : i32
        %add3A_369 = arith.constant 0 : i32
        %add3A_370 = arith.addi %mul3A_368, %add3A_369 : i32
        %add3A_371 = arith.constant 0 : i32
        %add3A_372 = arith.addi %add3A_371, %add3A_370 : i32
        %mul3A_373 = arith.constant 128 : i32
        %mul3A_374 = arith.muli %add3A_372, %mul3A_373 : i32
        %mul3A_375 = arith.constant 256 : i32
        %mul3A_376 = arith.muli %add3A_370, %mul3A_375 : i32
        %add3A_377 = arith.constant 0 : i32
        %add3A_378 = arith.addi %mul3A_376, %add3A_377 : i32
        %add3A_379 = arith.constant 0 : i32
        %add3A_380 = arith.addi %mul3A_374, %add3A_379 : i32
        %get3A_381 = arith.index_cast %add3A_380 : i32 to index
        %get3A_382 = tpu.vector_load %arg9[%get3A_381] {strides = array<i32>} : memref<21760xf32, #tpu.memory_space<vmem>>, vector<16xf32>,
        %add3A_383 = arith.constant 0 : i32
        %add3A_384 = arith.addi %add3A_378, %add3A_383 : i32
        %swap3A = arith.index_cast %add3A_384 : i32 to index
        %swap3A_385 = tpu.vector_load %arg11[%swap3A] {strides = array<i32>} : memref<21760xf32, #tpu.memory_space<vmem>>, vector<16xf32>,
        tpu.vector_store %arg11[%swap3A], %get3A_382 {strides = array<i32>} : memref<21760xf32, #tpu.memory_space<vmem>>, vector<16xf32>,
        %add3A_386 = arith.constant 16 : i32
        %add3A_387 = arith.addi %mul3A_374, %add3A_386 : i32
        %get3A_388 = arith.index_cast %add3A_387 : i32 to index
        %get3A_389 = tpu.vector_load %arg9[%get3A_388] {strides = array<i32>} : memref<21760xf32, #tpu.memory_space<vmem>>, vector<16xf32>,
        %add3A_390 = arith.constant 16 : i32
        %add3A_391 = arith.addi %add3A_378, %add3A_390 : i32
        %swap3A_392 = arith.index_cast %add3A_391 : i32 to index
        %swap3A_393 = tpu.vector_load %arg11[%swap3A_392] {strides = array<i32>} : memref<21760xf32, #tpu.memory_space<vmem>>, vector<16xf32>,
        tpu.vector_store %arg11[%swap3A_392], %get3A_389 {strides = array<i32>} : memref<21760xf32, #tpu.memory_space<vmem>>, vector<16xf32>,
        %add3A_394 = arith.constant 32 : i32
        %add3A_395 = arith.addi %mul3A_374, %add3A_394 : i32
        %get3A_396 = arith.index_cast %add3A_395 : i32 to index
        %get3A_397 = tpu.vector_load %arg9[%get3A_396] {strides = array<i32>} : memref<21760xf32, #tpu.memory_space<vmem>>, vector<16xf32>,
        %add3A_398 = arith.constant 32 : i32
        %add3A_399 = arith.addi %add3A_378, %add3A_398 : i32
        %swap3A_400 = arith.index_cast %add3A_399 : i32 to index
        %swap3A_401 = tpu.vector_load %arg11[%swap3A_400] {strides = array<i32>} : memref<21760xf32, #tpu.memory_space<vmem>>, vector<16xf32>,
        tpu.vector_store %arg11[%swap3A_400], %get3A_397 {strides = array<i32>} : memref<21760xf32, #tpu.memory_space<vmem>>, vector<16xf32>,
        %add3A_402 = arith.constant 48 : i32
        %add3A_403 = arith.addi %mul3A_374, %add3A_402 : i32
        %get3A_404 = arith.index_cast %add3A_403 : i32 to index
        %get3A_405 = tpu.vector_load %arg9[%get3A_404] {strides = array<i32>} : memref<21760xf32, #tpu.memory_space<vmem>>, vector<16xf32>,
        %add3A_406 = arith.constant 48 : i32
        %add3A_407 = arith.addi %add3A_378, %add3A_406 : i32
        %swap3A_408 = arith.index_cast %add3A_407 : i32 to index
        %swap3A_409 = tpu.vector_load %arg11[%swap3A_408] {strides = array<i32>} : memref<21760xf32, #tpu.memory_space<vmem>>, vector<16xf32>,
        tpu.vector_store %arg11[%swap3A_408], %get3A_405 {strides = array<i32>} : memref<21760xf32, #tpu.memory_space<vmem>>, vector<16xf32>,
        %add3A_410 = arith.constant 64 : i32
        %add3A_411 = arith.addi %mul3A_374, %add3A_410 : i32
        %get3A_412 = arith.index_cast %add3A_411 : i32 to index
        %get3A_413 = tpu.vector_load %arg9[%get3A_412] {strides = array<i32>} : memref<21760xf32, #tpu.memory_space<vmem>>, vector<16xf32>,
        %add3A_414 = arith.constant 64 : i32
        %add3A_415 = arith.addi %add3A_378, %add3A_414 : i32
        %swap3A_416 = arith.index_cast %add3A_415 : i32 to index
        %swap3A_417 = tpu.vector_load %arg11[%swap3A_416] {strides = array<i32>} : memref<21760xf32, #tpu.memory_space<vmem>>, vector<16xf32>,
        tpu.vector_store %arg11[%swap3A_416], %get3A_413 {strides = array<i32>} : memref<21760xf32, #tpu.memory_space<vmem>>, vector<16xf32>,
        %add3A_418 = arith.constant 80 : i32
        %add3A_419 = arith.addi %mul3A_374, %add3A_418 : i32
        %get3A_420 = arith.index_cast %add3A_419 : i32 to index
        %get3A_421 = tpu.vector_load %arg9[%get3A_420] {strides = array<i32>} : memref<21760xf32, #tpu.memory_space<vmem>>, vector<16xf32>,
        %add3A_422 = arith.constant 80 : i32
        %add3A_423 = arith.addi %add3A_378, %add3A_422 : i32
        %swap3A_424 = arith.index_cast %add3A_423 : i32 to index
        %swap3A_425 = tpu.vector_load %arg11[%swap3A_424] {strides = array<i32>} : memref<21760xf32, #tpu.memory_space<vmem>>, vector<16xf32>,
        tpu.vector_store %arg11[%swap3A_424], %get3A_421 {strides = array<i32>} : memref<21760xf32, #tpu.memory_space<vmem>>, vector<16xf32>,
        %add3A_426 = arith.constant 96 : i32
        %add3A_427 = arith.addi %mul3A_374, %add3A_426 : i32
        %get3A_428 = arith.index_cast %add3A_427 : i32 to index
        %get3A_429 = tpu.vector_load %arg9[%get3A_428] {strides = array<i32>} : memref<21760xf32, #tpu.memory_space<vmem>>, vector<16xf32>,
        %add3A_430 = arith.constant 96 : i32
        %add3A_431 = arith.addi %add3A_378, %add3A_430 : i32
        %swap3A_432 = arith.index_cast %add3A_431 : i32 to index
        %swap3A_433 = tpu.vector_load %arg11[%swap3A_432] {strides = array<i32>} : memref<21760xf32, #tpu.memory_space<vmem>>, vector<16xf32>,
        tpu.vector_store %arg11[%swap3A_432], %get3A_429 {strides = array<i32>} : memref<21760xf32, #tpu.memory_space<vmem>>, vector<16xf32>,
        %add3A_434 = arith.constant 112 : i32
        %add3A_435 = arith.addi %mul3A_374, %add3A_434 : i32
        %get3A_436 = arith.index_cast %add3A_435 : i32 to index
        %get3A_437 = tpu.vector_load %arg9[%get3A_436] {strides = array<i32>} : memref<21760xf32, #tpu.memory_space<vmem>>, vector<16xf32>,
        %add3A_438 = arith.constant 112 : i32
        %add3A_439 = arith.addi %add3A_378, %add3A_438 : i32
        %swap3A_440 = arith.index_cast %add3A_439 : i32 to index
        %swap3A_441 = tpu.vector_load %arg11[%swap3A_440] {strides = array<i32>} : memref<21760xf32, #tpu.memory_space<vmem>>, vector<16xf32>,
        tpu.vector_store %arg11[%swap3A_440], %get3A_437 {strides = array<i32>} : memref<21760xf32, #tpu.memory_space<vmem>>, vector<16xf32>,
        %add3A_442 = arith.constant 2 : i32
        %add3A_443 = arith.addi %add3A_442, %add3A_370 : i32
        %mul3A_444 = arith.constant 128 : i32
        %mul3A_445 = arith.muli %add3A_443, %mul3A_444 : i32
        %mul3A_446 = arith.constant 256 : i32
        %mul3A_447 = arith.muli %add3A_370, %mul3A_446 : i32
        %add3A_448 = arith.constant 128 : i32
        %add3A_449 = arith.addi %mul3A_447, %add3A_448 : i32
        %add3A_450 = arith.constant 0 : i32
        %add3A_451 = arith.addi %mul3A_445, %add3A_450 : i32
        %get3A_452 = arith.index_cast %add3A_451 : i32 to index
        %get3A_453 = tpu.vector_load %arg9[%get3A_452] {strides = array<i32>} : memref<21760xf32, #tpu.memory_space<vmem>>, vector<16xf32>,
        %add3A_454 = arith.constant 0 : i32
        %add3A_455 = arith.addi %add3A_449, %add3A_454 : i32
        %swap3A_456 = arith.index_cast %add3A_455 : i32 to index
        %swap3A_457 = tpu.vector_load %arg11[%swap3A_456] {strides = array<i32>} : memref<21760xf32, #tpu.memory_space<vmem>>, vector<16xf32>,
        tpu.vector_store %arg11[%swap3A_456], %get3A_453 {strides = array<i32>} : memref<21760xf32, #tpu.memory_space<vmem>>, vector<16xf32>,
        %add3A_458 = arith.constant 16 : i32
        %add3A_459 = arith.addi %mul3A_445, %add3A_458 : i32
        %get3A_460 = arith.index_cast %add3A_459 : i32 to index
        %get3A_461 = tpu.vector_load %arg9[%get3A_460] {strides = array<i32>} : memref<21760xf32, #tpu.memory_space<vmem>>, vector<16xf32>,
        %add3A_462 = arith.constant 16 : i32
        %add3A_463 = arith.addi %add3A_449, %add3A_462 : i32
        %swap3A_464 = arith.index_cast %add3A_463 : i32 to index
        %swap3A_465 = tpu.vector_load %arg11[%swap3A_464] {strides = array<i32>} : memref<21760xf32, #tpu.memory_space<vmem>>, vector<16xf32>,
        tpu.vector_store %arg11[%swap3A_464], %get3A_461 {strides = array<i32>} : memref<21760xf32, #tpu.memory_space<vmem>>, vector<16xf32>,
        %add3A_466 = arith.constant 32 : i32
        %add3A_467 = arith.addi %mul3A_445, %add3A_466 : i32
        %get3A_468 = arith.index_cast %add3A_467 : i32 to index
        %get3A_469 = tpu.vector_load %arg9[%get3A_468] {strides = array<i32>} : memref<21760xf32, #tpu.memory_space<vmem>>, vector<16xf32>,
        %add3A_470 = arith.constant 32 : i32
        %add3A_471 = arith.addi %add3A_449, %add3A_470 : i32
        %swap3A_472 = arith.index_cast %add3A_471 : i32 to index
        %swap3A_473 = tpu.vector_load %arg11[%swap3A_472] {strides = array<i32>} : memref<21760xf32, #tpu.memory_space<vmem>>, vector<16xf32>,
        tpu.vector_store %arg11[%swap3A_472], %get3A_469 {strides = array<i32>} : memref<21760xf32, #tpu.memory_space<vmem>>, vector<16xf32>,
        %add3A_474 = arith.constant 48 : i32
        %add3A_475 = arith.addi %mul3A_445, %add3A_474 : i32
        %get3A_476 = arith.index_cast %add3A_475 : i32 to index
        %get3A_477 = tpu.vector_load %arg9[%get3A_476] {strides = array<i32>} : memref<21760xf32, #tpu.memory_space<vmem>>, vector<16xf32>,
        %add3A_478 = arith.constant 48 : i32
        %add3A_479 = arith.addi %add3A_449, %add3A_478 : i32
        %swap3A_480 = arith.index_cast %add3A_479 : i32 to index
        %swap3A_481 = tpu.vector_load %arg11[%swap3A_480] {strides = array<i32>} : memref<21760xf32, #tpu.memory_space<vmem>>, vector<16xf32>,
        tpu.vector_store %arg11[%swap3A_480], %get3A_477 {strides = array<i32>} : memref<21760xf32, #tpu.memory_space<vmem>>, vector<16xf32>,
        %add3A_482 = arith.constant 64 : i32
        %add3A_483 = arith.addi %mul3A_445, %add3A_482 : i32
        %get3A_484 = arith.index_cast %add3A_483 : i32 to index
        %get3A_485 = tpu.vector_load %arg9[%get3A_484] {strides = array<i32>} : memref<21760xf32, #tpu.memory_space<vmem>>, vector<16xf32>,
        %add3A_486 = arith.constant 64 : i32
        %add3A_487 = arith.addi %add3A_449, %add3A_486 : i32
        %swap3A_488 = arith.index_cast %add3A_487 : i32 to index
        %swap3A_489 = tpu.vector_load %arg11[%swap3A_488] {strides = array<i32>} : memref<21760xf32, #tpu.memory_space<vmem>>, vector<16xf32>,
        tpu.vector_store %arg11[%swap3A_488], %get3A_485 {strides = array<i32>} : memref<21760xf32, #tpu.memory_space<vmem>>, vector<16xf32>,
        %add3A_490 = arith.constant 80 : i32
        %add3A_491 = arith.addi %mul3A_445, %add3A_490 : i32
        %get3A_492 = arith.index_cast %add3A_491 : i32 to index
        %get3A_493 = tpu.vector_load %arg9[%get3A_492] {strides = array<i32>} : memref<21760xf32, #tpu.memory_space<vmem>>, vector<16xf32>,
        %add3A_494 = arith.constant 80 : i32
        %add3A_495 = arith.addi %add3A_449, %add3A_494 : i32
        %swap3A_496 = arith.index_cast %add3A_495 : i32 to index
        %swap3A_497 = tpu.vector_load %arg11[%swap3A_496] {strides = array<i32>} : memref<21760xf32, #tpu.memory_space<vmem>>, vector<16xf32>,
        tpu.vector_store %arg11[%swap3A_496], %get3A_493 {strides = array<i32>} : memref<21760xf32, #tpu.memory_space<vmem>>, vector<16xf32>,
        %add3A_498 = arith.constant 96 : i32
        %add3A_499 = arith.addi %mul3A_445, %add3A_498 : i32
        %get3A_500 = arith.index_cast %add3A_499 : i32 to index
        %get3A_501 = tpu.vector_load %arg9[%get3A_500] {strides = array<i32>} : memref<21760xf32, #tpu.memory_space<vmem>>, vector<16xf32>,
        %add3A_502 = arith.constant 96 : i32
        %add3A_503 = arith.addi %add3A_449, %add3A_502 : i32
        %swap3A_504 = arith.index_cast %add3A_503 : i32 to index
        %swap3A_505 = tpu.vector_load %arg11[%swap3A_504] {strides = array<i32>} : memref<21760xf32, #tpu.memory_space<vmem>>, vector<16xf32>,
        tpu.vector_store %arg11[%swap3A_504], %get3A_501 {strides = array<i32>} : memref<21760xf32, #tpu.memory_space<vmem>>, vector<16xf32>,
        %add3A_506 = arith.constant 112 : i32
        %add3A_507 = arith.addi %mul3A_445, %add3A_506 : i32
        %get3A_508 = arith.index_cast %add3A_507 : i32 to index
        %get3A_509 = tpu.vector_load %arg9[%get3A_508] {strides = array<i32>} : memref<21760xf32, #tpu.memory_space<vmem>>, vector<16xf32>,
        %add3A_510 = arith.constant 112 : i32
        %add3A_511 = arith.addi %add3A_449, %add3A_510 : i32
        %swap3A_512 = arith.index_cast %add3A_511 : i32 to index
        %swap3A_513 = tpu.vector_load %arg11[%swap3A_512] {strides = array<i32>} : memref<21760xf32, #tpu.memory_space<vmem>>, vector<16xf32>,
        tpu.vector_store %arg11[%swap3A_512], %get3A_509 {strides = array<i32>} : memref<21760xf32, #tpu.memory_space<vmem>>, vector<16xf32>,
        %mul3A_514 = arith.constant 2 : i32
        %mul3A_515 = arith.muli %scan3A_366, %mul3A_514 : i32
        %add3A_516 = arith.constant 1 : i32
        %add3A_517 = arith.addi %mul3A_515, %add3A_516 : i32
        %add3A_518 = arith.constant 0 : i32
        %add3A_519 = arith.addi %add3A_518, %add3A_517 : i32
        %mul3A_520 = arith.constant 128 : i32
        %mul3A_521 = arith.muli %add3A_519, %mul3A_520 : i32
        %mul3A_522 = arith.constant 256 : i32
        %mul3A_523 = arith.muli %add3A_517, %mul3A_522 : i32
        %add3A_524 = arith.constant 0 : i32
        %add3A_525 = arith.addi %mul3A_523, %add3A_524 : i32
        %add3A_526 = arith.constant 0 : i32
        %add3A_527 = arith.addi %mul3A_521, %add3A_526 : i32
        %get3A_528 = arith.index_cast %add3A_527 : i32 to index
        %get3A_529 = tpu.vector_load %arg9[%get3A_528] {strides = array<i32>} : memref<21760xf32, #tpu.memory_space<vmem>>, vector<16xf32>,
        %add3A_530 = arith.constant 0 : i32
        %add3A_531 = arith.addi %add3A_525, %add3A_530 : i32
        %swap3A_532 = arith.index_cast %add3A_531 : i32 to index
        %swap3A_533 = tpu.vector_load %arg11[%swap3A_532] {strides = array<i32>} : memref<21760xf32, #tpu.memory_space<vmem>>, vector<16xf32>,
        tpu.vector_store %arg11[%swap3A_532], %get3A_529 {strides = array<i32>} : memref<21760xf32, #tpu.memory_space<vmem>>, vector<16xf32>,
        %add3A_534 = arith.constant 16 : i32
        %add3A_535 = arith.addi %mul3A_521, %add3A_534 : i32
        %get3A_536 = arith.index_cast %add3A_535 : i32 to index
        %get3A_537 = tpu.vector_load %arg9[%get3A_536] {strides = array<i32>} : memref<21760xf32, #tpu.memory_space<vmem>>, vector<16xf32>,
        %add3A_538 = arith.constant 16 : i32
        %add3A_539 = arith.addi %add3A_525, %add3A_538 : i32
        %swap3A_540 = arith.index_cast %add3A_539 : i32 to index
        %swap3A_541 = tpu.vector_load %arg11[%swap3A_540] {strides = array<i32>} : memref<21760xf32, #tpu.memory_space<vmem>>, vector<16xf32>,
        tpu.vector_store %arg11[%swap3A_540], %get3A_537 {strides = array<i32>} : memref<21760xf32, #tpu.memory_space<vmem>>, vector<16xf32>,
        %add3A_542 = arith.constant 32 : i32
        %add3A_543 = arith.addi %mul3A_521, %add3A_542 : i32
        %get3A_544 = arith.index_cast %add3A_543 : i32 to index
        %get3A_545 = tpu.vector_load %arg9[%get3A_544] {strides = array<i32>} : memref<21760xf32, #tpu.memory_space<vmem>>, vector<16xf32>,
        %add3A_546 = arith.constant 32 : i32
        %add3A_547 = arith.addi %add3A_525, %add3A_546 : i32
        %swap3A_548 = arith.index_cast %add3A_547 : i32 to index
        %swap3A_549 = tpu.vector_load %arg11[%swap3A_548] {strides = array<i32>} : memref<21760xf32, #tpu.memory_space<vmem>>, vector<16xf32>,
        tpu.vector_store %arg11[%swap3A_548], %get3A_545 {strides = array<i32>} : memref<21760xf32, #tpu.memory_space<vmem>>, vector<16xf32>,
        %add3A_550 = arith.constant 48 : i32
        %add3A_551 = arith.addi %mul3A_521, %add3A_550 : i32
        %get3A_552 = arith.index_cast %add3A_551 : i32 to index
        %get3A_553 = tpu.vector_load %arg9[%get3A_552] {strides = array<i32>} : memref<21760xf32, #tpu.memory_space<vmem>>, vector<16xf32>,
        %add3A_554 = arith.constant 48 : i32
        %add3A_555 = arith.addi %add3A_525, %add3A_554 : i32
        %swap3A_556 = arith.index_cast %add3A_555 : i32 to index
        %swap3A_557 = tpu.vector_load %arg11[%swap3A_556] {strides = array<i32>} : memref<21760xf32, #tpu.memory_space<vmem>>, vector<16xf32>,
        tpu.vector_store %arg11[%swap3A_556], %get3A_553 {strides = array<i32>} : memref<21760xf32, #tpu.memory_space<vmem>>, vector<16xf32>,
        %add3A_558 = arith.constant 64 : i32
        %add3A_559 = arith.addi %mul3A_521, %add3A_558 : i32
        %get3A_560 = arith.index_cast %add3A_559 : i32 to index
        %get3A_561 = tpu.vector_load %arg9[%get3A_560] {strides = array<i32>} : memref<21760xf32, #tpu.memory_space<vmem>>, vector<16xf32>,
        %add3A_562 = arith.constant 64 : i32
        %add3A_563 = arith.addi %add3A_525, %add3A_562 : i32
        %swap3A_564 = arith.index_cast %add3A_563 : i32 to index
        %swap3A_565 = tpu.vector_load %arg11[%swap3A_564] {strides = array<i32>} : memref<21760xf32, #tpu.memory_space<vmem>>, vector<16xf32>,
        tpu.vector_store %arg11[%swap3A_564], %get3A_561 {strides = array<i32>} : memref<21760xf32, #tpu.memory_space<vmem>>, vector<16xf32>,
        %add3A_566 = arith.constant 80 : i32
        %add3A_567 = arith.addi %mul3A_521, %add3A_566 : i32
        %get3A_568 = arith.index_cast %add3A_567 : i32 to index
        %get3A_569 = tpu.vector_load %arg9[%get3A_568] {strides = array<i32>} : memref<21760xf32, #tpu.memory_space<vmem>>, vector<16xf32>,
        %add3A_570 = arith.constant 80 : i32
        %add3A_571 = arith.addi %add3A_525, %add3A_570 : i32
        %swap3A_572 = arith.index_cast %add3A_571 : i32 to index
        %swap3A_573 = tpu.vector_load %arg11[%swap3A_572] {strides = array<i32>} : memref<21760xf32, #tpu.memory_space<vmem>>, vector<16xf32>,
        tpu.vector_store %arg11[%swap3A_572], %get3A_569 {strides = array<i32>} : memref<21760xf32, #tpu.memory_space<vmem>>, vector<16xf32>,
        %add3A_574 = arith.constant 96 : i32
        %add3A_575 = arith.addi %mul3A_521, %add3A_574 : i32
        %get3A_576 = arith.index_cast %add3A_575 : i32 to index
        %get3A_577 = tpu.vector_load %arg9[%get3A_576] {strides = array<i32>} : memref<21760xf32, #tpu.memory_space<vmem>>, vector<16xf32>,
        %add3A_578 = arith.constant 96 : i32
        %add3A_579 = arith.addi %add3A_525, %add3A_578 : i32
        %swap3A_580 = arith.index_cast %add3A_579 : i32 to index
        %swap3A_581 = tpu.vector_load %arg11[%swap3A_580] {strides = array<i32>} : memref<21760xf32, #tpu.memory_space<vmem>>, vector<16xf32>,
        tpu.vector_store %arg11[%swap3A_580], %get3A_577 {strides = array<i32>} : memref<21760xf32, #tpu.memory_space<vmem>>, vector<16xf32>,
        %add3A_582 = arith.constant 112 : i32
        %add3A_583 = arith.addi %mul3A_521, %add3A_582 : i32
        %get3A_584 = arith.index_cast %add3A_583 : i32 to index
        %get3A_585 = tpu.vector_load %arg9[%get3A_584] {strides = array<i32>} : memref<21760xf32, #tpu.memory_space<vmem>>, vector<16xf32>,
        %add3A_586 = arith.constant 112 : i32
        %add3A_587 = arith.addi %add3A_525, %add3A_586 : i32
        %swap3A_588 = arith.index_cast %add3A_587 : i32 to index
        %swap3A_589 = tpu.vector_load %arg11[%swap3A_588] {strides = array<i32>} : memref<21760xf32, #tpu.memory_space<vmem>>, vector<16xf32>,
        tpu.vector_store %arg11[%swap3A_588], %get3A_585 {strides = array<i32>} : memref<21760xf32, #tpu.memory_space<vmem>>, vector<16xf32>,
        %add3A_590 = arith.constant 2 : i32
        %add3A_591 = arith.addi %add3A_590, %add3A_517 : i32
        %mul3A_592 = arith.constant 128 : i32
        %mul3A_593 = arith.muli %add3A_591, %mul3A_592 : i32
        %mul3A_594 = arith.constant 256 : i32
        %mul3A_595 = arith.muli %add3A_517, %mul3A_594 : i32
        %add3A_596 = arith.constant 128 : i32
        %add3A_597 = arith.addi %mul3A_595, %add3A_596 : i32
        %add3A_598 = arith.constant 0 : i32
        %add3A_599 = arith.addi %mul3A_593, %add3A_598 : i32
        %get3A_600 = arith.index_cast %add3A_599 : i32 to index
        %get3A_601 = tpu.vector_load %arg9[%get3A_600] {strides = array<i32>} : memref<21760xf32, #tpu.memory_space<vmem>>, vector<16xf32>,
        %add3A_602 = arith.constant 0 : i32
        %add3A_603 = arith.addi %add3A_597, %add3A_602 : i32
        %swap3A_604 = arith.index_cast %add3A_603 : i32 to index
        %swap3A_605 = tpu.vector_load %arg11[%swap3A_604] {strides = array<i32>} : memref<21760xf32, #tpu.memory_space<vmem>>, vector<16xf32>,
        tpu.vector_store %arg11[%swap3A_604], %get3A_601 {strides = array<i32>} : memref<21760xf32, #tpu.memory_space<vmem>>, vector<16xf32>,
        %add3A_606 = arith.constant 16 : i32
        %add3A_607 = arith.addi %mul3A_593, %add3A_606 : i32
        %get3A_608 = arith.index_cast %add3A_607 : i32 to index
        %get3A_609 = tpu.vector_load %arg9[%get3A_608] {strides = array<i32>} : memref<21760xf32, #tpu.memory_space<vmem>>, vector<16xf32>,
        %add3A_610 = arith.constant 16 : i32
        %add3A_611 = arith.addi %add3A_597, %add3A_610 : i32
        %swap3A_612 = arith.index_cast %add3A_611 : i32 to index
        %swap3A_613 = tpu.vector_load %arg11[%swap3A_612] {strides = array<i32>} : memref<21760xf32, #tpu.memory_space<vmem>>, vector<16xf32>,
        tpu.vector_store %arg11[%swap3A_612], %get3A_609 {strides = array<i32>} : memref<21760xf32, #tpu.memory_space<vmem>>, vector<16xf32>,
        %add3A_614 = arith.constant 32 : i32
        %add3A_615 = arith.addi %mul3A_593, %add3A_614 : i32
        %get3A_616 = arith.index_cast %add3A_615 : i32 to index
        %get3A_617 = tpu.vector_load %arg9[%get3A_616] {strides = array<i32>} : memref<21760xf32, #tpu.memory_space<vmem>>, vector<16xf32>,
        %add3A_618 = arith.constant 32 : i32
        %add3A_619 = arith.addi %add3A_597, %add3A_618 : i32
        %swap3A_620 = arith.index_cast %add3A_619 : i32 to index
        %swap3A_621 = tpu.vector_load %arg11[%swap3A_620] {strides = array<i32>} : memref<21760xf32, #tpu.memory_space<vmem>>, vector<16xf32>,
        tpu.vector_store %arg11[%swap3A_620], %get3A_617 {strides = array<i32>} : memref<21760xf32, #tpu.memory_space<vmem>>, vector<16xf32>,
        %add3A_622 = arith.constant 48 : i32
        %add3A_623 = arith.addi %mul3A_593, %add3A_622 : i32
        %get3A_624 = arith.index_cast %add3A_623 : i32 to index
        %get3A_625 = tpu.vector_load %arg9[%get3A_624] {strides = array<i32>} : memref<21760xf32, #tpu.memory_space<vmem>>, vector<16xf32>,
        %add3A_626 = arith.constant 48 : i32
        %add3A_627 = arith.addi %add3A_597, %add3A_626 : i32
        %swap3A_628 = arith.index_cast %add3A_627 : i32 to index
        %swap3A_629 = tpu.vector_load %arg11[%swap3A_628] {strides = array<i32>} : memref<21760xf32, #tpu.memory_space<vmem>>, vector<16xf32>,
        tpu.vector_store %arg11[%swap3A_628], %get3A_625 {strides = array<i32>} : memref<21760xf32, #tpu.memory_space<vmem>>, vector<16xf32>,
        %add3A_630 = arith.constant 64 : i32
        %add3A_631 = arith.addi %mul3A_593, %add3A_630 : i32
        %get3A_632 = arith.index_cast %add3A_631 : i32 to index
        %get3A_633 = tpu.vector_load %arg9[%get3A_632] {strides = array<i32>} : memref<21760xf32, #tpu.memory_space<vmem>>, vector<16xf32>,
        %add3A_634 = arith.constant 64 : i32
        %add3A_635 = arith.addi %add3A_597, %add3A_634 : i32
        %swap3A_636 = arith.index_cast %add3A_635 : i32 to index
        %swap3A_637 = tpu.vector_load %arg11[%swap3A_636] {strides = array<i32>} : memref<21760xf32, #tpu.memory_space<vmem>>, vector<16xf32>,
        tpu.vector_store %arg11[%swap3A_636], %get3A_633 {strides = array<i32>} : memref<21760xf32, #tpu.memory_space<vmem>>, vector<16xf32>,
        %add3A_638 = arith.constant 80 : i32
        %add3A_639 = arith.addi %mul3A_593, %add3A_638 : i32
        %get3A_640 = arith.index_cast %add3A_639 : i32 to index
        %get3A_641 = tpu.vector_load %arg9[%get3A_640] {strides = array<i32>} : memref<21760xf32, #tpu.memory_space<vmem>>, vector<16xf32>,
        %add3A_642 = arith.constant 80 : i32
        %add3A_643 = arith.addi %add3A_597, %add3A_642 : i32
        %swap3A_644 = arith.index_cast %add3A_643 : i32 to index
        %swap3A_645 = tpu.vector_load %arg11[%swap3A_644] {strides = array<i32>} : memref<21760xf32, #tpu.memory_space<vmem>>, vector<16xf32>,
        tpu.vector_store %arg11[%swap3A_644], %get3A_641 {strides = array<i32>} : memref<21760xf32, #tpu.memory_space<vmem>>, vector<16xf32>,
        %add3A_646 = arith.constant 96 : i32
        %add3A_647 = arith.addi %mul3A_593, %add3A_646 : i32
        %get3A_648 = arith.index_cast %add3A_647 : i32 to index
        %get3A_649 = tpu.vector_load %arg9[%get3A_648] {strides = array<i32>} : memref<21760xf32, #tpu.memory_space<vmem>>, vector<16xf32>,
        %add3A_650 = arith.constant 96 : i32
        %add3A_651 = arith.addi %add3A_597, %add3A_650 : i32
        %swap3A_652 = arith.index_cast %add3A_651 : i32 to index
        %swap3A_653 = tpu.vector_load %arg11[%swap3A_652] {strides = array<i32>} : memref<21760xf32, #tpu.memory_space<vmem>>, vector<16xf32>,
        tpu.vector_store %arg11[%swap3A_652], %get3A_649 {strides = array<i32>} : memref<21760xf32, #tpu.memory_space<vmem>>, vector<16xf32>,
        %add3A_654 = arith.constant 112 : i32
        %add3A_655 = arith.addi %mul3A_593, %add3A_654 : i32
        %get3A_656 = arith.index_cast %add3A_655 : i32 to index
        %get3A_657 = tpu.vector_load %arg9[%get3A_656] {strides = array<i32>} : memref<21760xf32, #tpu.memory_space<vmem>>, vector<16xf32>,
        %add3A_658 = arith.constant 112 : i32
        %add3A_659 = arith.addi %add3A_597, %add3A_658 : i32
        %swap3A_660 = arith.index_cast %add3A_659 : i32 to index
        %swap3A_661 = tpu.vector_load %arg11[%swap3A_660] {strides = array<i32>} : memref<21760xf32, #tpu.memory_space<vmem>>, vector<16xf32>,
        tpu.vector_store %arg11[%swap3A_660], %get3A_657 {strides = array<i32>} : memref<21760xf32, #tpu.memory_space<vmem>>, vector<16xf32>,
        %scan3A_662 = arith.constant 1 : i32
        %add3A_663 = arith.constant 21248 : i32
        %add3A_664 = arith.addi %add3A_269, %add3A_663 : i32
        %dma_start3A = arith.constant 0 : i32
        %dma_start3A_665 = tpu.memref_slice %arg11[%dma_start3A] : memref<21760xf32, #tpu.memory_space<vmem>> -> memref<512xf32, #tpu.memory_space<vmem>>
        %dma_start3A_666 = tpu.memref_slice %arg5[%add3A_664] : memref<13056000xf32, #tpu.memory_space<hbm>> -> memref<512xf32, #tpu.memory_space<hbm>>
        %dma_start3A_667 = tpu.memref_slice %arg5[%add3A_664] : memref<13056000xf32, #tpu.memory_space<hbm>> -> memref<512xf32, #tpu.memory_space<hbm>>
        %dma_start3A_668 = arith.constant 0 : i32
        %dma_start3A_669 = tpu.memref_slice %arg11[%dma_start3A_668] : memref<21760xf32, #tpu.memory_space<vmem>> -> memref<512xf32, #tpu.memory_space<vmem>>
        tpu.enqueue_dma source(%dma_start3A_669 : memref<512xf32, #tpu.memory_space<vmem>>) target(%dma_start3A_667 : memref<512xf32, #tpu.memory_space<hbm>>) target_semaphore(%arg16 : memref<!tpu.dma_semaphore, #tpu.memory_space<semaphore_mem>>)
      } else {
      }
      %add3A_359 = arith.constant 1 : i32
      %add3A_360 = arith.addi %while3A_128, %add3A_359 : i32
      %lt3A_361 = arith.cmpi slt, %add3A_360, %sub3A : i32
      %convert_element_type3A_362 = arith.extui %lt3A_361 : i1 to i32
      %cond3A_363 = arith.constant 0 : i32
      %cond3A_364 = arith.cmpi ne, %convert_element_type3A_362, %cond3A_363 : i32
      scf.if %cond3A_364 {
        %add3A_365 = arith.constant 1 : i32
        %add3A_366 = arith.addi %add3A_129, %add3A_365 : i32
        %shift_right_arithmetic3A_367 = arith.constant 4 : i32
        %shift_right_arithmetic3A_368 = arith.shrsi %add3A_366, %shift_right_arithmetic3A_367 : i32
        %shift_left3A_369 = arith.constant 4 : i32
        %shift_left3A_370 = arith.shli %shift_right_arithmetic3A_368, %shift_left3A_369 : i32
        %get3A_371 = arith.index_cast %shift_left3A_370 : i32 to index
        %get3A_372 = tpu.vector_load %arg6[%get3A_371] {strides = array<i32>} : memref<304xf32, #tpu.memory_space<vmem>>, vector<16xf32>,
        %lt3A_373 = arith.cmpf olt, %get3A_1, %get3A_372 : vector<16xf32>
        %select_n3A_374 = arith.select %lt3A_373, %add3A_20, %broadcast_in_dim3A_17 : vector<16xi1>, vector<16xi32>
        %add3A_375 = arith.constant 0 : i32
        %add3A_376 = vector.broadcast %add3A_375 : i32 to vector<16xi32>
        %add3A_377 = arith.addi %add3A_376, %select_n3A_374 : vector<16xi32>
        %lt3A_378 = arith.cmpf olt, %get3A_3, %get3A_372 : vector<16xf32>
        %select_n3A_379 = arith.select %lt3A_378, %add3A_20, %broadcast_in_dim3A_17 : vector<16xi1>, vector<16xi32>
        %add3A_380 = arith.addi %add3A_377, %select_n3A_379 : vector<16xi32>
        %lt3A_381 = arith.cmpf olt, %get3A_5, %get3A_372 : vector<16xf32>
        %select_n3A_382 = arith.select %lt3A_381, %add3A_20, %broadcast_in_dim3A_17 : vector<16xi1>, vector<16xi32>
        %add3A_383 = arith.addi %add3A_380, %select_n3A_382 : vector<16xi32>
        %lt3A_384 = arith.cmpf olt, %get3A_7, %get3A_372 : vector<16xf32>
        %select_n3A_385 = arith.select %lt3A_384, %add3A_20, %broadcast_in_dim3A_17 : vector<16xi1>, vector<16xi32>
        %add3A_386 = arith.addi %add3A_383, %select_n3A_385 : vector<16xi32>
        %sub3A_387 = arith.subi %add3A_366, %shift_left3A_370 : i32
        %add3A_388 = vector.broadcast %sub3A_387 : i32 to vector<16xi32>
        %add3A_389 = arith.addi %broadcast_in_dim3A_17, %add3A_388 : vector<16xi32>
        %eq3A_390 = arith.cmpi eq, %iota3A, %add3A_389 : vector<16xi32>
        %select_n3A_391 = arith.select %eq3A_390, %add3A_386, %broadcast_in_dim3A_17 : vector<16xi1>, vector<16xi32>
        %reduce_sum3A_392 = arith.constant true
        %reduce_sum3A_393 = vector.broadcast %reduce_sum3A_392 : i1 to vector<16xi1>
        %reduce_sum3A_394 = tpu.scan <sum>, %select_n3A_391 masked %reduce_sum3A_393 : vector<16xi32>, vector<16xi1> -> vector<16xi32>
        %reduce_sum3A_395 = vector.extract %reduce_sum3A_394[15] : i32 from vector<16xi32>
        %eq3A_396 = arith.constant 0 : i32
        %eq3A_397 = arith.cmpi eq, %reduce_sum3A_395, %eq3A_396 : i32
        %convert_element_type3A_398 = arith.extui %eq3A_397 : i1 to i32
        %cond3A_399 = arith.constant 0 : i32
        %cond3A_400 = arith.cmpi ne, %convert_element_type3A_398, %cond3A_399 : i32
        scf.if %cond3A_400 {
          %mul3A_416 = arith.constant 43520 : i32
          %mul3A_417 = arith.muli %add3A_366, %mul3A_416 : i32
          %add3A_418 = arith.constant 0 : i32
          %add3A_419 = arith.addi %mul3A_417, %add3A_418 : i32
          %add3A_420 = arith.constant 10880 : i32
          %add3A_421 = arith.addi %add3A_419, %add3A_420 : i32
          %dma_start3A = arith.constant 0 : i32
          %dma_start3A_422 = tpu.memref_slice %arg9[%dma_start3A] : memref<21760xf32, #tpu.memory_space<vmem>> -> memref<10880xf32, #tpu.memory_space<vmem>>
          %dma_start3A_423 = tpu.memref_slice %arg2[%add3A_421] : memref<13056000xf32, #tpu.memory_space<hbm>> -> memref<10880xf32, #tpu.memory_space<hbm>>
          %dma_start3A_424 = arith.constant 0 : i32
          %dma_start3A_425 = tpu.memref_slice %arg9[%dma_start3A_424] : memref<21760xf32, #tpu.memory_space<vmem>> -> memref<10880xf32, #tpu.memory_space<vmem>>
          %dma_start3A_426 = tpu.memref_slice %arg2[%add3A_421] : memref<13056000xf32, #tpu.memory_space<hbm>> -> memref<10880xf32, #tpu.memory_space<hbm>>
          tpu.enqueue_dma source(%dma_start3A_426 : memref<10880xf32, #tpu.memory_space<hbm>>) target(%dma_start3A_425 : memref<10880xf32, #tpu.memory_space<vmem>>) target_semaphore(%arg14 : memref<!tpu.dma_semaphore, #tpu.memory_space<semaphore_mem>>)
          %mul3A_427 = arith.constant 43520 : i32
          %mul3A_428 = arith.muli %add3A_366, %mul3A_427 : i32
          %add3A_429 = arith.constant 21760 : i32
          %add3A_430 = arith.addi %mul3A_428, %add3A_429 : i32
          %add3A_431 = arith.constant 10880 : i32
          %add3A_432 = arith.addi %add3A_430, %add3A_431 : i32
          %dma_start3A_433 = arith.constant 10880 : i32
          %dma_start3A_434 = tpu.memref_slice %arg9[%dma_start3A_433] : memref<21760xf32, #tpu.memory_space<vmem>> -> memref<10880xf32, #tpu.memory_space<vmem>>
          %dma_start3A_435 = tpu.memref_slice %arg2[%add3A_432] : memref<13056000xf32, #tpu.memory_space<hbm>> -> memref<10880xf32, #tpu.memory_space<hbm>>
          %dma_start3A_436 = arith.constant 10880 : i32
          %dma_start3A_437 = tpu.memref_slice %arg9[%dma_start3A_436] : memref<21760xf32, #tpu.memory_space<vmem>> -> memref<10880xf32, #tpu.memory_space<vmem>>
          %dma_start3A_438 = tpu.memref_slice %arg2[%add3A_432] : memref<13056000xf32, #tpu.memory_space<hbm>> -> memref<10880xf32, #tpu.memory_space<hbm>>
          tpu.enqueue_dma source(%dma_start3A_438 : memref<10880xf32, #tpu.memory_space<hbm>>) target(%dma_start3A_437 : memref<10880xf32, #tpu.memory_space<vmem>>) target_semaphore(%arg14 : memref<!tpu.dma_semaphore, #tpu.memory_space<semaphore_mem>>)
        } else {
        }
        %eq3A_401 = arith.constant 1 : i32
        %eq3A_402 = arith.cmpi eq, %reduce_sum3A_395, %eq3A_401 : i32
        %convert_element_type3A_403 = arith.extui %eq3A_402 : i1 to i32
        %cond3A_404 = arith.constant 0 : i32
        %cond3A_405 = arith.cmpi ne, %convert_element_type3A_403, %cond3A_404 : i32
        scf.if %cond3A_405 {
          %mul3A_416 = arith.constant 43520 : i32
          %mul3A_417 = arith.muli %add3A_366, %mul3A_416 : i32
          %add3A_418 = arith.constant 0 : i32
          %add3A_419 = arith.addi %mul3A_417, %add3A_418 : i32
          %add3A_420 = arith.constant 16384 : i32
          %add3A_421 = arith.addi %add3A_419, %add3A_420 : i32
          %dma_start3A = arith.constant 0 : i32
          %dma_start3A_422 = tpu.memref_slice %arg9[%dma_start3A] : memref<21760xf32, #tpu.memory_space<vmem>> -> memref<5376xf32, #tpu.memory_space<vmem>>
          %dma_start3A_423 = tpu.memref_slice %arg2[%add3A_421] : memref<13056000xf32, #tpu.memory_space<hbm>> -> memref<5376xf32, #tpu.memory_space<hbm>>
          %dma_start3A_424 = arith.constant 0 : i32
          %dma_start3A_425 = tpu.memref_slice %arg9[%dma_start3A_424] : memref<21760xf32, #tpu.memory_space<vmem>> -> memref<5376xf32, #tpu.memory_space<vmem>>
          %dma_start3A_426 = tpu.memref_slice %arg2[%add3A_421] : memref<13056000xf32, #tpu.memory_space<hbm>> -> memref<5376xf32, #tpu.memory_space<hbm>>
          tpu.enqueue_dma source(%dma_start3A_426 : memref<5376xf32, #tpu.memory_space<hbm>>) target(%dma_start3A_425 : memref<5376xf32, #tpu.memory_space<vmem>>) target_semaphore(%arg14 : memref<!tpu.dma_semaphore, #tpu.memory_space<semaphore_mem>>)
          %mul3A_427 = arith.constant 43520 : i32
          %mul3A_428 = arith.muli %add3A_366, %mul3A_427 : i32
          %add3A_429 = arith.constant 21760 : i32
          %add3A_430 = arith.addi %mul3A_428, %add3A_429 : i32
          %add3A_431 = arith.constant 16384 : i32
          %add3A_432 = arith.addi %add3A_430, %add3A_431 : i32
          %dma_start3A_433 = arith.constant 5376 : i32
          %dma_start3A_434 = tpu.memref_slice %arg9[%dma_start3A_433] : memref<21760xf32, #tpu.memory_space<vmem>> -> memref<5376xf32, #tpu.memory_space<vmem>>
          %dma_start3A_435 = tpu.memref_slice %arg2[%add3A_432] : memref<13056000xf32, #tpu.memory_space<hbm>> -> memref<5376xf32, #tpu.memory_space<hbm>>
          %dma_start3A_436 = arith.constant 5376 : i32
          %dma_start3A_437 = tpu.memref_slice %arg9[%dma_start3A_436] : memref<21760xf32, #tpu.memory_space<vmem>> -> memref<5376xf32, #tpu.memory_space<vmem>>
          %dma_start3A_438 = tpu.memref_slice %arg2[%add3A_432] : memref<13056000xf32, #tpu.memory_space<hbm>> -> memref<5376xf32, #tpu.memory_space<hbm>>
          tpu.enqueue_dma source(%dma_start3A_438 : memref<5376xf32, #tpu.memory_space<hbm>>) target(%dma_start3A_437 : memref<5376xf32, #tpu.memory_space<vmem>>) target_semaphore(%arg14 : memref<!tpu.dma_semaphore, #tpu.memory_space<semaphore_mem>>)
        } else {
        }
        %eq3A_406 = arith.constant 2 : i32
        %eq3A_407 = arith.cmpi eq, %reduce_sum3A_395, %eq3A_406 : i32
        %convert_element_type3A_408 = arith.extui %eq3A_407 : i1 to i32
        %cond3A_409 = arith.constant 0 : i32
        %cond3A_410 = arith.cmpi ne, %convert_element_type3A_408, %cond3A_409 : i32
        scf.if %cond3A_410 {
          %mul3A_416 = arith.constant 43520 : i32
          %mul3A_417 = arith.muli %add3A_366, %mul3A_416 : i32
          %add3A_418 = arith.constant 0 : i32
          %add3A_419 = arith.addi %mul3A_417, %add3A_418 : i32
          %add3A_420 = arith.constant 20480 : i32
          %add3A_421 = arith.addi %add3A_419, %add3A_420 : i32
          %dma_start3A = arith.constant 0 : i32
          %dma_start3A_422 = tpu.memref_slice %arg9[%dma_start3A] : memref<21760xf32, #tpu.memory_space<vmem>> -> memref<1280xf32, #tpu.memory_space<vmem>>
          %dma_start3A_423 = tpu.memref_slice %arg2[%add3A_421] : memref<13056000xf32, #tpu.memory_space<hbm>> -> memref<1280xf32, #tpu.memory_space<hbm>>
          %dma_start3A_424 = arith.constant 0 : i32
          %dma_start3A_425 = tpu.memref_slice %arg9[%dma_start3A_424] : memref<21760xf32, #tpu.memory_space<vmem>> -> memref<1280xf32, #tpu.memory_space<vmem>>
          %dma_start3A_426 = tpu.memref_slice %arg2[%add3A_421] : memref<13056000xf32, #tpu.memory_space<hbm>> -> memref<1280xf32, #tpu.memory_space<hbm>>
          tpu.enqueue_dma source(%dma_start3A_426 : memref<1280xf32, #tpu.memory_space<hbm>>) target(%dma_start3A_425 : memref<1280xf32, #tpu.memory_space<vmem>>) target_semaphore(%arg14 : memref<!tpu.dma_semaphore, #tpu.memory_space<semaphore_mem>>)
          %mul3A_427 = arith.constant 43520 : i32
          %mul3A_428 = arith.muli %add3A_366, %mul3A_427 : i32
          %add3A_429 = arith.constant 21760 : i32
          %add3A_430 = arith.addi %mul3A_428, %add3A_429 : i32
          %add3A_431 = arith.constant 20480 : i32
          %add3A_432 = arith.addi %add3A_430, %add3A_431 : i32
          %dma_start3A_433 = arith.constant 1280 : i32
          %dma_start3A_434 = tpu.memref_slice %arg9[%dma_start3A_433] : memref<21760xf32, #tpu.memory_space<vmem>> -> memref<1280xf32, #tpu.memory_space<vmem>>
          %dma_start3A_435 = tpu.memref_slice %arg2[%add3A_432] : memref<13056000xf32, #tpu.memory_space<hbm>> -> memref<1280xf32, #tpu.memory_space<hbm>>
          %dma_start3A_436 = arith.constant 1280 : i32
          %dma_start3A_437 = tpu.memref_slice %arg9[%dma_start3A_436] : memref<21760xf32, #tpu.memory_space<vmem>> -> memref<1280xf32, #tpu.memory_space<vmem>>
          %dma_start3A_438 = tpu.memref_slice %arg2[%add3A_432] : memref<13056000xf32, #tpu.memory_space<hbm>> -> memref<1280xf32, #tpu.memory_space<hbm>>
          tpu.enqueue_dma source(%dma_start3A_438 : memref<1280xf32, #tpu.memory_space<hbm>>) target(%dma_start3A_437 : memref<1280xf32, #tpu.memory_space<vmem>>) target_semaphore(%arg14 : memref<!tpu.dma_semaphore, #tpu.memory_space<semaphore_mem>>)
        } else {
        }
        %eq3A_411 = arith.constant 3 : i32
        %eq3A_412 = arith.cmpi eq, %reduce_sum3A_395, %eq3A_411 : i32
        %convert_element_type3A_413 = arith.extui %eq3A_412 : i1 to i32
        %cond3A_414 = arith.constant 0 : i32
        %cond3A_415 = arith.cmpi ne, %convert_element_type3A_413, %cond3A_414 : i32
        scf.if %cond3A_415 {
          %mul3A_416 = arith.constant 43520 : i32
          %mul3A_417 = arith.muli %add3A_366, %mul3A_416 : i32
          %add3A_418 = arith.constant 0 : i32
          %add3A_419 = arith.addi %mul3A_417, %add3A_418 : i32
          %add3A_420 = arith.constant 21504 : i32
          %add3A_421 = arith.addi %add3A_419, %add3A_420 : i32
          %dma_start3A = arith.constant 0 : i32
          %dma_start3A_422 = tpu.memref_slice %arg9[%dma_start3A] : memref<21760xf32, #tpu.memory_space<vmem>> -> memref<256xf32, #tpu.memory_space<vmem>>
          %dma_start3A_423 = tpu.memref_slice %arg2[%add3A_421] : memref<13056000xf32, #tpu.memory_space<hbm>> -> memref<256xf32, #tpu.memory_space<hbm>>
          %dma_start3A_424 = arith.constant 0 : i32
          %dma_start3A_425 = tpu.memref_slice %arg9[%dma_start3A_424] : memref<21760xf32, #tpu.memory_space<vmem>> -> memref<256xf32, #tpu.memory_space<vmem>>
          %dma_start3A_426 = tpu.memref_slice %arg2[%add3A_421] : memref<13056000xf32, #tpu.memory_space<hbm>> -> memref<256xf32, #tpu.memory_space<hbm>>
          tpu.enqueue_dma source(%dma_start3A_426 : memref<256xf32, #tpu.memory_space<hbm>>) target(%dma_start3A_425 : memref<256xf32, #tpu.memory_space<vmem>>) target_semaphore(%arg14 : memref<!tpu.dma_semaphore, #tpu.memory_space<semaphore_mem>>)
          %mul3A_427 = arith.constant 43520 : i32
          %mul3A_428 = arith.muli %add3A_366, %mul3A_427 : i32
          %add3A_429 = arith.constant 21760 : i32
          %add3A_430 = arith.addi %mul3A_428, %add3A_429 : i32
          %add3A_431 = arith.constant 21504 : i32
          %add3A_432 = arith.addi %add3A_430, %add3A_431 : i32
          %dma_start3A_433 = arith.constant 256 : i32
          %dma_start3A_434 = tpu.memref_slice %arg9[%dma_start3A_433] : memref<21760xf32, #tpu.memory_space<vmem>> -> memref<256xf32, #tpu.memory_space<vmem>>
          %dma_start3A_435 = tpu.memref_slice %arg2[%add3A_432] : memref<13056000xf32, #tpu.memory_space<hbm>> -> memref<256xf32, #tpu.memory_space<hbm>>
          %dma_start3A_436 = arith.constant 256 : i32
          %dma_start3A_437 = tpu.memref_slice %arg9[%dma_start3A_436] : memref<21760xf32, #tpu.memory_space<vmem>> -> memref<256xf32, #tpu.memory_space<vmem>>
          %dma_start3A_438 = tpu.memref_slice %arg2[%add3A_432] : memref<13056000xf32, #tpu.memory_space<hbm>> -> memref<256xf32, #tpu.memory_space<hbm>>
          tpu.enqueue_dma source(%dma_start3A_438 : memref<256xf32, #tpu.memory_space<hbm>>) target(%dma_start3A_437 : memref<256xf32, #tpu.memory_space<vmem>>) target_semaphore(%arg14 : memref<!tpu.dma_semaphore, #tpu.memory_space<semaphore_mem>>)
        } else {
        }
      } else {
      }
    }
    %while3A_112 = arith.constant 1 : i32
    scf.for %while3A_128 = %while3A_110 to %while3A_106 step %while3A_112  : i32 {
      %add3A_129 = arith.addi %shift_right_arithmetic3A_10, %while3A_128 : i32
      %ge3A = arith.constant 1 : i32
      %ge3A_130 = arith.cmpi sge, %while3A_128, %ge3A : i32
      %convert_element_type3A_131 = arith.extui %ge3A_130 : i1 to i32
      %cond3A_132 = arith.constant 0 : i32
      %cond3A_133 = arith.cmpi ne, %convert_element_type3A_131, %cond3A_132 : i32
      scf.if %cond3A_133 {
        %dma_wait3A_365 = arith.constant 0 : i32
        %dma_wait3A_366 = tpu.memref_slice %arg10[%dma_wait3A_365] : memref<21760xf32, #tpu.memory_space<vmem>> -> memref<21760xf32, #tpu.memory_space<vmem>>
        %dma_wait3A_367 = arith.constant 0 : i32
        %dma_wait3A_368 = tpu.memref_slice %arg5[%dma_wait3A_367] : memref<13056000xf32, #tpu.memory_space<hbm>> -> memref<21760xf32, #tpu.memory_space<hbm>>
        %dma_wait3A_369 = arith.constant 0 : i32
        %dma_wait3A_370 = tpu.memref_slice %arg5[%dma_wait3A_369] : memref<13056000xf32, #tpu.memory_space<hbm>> -> memref<21760xf32, #tpu.memory_space<hbm>>
        %dma_wait3A_371 = arith.constant 0 : i32
        %dma_wait3A_372 = tpu.memref_slice %arg10[%dma_wait3A_371] : memref<21760xf32, #tpu.memory_space<vmem>> -> memref<21760xf32, #tpu.memory_space<vmem>>
        tpu.wait_dma2 semaphore(%arg15 : memref<!tpu.dma_semaphore, #tpu.memory_space<semaphore_mem>>) src(%dma_wait3A_372 : memref<21760xf32, #tpu.memory_space<vmem>>) dst(%dma_wait3A_370 : memref<21760xf32, #tpu.memory_space<hbm>>)
      } else {
      }
      %shift_right_arithmetic3A_134 = arith.constant 4 : i32
      %shift_right_arithmetic3A_135 = arith.shrsi %add3A_129, %shift_right_arithmetic3A_134 : i32
      %shift_left3A_136 = arith.constant 4 : i32
      %shift_left3A_137 = arith.shli %shift_right_arithmetic3A_135, %shift_left3A_136 : i32
      %get3A_138 = arith.index_cast %shift_left3A_137 : i32 to index
      %get3A_139 = tpu.vector_load %arg6[%get3A_138] {strides = array<i32>} : memref<304xf32, #tpu.memory_space<vmem>>, vector<16xf32>,
      %lt3A_140 = arith.cmpf olt, %get3A_1, %get3A_139 : vector<16xf32>
      %select_n3A_141 = arith.select %lt3A_140, %add3A_20, %broadcast_in_dim3A_17 : vector<16xi1>, vector<16xi32>
      %add3A_142 = arith.constant 0 : i32
      %add3A_143 = vector.broadcast %add3A_142 : i32 to vector<16xi32>
      %add3A_144 = arith.addi %add3A_143, %select_n3A_141 : vector<16xi32>
      %lt3A_145 = arith.cmpf olt, %get3A_3, %get3A_139 : vector<16xf32>
      %select_n3A_146 = arith.select %lt3A_145, %add3A_20, %broadcast_in_dim3A_17 : vector<16xi1>, vector<16xi32>
      %add3A_147 = arith.addi %add3A_144, %select_n3A_146 : vector<16xi32>
      %lt3A_148 = arith.cmpf olt, %get3A_5, %get3A_139 : vector<16xf32>
      %select_n3A_149 = arith.select %lt3A_148, %add3A_20, %broadcast_in_dim3A_17 : vector<16xi1>, vector<16xi32>
      %add3A_150 = arith.addi %add3A_147, %select_n3A_149 : vector<16xi32>
      %lt3A_151 = arith.cmpf olt, %get3A_7, %get3A_139 : vector<16xf32>
      %select_n3A_152 = arith.select %lt3A_151, %add3A_20, %broadcast_in_dim3A_17 : vector<16xi1>, vector<16xi32>
      %add3A_153 = arith.addi %add3A_150, %select_n3A_152 : vector<16xi32>
      %sub3A_154 = arith.subi %add3A_129, %shift_left3A_137 : i32
      %add3A_155 = vector.broadcast %sub3A_154 : i32 to vector<16xi32>
      %add3A_156 = arith.addi %broadcast_in_dim3A_17, %add3A_155 : vector<16xi32>
      %eq3A_157 = arith.cmpi eq, %iota3A, %add3A_156 : vector<16xi32>
      %select_n3A_158 = arith.select %eq3A_157, %add3A_153, %broadcast_in_dim3A_17 : vector<16xi1>, vector<16xi32>
      %reduce_sum3A_159 = arith.constant true
      %reduce_sum3A_160 = vector.broadcast %reduce_sum3A_159 : i1 to vector<16xi1>
      %reduce_sum3A_161 = tpu.scan <sum>, %select_n3A_158 masked %reduce_sum3A_160 : vector<16xi32>, vector<16xi1> -> vector<16xi32>
      %reduce_sum3A_162 = vector.extract %reduce_sum3A_161[15] : i32 from vector<16xi32>
      %mul3A_163 = arith.constant 43520 : i32
      %mul3A_164 = arith.muli %add3A_129, %mul3A_163 : i32
      %add3A_165 = arith.constant 0 : i32
      %add3A_166 = arith.addi %mul3A_164, %add3A_165 : i32
      %eq3A_167 = arith.constant 1 : i32
      %eq3A_168 = arith.cmpi eq, %reduce_sum3A_162, %eq3A_167 : i32
      %convert_element_type3A_169 = arith.extui %eq3A_168 : i1 to i32
      %cond3A_170 = arith.constant 0 : i32
      %cond3A_171 = arith.cmpi ne, %convert_element_type3A_169, %cond3A_170 : i32
      scf.if %cond3A_171 {
        %dma_start3A = arith.constant 0 : i32
        %dma_start3A_365 = tpu.memref_slice %arg12[%dma_start3A] : memref<21760xf32, #tpu.memory_space<vmem>> -> memref<21760xf32, #tpu.memory_space<vmem>>
        %dma_start3A_366 = tpu.memref_slice %arg5[%add3A_166] : memref<13056000xf32, #tpu.memory_space<hbm>> -> memref<21760xf32, #tpu.memory_space<hbm>>
        %dma_start3A_367 = tpu.memref_slice %arg5[%add3A_166] : memref<13056000xf32, #tpu.memory_space<hbm>> -> memref<21760xf32, #tpu.memory_space<hbm>>
        %dma_start3A_368 = arith.constant 0 : i32
        %dma_start3A_369 = tpu.memref_slice %arg12[%dma_start3A_368] : memref<21760xf32, #tpu.memory_space<vmem>> -> memref<21760xf32, #tpu.memory_space<vmem>>
        tpu.enqueue_dma source(%dma_start3A_369 : memref<21760xf32, #tpu.memory_space<vmem>>) target(%dma_start3A_367 : memref<21760xf32, #tpu.memory_space<hbm>>) target_semaphore(%arg15 : memref<!tpu.dma_semaphore, #tpu.memory_space<semaphore_mem>>)
      } else {
      }
      %eq3A_172 = arith.constant 2 : i32
      %eq3A_173 = arith.cmpi eq, %reduce_sum3A_162, %eq3A_172 : i32
      %convert_element_type3A_174 = arith.extui %eq3A_173 : i1 to i32
      %cond3A_175 = arith.constant 0 : i32
      %cond3A_176 = arith.cmpi ne, %convert_element_type3A_174, %cond3A_175 : i32
      scf.if %cond3A_176 {
        %dma_start3A = arith.constant 0 : i32
        %dma_start3A_365 = tpu.memref_slice %arg12[%dma_start3A] : memref<21760xf32, #tpu.memory_space<vmem>> -> memref<21760xf32, #tpu.memory_space<vmem>>
        %dma_start3A_366 = tpu.memref_slice %arg5[%add3A_166] : memref<13056000xf32, #tpu.memory_space<hbm>> -> memref<21760xf32, #tpu.memory_space<hbm>>
        %dma_start3A_367 = tpu.memref_slice %arg5[%add3A_166] : memref<13056000xf32, #tpu.memory_space<hbm>> -> memref<21760xf32, #tpu.memory_space<hbm>>
        %dma_start3A_368 = arith.constant 0 : i32
        %dma_start3A_369 = tpu.memref_slice %arg12[%dma_start3A_368] : memref<21760xf32, #tpu.memory_space<vmem>> -> memref<21760xf32, #tpu.memory_space<vmem>>
        tpu.enqueue_dma source(%dma_start3A_369 : memref<21760xf32, #tpu.memory_space<vmem>>) target(%dma_start3A_367 : memref<21760xf32, #tpu.memory_space<hbm>>) target_semaphore(%arg15 : memref<!tpu.dma_semaphore, #tpu.memory_space<semaphore_mem>>)
      } else {
      }
      %eq3A_177 = arith.constant 3 : i32
      %eq3A_178 = arith.cmpi eq, %reduce_sum3A_162, %eq3A_177 : i32
      %convert_element_type3A_179 = arith.extui %eq3A_178 : i1 to i32
      %cond3A_180 = arith.constant 0 : i32
      %cond3A_181 = arith.cmpi ne, %convert_element_type3A_179, %cond3A_180 : i32
      scf.if %cond3A_181 {
        %dma_start3A = arith.constant 0 : i32
        %dma_start3A_365 = tpu.memref_slice %arg12[%dma_start3A] : memref<21760xf32, #tpu.memory_space<vmem>> -> memref<21760xf32, #tpu.memory_space<vmem>>
        %dma_start3A_366 = tpu.memref_slice %arg5[%add3A_166] : memref<13056000xf32, #tpu.memory_space<hbm>> -> memref<21760xf32, #tpu.memory_space<hbm>>
        %dma_start3A_367 = tpu.memref_slice %arg5[%add3A_166] : memref<13056000xf32, #tpu.memory_space<hbm>> -> memref<21760xf32, #tpu.memory_space<hbm>>
        %dma_start3A_368 = arith.constant 0 : i32
        %dma_start3A_369 = tpu.memref_slice %arg12[%dma_start3A_368] : memref<21760xf32, #tpu.memory_space<vmem>> -> memref<21760xf32, #tpu.memory_space<vmem>>
        tpu.enqueue_dma source(%dma_start3A_369 : memref<21760xf32, #tpu.memory_space<vmem>>) target(%dma_start3A_367 : memref<21760xf32, #tpu.memory_space<hbm>>) target_semaphore(%arg15 : memref<!tpu.dma_semaphore, #tpu.memory_space<semaphore_mem>>)
      } else {
      }
      %eq3A_182 = arith.constant 4 : i32
      %eq3A_183 = arith.cmpi eq, %reduce_sum3A_162, %eq3A_182 : i32
      %convert_element_type3A_184 = arith.extui %eq3A_183 : i1 to i32
      %cond3A_185 = arith.constant 0 : i32
      %cond3A_186 = arith.cmpi ne, %convert_element_type3A_184, %cond3A_185 : i32
      scf.if %cond3A_186 {
        %dma_start3A = arith.constant 0 : i32
        %dma_start3A_365 = tpu.memref_slice %arg12[%dma_start3A] : memref<21760xf32, #tpu.memory_space<vmem>> -> memref<21760xf32, #tpu.memory_space<vmem>>
        %dma_start3A_366 = tpu.memref_slice %arg5[%add3A_166] : memref<13056000xf32, #tpu.memory_space<hbm>> -> memref<21760xf32, #tpu.memory_space<hbm>>
        %dma_start3A_367 = tpu.memref_slice %arg5[%add3A_166] : memref<13056000xf32, #tpu.memory_space<hbm>> -> memref<21760xf32, #tpu.memory_space<hbm>>
        %dma_start3A_368 = arith.constant 0 : i32
        %dma_start3A_369 = tpu.memref_slice %arg12[%dma_start3A_368] : memref<21760xf32, #tpu.memory_space<vmem>> -> memref<21760xf32, #tpu.memory_space<vmem>>
        tpu.enqueue_dma source(%dma_start3A_369 : memref<21760xf32, #tpu.memory_space<vmem>>) target(%dma_start3A_367 : memref<21760xf32, #tpu.memory_space<hbm>>) target_semaphore(%arg15 : memref<!tpu.dma_semaphore, #tpu.memory_space<semaphore_mem>>)
      } else {
      }
      %shift_right_arithmetic3A_187 = arith.constant 4 : i32
      %shift_right_arithmetic3A_188 = arith.shrsi %add3A_129, %shift_right_arithmetic3A_187 : i32
      %shift_left3A_189 = arith.constant 4 : i32
      %shift_left3A_190 = arith.shli %shift_right_arithmetic3A_188, %shift_left3A_189 : i32
      %get3A_191 = arith.index_cast %shift_left3A_190 : i32 to index
      %get3A_192 = tpu.vector_load %arg6[%get3A_191] {strides = array<i32>} : memref<304xf32, #tpu.memory_space<vmem>>, vector<16xf32>,
      %lt3A_193 = arith.cmpf olt, %get3A_1, %get3A_192 : vector<16xf32>
      %select_n3A_194 = arith.select %lt3A_193, %add3A_20, %broadcast_in_dim3A_17 : vector<16xi1>, vector<16xi32>
      %add3A_195 = arith.constant 0 : i32
      %add3A_196 = vector.broadcast %add3A_195 : i32 to vector<16xi32>
      %add3A_197 = arith.addi %add3A_196, %select_n3A_194 : vector<16xi32>
      %lt3A_198 = arith.cmpf olt, %get3A_3, %get3A_192 : vector<16xf32>
      %select_n3A_199 = arith.select %lt3A_198, %add3A_20, %broadcast_in_dim3A_17 : vector<16xi1>, vector<16xi32>
      %add3A_200 = arith.addi %add3A_197, %select_n3A_199 : vector<16xi32>
      %lt3A_201 = arith.cmpf olt, %get3A_5, %get3A_192 : vector<16xf32>
      %select_n3A_202 = arith.select %lt3A_201, %add3A_20, %broadcast_in_dim3A_17 : vector<16xi1>, vector<16xi32>
      %add3A_203 = arith.addi %add3A_200, %select_n3A_202 : vector<16xi32>
      %lt3A_204 = arith.cmpf olt, %get3A_7, %get3A_192 : vector<16xf32>
      %select_n3A_205 = arith.select %lt3A_204, %add3A_20, %broadcast_in_dim3A_17 : vector<16xi1>, vector<16xi32>
      %add3A_206 = arith.addi %add3A_203, %select_n3A_205 : vector<16xi32>
      %sub3A_207 = arith.subi %add3A_129, %shift_left3A_190 : i32
      %add3A_208 = vector.broadcast %sub3A_207 : i32 to vector<16xi32>
      %add3A_209 = arith.addi %broadcast_in_dim3A_17, %add3A_208 : vector<16xi32>
      %eq3A_210 = arith.cmpi eq, %iota3A, %add3A_209 : vector<16xi32>
      %select_n3A_211 = arith.select %eq3A_210, %add3A_206, %broadcast_in_dim3A_17 : vector<16xi1>, vector<16xi32>
      %reduce_sum3A_212 = arith.constant true
      %reduce_sum3A_213 = vector.broadcast %reduce_sum3A_212 : i1 to vector<16xi1>
      %reduce_sum3A_214 = tpu.scan <sum>, %select_n3A_211 masked %reduce_sum3A_213 : vector<16xi32>, vector<16xi1> -> vector<16xi32>
      %reduce_sum3A_215 = vector.extract %reduce_sum3A_214[15] : i32 from vector<16xi32>
      %eq3A_216 = arith.constant 0 : i32
      %eq3A_217 = arith.cmpi eq, %reduce_sum3A_215, %eq3A_216 : i32
      %convert_element_type3A_218 = arith.extui %eq3A_217 : i1 to i32
      %cond3A_219 = arith.constant 0 : i32
      %cond3A_220 = arith.cmpi ne, %convert_element_type3A_218, %cond3A_219 : i32
      scf.if %cond3A_220 {
        %dma_wait3A_365 = arith.constant 0 : i32
        %dma_wait3A_366 = tpu.memref_slice %arg8[%dma_wait3A_365] : memref<21760xf32, #tpu.memory_space<vmem>> -> memref<21760xf32, #tpu.memory_space<vmem>>
        %dma_wait3A_367 = arith.constant 0 : i32
        %dma_wait3A_368 = tpu.memref_slice %arg2[%dma_wait3A_367] : memref<13056000xf32, #tpu.memory_space<hbm>> -> memref<21760xf32, #tpu.memory_space<hbm>>
        %dma_wait3A_369 = arith.constant 0 : i32
        %dma_wait3A_370 = tpu.memref_slice %arg8[%dma_wait3A_369] : memref<21760xf32, #tpu.memory_space<vmem>> -> memref<21760xf32, #tpu.memory_space<vmem>>
        %dma_wait3A_371 = arith.constant 0 : i32
        %dma_wait3A_372 = tpu.memref_slice %arg2[%dma_wait3A_371] : memref<13056000xf32, #tpu.memory_space<hbm>> -> memref<21760xf32, #tpu.memory_space<hbm>>
        tpu.wait_dma2 semaphore(%arg13 : memref<!tpu.dma_semaphore, #tpu.memory_space<semaphore_mem>>) src(%dma_wait3A_372 : memref<21760xf32, #tpu.memory_space<hbm>>) dst(%dma_wait3A_370 : memref<21760xf32, #tpu.memory_space<vmem>>)
      } else {
      }
      %eq3A_221 = arith.constant 0 : i32
      %eq3A_222 = arith.cmpi eq, %reduce_sum3A_162, %eq3A_221 : i32
      %convert_element_type3A_223 = arith.extui %eq3A_222 : i1 to i32
      %cond3A_224 = arith.constant 0 : i32
      %cond3A_225 = arith.cmpi ne, %convert_element_type3A_223, %cond3A_224 : i32
      scf.if %cond3A_225 {
        %scan3A_365 = arith.constant 0 : i32
        %scan3A_366 = arith.constant 0 : i32
        %scan3A_367 = arith.constant 42 : i32
        %scan3A_368 = arith.addi %scan3A_366, %scan3A_367 : i32
        %scan3A_369 = arith.constant 1 : i32
        scf.for %scan3A_441 = %scan3A_366 to %scan3A_368 step %scan3A_369  : i32 {
          %mul3A_442 = arith.constant 2 : i32
          %mul3A_443 = arith.muli %scan3A_441, %mul3A_442 : i32
          %add3A_444 = arith.constant 0 : i32
          %add3A_445 = arith.addi %mul3A_443, %add3A_444 : i32
          %add3A_446 = arith.constant 0 : i32
          %add3A_447 = arith.addi %add3A_446, %add3A_445 : i32
          %mul3A_448 = arith.constant 128 : i32
          %mul3A_449 = arith.muli %add3A_447, %mul3A_448 : i32
          %mul3A_450 = arith.constant 256 : i32
          %mul3A_451 = arith.muli %add3A_445, %mul3A_450 : i32
          %add3A_452 = arith.constant 0 : i32
          %add3A_453 = arith.addi %mul3A_451, %add3A_452 : i32
          %add3A_454 = arith.constant 0 : i32
          %add3A_455 = arith.addi %mul3A_449, %add3A_454 : i32
          %get3A_456 = arith.index_cast %add3A_455 : i32 to index
          %get3A_457 = tpu.vector_load %arg8[%get3A_456] {strides = array<i32>} : memref<21760xf32, #tpu.memory_space<vmem>>, vector<16xf32>,
          %add3A_458 = arith.constant 0 : i32
          %add3A_459 = arith.addi %add3A_453, %add3A_458 : i32
          %swap3A_460 = arith.index_cast %add3A_459 : i32 to index
          %swap3A_461 = tpu.vector_load %arg10[%swap3A_460] {strides = array<i32>} : memref<21760xf32, #tpu.memory_space<vmem>>, vector<16xf32>,
          tpu.vector_store %arg10[%swap3A_460], %get3A_457 {strides = array<i32>} : memref<21760xf32, #tpu.memory_space<vmem>>, vector<16xf32>,
          %add3A_462 = arith.constant 16 : i32
          %add3A_463 = arith.addi %mul3A_449, %add3A_462 : i32
          %get3A_464 = arith.index_cast %add3A_463 : i32 to index
          %get3A_465 = tpu.vector_load %arg8[%get3A_464] {strides = array<i32>} : memref<21760xf32, #tpu.memory_space<vmem>>, vector<16xf32>,
          %add3A_466 = arith.constant 16 : i32
          %add3A_467 = arith.addi %add3A_453, %add3A_466 : i32
          %swap3A_468 = arith.index_cast %add3A_467 : i32 to index
          %swap3A_469 = tpu.vector_load %arg10[%swap3A_468] {strides = array<i32>} : memref<21760xf32, #tpu.memory_space<vmem>>, vector<16xf32>,
          tpu.vector_store %arg10[%swap3A_468], %get3A_465 {strides = array<i32>} : memref<21760xf32, #tpu.memory_space<vmem>>, vector<16xf32>,
          %add3A_470 = arith.constant 32 : i32
          %add3A_471 = arith.addi %mul3A_449, %add3A_470 : i32
          %get3A_472 = arith.index_cast %add3A_471 : i32 to index
          %get3A_473 = tpu.vector_load %arg8[%get3A_472] {strides = array<i32>} : memref<21760xf32, #tpu.memory_space<vmem>>, vector<16xf32>,
          %add3A_474 = arith.constant 32 : i32
          %add3A_475 = arith.addi %add3A_453, %add3A_474 : i32
          %swap3A_476 = arith.index_cast %add3A_475 : i32 to index
          %swap3A_477 = tpu.vector_load %arg10[%swap3A_476] {strides = array<i32>} : memref<21760xf32, #tpu.memory_space<vmem>>, vector<16xf32>,
          tpu.vector_store %arg10[%swap3A_476], %get3A_473 {strides = array<i32>} : memref<21760xf32, #tpu.memory_space<vmem>>, vector<16xf32>,
          %add3A_478 = arith.constant 48 : i32
          %add3A_479 = arith.addi %mul3A_449, %add3A_478 : i32
          %get3A_480 = arith.index_cast %add3A_479 : i32 to index
          %get3A_481 = tpu.vector_load %arg8[%get3A_480] {strides = array<i32>} : memref<21760xf32, #tpu.memory_space<vmem>>, vector<16xf32>,
          %add3A_482 = arith.constant 48 : i32
          %add3A_483 = arith.addi %add3A_453, %add3A_482 : i32
          %swap3A_484 = arith.index_cast %add3A_483 : i32 to index
          %swap3A_485 = tpu.vector_load %arg10[%swap3A_484] {strides = array<i32>} : memref<21760xf32, #tpu.memory_space<vmem>>, vector<16xf32>,
          tpu.vector_store %arg10[%swap3A_484], %get3A_481 {strides = array<i32>} : memref<21760xf32, #tpu.memory_space<vmem>>, vector<16xf32>,
          %add3A_486 = arith.constant 64 : i32
          %add3A_487 = arith.addi %mul3A_449, %add3A_486 : i32
          %get3A_488 = arith.index_cast %add3A_487 : i32 to index
          %get3A_489 = tpu.vector_load %arg8[%get3A_488] {strides = array<i32>} : memref<21760xf32, #tpu.memory_space<vmem>>, vector<16xf32>,
          %add3A_490 = arith.constant 64 : i32
          %add3A_491 = arith.addi %add3A_453, %add3A_490 : i32
          %swap3A_492 = arith.index_cast %add3A_491 : i32 to index
          %swap3A_493 = tpu.vector_load %arg10[%swap3A_492] {strides = array<i32>} : memref<21760xf32, #tpu.memory_space<vmem>>, vector<16xf32>,
          tpu.vector_store %arg10[%swap3A_492], %get3A_489 {strides = array<i32>} : memref<21760xf32, #tpu.memory_space<vmem>>, vector<16xf32>,
          %add3A_494 = arith.constant 80 : i32
          %add3A_495 = arith.addi %mul3A_449, %add3A_494 : i32
          %get3A_496 = arith.index_cast %add3A_495 : i32 to index
          %get3A_497 = tpu.vector_load %arg8[%get3A_496] {strides = array<i32>} : memref<21760xf32, #tpu.memory_space<vmem>>, vector<16xf32>,
          %add3A_498 = arith.constant 80 : i32
          %add3A_499 = arith.addi %add3A_453, %add3A_498 : i32
          %swap3A_500 = arith.index_cast %add3A_499 : i32 to index
          %swap3A_501 = tpu.vector_load %arg10[%swap3A_500] {strides = array<i32>} : memref<21760xf32, #tpu.memory_space<vmem>>, vector<16xf32>,
          tpu.vector_store %arg10[%swap3A_500], %get3A_497 {strides = array<i32>} : memref<21760xf32, #tpu.memory_space<vmem>>, vector<16xf32>,
          %add3A_502 = arith.constant 96 : i32
          %add3A_503 = arith.addi %mul3A_449, %add3A_502 : i32
          %get3A_504 = arith.index_cast %add3A_503 : i32 to index
          %get3A_505 = tpu.vector_load %arg8[%get3A_504] {strides = array<i32>} : memref<21760xf32, #tpu.memory_space<vmem>>, vector<16xf32>,
          %add3A_506 = arith.constant 96 : i32
          %add3A_507 = arith.addi %add3A_453, %add3A_506 : i32
          %swap3A_508 = arith.index_cast %add3A_507 : i32 to index
          %swap3A_509 = tpu.vector_load %arg10[%swap3A_508] {strides = array<i32>} : memref<21760xf32, #tpu.memory_space<vmem>>, vector<16xf32>,
          tpu.vector_store %arg10[%swap3A_508], %get3A_505 {strides = array<i32>} : memref<21760xf32, #tpu.memory_space<vmem>>, vector<16xf32>,
          %add3A_510 = arith.constant 112 : i32
          %add3A_511 = arith.addi %mul3A_449, %add3A_510 : i32
          %get3A_512 = arith.index_cast %add3A_511 : i32 to index
          %get3A_513 = tpu.vector_load %arg8[%get3A_512] {strides = array<i32>} : memref<21760xf32, #tpu.memory_space<vmem>>, vector<16xf32>,
          %add3A_514 = arith.constant 112 : i32
          %add3A_515 = arith.addi %add3A_453, %add3A_514 : i32
          %swap3A_516 = arith.index_cast %add3A_515 : i32 to index
          %swap3A_517 = tpu.vector_load %arg10[%swap3A_516] {strides = array<i32>} : memref<21760xf32, #tpu.memory_space<vmem>>, vector<16xf32>,
          tpu.vector_store %arg10[%swap3A_516], %get3A_513 {strides = array<i32>} : memref<21760xf32, #tpu.memory_space<vmem>>, vector<16xf32>,
          %add3A_518 = arith.constant 85 : i32
          %add3A_519 = arith.addi %add3A_518, %add3A_445 : i32
          %mul3A_520 = arith.constant 128 : i32
          %mul3A_521 = arith.muli %add3A_519, %mul3A_520 : i32
          %mul3A_522 = arith.constant 256 : i32
          %mul3A_523 = arith.muli %add3A_445, %mul3A_522 : i32
          %add3A_524 = arith.constant 128 : i32
          %add3A_525 = arith.addi %mul3A_523, %add3A_524 : i32
          %add3A_526 = arith.constant 0 : i32
          %add3A_527 = arith.addi %mul3A_521, %add3A_526 : i32
          %get3A_528 = arith.index_cast %add3A_527 : i32 to index
          %get3A_529 = tpu.vector_load %arg8[%get3A_528] {strides = array<i32>} : memref<21760xf32, #tpu.memory_space<vmem>>, vector<16xf32>,
          %add3A_530 = arith.constant 0 : i32
          %add3A_531 = arith.addi %add3A_525, %add3A_530 : i32
          %swap3A_532 = arith.index_cast %add3A_531 : i32 to index
          %swap3A_533 = tpu.vector_load %arg10[%swap3A_532] {strides = array<i32>} : memref<21760xf32, #tpu.memory_space<vmem>>, vector<16xf32>,
          tpu.vector_store %arg10[%swap3A_532], %get3A_529 {strides = array<i32>} : memref<21760xf32, #tpu.memory_space<vmem>>, vector<16xf32>,
          %add3A_534 = arith.constant 16 : i32
          %add3A_535 = arith.addi %mul3A_521, %add3A_534 : i32
          %get3A_536 = arith.index_cast %add3A_535 : i32 to index
          %get3A_537 = tpu.vector_load %arg8[%get3A_536] {strides = array<i32>} : memref<21760xf32, #tpu.memory_space<vmem>>, vector<16xf32>,
          %add3A_538 = arith.constant 16 : i32
          %add3A_539 = arith.addi %add3A_525, %add3A_538 : i32
          %swap3A_540 = arith.index_cast %add3A_539 : i32 to index
          %swap3A_541 = tpu.vector_load %arg10[%swap3A_540] {strides = array<i32>} : memref<21760xf32, #tpu.memory_space<vmem>>, vector<16xf32>,
          tpu.vector_store %arg10[%swap3A_540], %get3A_537 {strides = array<i32>} : memref<21760xf32, #tpu.memory_space<vmem>>, vector<16xf32>,
          %add3A_542 = arith.constant 32 : i32
          %add3A_543 = arith.addi %mul3A_521, %add3A_542 : i32
          %get3A_544 = arith.index_cast %add3A_543 : i32 to index
          %get3A_545 = tpu.vector_load %arg8[%get3A_544] {strides = array<i32>} : memref<21760xf32, #tpu.memory_space<vmem>>, vector<16xf32>,
          %add3A_546 = arith.constant 32 : i32
          %add3A_547 = arith.addi %add3A_525, %add3A_546 : i32
          %swap3A_548 = arith.index_cast %add3A_547 : i32 to index
          %swap3A_549 = tpu.vector_load %arg10[%swap3A_548] {strides = array<i32>} : memref<21760xf32, #tpu.memory_space<vmem>>, vector<16xf32>,
          tpu.vector_store %arg10[%swap3A_548], %get3A_545 {strides = array<i32>} : memref<21760xf32, #tpu.memory_space<vmem>>, vector<16xf32>,
          %add3A_550 = arith.constant 48 : i32
          %add3A_551 = arith.addi %mul3A_521, %add3A_550 : i32
          %get3A_552 = arith.index_cast %add3A_551 : i32 to index
          %get3A_553 = tpu.vector_load %arg8[%get3A_552] {strides = array<i32>} : memref<21760xf32, #tpu.memory_space<vmem>>, vector<16xf32>,
          %add3A_554 = arith.constant 48 : i32
          %add3A_555 = arith.addi %add3A_525, %add3A_554 : i32
          %swap3A_556 = arith.index_cast %add3A_555 : i32 to index
          %swap3A_557 = tpu.vector_load %arg10[%swap3A_556] {strides = array<i32>} : memref<21760xf32, #tpu.memory_space<vmem>>, vector<16xf32>,
          tpu.vector_store %arg10[%swap3A_556], %get3A_553 {strides = array<i32>} : memref<21760xf32, #tpu.memory_space<vmem>>, vector<16xf32>,
          %add3A_558 = arith.constant 64 : i32
          %add3A_559 = arith.addi %mul3A_521, %add3A_558 : i32
          %get3A_560 = arith.index_cast %add3A_559 : i32 to index
          %get3A_561 = tpu.vector_load %arg8[%get3A_560] {strides = array<i32>} : memref<21760xf32, #tpu.memory_space<vmem>>, vector<16xf32>,
          %add3A_562 = arith.constant 64 : i32
          %add3A_563 = arith.addi %add3A_525, %add3A_562 : i32
          %swap3A_564 = arith.index_cast %add3A_563 : i32 to index
          %swap3A_565 = tpu.vector_load %arg10[%swap3A_564] {strides = array<i32>} : memref<21760xf32, #tpu.memory_space<vmem>>, vector<16xf32>,
          tpu.vector_store %arg10[%swap3A_564], %get3A_561 {strides = array<i32>} : memref<21760xf32, #tpu.memory_space<vmem>>, vector<16xf32>,
          %add3A_566 = arith.constant 80 : i32
          %add3A_567 = arith.addi %mul3A_521, %add3A_566 : i32
          %get3A_568 = arith.index_cast %add3A_567 : i32 to index
          %get3A_569 = tpu.vector_load %arg8[%get3A_568] {strides = array<i32>} : memref<21760xf32, #tpu.memory_space<vmem>>, vector<16xf32>,
          %add3A_570 = arith.constant 80 : i32
          %add3A_571 = arith.addi %add3A_525, %add3A_570 : i32
          %swap3A_572 = arith.index_cast %add3A_571 : i32 to index
          %swap3A_573 = tpu.vector_load %arg10[%swap3A_572] {strides = array<i32>} : memref<21760xf32, #tpu.memory_space<vmem>>, vector<16xf32>,
          tpu.vector_store %arg10[%swap3A_572], %get3A_569 {strides = array<i32>} : memref<21760xf32, #tpu.memory_space<vmem>>, vector<16xf32>,
          %add3A_574 = arith.constant 96 : i32
          %add3A_575 = arith.addi %mul3A_521, %add3A_574 : i32
          %get3A_576 = arith.index_cast %add3A_575 : i32 to index
          %get3A_577 = tpu.vector_load %arg8[%get3A_576] {strides = array<i32>} : memref<21760xf32, #tpu.memory_space<vmem>>, vector<16xf32>,
          %add3A_578 = arith.constant 96 : i32
          %add3A_579 = arith.addi %add3A_525, %add3A_578 : i32
          %swap3A_580 = arith.index_cast %add3A_579 : i32 to index
          %swap3A_581 = tpu.vector_load %arg10[%swap3A_580] {strides = array<i32>} : memref<21760xf32, #tpu.memory_space<vmem>>, vector<16xf32>,
          tpu.vector_store %arg10[%swap3A_580], %get3A_577 {strides = array<i32>} : memref<21760xf32, #tpu.memory_space<vmem>>, vector<16xf32>,
          %add3A_582 = arith.constant 112 : i32
          %add3A_583 = arith.addi %mul3A_521, %add3A_582 : i32
          %get3A_584 = arith.index_cast %add3A_583 : i32 to index
          %get3A_585 = tpu.vector_load %arg8[%get3A_584] {strides = array<i32>} : memref<21760xf32, #tpu.memory_space<vmem>>, vector<16xf32>,
          %add3A_586 = arith.constant 112 : i32
          %add3A_587 = arith.addi %add3A_525, %add3A_586 : i32
          %swap3A_588 = arith.index_cast %add3A_587 : i32 to index
          %swap3A_589 = tpu.vector_load %arg10[%swap3A_588] {strides = array<i32>} : memref<21760xf32, #tpu.memory_space<vmem>>, vector<16xf32>,
          tpu.vector_store %arg10[%swap3A_588], %get3A_585 {strides = array<i32>} : memref<21760xf32, #tpu.memory_space<vmem>>, vector<16xf32>,
          %mul3A_590 = arith.constant 2 : i32
          %mul3A_591 = arith.muli %scan3A_441, %mul3A_590 : i32
          %add3A_592 = arith.constant 1 : i32
          %add3A_593 = arith.addi %mul3A_591, %add3A_592 : i32
          %add3A_594 = arith.constant 0 : i32
          %add3A_595 = arith.addi %add3A_594, %add3A_593 : i32
          %mul3A_596 = arith.constant 128 : i32
          %mul3A_597 = arith.muli %add3A_595, %mul3A_596 : i32
          %mul3A_598 = arith.constant 256 : i32
          %mul3A_599 = arith.muli %add3A_593, %mul3A_598 : i32
          %add3A_600 = arith.constant 0 : i32
          %add3A_601 = arith.addi %mul3A_599, %add3A_600 : i32
          %add3A_602 = arith.constant 0 : i32
          %add3A_603 = arith.addi %mul3A_597, %add3A_602 : i32
          %get3A_604 = arith.index_cast %add3A_603 : i32 to index
          %get3A_605 = tpu.vector_load %arg8[%get3A_604] {strides = array<i32>} : memref<21760xf32, #tpu.memory_space<vmem>>, vector<16xf32>,
          %add3A_606 = arith.constant 0 : i32
          %add3A_607 = arith.addi %add3A_601, %add3A_606 : i32
          %swap3A_608 = arith.index_cast %add3A_607 : i32 to index
          %swap3A_609 = tpu.vector_load %arg10[%swap3A_608] {strides = array<i32>} : memref<21760xf32, #tpu.memory_space<vmem>>, vector<16xf32>,
          tpu.vector_store %arg10[%swap3A_608], %get3A_605 {strides = array<i32>} : memref<21760xf32, #tpu.memory_space<vmem>>, vector<16xf32>,
          %add3A_610 = arith.constant 16 : i32
          %add3A_611 = arith.addi %mul3A_597, %add3A_610 : i32
          %get3A_612 = arith.index_cast %add3A_611 : i32 to index
          %get3A_613 = tpu.vector_load %arg8[%get3A_612] {strides = array<i32>} : memref<21760xf32, #tpu.memory_space<vmem>>, vector<16xf32>,
          %add3A_614 = arith.constant 16 : i32
          %add3A_615 = arith.addi %add3A_601, %add3A_614 : i32
          %swap3A_616 = arith.index_cast %add3A_615 : i32 to index
          %swap3A_617 = tpu.vector_load %arg10[%swap3A_616] {strides = array<i32>} : memref<21760xf32, #tpu.memory_space<vmem>>, vector<16xf32>,
          tpu.vector_store %arg10[%swap3A_616], %get3A_613 {strides = array<i32>} : memref<21760xf32, #tpu.memory_space<vmem>>, vector<16xf32>,
          %add3A_618 = arith.constant 32 : i32
          %add3A_619 = arith.addi %mul3A_597, %add3A_618 : i32
          %get3A_620 = arith.index_cast %add3A_619 : i32 to index
          %get3A_621 = tpu.vector_load %arg8[%get3A_620] {strides = array<i32>} : memref<21760xf32, #tpu.memory_space<vmem>>, vector<16xf32>,
          %add3A_622 = arith.constant 32 : i32
          %add3A_623 = arith.addi %add3A_601, %add3A_622 : i32
          %swap3A_624 = arith.index_cast %add3A_623 : i32 to index
          %swap3A_625 = tpu.vector_load %arg10[%swap3A_624] {strides = array<i32>} : memref<21760xf32, #tpu.memory_space<vmem>>, vector<16xf32>,
          tpu.vector_store %arg10[%swap3A_624], %get3A_621 {strides = array<i32>} : memref<21760xf32, #tpu.memory_space<vmem>>, vector<16xf32>,
          %add3A_626 = arith.constant 48 : i32
          %add3A_627 = arith.addi %mul3A_597, %add3A_626 : i32
          %get3A_628 = arith.index_cast %add3A_627 : i32 to index
          %get3A_629 = tpu.vector_load %arg8[%get3A_628] {strides = array<i32>} : memref<21760xf32, #tpu.memory_space<vmem>>, vector<16xf32>,
          %add3A_630 = arith.constant 48 : i32
          %add3A_631 = arith.addi %add3A_601, %add3A_630 : i32
          %swap3A_632 = arith.index_cast %add3A_631 : i32 to index
          %swap3A_633 = tpu.vector_load %arg10[%swap3A_632] {strides = array<i32>} : memref<21760xf32, #tpu.memory_space<vmem>>, vector<16xf32>,
          tpu.vector_store %arg10[%swap3A_632], %get3A_629 {strides = array<i32>} : memref<21760xf32, #tpu.memory_space<vmem>>, vector<16xf32>,
          %add3A_634 = arith.constant 64 : i32
          %add3A_635 = arith.addi %mul3A_597, %add3A_634 : i32
          %get3A_636 = arith.index_cast %add3A_635 : i32 to index
          %get3A_637 = tpu.vector_load %arg8[%get3A_636] {strides = array<i32>} : memref<21760xf32, #tpu.memory_space<vmem>>, vector<16xf32>,
          %add3A_638 = arith.constant 64 : i32
          %add3A_639 = arith.addi %add3A_601, %add3A_638 : i32
          %swap3A_640 = arith.index_cast %add3A_639 : i32 to index
          %swap3A_641 = tpu.vector_load %arg10[%swap3A_640] {strides = array<i32>} : memref<21760xf32, #tpu.memory_space<vmem>>, vector<16xf32>,
          tpu.vector_store %arg10[%swap3A_640], %get3A_637 {strides = array<i32>} : memref<21760xf32, #tpu.memory_space<vmem>>, vector<16xf32>,
          %add3A_642 = arith.constant 80 : i32
          %add3A_643 = arith.addi %mul3A_597, %add3A_642 : i32
          %get3A_644 = arith.index_cast %add3A_643 : i32 to index
          %get3A_645 = tpu.vector_load %arg8[%get3A_644] {strides = array<i32>} : memref<21760xf32, #tpu.memory_space<vmem>>, vector<16xf32>,
          %add3A_646 = arith.constant 80 : i32
          %add3A_647 = arith.addi %add3A_601, %add3A_646 : i32
          %swap3A_648 = arith.index_cast %add3A_647 : i32 to index
          %swap3A_649 = tpu.vector_load %arg10[%swap3A_648] {strides = array<i32>} : memref<21760xf32, #tpu.memory_space<vmem>>, vector<16xf32>,
          tpu.vector_store %arg10[%swap3A_648], %get3A_645 {strides = array<i32>} : memref<21760xf32, #tpu.memory_space<vmem>>, vector<16xf32>,
          %add3A_650 = arith.constant 96 : i32
          %add3A_651 = arith.addi %mul3A_597, %add3A_650 : i32
          %get3A_652 = arith.index_cast %add3A_651 : i32 to index
          %get3A_653 = tpu.vector_load %arg8[%get3A_652] {strides = array<i32>} : memref<21760xf32, #tpu.memory_space<vmem>>, vector<16xf32>,
          %add3A_654 = arith.constant 96 : i32
          %add3A_655 = arith.addi %add3A_601, %add3A_654 : i32
          %swap3A_656 = arith.index_cast %add3A_655 : i32 to index
          %swap3A_657 = tpu.vector_load %arg10[%swap3A_656] {strides = array<i32>} : memref<21760xf32, #tpu.memory_space<vmem>>, vector<16xf32>,
          tpu.vector_store %arg10[%swap3A_656], %get3A_653 {strides = array<i32>} : memref<21760xf32, #tpu.memory_space<vmem>>, vector<16xf32>,
          %add3A_658 = arith.constant 112 : i32
          %add3A_659 = arith.addi %mul3A_597, %add3A_658 : i32
          %get3A_660 = arith.index_cast %add3A_659 : i32 to index
          %get3A_661 = tpu.vector_load %arg8[%get3A_660] {strides = array<i32>} : memref<21760xf32, #tpu.memory_space<vmem>>, vector<16xf32>,
          %add3A_662 = arith.constant 112 : i32
          %add3A_663 = arith.addi %add3A_601, %add3A_662 : i32
          %swap3A_664 = arith.index_cast %add3A_663 : i32 to index
          %swap3A_665 = tpu.vector_load %arg10[%swap3A_664] {strides = array<i32>} : memref<21760xf32, #tpu.memory_space<vmem>>, vector<16xf32>,
          tpu.vector_store %arg10[%swap3A_664], %get3A_661 {strides = array<i32>} : memref<21760xf32, #tpu.memory_space<vmem>>, vector<16xf32>,
          %add3A_666 = arith.constant 85 : i32
          %add3A_667 = arith.addi %add3A_666, %add3A_593 : i32
          %mul3A_668 = arith.constant 128 : i32
          %mul3A_669 = arith.muli %add3A_667, %mul3A_668 : i32
          %mul3A_670 = arith.constant 256 : i32
          %mul3A_671 = arith.muli %add3A_593, %mul3A_670 : i32
          %add3A_672 = arith.constant 128 : i32
          %add3A_673 = arith.addi %mul3A_671, %add3A_672 : i32
          %add3A_674 = arith.constant 0 : i32
          %add3A_675 = arith.addi %mul3A_669, %add3A_674 : i32
          %get3A_676 = arith.index_cast %add3A_675 : i32 to index
          %get3A_677 = tpu.vector_load %arg8[%get3A_676] {strides = array<i32>} : memref<21760xf32, #tpu.memory_space<vmem>>, vector<16xf32>,
          %add3A_678 = arith.constant 0 : i32
          %add3A_679 = arith.addi %add3A_673, %add3A_678 : i32
          %swap3A_680 = arith.index_cast %add3A_679 : i32 to index
          %swap3A_681 = tpu.vector_load %arg10[%swap3A_680] {strides = array<i32>} : memref<21760xf32, #tpu.memory_space<vmem>>, vector<16xf32>,
          tpu.vector_store %arg10[%swap3A_680], %get3A_677 {strides = array<i32>} : memref<21760xf32, #tpu.memory_space<vmem>>, vector<16xf32>,
          %add3A_682 = arith.constant 16 : i32
          %add3A_683 = arith.addi %mul3A_669, %add3A_682 : i32
          %get3A_684 = arith.index_cast %add3A_683 : i32 to index
          %get3A_685 = tpu.vector_load %arg8[%get3A_684] {strides = array<i32>} : memref<21760xf32, #tpu.memory_space<vmem>>, vector<16xf32>,
          %add3A_686 = arith.constant 16 : i32
          %add3A_687 = arith.addi %add3A_673, %add3A_686 : i32
          %swap3A_688 = arith.index_cast %add3A_687 : i32 to index
          %swap3A_689 = tpu.vector_load %arg10[%swap3A_688] {strides = array<i32>} : memref<21760xf32, #tpu.memory_space<vmem>>, vector<16xf32>,
          tpu.vector_store %arg10[%swap3A_688], %get3A_685 {strides = array<i32>} : memref<21760xf32, #tpu.memory_space<vmem>>, vector<16xf32>,
          %add3A_690 = arith.constant 32 : i32
          %add3A_691 = arith.addi %mul3A_669, %add3A_690 : i32
          %get3A_692 = arith.index_cast %add3A_691 : i32 to index
          %get3A_693 = tpu.vector_load %arg8[%get3A_692] {strides = array<i32>} : memref<21760xf32, #tpu.memory_space<vmem>>, vector<16xf32>,
          %add3A_694 = arith.constant 32 : i32
          %add3A_695 = arith.addi %add3A_673, %add3A_694 : i32
          %swap3A_696 = arith.index_cast %add3A_695 : i32 to index
          %swap3A_697 = tpu.vector_load %arg10[%swap3A_696] {strides = array<i32>} : memref<21760xf32, #tpu.memory_space<vmem>>, vector<16xf32>,
          tpu.vector_store %arg10[%swap3A_696], %get3A_693 {strides = array<i32>} : memref<21760xf32, #tpu.memory_space<vmem>>, vector<16xf32>,
          %add3A_698 = arith.constant 48 : i32
          %add3A_699 = arith.addi %mul3A_669, %add3A_698 : i32
          %get3A_700 = arith.index_cast %add3A_699 : i32 to index
          %get3A_701 = tpu.vector_load %arg8[%get3A_700] {strides = array<i32>} : memref<21760xf32, #tpu.memory_space<vmem>>, vector<16xf32>,
          %add3A_702 = arith.constant 48 : i32
          %add3A_703 = arith.addi %add3A_673, %add3A_702 : i32
          %swap3A_704 = arith.index_cast %add3A_703 : i32 to index
          %swap3A_705 = tpu.vector_load %arg10[%swap3A_704] {strides = array<i32>} : memref<21760xf32, #tpu.memory_space<vmem>>, vector<16xf32>,
          tpu.vector_store %arg10[%swap3A_704], %get3A_701 {strides = array<i32>} : memref<21760xf32, #tpu.memory_space<vmem>>, vector<16xf32>,
          %add3A_706 = arith.constant 64 : i32
          %add3A_707 = arith.addi %mul3A_669, %add3A_706 : i32
          %get3A_708 = arith.index_cast %add3A_707 : i32 to index
          %get3A_709 = tpu.vector_load %arg8[%get3A_708] {strides = array<i32>} : memref<21760xf32, #tpu.memory_space<vmem>>, vector<16xf32>,
          %add3A_710 = arith.constant 64 : i32
          %add3A_711 = arith.addi %add3A_673, %add3A_710 : i32
          %swap3A_712 = arith.index_cast %add3A_711 : i32 to index
          %swap3A_713 = tpu.vector_load %arg10[%swap3A_712] {strides = array<i32>} : memref<21760xf32, #tpu.memory_space<vmem>>, vector<16xf32>,
          tpu.vector_store %arg10[%swap3A_712], %get3A_709 {strides = array<i32>} : memref<21760xf32, #tpu.memory_space<vmem>>, vector<16xf32>,
          %add3A_714 = arith.constant 80 : i32
          %add3A_715 = arith.addi %mul3A_669, %add3A_714 : i32
          %get3A_716 = arith.index_cast %add3A_715 : i32 to index
          %get3A_717 = tpu.vector_load %arg8[%get3A_716] {strides = array<i32>} : memref<21760xf32, #tpu.memory_space<vmem>>, vector<16xf32>,
          %add3A_718 = arith.constant 80 : i32
          %add3A_719 = arith.addi %add3A_673, %add3A_718 : i32
          %swap3A_720 = arith.index_cast %add3A_719 : i32 to index
          %swap3A_721 = tpu.vector_load %arg10[%swap3A_720] {strides = array<i32>} : memref<21760xf32, #tpu.memory_space<vmem>>, vector<16xf32>,
          tpu.vector_store %arg10[%swap3A_720], %get3A_717 {strides = array<i32>} : memref<21760xf32, #tpu.memory_space<vmem>>, vector<16xf32>,
          %add3A_722 = arith.constant 96 : i32
          %add3A_723 = arith.addi %mul3A_669, %add3A_722 : i32
          %get3A_724 = arith.index_cast %add3A_723 : i32 to index
          %get3A_725 = tpu.vector_load %arg8[%get3A_724] {strides = array<i32>} : memref<21760xf32, #tpu.memory_space<vmem>>, vector<16xf32>,
          %add3A_726 = arith.constant 96 : i32
          %add3A_727 = arith.addi %add3A_673, %add3A_726 : i32
          %swap3A_728 = arith.index_cast %add3A_727 : i32 to index
          %swap3A_729 = tpu.vector_load %arg10[%swap3A_728] {strides = array<i32>} : memref<21760xf32, #tpu.memory_space<vmem>>, vector<16xf32>,
          tpu.vector_store %arg10[%swap3A_728], %get3A_725 {strides = array<i32>} : memref<21760xf32, #tpu.memory_space<vmem>>, vector<16xf32>,
          %add3A_730 = arith.constant 112 : i32
          %add3A_731 = arith.addi %mul3A_669, %add3A_730 : i32
          %get3A_732 = arith.index_cast %add3A_731 : i32 to index
          %get3A_733 = tpu.vector_load %arg8[%get3A_732] {strides = array<i32>} : memref<21760xf32, #tpu.memory_space<vmem>>, vector<16xf32>,
          %add3A_734 = arith.constant 112 : i32
          %add3A_735 = arith.addi %add3A_673, %add3A_734 : i32
          %swap3A_736 = arith.index_cast %add3A_735 : i32 to index
          %swap3A_737 = tpu.vector_load %arg10[%swap3A_736] {strides = array<i32>} : memref<21760xf32, #tpu.memory_space<vmem>>, vector<16xf32>,
          tpu.vector_store %arg10[%swap3A_736], %get3A_733 {strides = array<i32>} : memref<21760xf32, #tpu.memory_space<vmem>>, vector<16xf32>,
        }
        %scan3A_370 = arith.constant 42 : i32
        %get3A_371 = arith.constant 10752 : index
        %get3A_372 = tpu.vector_load %arg8[%get3A_371] {strides = array<i32>} : memref<21760xf32, #tpu.memory_space<vmem>>, vector<16xf32>,
        %swap3A = arith.constant 21504 : index
        %swap3A_373 = tpu.vector_load %arg10[%swap3A] {strides = array<i32>} : memref<21760xf32, #tpu.memory_space<vmem>>, vector<16xf32>,
        tpu.vector_store %arg10[%swap3A], %get3A_372 {strides = array<i32>} : memref<21760xf32, #tpu.memory_space<vmem>>, vector<16xf32>,
        %get3A_374 = arith.constant 10768 : index
        %get3A_375 = tpu.vector_load %arg8[%get3A_374] {strides = array<i32>} : memref<21760xf32, #tpu.memory_space<vmem>>, vector<16xf32>,
        %swap3A_376 = arith.constant 21520 : index
        %swap3A_377 = tpu.vector_load %arg10[%swap3A_376] {strides = array<i32>} : memref<21760xf32, #tpu.memory_space<vmem>>, vector<16xf32>,
        tpu.vector_store %arg10[%swap3A_376], %get3A_375 {strides = array<i32>} : memref<21760xf32, #tpu.memory_space<vmem>>, vector<16xf32>,
        %get3A_378 = arith.constant 10784 : index
        %get3A_379 = tpu.vector_load %arg8[%get3A_378] {strides = array<i32>} : memref<21760xf32, #tpu.memory_space<vmem>>, vector<16xf32>,
        %swap3A_380 = arith.constant 21536 : index
        %swap3A_381 = tpu.vector_load %arg10[%swap3A_380] {strides = array<i32>} : memref<21760xf32, #tpu.memory_space<vmem>>, vector<16xf32>,
        tpu.vector_store %arg10[%swap3A_380], %get3A_379 {strides = array<i32>} : memref<21760xf32, #tpu.memory_space<vmem>>, vector<16xf32>,
        %get3A_382 = arith.constant 10800 : index
        %get3A_383 = tpu.vector_load %arg8[%get3A_382] {strides = array<i32>} : memref<21760xf32, #tpu.memory_space<vmem>>, vector<16xf32>,
        %swap3A_384 = arith.constant 21552 : index
        %swap3A_385 = tpu.vector_load %arg10[%swap3A_384] {strides = array<i32>} : memref<21760xf32, #tpu.memory_space<vmem>>, vector<16xf32>,
        tpu.vector_store %arg10[%swap3A_384], %get3A_383 {strides = array<i32>} : memref<21760xf32, #tpu.memory_space<vmem>>, vector<16xf32>,
        %get3A_386 = arith.constant 10816 : index
        %get3A_387 = tpu.vector_load %arg8[%get3A_386] {strides = array<i32>} : memref<21760xf32, #tpu.memory_space<vmem>>, vector<16xf32>,
        %swap3A_388 = arith.constant 21568 : index
        %swap3A_389 = tpu.vector_load %arg10[%swap3A_388] {strides = array<i32>} : memref<21760xf32, #tpu.memory_space<vmem>>, vector<16xf32>,
        tpu.vector_store %arg10[%swap3A_388], %get3A_387 {strides = array<i32>} : memref<21760xf32, #tpu.memory_space<vmem>>, vector<16xf32>,
        %get3A_390 = arith.constant 10832 : index
        %get3A_391 = tpu.vector_load %arg8[%get3A_390] {strides = array<i32>} : memref<21760xf32, #tpu.memory_space<vmem>>, vector<16xf32>,
        %swap3A_392 = arith.constant 21584 : index
        %swap3A_393 = tpu.vector_load %arg10[%swap3A_392] {strides = array<i32>} : memref<21760xf32, #tpu.memory_space<vmem>>, vector<16xf32>,
        tpu.vector_store %arg10[%swap3A_392], %get3A_391 {strides = array<i32>} : memref<21760xf32, #tpu.memory_space<vmem>>, vector<16xf32>,
        %get3A_394 = arith.constant 10848 : index
        %get3A_395 = tpu.vector_load %arg8[%get3A_394] {strides = array<i32>} : memref<21760xf32, #tpu.memory_space<vmem>>, vector<16xf32>,
        %swap3A_396 = arith.constant 21600 : index
        %swap3A_397 = tpu.vector_load %arg10[%swap3A_396] {strides = array<i32>} : memref<21760xf32, #tpu.memory_space<vmem>>, vector<16xf32>,
        tpu.vector_store %arg10[%swap3A_396], %get3A_395 {strides = array<i32>} : memref<21760xf32, #tpu.memory_space<vmem>>, vector<16xf32>,
        %get3A_398 = arith.constant 10864 : index
        %get3A_399 = tpu.vector_load %arg8[%get3A_398] {strides = array<i32>} : memref<21760xf32, #tpu.memory_space<vmem>>, vector<16xf32>,
        %swap3A_400 = arith.constant 21616 : index
        %swap3A_401 = tpu.vector_load %arg10[%swap3A_400] {strides = array<i32>} : memref<21760xf32, #tpu.memory_space<vmem>>, vector<16xf32>,
        tpu.vector_store %arg10[%swap3A_400], %get3A_399 {strides = array<i32>} : memref<21760xf32, #tpu.memory_space<vmem>>, vector<16xf32>,
        %get3A_402 = arith.constant 21632 : index
        %get3A_403 = tpu.vector_load %arg8[%get3A_402] {strides = array<i32>} : memref<21760xf32, #tpu.memory_space<vmem>>, vector<16xf32>,
        %swap3A_404 = arith.constant 21632 : index
        %swap3A_405 = tpu.vector_load %arg10[%swap3A_404] {strides = array<i32>} : memref<21760xf32, #tpu.memory_space<vmem>>, vector<16xf32>,
        tpu.vector_store %arg10[%swap3A_404], %get3A_403 {strides = array<i32>} : memref<21760xf32, #tpu.memory_space<vmem>>, vector<16xf32>,
        %get3A_406 = arith.constant 21648 : index
        %get3A_407 = tpu.vector_load %arg8[%get3A_406] {strides = array<i32>} : memref<21760xf32, #tpu.memory_space<vmem>>, vector<16xf32>,
        %swap3A_408 = arith.constant 21648 : index
        %swap3A_409 = tpu.vector_load %arg10[%swap3A_408] {strides = array<i32>} : memref<21760xf32, #tpu.memory_space<vmem>>, vector<16xf32>,
        tpu.vector_store %arg10[%swap3A_408], %get3A_407 {strides = array<i32>} : memref<21760xf32, #tpu.memory_space<vmem>>, vector<16xf32>,
        %get3A_410 = arith.constant 21664 : index
        %get3A_411 = tpu.vector_load %arg8[%get3A_410] {strides = array<i32>} : memref<21760xf32, #tpu.memory_space<vmem>>, vector<16xf32>,
        %swap3A_412 = arith.constant 21664 : index
        %swap3A_413 = tpu.vector_load %arg10[%swap3A_412] {strides = array<i32>} : memref<21760xf32, #tpu.memory_space<vmem>>, vector<16xf32>,
        tpu.vector_store %arg10[%swap3A_412], %get3A_411 {strides = array<i32>} : memref<21760xf32, #tpu.memory_space<vmem>>, vector<16xf32>,
        %get3A_414 = arith.constant 21680 : index
        %get3A_415 = tpu.vector_load %arg8[%get3A_414] {strides = array<i32>} : memref<21760xf32, #tpu.memory_space<vmem>>, vector<16xf32>,
        %swap3A_416 = arith.constant 21680 : index
        %swap3A_417 = tpu.vector_load %arg10[%swap3A_416] {strides = array<i32>} : memref<21760xf32, #tpu.memory_space<vmem>>, vector<16xf32>,
        tpu.vector_store %arg10[%swap3A_416], %get3A_415 {strides = array<i32>} : memref<21760xf32, #tpu.memory_space<vmem>>, vector<16xf32>,
        %get3A_418 = arith.constant 21696 : index
        %get3A_419 = tpu.vector_load %arg8[%get3A_418] {strides = array<i32>} : memref<21760xf32, #tpu.memory_space<vmem>>, vector<16xf32>,
        %swap3A_420 = arith.constant 21696 : index
        %swap3A_421 = tpu.vector_load %arg10[%swap3A_420] {strides = array<i32>} : memref<21760xf32, #tpu.memory_space<vmem>>, vector<16xf32>,
        tpu.vector_store %arg10[%swap3A_420], %get3A_419 {strides = array<i32>} : memref<21760xf32, #tpu.memory_space<vmem>>, vector<16xf32>,
        %get3A_422 = arith.constant 21712 : index
        %get3A_423 = tpu.vector_load %arg8[%get3A_422] {strides = array<i32>} : memref<21760xf32, #tpu.memory_space<vmem>>, vector<16xf32>,
        %swap3A_424 = arith.constant 21712 : index
        %swap3A_425 = tpu.vector_load %arg10[%swap3A_424] {strides = array<i32>} : memref<21760xf32, #tpu.memory_space<vmem>>, vector<16xf32>,
        tpu.vector_store %arg10[%swap3A_424], %get3A_423 {strides = array<i32>} : memref<21760xf32, #tpu.memory_space<vmem>>, vector<16xf32>,
        %get3A_426 = arith.constant 21728 : index
        %get3A_427 = tpu.vector_load %arg8[%get3A_426] {strides = array<i32>} : memref<21760xf32, #tpu.memory_space<vmem>>, vector<16xf32>,
        %swap3A_428 = arith.constant 21728 : index
        %swap3A_429 = tpu.vector_load %arg10[%swap3A_428] {strides = array<i32>} : memref<21760xf32, #tpu.memory_space<vmem>>, vector<16xf32>,
        tpu.vector_store %arg10[%swap3A_428], %get3A_427 {strides = array<i32>} : memref<21760xf32, #tpu.memory_space<vmem>>, vector<16xf32>,
        %get3A_430 = arith.constant 21744 : index
        %get3A_431 = tpu.vector_load %arg8[%get3A_430] {strides = array<i32>} : memref<21760xf32, #tpu.memory_space<vmem>>, vector<16xf32>,
        %swap3A_432 = arith.constant 21744 : index
        %swap3A_433 = tpu.vector_load %arg10[%swap3A_432] {strides = array<i32>} : memref<21760xf32, #tpu.memory_space<vmem>>, vector<16xf32>,
        tpu.vector_store %arg10[%swap3A_432], %get3A_431 {strides = array<i32>} : memref<21760xf32, #tpu.memory_space<vmem>>, vector<16xf32>,
        %add3A_434 = arith.constant 0 : i32
        %add3A_435 = arith.addi %add3A_166, %add3A_434 : i32
        %dma_start3A = arith.constant 0 : i32
        %dma_start3A_436 = tpu.memref_slice %arg10[%dma_start3A] : memref<21760xf32, #tpu.memory_space<vmem>> -> memref<21760xf32, #tpu.memory_space<vmem>>
        %dma_start3A_437 = tpu.memref_slice %arg5[%add3A_435] : memref<13056000xf32, #tpu.memory_space<hbm>> -> memref<21760xf32, #tpu.memory_space<hbm>>
        %dma_start3A_438 = tpu.memref_slice %arg5[%add3A_435] : memref<13056000xf32, #tpu.memory_space<hbm>> -> memref<21760xf32, #tpu.memory_space<hbm>>
        %dma_start3A_439 = arith.constant 0 : i32
        %dma_start3A_440 = tpu.memref_slice %arg10[%dma_start3A_439] : memref<21760xf32, #tpu.memory_space<vmem>> -> memref<21760xf32, #tpu.memory_space<vmem>>
        tpu.enqueue_dma source(%dma_start3A_440 : memref<21760xf32, #tpu.memory_space<vmem>>) target(%dma_start3A_438 : memref<21760xf32, #tpu.memory_space<hbm>>) target_semaphore(%arg15 : memref<!tpu.dma_semaphore, #tpu.memory_space<semaphore_mem>>)
      } else {
      }
      %add3A_226 = arith.constant 1 : i32
      %add3A_227 = arith.addi %while3A_128, %add3A_226 : i32
      %lt3A_228 = arith.cmpi slt, %add3A_227, %sub3A : i32
      %convert_element_type3A_229 = arith.extui %lt3A_228 : i1 to i32
      %cond3A_230 = arith.constant 0 : i32
      %cond3A_231 = arith.cmpi ne, %convert_element_type3A_229, %cond3A_230 : i32
      scf.if %cond3A_231 {
        %add3A_365 = arith.constant 1 : i32
        %add3A_366 = arith.addi %add3A_129, %add3A_365 : i32
        %shift_right_arithmetic3A_367 = arith.constant 4 : i32
        %shift_right_arithmetic3A_368 = arith.shrsi %add3A_366, %shift_right_arithmetic3A_367 : i32
        %shift_left3A_369 = arith.constant 4 : i32
        %shift_left3A_370 = arith.shli %shift_right_arithmetic3A_368, %shift_left3A_369 : i32
        %get3A_371 = arith.index_cast %shift_left3A_370 : i32 to index
        %get3A_372 = tpu.vector_load %arg6[%get3A_371] {strides = array<i32>} : memref<304xf32, #tpu.memory_space<vmem>>, vector<16xf32>,
        %lt3A_373 = arith.cmpf olt, %get3A_1, %get3A_372 : vector<16xf32>
        %select_n3A_374 = arith.select %lt3A_373, %add3A_20, %broadcast_in_dim3A_17 : vector<16xi1>, vector<16xi32>
        %add3A_375 = arith.constant 0 : i32
        %add3A_376 = vector.broadcast %add3A_375 : i32 to vector<16xi32>
        %add3A_377 = arith.addi %add3A_376, %select_n3A_374 : vector<16xi32>
        %lt3A_378 = arith.cmpf olt, %get3A_3, %get3A_372 : vector<16xf32>
        %select_n3A_379 = arith.select %lt3A_378, %add3A_20, %broadcast_in_dim3A_17 : vector<16xi1>, vector<16xi32>
        %add3A_380 = arith.addi %add3A_377, %select_n3A_379 : vector<16xi32>
        %lt3A_381 = arith.cmpf olt, %get3A_5, %get3A_372 : vector<16xf32>
        %select_n3A_382 = arith.select %lt3A_381, %add3A_20, %broadcast_in_dim3A_17 : vector<16xi1>, vector<16xi32>
        %add3A_383 = arith.addi %add3A_380, %select_n3A_382 : vector<16xi32>
        %lt3A_384 = arith.cmpf olt, %get3A_7, %get3A_372 : vector<16xf32>
        %select_n3A_385 = arith.select %lt3A_384, %add3A_20, %broadcast_in_dim3A_17 : vector<16xi1>, vector<16xi32>
        %add3A_386 = arith.addi %add3A_383, %select_n3A_385 : vector<16xi32>
        %sub3A_387 = arith.subi %add3A_366, %shift_left3A_370 : i32
        %add3A_388 = vector.broadcast %sub3A_387 : i32 to vector<16xi32>
        %add3A_389 = arith.addi %broadcast_in_dim3A_17, %add3A_388 : vector<16xi32>
        %eq3A_390 = arith.cmpi eq, %iota3A, %add3A_389 : vector<16xi32>
        %select_n3A_391 = arith.select %eq3A_390, %add3A_386, %broadcast_in_dim3A_17 : vector<16xi1>, vector<16xi32>
        %reduce_sum3A_392 = arith.constant true
        %reduce_sum3A_393 = vector.broadcast %reduce_sum3A_392 : i1 to vector<16xi1>
        %reduce_sum3A_394 = tpu.scan <sum>, %select_n3A_391 masked %reduce_sum3A_393 : vector<16xi32>, vector<16xi1> -> vector<16xi32>
        %reduce_sum3A_395 = vector.extract %reduce_sum3A_394[15] : i32 from vector<16xi32>
        %eq3A_396 = arith.constant 0 : i32
        %eq3A_397 = arith.cmpi eq, %reduce_sum3A_395, %eq3A_396 : i32
        %convert_element_type3A_398 = arith.extui %eq3A_397 : i1 to i32
        %cond3A_399 = arith.constant 0 : i32
        %cond3A_400 = arith.cmpi ne, %convert_element_type3A_398, %cond3A_399 : i32
        scf.if %cond3A_400 {
          %mul3A_401 = arith.constant 43520 : i32
          %mul3A_402 = arith.muli %add3A_366, %mul3A_401 : i32
          %add3A_403 = arith.constant 0 : i32
          %add3A_404 = arith.addi %mul3A_402, %add3A_403 : i32
          %add3A_405 = arith.constant 0 : i32
          %add3A_406 = arith.addi %add3A_404, %add3A_405 : i32
          %dma_start3A = arith.constant 0 : i32
          %dma_start3A_407 = tpu.memref_slice %arg8[%dma_start3A] : memref<21760xf32, #tpu.memory_space<vmem>> -> memref<10880xf32, #tpu.memory_space<vmem>>
          %dma_start3A_408 = tpu.memref_slice %arg2[%add3A_406] : memref<13056000xf32, #tpu.memory_space<hbm>> -> memref<10880xf32, #tpu.memory_space<hbm>>
          %dma_start3A_409 = arith.constant 0 : i32
          %dma_start3A_410 = tpu.memref_slice %arg8[%dma_start3A_409] : memref<21760xf32, #tpu.memory_space<vmem>> -> memref<10880xf32, #tpu.memory_space<vmem>>
          %dma_start3A_411 = tpu.memref_slice %arg2[%add3A_406] : memref<13056000xf32, #tpu.memory_space<hbm>> -> memref<10880xf32, #tpu.memory_space<hbm>>
          tpu.enqueue_dma source(%dma_start3A_411 : memref<10880xf32, #tpu.memory_space<hbm>>) target(%dma_start3A_410 : memref<10880xf32, #tpu.memory_space<vmem>>) target_semaphore(%arg13 : memref<!tpu.dma_semaphore, #tpu.memory_space<semaphore_mem>>)
          %mul3A_412 = arith.constant 43520 : i32
          %mul3A_413 = arith.muli %add3A_366, %mul3A_412 : i32
          %add3A_414 = arith.constant 21760 : i32
          %add3A_415 = arith.addi %mul3A_413, %add3A_414 : i32
          %add3A_416 = arith.constant 0 : i32
          %add3A_417 = arith.addi %add3A_415, %add3A_416 : i32
          %dma_start3A_418 = arith.constant 10880 : i32
          %dma_start3A_419 = tpu.memref_slice %arg8[%dma_start3A_418] : memref<21760xf32, #tpu.memory_space<vmem>> -> memref<10880xf32, #tpu.memory_space<vmem>>
          %dma_start3A_420 = tpu.memref_slice %arg2[%add3A_417] : memref<13056000xf32, #tpu.memory_space<hbm>> -> memref<10880xf32, #tpu.memory_space<hbm>>
          %dma_start3A_421 = arith.constant 10880 : i32
          %dma_start3A_422 = tpu.memref_slice %arg8[%dma_start3A_421] : memref<21760xf32, #tpu.memory_space<vmem>> -> memref<10880xf32, #tpu.memory_space<vmem>>
          %dma_start3A_423 = tpu.memref_slice %arg2[%add3A_417] : memref<13056000xf32, #tpu.memory_space<hbm>> -> memref<10880xf32, #tpu.memory_space<hbm>>
          tpu.enqueue_dma source(%dma_start3A_423 : memref<10880xf32, #tpu.memory_space<hbm>>) target(%dma_start3A_422 : memref<10880xf32, #tpu.memory_space<vmem>>) target_semaphore(%arg13 : memref<!tpu.dma_semaphore, #tpu.memory_space<semaphore_mem>>)
        } else {
        }
      } else {
      }
      %ge3A_232 = arith.constant 1 : i32
      %ge3A_233 = arith.cmpi sge, %while3A_128, %ge3A_232 : i32
      %convert_element_type3A_234 = arith.extui %ge3A_233 : i1 to i32
      %cond3A_235 = arith.constant 0 : i32
      %cond3A_236 = arith.cmpi ne, %convert_element_type3A_234, %cond3A_235 : i32
      scf.if %cond3A_236 {
        %dma_wait3A_365 = arith.constant 0 : i32
        %dma_wait3A_366 = tpu.memref_slice %arg11[%dma_wait3A_365] : memref<21760xf32, #tpu.memory_space<vmem>> -> memref<21760xf32, #tpu.memory_space<vmem>>
        %dma_wait3A_367 = arith.constant 0 : i32
        %dma_wait3A_368 = tpu.memref_slice %arg5[%dma_wait3A_367] : memref<13056000xf32, #tpu.memory_space<hbm>> -> memref<21760xf32, #tpu.memory_space<hbm>>
        %dma_wait3A_369 = arith.constant 0 : i32
        %dma_wait3A_370 = tpu.memref_slice %arg5[%dma_wait3A_369] : memref<13056000xf32, #tpu.memory_space<hbm>> -> memref<21760xf32, #tpu.memory_space<hbm>>
        %dma_wait3A_371 = arith.constant 0 : i32
        %dma_wait3A_372 = tpu.memref_slice %arg11[%dma_wait3A_371] : memref<21760xf32, #tpu.memory_space<vmem>> -> memref<21760xf32, #tpu.memory_space<vmem>>
        tpu.wait_dma2 semaphore(%arg16 : memref<!tpu.dma_semaphore, #tpu.memory_space<semaphore_mem>>) src(%dma_wait3A_372 : memref<21760xf32, #tpu.memory_space<vmem>>) dst(%dma_wait3A_370 : memref<21760xf32, #tpu.memory_space<hbm>>)
      } else {
      }
      %shift_right_arithmetic3A_237 = arith.constant 4 : i32
      %shift_right_arithmetic3A_238 = arith.shrsi %add3A_129, %shift_right_arithmetic3A_237 : i32
      %shift_left3A_239 = arith.constant 4 : i32
      %shift_left3A_240 = arith.shli %shift_right_arithmetic3A_238, %shift_left3A_239 : i32
      %get3A_241 = arith.index_cast %shift_left3A_240 : i32 to index
      %get3A_242 = tpu.vector_load %arg6[%get3A_241] {strides = array<i32>} : memref<304xf32, #tpu.memory_space<vmem>>, vector<16xf32>,
      %lt3A_243 = arith.cmpf olt, %get3A_1, %get3A_242 : vector<16xf32>
      %select_n3A_244 = arith.select %lt3A_243, %add3A_20, %broadcast_in_dim3A_17 : vector<16xi1>, vector<16xi32>
      %add3A_245 = arith.constant 0 : i32
      %add3A_246 = vector.broadcast %add3A_245 : i32 to vector<16xi32>
      %add3A_247 = arith.addi %add3A_246, %select_n3A_244 : vector<16xi32>
      %lt3A_248 = arith.cmpf olt, %get3A_3, %get3A_242 : vector<16xf32>
      %select_n3A_249 = arith.select %lt3A_248, %add3A_20, %broadcast_in_dim3A_17 : vector<16xi1>, vector<16xi32>
      %add3A_250 = arith.addi %add3A_247, %select_n3A_249 : vector<16xi32>
      %lt3A_251 = arith.cmpf olt, %get3A_5, %get3A_242 : vector<16xf32>
      %select_n3A_252 = arith.select %lt3A_251, %add3A_20, %broadcast_in_dim3A_17 : vector<16xi1>, vector<16xi32>
      %add3A_253 = arith.addi %add3A_250, %select_n3A_252 : vector<16xi32>
      %lt3A_254 = arith.cmpf olt, %get3A_7, %get3A_242 : vector<16xf32>
      %select_n3A_255 = arith.select %lt3A_254, %add3A_20, %broadcast_in_dim3A_17 : vector<16xi1>, vector<16xi32>
      %add3A_256 = arith.addi %add3A_253, %select_n3A_255 : vector<16xi32>
      %sub3A_257 = arith.subi %add3A_129, %shift_left3A_240 : i32
      %add3A_258 = vector.broadcast %sub3A_257 : i32 to vector<16xi32>
      %add3A_259 = arith.addi %broadcast_in_dim3A_17, %add3A_258 : vector<16xi32>
      %eq3A_260 = arith.cmpi eq, %iota3A, %add3A_259 : vector<16xi32>
      %select_n3A_261 = arith.select %eq3A_260, %add3A_256, %broadcast_in_dim3A_17 : vector<16xi1>, vector<16xi32>
      %reduce_sum3A_262 = arith.constant true
      %reduce_sum3A_263 = vector.broadcast %reduce_sum3A_262 : i1 to vector<16xi1>
      %reduce_sum3A_264 = tpu.scan <sum>, %select_n3A_261 masked %reduce_sum3A_263 : vector<16xi32>, vector<16xi1> -> vector<16xi32>
      %reduce_sum3A_265 = vector.extract %reduce_sum3A_264[15] : i32 from vector<16xi32>
      %mul3A_266 = arith.constant 43520 : i32
      %mul3A_267 = arith.muli %add3A_129, %mul3A_266 : i32
      %add3A_268 = arith.constant 21760 : i32
      %add3A_269 = arith.addi %mul3A_267, %add3A_268 : i32
      %eq3A_270 = arith.constant 1 : i32
      %eq3A_271 = arith.cmpi eq, %reduce_sum3A_265, %eq3A_270 : i32
      %convert_element_type3A_272 = arith.extui %eq3A_271 : i1 to i32
      %cond3A_273 = arith.constant 0 : i32
      %cond3A_274 = arith.cmpi ne, %convert_element_type3A_272, %cond3A_273 : i32
      scf.if %cond3A_274 {
        %dma_start3A = arith.constant 0 : i32
        %dma_start3A_365 = tpu.memref_slice %arg12[%dma_start3A] : memref<21760xf32, #tpu.memory_space<vmem>> -> memref<11008xf32, #tpu.memory_space<vmem>>
        %dma_start3A_366 = tpu.memref_slice %arg5[%add3A_269] : memref<13056000xf32, #tpu.memory_space<hbm>> -> memref<11008xf32, #tpu.memory_space<hbm>>
        %dma_start3A_367 = tpu.memref_slice %arg5[%add3A_269] : memref<13056000xf32, #tpu.memory_space<hbm>> -> memref<11008xf32, #tpu.memory_space<hbm>>
        %dma_start3A_368 = arith.constant 0 : i32
        %dma_start3A_369 = tpu.memref_slice %arg12[%dma_start3A_368] : memref<21760xf32, #tpu.memory_space<vmem>> -> memref<11008xf32, #tpu.memory_space<vmem>>
        tpu.enqueue_dma source(%dma_start3A_369 : memref<11008xf32, #tpu.memory_space<vmem>>) target(%dma_start3A_367 : memref<11008xf32, #tpu.memory_space<hbm>>) target_semaphore(%arg16 : memref<!tpu.dma_semaphore, #tpu.memory_space<semaphore_mem>>)
      } else {
      }
      %eq3A_275 = arith.constant 2 : i32
      %eq3A_276 = arith.cmpi eq, %reduce_sum3A_265, %eq3A_275 : i32
      %convert_element_type3A_277 = arith.extui %eq3A_276 : i1 to i32
      %cond3A_278 = arith.constant 0 : i32
      %cond3A_279 = arith.cmpi ne, %convert_element_type3A_277, %cond3A_278 : i32
      scf.if %cond3A_279 {
        %dma_start3A = arith.constant 0 : i32
        %dma_start3A_365 = tpu.memref_slice %arg12[%dma_start3A] : memref<21760xf32, #tpu.memory_space<vmem>> -> memref<19200xf32, #tpu.memory_space<vmem>>
        %dma_start3A_366 = tpu.memref_slice %arg5[%add3A_269] : memref<13056000xf32, #tpu.memory_space<hbm>> -> memref<19200xf32, #tpu.memory_space<hbm>>
        %dma_start3A_367 = tpu.memref_slice %arg5[%add3A_269] : memref<13056000xf32, #tpu.memory_space<hbm>> -> memref<19200xf32, #tpu.memory_space<hbm>>
        %dma_start3A_368 = arith.constant 0 : i32
        %dma_start3A_369 = tpu.memref_slice %arg12[%dma_start3A_368] : memref<21760xf32, #tpu.memory_space<vmem>> -> memref<19200xf32, #tpu.memory_space<vmem>>
        tpu.enqueue_dma source(%dma_start3A_369 : memref<19200xf32, #tpu.memory_space<vmem>>) target(%dma_start3A_367 : memref<19200xf32, #tpu.memory_space<hbm>>) target_semaphore(%arg16 : memref<!tpu.dma_semaphore, #tpu.memory_space<semaphore_mem>>)
      } else {
      }
      %eq3A_280 = arith.constant 3 : i32
      %eq3A_281 = arith.cmpi eq, %reduce_sum3A_265, %eq3A_280 : i32
      %convert_element_type3A_282 = arith.extui %eq3A_281 : i1 to i32
      %cond3A_283 = arith.constant 0 : i32
      %cond3A_284 = arith.cmpi ne, %convert_element_type3A_282, %cond3A_283 : i32
      scf.if %cond3A_284 {
        %dma_start3A = arith.constant 0 : i32
        %dma_start3A_365 = tpu.memref_slice %arg12[%dma_start3A] : memref<21760xf32, #tpu.memory_space<vmem>> -> memref<21248xf32, #tpu.memory_space<vmem>>
        %dma_start3A_366 = tpu.memref_slice %arg5[%add3A_269] : memref<13056000xf32, #tpu.memory_space<hbm>> -> memref<21248xf32, #tpu.memory_space<hbm>>
        %dma_start3A_367 = tpu.memref_slice %arg5[%add3A_269] : memref<13056000xf32, #tpu.memory_space<hbm>> -> memref<21248xf32, #tpu.memory_space<hbm>>
        %dma_start3A_368 = arith.constant 0 : i32
        %dma_start3A_369 = tpu.memref_slice %arg12[%dma_start3A_368] : memref<21760xf32, #tpu.memory_space<vmem>> -> memref<21248xf32, #tpu.memory_space<vmem>>
        tpu.enqueue_dma source(%dma_start3A_369 : memref<21248xf32, #tpu.memory_space<vmem>>) target(%dma_start3A_367 : memref<21248xf32, #tpu.memory_space<hbm>>) target_semaphore(%arg16 : memref<!tpu.dma_semaphore, #tpu.memory_space<semaphore_mem>>)
      } else {
      }
      %eq3A_285 = arith.constant 4 : i32
      %eq3A_286 = arith.cmpi eq, %reduce_sum3A_265, %eq3A_285 : i32
      %convert_element_type3A_287 = arith.extui %eq3A_286 : i1 to i32
      %cond3A_288 = arith.constant 0 : i32
      %cond3A_289 = arith.cmpi ne, %convert_element_type3A_287, %cond3A_288 : i32
      scf.if %cond3A_289 {
        %dma_start3A = arith.constant 0 : i32
        %dma_start3A_365 = tpu.memref_slice %arg12[%dma_start3A] : memref<21760xf32, #tpu.memory_space<vmem>> -> memref<21760xf32, #tpu.memory_space<vmem>>
        %dma_start3A_366 = tpu.memref_slice %arg5[%add3A_269] : memref<13056000xf32, #tpu.memory_space<hbm>> -> memref<21760xf32, #tpu.memory_space<hbm>>
        %dma_start3A_367 = tpu.memref_slice %arg5[%add3A_269] : memref<13056000xf32, #tpu.memory_space<hbm>> -> memref<21760xf32, #tpu.memory_space<hbm>>
        %dma_start3A_368 = arith.constant 0 : i32
        %dma_start3A_369 = tpu.memref_slice %arg12[%dma_start3A_368] : memref<21760xf32, #tpu.memory_space<vmem>> -> memref<21760xf32, #tpu.memory_space<vmem>>
        tpu.enqueue_dma source(%dma_start3A_369 : memref<21760xf32, #tpu.memory_space<vmem>>) target(%dma_start3A_367 : memref<21760xf32, #tpu.memory_space<hbm>>) target_semaphore(%arg16 : memref<!tpu.dma_semaphore, #tpu.memory_space<semaphore_mem>>)
      } else {
      }
      %shift_right_arithmetic3A_290 = arith.constant 4 : i32
      %shift_right_arithmetic3A_291 = arith.shrsi %add3A_129, %shift_right_arithmetic3A_290 : i32
      %shift_left3A_292 = arith.constant 4 : i32
      %shift_left3A_293 = arith.shli %shift_right_arithmetic3A_291, %shift_left3A_292 : i32
      %get3A_294 = arith.index_cast %shift_left3A_293 : i32 to index
      %get3A_295 = tpu.vector_load %arg6[%get3A_294] {strides = array<i32>} : memref<304xf32, #tpu.memory_space<vmem>>, vector<16xf32>,
      %lt3A_296 = arith.cmpf olt, %get3A_1, %get3A_295 : vector<16xf32>
      %select_n3A_297 = arith.select %lt3A_296, %add3A_20, %broadcast_in_dim3A_17 : vector<16xi1>, vector<16xi32>
      %add3A_298 = arith.constant 0 : i32
      %add3A_299 = vector.broadcast %add3A_298 : i32 to vector<16xi32>
      %add3A_300 = arith.addi %add3A_299, %select_n3A_297 : vector<16xi32>
      %lt3A_301 = arith.cmpf olt, %get3A_3, %get3A_295 : vector<16xf32>
      %select_n3A_302 = arith.select %lt3A_301, %add3A_20, %broadcast_in_dim3A_17 : vector<16xi1>, vector<16xi32>
      %add3A_303 = arith.addi %add3A_300, %select_n3A_302 : vector<16xi32>
      %lt3A_304 = arith.cmpf olt, %get3A_5, %get3A_295 : vector<16xf32>
      %select_n3A_305 = arith.select %lt3A_304, %add3A_20, %broadcast_in_dim3A_17 : vector<16xi1>, vector<16xi32>
      %add3A_306 = arith.addi %add3A_303, %select_n3A_305 : vector<16xi32>
      %lt3A_307 = arith.cmpf olt, %get3A_7, %get3A_295 : vector<16xf32>
      %select_n3A_308 = arith.select %lt3A_307, %add3A_20, %broadcast_in_dim3A_17 : vector<16xi1>, vector<16xi32>
      %add3A_309 = arith.addi %add3A_306, %select_n3A_308 : vector<16xi32>
      %sub3A_310 = arith.subi %add3A_129, %shift_left3A_293 : i32
      %add3A_311 = vector.broadcast %sub3A_310 : i32 to vector<16xi32>
      %add3A_312 = arith.addi %broadcast_in_dim3A_17, %add3A_311 : vector<16xi32>
      %eq3A_313 = arith.cmpi eq, %iota3A, %add3A_312 : vector<16xi32>
      %select_n3A_314 = arith.select %eq3A_313, %add3A_309, %broadcast_in_dim3A_17 : vector<16xi1>, vector<16xi32>
      %reduce_sum3A_315 = arith.constant true
      %reduce_sum3A_316 = vector.broadcast %reduce_sum3A_315 : i1 to vector<16xi1>
      %reduce_sum3A_317 = tpu.scan <sum>, %select_n3A_314 masked %reduce_sum3A_316 : vector<16xi32>, vector<16xi1> -> vector<16xi32>
      %reduce_sum3A_318 = vector.extract %reduce_sum3A_317[15] : i32 from vector<16xi32>
      %eq3A_319 = arith.constant 0 : i32
      %eq3A_320 = arith.cmpi eq, %reduce_sum3A_318, %eq3A_319 : i32
      %convert_element_type3A_321 = arith.extui %eq3A_320 : i1 to i32
      %cond3A_322 = arith.constant 0 : i32
      %cond3A_323 = arith.cmpi ne, %convert_element_type3A_321, %cond3A_322 : i32
      scf.if %cond3A_323 {
        %dma_wait3A_365 = arith.constant 0 : i32
        %dma_wait3A_366 = tpu.memref_slice %arg9[%dma_wait3A_365] : memref<21760xf32, #tpu.memory_space<vmem>> -> memref<21760xf32, #tpu.memory_space<vmem>>
        %dma_wait3A_367 = arith.constant 0 : i32
        %dma_wait3A_368 = tpu.memref_slice %arg2[%dma_wait3A_367] : memref<13056000xf32, #tpu.memory_space<hbm>> -> memref<21760xf32, #tpu.memory_space<hbm>>
        %dma_wait3A_369 = arith.constant 0 : i32
        %dma_wait3A_370 = tpu.memref_slice %arg9[%dma_wait3A_369] : memref<21760xf32, #tpu.memory_space<vmem>> -> memref<21760xf32, #tpu.memory_space<vmem>>
        %dma_wait3A_371 = arith.constant 0 : i32
        %dma_wait3A_372 = tpu.memref_slice %arg2[%dma_wait3A_371] : memref<13056000xf32, #tpu.memory_space<hbm>> -> memref<21760xf32, #tpu.memory_space<hbm>>
        tpu.wait_dma2 semaphore(%arg14 : memref<!tpu.dma_semaphore, #tpu.memory_space<semaphore_mem>>) src(%dma_wait3A_372 : memref<21760xf32, #tpu.memory_space<hbm>>) dst(%dma_wait3A_370 : memref<21760xf32, #tpu.memory_space<vmem>>)
      } else {
      }
      %eq3A_324 = arith.constant 1 : i32
      %eq3A_325 = arith.cmpi eq, %reduce_sum3A_318, %eq3A_324 : i32
      %convert_element_type3A_326 = arith.extui %eq3A_325 : i1 to i32
      %cond3A_327 = arith.constant 0 : i32
      %cond3A_328 = arith.cmpi ne, %convert_element_type3A_326, %cond3A_327 : i32
      scf.if %cond3A_328 {
        %dma_wait3A_365 = arith.constant 0 : i32
        %dma_wait3A_366 = tpu.memref_slice %arg9[%dma_wait3A_365] : memref<21760xf32, #tpu.memory_space<vmem>> -> memref<10752xf32, #tpu.memory_space<vmem>>
        %dma_wait3A_367 = arith.constant 0 : i32
        %dma_wait3A_368 = tpu.memref_slice %arg2[%dma_wait3A_367] : memref<13056000xf32, #tpu.memory_space<hbm>> -> memref<10752xf32, #tpu.memory_space<hbm>>
        %dma_wait3A_369 = arith.constant 0 : i32
        %dma_wait3A_370 = tpu.memref_slice %arg9[%dma_wait3A_369] : memref<21760xf32, #tpu.memory_space<vmem>> -> memref<10752xf32, #tpu.memory_space<vmem>>
        %dma_wait3A_371 = arith.constant 0 : i32
        %dma_wait3A_372 = tpu.memref_slice %arg2[%dma_wait3A_371] : memref<13056000xf32, #tpu.memory_space<hbm>> -> memref<10752xf32, #tpu.memory_space<hbm>>
        tpu.wait_dma2 semaphore(%arg14 : memref<!tpu.dma_semaphore, #tpu.memory_space<semaphore_mem>>) src(%dma_wait3A_372 : memref<10752xf32, #tpu.memory_space<hbm>>) dst(%dma_wait3A_370 : memref<10752xf32, #tpu.memory_space<vmem>>)
      } else {
      }
      %eq3A_329 = arith.constant 2 : i32
      %eq3A_330 = arith.cmpi eq, %reduce_sum3A_318, %eq3A_329 : i32
      %convert_element_type3A_331 = arith.extui %eq3A_330 : i1 to i32
      %cond3A_332 = arith.constant 0 : i32
      %cond3A_333 = arith.cmpi ne, %convert_element_type3A_331, %cond3A_332 : i32
      scf.if %cond3A_333 {
        %dma_wait3A_365 = arith.constant 0 : i32
        %dma_wait3A_366 = tpu.memref_slice %arg9[%dma_wait3A_365] : memref<21760xf32, #tpu.memory_space<vmem>> -> memref<2560xf32, #tpu.memory_space<vmem>>
        %dma_wait3A_367 = arith.constant 0 : i32
        %dma_wait3A_368 = tpu.memref_slice %arg2[%dma_wait3A_367] : memref<13056000xf32, #tpu.memory_space<hbm>> -> memref<2560xf32, #tpu.memory_space<hbm>>
        %dma_wait3A_369 = arith.constant 0 : i32
        %dma_wait3A_370 = tpu.memref_slice %arg9[%dma_wait3A_369] : memref<21760xf32, #tpu.memory_space<vmem>> -> memref<2560xf32, #tpu.memory_space<vmem>>
        %dma_wait3A_371 = arith.constant 0 : i32
        %dma_wait3A_372 = tpu.memref_slice %arg2[%dma_wait3A_371] : memref<13056000xf32, #tpu.memory_space<hbm>> -> memref<2560xf32, #tpu.memory_space<hbm>>
        tpu.wait_dma2 semaphore(%arg14 : memref<!tpu.dma_semaphore, #tpu.memory_space<semaphore_mem>>) src(%dma_wait3A_372 : memref<2560xf32, #tpu.memory_space<hbm>>) dst(%dma_wait3A_370 : memref<2560xf32, #tpu.memory_space<vmem>>)
      } else {
      }
      %eq3A_334 = arith.constant 3 : i32
      %eq3A_335 = arith.cmpi eq, %reduce_sum3A_318, %eq3A_334 : i32
      %convert_element_type3A_336 = arith.extui %eq3A_335 : i1 to i32
      %cond3A_337 = arith.constant 0 : i32
      %cond3A_338 = arith.cmpi ne, %convert_element_type3A_336, %cond3A_337 : i32
      scf.if %cond3A_338 {
        %dma_wait3A_365 = arith.constant 0 : i32
        %dma_wait3A_366 = tpu.memref_slice %arg9[%dma_wait3A_365] : memref<21760xf32, #tpu.memory_space<vmem>> -> memref<512xf32, #tpu.memory_space<vmem>>
        %dma_wait3A_367 = arith.constant 0 : i32
        %dma_wait3A_368 = tpu.memref_slice %arg2[%dma_wait3A_367] : memref<13056000xf32, #tpu.memory_space<hbm>> -> memref<512xf32, #tpu.memory_space<hbm>>
        %dma_wait3A_369 = arith.constant 0 : i32
        %dma_wait3A_370 = tpu.memref_slice %arg9[%dma_wait3A_369] : memref<21760xf32, #tpu.memory_space<vmem>> -> memref<512xf32, #tpu.memory_space<vmem>>
        %dma_wait3A_371 = arith.constant 0 : i32
        %dma_wait3A_372 = tpu.memref_slice %arg2[%dma_wait3A_371] : memref<13056000xf32, #tpu.memory_space<hbm>> -> memref<512xf32, #tpu.memory_space<hbm>>
        tpu.wait_dma2 semaphore(%arg14 : memref<!tpu.dma_semaphore, #tpu.memory_space<semaphore_mem>>) src(%dma_wait3A_372 : memref<512xf32, #tpu.memory_space<hbm>>) dst(%dma_wait3A_370 : memref<512xf32, #tpu.memory_space<vmem>>)
      } else {
      }
      %eq3A_339 = arith.constant 0 : i32
      %eq3A_340 = arith.cmpi eq, %reduce_sum3A_265, %eq3A_339 : i32
      %convert_element_type3A_341 = arith.extui %eq3A_340 : i1 to i32
      %cond3A_342 = arith.constant 0 : i32
      %cond3A_343 = arith.cmpi ne, %convert_element_type3A_341, %cond3A_342 : i32
      scf.if %cond3A_343 {
        %scan3A_365 = arith.constant 0 : i32
        %scan3A_366 = arith.constant 0 : i32
        %scan3A_367 = arith.constant 42 : i32
        %scan3A_368 = arith.addi %scan3A_366, %scan3A_367 : i32
        %scan3A_369 = arith.constant 1 : i32
        scf.for %scan3A_441 = %scan3A_366 to %scan3A_368 step %scan3A_369  : i32 {
          %mul3A_442 = arith.constant 2 : i32
          %mul3A_443 = arith.muli %scan3A_441, %mul3A_442 : i32
          %add3A_444 = arith.constant 0 : i32
          %add3A_445 = arith.addi %mul3A_443, %add3A_444 : i32
          %add3A_446 = arith.constant 0 : i32
          %add3A_447 = arith.addi %add3A_446, %add3A_445 : i32
          %mul3A_448 = arith.constant 128 : i32
          %mul3A_449 = arith.muli %add3A_447, %mul3A_448 : i32
          %mul3A_450 = arith.constant 256 : i32
          %mul3A_451 = arith.muli %add3A_445, %mul3A_450 : i32
          %add3A_452 = arith.constant 0 : i32
          %add3A_453 = arith.addi %mul3A_451, %add3A_452 : i32
          %add3A_454 = arith.constant 0 : i32
          %add3A_455 = arith.addi %mul3A_449, %add3A_454 : i32
          %get3A_456 = arith.index_cast %add3A_455 : i32 to index
          %get3A_457 = tpu.vector_load %arg9[%get3A_456] {strides = array<i32>} : memref<21760xf32, #tpu.memory_space<vmem>>, vector<16xf32>,
          %add3A_458 = arith.constant 0 : i32
          %add3A_459 = arith.addi %add3A_453, %add3A_458 : i32
          %swap3A_460 = arith.index_cast %add3A_459 : i32 to index
          %swap3A_461 = tpu.vector_load %arg11[%swap3A_460] {strides = array<i32>} : memref<21760xf32, #tpu.memory_space<vmem>>, vector<16xf32>,
          tpu.vector_store %arg11[%swap3A_460], %get3A_457 {strides = array<i32>} : memref<21760xf32, #tpu.memory_space<vmem>>, vector<16xf32>,
          %add3A_462 = arith.constant 16 : i32
          %add3A_463 = arith.addi %mul3A_449, %add3A_462 : i32
          %get3A_464 = arith.index_cast %add3A_463 : i32 to index
          %get3A_465 = tpu.vector_load %arg9[%get3A_464] {strides = array<i32>} : memref<21760xf32, #tpu.memory_space<vmem>>, vector<16xf32>,
          %add3A_466 = arith.constant 16 : i32
          %add3A_467 = arith.addi %add3A_453, %add3A_466 : i32
          %swap3A_468 = arith.index_cast %add3A_467 : i32 to index
          %swap3A_469 = tpu.vector_load %arg11[%swap3A_468] {strides = array<i32>} : memref<21760xf32, #tpu.memory_space<vmem>>, vector<16xf32>,
          tpu.vector_store %arg11[%swap3A_468], %get3A_465 {strides = array<i32>} : memref<21760xf32, #tpu.memory_space<vmem>>, vector<16xf32>,
          %add3A_470 = arith.constant 32 : i32
          %add3A_471 = arith.addi %mul3A_449, %add3A_470 : i32
          %get3A_472 = arith.index_cast %add3A_471 : i32 to index
          %get3A_473 = tpu.vector_load %arg9[%get3A_472] {strides = array<i32>} : memref<21760xf32, #tpu.memory_space<vmem>>, vector<16xf32>,
          %add3A_474 = arith.constant 32 : i32
          %add3A_475 = arith.addi %add3A_453, %add3A_474 : i32
          %swap3A_476 = arith.index_cast %add3A_475 : i32 to index
          %swap3A_477 = tpu.vector_load %arg11[%swap3A_476] {strides = array<i32>} : memref<21760xf32, #tpu.memory_space<vmem>>, vector<16xf32>,
          tpu.vector_store %arg11[%swap3A_476], %get3A_473 {strides = array<i32>} : memref<21760xf32, #tpu.memory_space<vmem>>, vector<16xf32>,
          %add3A_478 = arith.constant 48 : i32
          %add3A_479 = arith.addi %mul3A_449, %add3A_478 : i32
          %get3A_480 = arith.index_cast %add3A_479 : i32 to index
          %get3A_481 = tpu.vector_load %arg9[%get3A_480] {strides = array<i32>} : memref<21760xf32, #tpu.memory_space<vmem>>, vector<16xf32>,
          %add3A_482 = arith.constant 48 : i32
          %add3A_483 = arith.addi %add3A_453, %add3A_482 : i32
          %swap3A_484 = arith.index_cast %add3A_483 : i32 to index
          %swap3A_485 = tpu.vector_load %arg11[%swap3A_484] {strides = array<i32>} : memref<21760xf32, #tpu.memory_space<vmem>>, vector<16xf32>,
          tpu.vector_store %arg11[%swap3A_484], %get3A_481 {strides = array<i32>} : memref<21760xf32, #tpu.memory_space<vmem>>, vector<16xf32>,
          %add3A_486 = arith.constant 64 : i32
          %add3A_487 = arith.addi %mul3A_449, %add3A_486 : i32
          %get3A_488 = arith.index_cast %add3A_487 : i32 to index
          %get3A_489 = tpu.vector_load %arg9[%get3A_488] {strides = array<i32>} : memref<21760xf32, #tpu.memory_space<vmem>>, vector<16xf32>,
          %add3A_490 = arith.constant 64 : i32
          %add3A_491 = arith.addi %add3A_453, %add3A_490 : i32
          %swap3A_492 = arith.index_cast %add3A_491 : i32 to index
          %swap3A_493 = tpu.vector_load %arg11[%swap3A_492] {strides = array<i32>} : memref<21760xf32, #tpu.memory_space<vmem>>, vector<16xf32>,
          tpu.vector_store %arg11[%swap3A_492], %get3A_489 {strides = array<i32>} : memref<21760xf32, #tpu.memory_space<vmem>>, vector<16xf32>,
          %add3A_494 = arith.constant 80 : i32
          %add3A_495 = arith.addi %mul3A_449, %add3A_494 : i32
          %get3A_496 = arith.index_cast %add3A_495 : i32 to index
          %get3A_497 = tpu.vector_load %arg9[%get3A_496] {strides = array<i32>} : memref<21760xf32, #tpu.memory_space<vmem>>, vector<16xf32>,
          %add3A_498 = arith.constant 80 : i32
          %add3A_499 = arith.addi %add3A_453, %add3A_498 : i32
          %swap3A_500 = arith.index_cast %add3A_499 : i32 to index
          %swap3A_501 = tpu.vector_load %arg11[%swap3A_500] {strides = array<i32>} : memref<21760xf32, #tpu.memory_space<vmem>>, vector<16xf32>,
          tpu.vector_store %arg11[%swap3A_500], %get3A_497 {strides = array<i32>} : memref<21760xf32, #tpu.memory_space<vmem>>, vector<16xf32>,
          %add3A_502 = arith.constant 96 : i32
          %add3A_503 = arith.addi %mul3A_449, %add3A_502 : i32
          %get3A_504 = arith.index_cast %add3A_503 : i32 to index
          %get3A_505 = tpu.vector_load %arg9[%get3A_504] {strides = array<i32>} : memref<21760xf32, #tpu.memory_space<vmem>>, vector<16xf32>,
          %add3A_506 = arith.constant 96 : i32
          %add3A_507 = arith.addi %add3A_453, %add3A_506 : i32
          %swap3A_508 = arith.index_cast %add3A_507 : i32 to index
          %swap3A_509 = tpu.vector_load %arg11[%swap3A_508] {strides = array<i32>} : memref<21760xf32, #tpu.memory_space<vmem>>, vector<16xf32>,
          tpu.vector_store %arg11[%swap3A_508], %get3A_505 {strides = array<i32>} : memref<21760xf32, #tpu.memory_space<vmem>>, vector<16xf32>,
          %add3A_510 = arith.constant 112 : i32
          %add3A_511 = arith.addi %mul3A_449, %add3A_510 : i32
          %get3A_512 = arith.index_cast %add3A_511 : i32 to index
          %get3A_513 = tpu.vector_load %arg9[%get3A_512] {strides = array<i32>} : memref<21760xf32, #tpu.memory_space<vmem>>, vector<16xf32>,
          %add3A_514 = arith.constant 112 : i32
          %add3A_515 = arith.addi %add3A_453, %add3A_514 : i32
          %swap3A_516 = arith.index_cast %add3A_515 : i32 to index
          %swap3A_517 = tpu.vector_load %arg11[%swap3A_516] {strides = array<i32>} : memref<21760xf32, #tpu.memory_space<vmem>>, vector<16xf32>,
          tpu.vector_store %arg11[%swap3A_516], %get3A_513 {strides = array<i32>} : memref<21760xf32, #tpu.memory_space<vmem>>, vector<16xf32>,
          %add3A_518 = arith.constant 85 : i32
          %add3A_519 = arith.addi %add3A_518, %add3A_445 : i32
          %mul3A_520 = arith.constant 128 : i32
          %mul3A_521 = arith.muli %add3A_519, %mul3A_520 : i32
          %mul3A_522 = arith.constant 256 : i32
          %mul3A_523 = arith.muli %add3A_445, %mul3A_522 : i32
          %add3A_524 = arith.constant 128 : i32
          %add3A_525 = arith.addi %mul3A_523, %add3A_524 : i32
          %add3A_526 = arith.constant 0 : i32
          %add3A_527 = arith.addi %mul3A_521, %add3A_526 : i32
          %get3A_528 = arith.index_cast %add3A_527 : i32 to index
          %get3A_529 = tpu.vector_load %arg9[%get3A_528] {strides = array<i32>} : memref<21760xf32, #tpu.memory_space<vmem>>, vector<16xf32>,
          %add3A_530 = arith.constant 0 : i32
          %add3A_531 = arith.addi %add3A_525, %add3A_530 : i32
          %swap3A_532 = arith.index_cast %add3A_531 : i32 to index
          %swap3A_533 = tpu.vector_load %arg11[%swap3A_532] {strides = array<i32>} : memref<21760xf32, #tpu.memory_space<vmem>>, vector<16xf32>,
          tpu.vector_store %arg11[%swap3A_532], %get3A_529 {strides = array<i32>} : memref<21760xf32, #tpu.memory_space<vmem>>, vector<16xf32>,
          %add3A_534 = arith.constant 16 : i32
          %add3A_535 = arith.addi %mul3A_521, %add3A_534 : i32
          %get3A_536 = arith.index_cast %add3A_535 : i32 to index
          %get3A_537 = tpu.vector_load %arg9[%get3A_536] {strides = array<i32>} : memref<21760xf32, #tpu.memory_space<vmem>>, vector<16xf32>,
          %add3A_538 = arith.constant 16 : i32
          %add3A_539 = arith.addi %add3A_525, %add3A_538 : i32
          %swap3A_540 = arith.index_cast %add3A_539 : i32 to index
          %swap3A_541 = tpu.vector_load %arg11[%swap3A_540] {strides = array<i32>} : memref<21760xf32, #tpu.memory_space<vmem>>, vector<16xf32>,
          tpu.vector_store %arg11[%swap3A_540], %get3A_537 {strides = array<i32>} : memref<21760xf32, #tpu.memory_space<vmem>>, vector<16xf32>,
          %add3A_542 = arith.constant 32 : i32
          %add3A_543 = arith.addi %mul3A_521, %add3A_542 : i32
          %get3A_544 = arith.index_cast %add3A_543 : i32 to index
          %get3A_545 = tpu.vector_load %arg9[%get3A_544] {strides = array<i32>} : memref<21760xf32, #tpu.memory_space<vmem>>, vector<16xf32>,
          %add3A_546 = arith.constant 32 : i32
          %add3A_547 = arith.addi %add3A_525, %add3A_546 : i32
          %swap3A_548 = arith.index_cast %add3A_547 : i32 to index
          %swap3A_549 = tpu.vector_load %arg11[%swap3A_548] {strides = array<i32>} : memref<21760xf32, #tpu.memory_space<vmem>>, vector<16xf32>,
          tpu.vector_store %arg11[%swap3A_548], %get3A_545 {strides = array<i32>} : memref<21760xf32, #tpu.memory_space<vmem>>, vector<16xf32>,
          %add3A_550 = arith.constant 48 : i32
          %add3A_551 = arith.addi %mul3A_521, %add3A_550 : i32
          %get3A_552 = arith.index_cast %add3A_551 : i32 to index
          %get3A_553 = tpu.vector_load %arg9[%get3A_552] {strides = array<i32>} : memref<21760xf32, #tpu.memory_space<vmem>>, vector<16xf32>,
          %add3A_554 = arith.constant 48 : i32
          %add3A_555 = arith.addi %add3A_525, %add3A_554 : i32
          %swap3A_556 = arith.index_cast %add3A_555 : i32 to index
          %swap3A_557 = tpu.vector_load %arg11[%swap3A_556] {strides = array<i32>} : memref<21760xf32, #tpu.memory_space<vmem>>, vector<16xf32>,
          tpu.vector_store %arg11[%swap3A_556], %get3A_553 {strides = array<i32>} : memref<21760xf32, #tpu.memory_space<vmem>>, vector<16xf32>,
          %add3A_558 = arith.constant 64 : i32
          %add3A_559 = arith.addi %mul3A_521, %add3A_558 : i32
          %get3A_560 = arith.index_cast %add3A_559 : i32 to index
          %get3A_561 = tpu.vector_load %arg9[%get3A_560] {strides = array<i32>} : memref<21760xf32, #tpu.memory_space<vmem>>, vector<16xf32>,
          %add3A_562 = arith.constant 64 : i32
          %add3A_563 = arith.addi %add3A_525, %add3A_562 : i32
          %swap3A_564 = arith.index_cast %add3A_563 : i32 to index
          %swap3A_565 = tpu.vector_load %arg11[%swap3A_564] {strides = array<i32>} : memref<21760xf32, #tpu.memory_space<vmem>>, vector<16xf32>,
          tpu.vector_store %arg11[%swap3A_564], %get3A_561 {strides = array<i32>} : memref<21760xf32, #tpu.memory_space<vmem>>, vector<16xf32>,
          %add3A_566 = arith.constant 80 : i32
          %add3A_567 = arith.addi %mul3A_521, %add3A_566 : i32
          %get3A_568 = arith.index_cast %add3A_567 : i32 to index
          %get3A_569 = tpu.vector_load %arg9[%get3A_568] {strides = array<i32>} : memref<21760xf32, #tpu.memory_space<vmem>>, vector<16xf32>,
          %add3A_570 = arith.constant 80 : i32
          %add3A_571 = arith.addi %add3A_525, %add3A_570 : i32
          %swap3A_572 = arith.index_cast %add3A_571 : i32 to index
          %swap3A_573 = tpu.vector_load %arg11[%swap3A_572] {strides = array<i32>} : memref<21760xf32, #tpu.memory_space<vmem>>, vector<16xf32>,
          tpu.vector_store %arg11[%swap3A_572], %get3A_569 {strides = array<i32>} : memref<21760xf32, #tpu.memory_space<vmem>>, vector<16xf32>,
          %add3A_574 = arith.constant 96 : i32
          %add3A_575 = arith.addi %mul3A_521, %add3A_574 : i32
          %get3A_576 = arith.index_cast %add3A_575 : i32 to index
          %get3A_577 = tpu.vector_load %arg9[%get3A_576] {strides = array<i32>} : memref<21760xf32, #tpu.memory_space<vmem>>, vector<16xf32>,
          %add3A_578 = arith.constant 96 : i32
          %add3A_579 = arith.addi %add3A_525, %add3A_578 : i32
          %swap3A_580 = arith.index_cast %add3A_579 : i32 to index
          %swap3A_581 = tpu.vector_load %arg11[%swap3A_580] {strides = array<i32>} : memref<21760xf32, #tpu.memory_space<vmem>>, vector<16xf32>,
          tpu.vector_store %arg11[%swap3A_580], %get3A_577 {strides = array<i32>} : memref<21760xf32, #tpu.memory_space<vmem>>, vector<16xf32>,
          %add3A_582 = arith.constant 112 : i32
          %add3A_583 = arith.addi %mul3A_521, %add3A_582 : i32
          %get3A_584 = arith.index_cast %add3A_583 : i32 to index
          %get3A_585 = tpu.vector_load %arg9[%get3A_584] {strides = array<i32>} : memref<21760xf32, #tpu.memory_space<vmem>>, vector<16xf32>,
          %add3A_586 = arith.constant 112 : i32
          %add3A_587 = arith.addi %add3A_525, %add3A_586 : i32
          %swap3A_588 = arith.index_cast %add3A_587 : i32 to index
          %swap3A_589 = tpu.vector_load %arg11[%swap3A_588] {strides = array<i32>} : memref<21760xf32, #tpu.memory_space<vmem>>, vector<16xf32>,
          tpu.vector_store %arg11[%swap3A_588], %get3A_585 {strides = array<i32>} : memref<21760xf32, #tpu.memory_space<vmem>>, vector<16xf32>,
          %mul3A_590 = arith.constant 2 : i32
          %mul3A_591 = arith.muli %scan3A_441, %mul3A_590 : i32
          %add3A_592 = arith.constant 1 : i32
          %add3A_593 = arith.addi %mul3A_591, %add3A_592 : i32
          %add3A_594 = arith.constant 0 : i32
          %add3A_595 = arith.addi %add3A_594, %add3A_593 : i32
          %mul3A_596 = arith.constant 128 : i32
          %mul3A_597 = arith.muli %add3A_595, %mul3A_596 : i32
          %mul3A_598 = arith.constant 256 : i32
          %mul3A_599 = arith.muli %add3A_593, %mul3A_598 : i32
          %add3A_600 = arith.constant 0 : i32
          %add3A_601 = arith.addi %mul3A_599, %add3A_600 : i32
          %add3A_602 = arith.constant 0 : i32
          %add3A_603 = arith.addi %mul3A_597, %add3A_602 : i32
          %get3A_604 = arith.index_cast %add3A_603 : i32 to index
          %get3A_605 = tpu.vector_load %arg9[%get3A_604] {strides = array<i32>} : memref<21760xf32, #tpu.memory_space<vmem>>, vector<16xf32>,
          %add3A_606 = arith.constant 0 : i32
          %add3A_607 = arith.addi %add3A_601, %add3A_606 : i32
          %swap3A_608 = arith.index_cast %add3A_607 : i32 to index
          %swap3A_609 = tpu.vector_load %arg11[%swap3A_608] {strides = array<i32>} : memref<21760xf32, #tpu.memory_space<vmem>>, vector<16xf32>,
          tpu.vector_store %arg11[%swap3A_608], %get3A_605 {strides = array<i32>} : memref<21760xf32, #tpu.memory_space<vmem>>, vector<16xf32>,
          %add3A_610 = arith.constant 16 : i32
          %add3A_611 = arith.addi %mul3A_597, %add3A_610 : i32
          %get3A_612 = arith.index_cast %add3A_611 : i32 to index
          %get3A_613 = tpu.vector_load %arg9[%get3A_612] {strides = array<i32>} : memref<21760xf32, #tpu.memory_space<vmem>>, vector<16xf32>,
          %add3A_614 = arith.constant 16 : i32
          %add3A_615 = arith.addi %add3A_601, %add3A_614 : i32
          %swap3A_616 = arith.index_cast %add3A_615 : i32 to index
          %swap3A_617 = tpu.vector_load %arg11[%swap3A_616] {strides = array<i32>} : memref<21760xf32, #tpu.memory_space<vmem>>, vector<16xf32>,
          tpu.vector_store %arg11[%swap3A_616], %get3A_613 {strides = array<i32>} : memref<21760xf32, #tpu.memory_space<vmem>>, vector<16xf32>,
          %add3A_618 = arith.constant 32 : i32
          %add3A_619 = arith.addi %mul3A_597, %add3A_618 : i32
          %get3A_620 = arith.index_cast %add3A_619 : i32 to index
          %get3A_621 = tpu.vector_load %arg9[%get3A_620] {strides = array<i32>} : memref<21760xf32, #tpu.memory_space<vmem>>, vector<16xf32>,
          %add3A_622 = arith.constant 32 : i32
          %add3A_623 = arith.addi %add3A_601, %add3A_622 : i32
          %swap3A_624 = arith.index_cast %add3A_623 : i32 to index
          %swap3A_625 = tpu.vector_load %arg11[%swap3A_624] {strides = array<i32>} : memref<21760xf32, #tpu.memory_space<vmem>>, vector<16xf32>,
          tpu.vector_store %arg11[%swap3A_624], %get3A_621 {strides = array<i32>} : memref<21760xf32, #tpu.memory_space<vmem>>, vector<16xf32>,
          %add3A_626 = arith.constant 48 : i32
          %add3A_627 = arith.addi %mul3A_597, %add3A_626 : i32
          %get3A_628 = arith.index_cast %add3A_627 : i32 to index
          %get3A_629 = tpu.vector_load %arg9[%get3A_628] {strides = array<i32>} : memref<21760xf32, #tpu.memory_space<vmem>>, vector<16xf32>,
          %add3A_630 = arith.constant 48 : i32
          %add3A_631 = arith.addi %add3A_601, %add3A_630 : i32
          %swap3A_632 = arith.index_cast %add3A_631 : i32 to index
          %swap3A_633 = tpu.vector_load %arg11[%swap3A_632] {strides = array<i32>} : memref<21760xf32, #tpu.memory_space<vmem>>, vector<16xf32>,
          tpu.vector_store %arg11[%swap3A_632], %get3A_629 {strides = array<i32>} : memref<21760xf32, #tpu.memory_space<vmem>>, vector<16xf32>,
          %add3A_634 = arith.constant 64 : i32
          %add3A_635 = arith.addi %mul3A_597, %add3A_634 : i32
          %get3A_636 = arith.index_cast %add3A_635 : i32 to index
          %get3A_637 = tpu.vector_load %arg9[%get3A_636] {strides = array<i32>} : memref<21760xf32, #tpu.memory_space<vmem>>, vector<16xf32>,
          %add3A_638 = arith.constant 64 : i32
          %add3A_639 = arith.addi %add3A_601, %add3A_638 : i32
          %swap3A_640 = arith.index_cast %add3A_639 : i32 to index
          %swap3A_641 = tpu.vector_load %arg11[%swap3A_640] {strides = array<i32>} : memref<21760xf32, #tpu.memory_space<vmem>>, vector<16xf32>,
          tpu.vector_store %arg11[%swap3A_640], %get3A_637 {strides = array<i32>} : memref<21760xf32, #tpu.memory_space<vmem>>, vector<16xf32>,
          %add3A_642 = arith.constant 80 : i32
          %add3A_643 = arith.addi %mul3A_597, %add3A_642 : i32
          %get3A_644 = arith.index_cast %add3A_643 : i32 to index
          %get3A_645 = tpu.vector_load %arg9[%get3A_644] {strides = array<i32>} : memref<21760xf32, #tpu.memory_space<vmem>>, vector<16xf32>,
          %add3A_646 = arith.constant 80 : i32
          %add3A_647 = arith.addi %add3A_601, %add3A_646 : i32
          %swap3A_648 = arith.index_cast %add3A_647 : i32 to index
          %swap3A_649 = tpu.vector_load %arg11[%swap3A_648] {strides = array<i32>} : memref<21760xf32, #tpu.memory_space<vmem>>, vector<16xf32>,
          tpu.vector_store %arg11[%swap3A_648], %get3A_645 {strides = array<i32>} : memref<21760xf32, #tpu.memory_space<vmem>>, vector<16xf32>,
          %add3A_650 = arith.constant 96 : i32
          %add3A_651 = arith.addi %mul3A_597, %add3A_650 : i32
          %get3A_652 = arith.index_cast %add3A_651 : i32 to index
          %get3A_653 = tpu.vector_load %arg9[%get3A_652] {strides = array<i32>} : memref<21760xf32, #tpu.memory_space<vmem>>, vector<16xf32>,
          %add3A_654 = arith.constant 96 : i32
          %add3A_655 = arith.addi %add3A_601, %add3A_654 : i32
          %swap3A_656 = arith.index_cast %add3A_655 : i32 to index
          %swap3A_657 = tpu.vector_load %arg11[%swap3A_656] {strides = array<i32>} : memref<21760xf32, #tpu.memory_space<vmem>>, vector<16xf32>,
          tpu.vector_store %arg11[%swap3A_656], %get3A_653 {strides = array<i32>} : memref<21760xf32, #tpu.memory_space<vmem>>, vector<16xf32>,
          %add3A_658 = arith.constant 112 : i32
          %add3A_659 = arith.addi %mul3A_597, %add3A_658 : i32
          %get3A_660 = arith.index_cast %add3A_659 : i32 to index
          %get3A_661 = tpu.vector_load %arg9[%get3A_660] {strides = array<i32>} : memref<21760xf32, #tpu.memory_space<vmem>>, vector<16xf32>,
          %add3A_662 = arith.constant 112 : i32
          %add3A_663 = arith.addi %add3A_601, %add3A_662 : i32
          %swap3A_664 = arith.index_cast %add3A_663 : i32 to index
          %swap3A_665 = tpu.vector_load %arg11[%swap3A_664] {strides = array<i32>} : memref<21760xf32, #tpu.memory_space<vmem>>, vector<16xf32>,
          tpu.vector_store %arg11[%swap3A_664], %get3A_661 {strides = array<i32>} : memref<21760xf32, #tpu.memory_space<vmem>>, vector<16xf32>,
          %add3A_666 = arith.constant 85 : i32
          %add3A_667 = arith.addi %add3A_666, %add3A_593 : i32
          %mul3A_668 = arith.constant 128 : i32
          %mul3A_669 = arith.muli %add3A_667, %mul3A_668 : i32
          %mul3A_670 = arith.constant 256 : i32
          %mul3A_671 = arith.muli %add3A_593, %mul3A_670 : i32
          %add3A_672 = arith.constant 128 : i32
          %add3A_673 = arith.addi %mul3A_671, %add3A_672 : i32
          %add3A_674 = arith.constant 0 : i32
          %add3A_675 = arith.addi %mul3A_669, %add3A_674 : i32
          %get3A_676 = arith.index_cast %add3A_675 : i32 to index
          %get3A_677 = tpu.vector_load %arg9[%get3A_676] {strides = array<i32>} : memref<21760xf32, #tpu.memory_space<vmem>>, vector<16xf32>,
          %add3A_678 = arith.constant 0 : i32
          %add3A_679 = arith.addi %add3A_673, %add3A_678 : i32
          %swap3A_680 = arith.index_cast %add3A_679 : i32 to index
          %swap3A_681 = tpu.vector_load %arg11[%swap3A_680] {strides = array<i32>} : memref<21760xf32, #tpu.memory_space<vmem>>, vector<16xf32>,
          tpu.vector_store %arg11[%swap3A_680], %get3A_677 {strides = array<i32>} : memref<21760xf32, #tpu.memory_space<vmem>>, vector<16xf32>,
          %add3A_682 = arith.constant 16 : i32
          %add3A_683 = arith.addi %mul3A_669, %add3A_682 : i32
          %get3A_684 = arith.index_cast %add3A_683 : i32 to index
          %get3A_685 = tpu.vector_load %arg9[%get3A_684] {strides = array<i32>} : memref<21760xf32, #tpu.memory_space<vmem>>, vector<16xf32>,
          %add3A_686 = arith.constant 16 : i32
          %add3A_687 = arith.addi %add3A_673, %add3A_686 : i32
          %swap3A_688 = arith.index_cast %add3A_687 : i32 to index
          %swap3A_689 = tpu.vector_load %arg11[%swap3A_688] {strides = array<i32>} : memref<21760xf32, #tpu.memory_space<vmem>>, vector<16xf32>,
          tpu.vector_store %arg11[%swap3A_688], %get3A_685 {strides = array<i32>} : memref<21760xf32, #tpu.memory_space<vmem>>, vector<16xf32>,
          %add3A_690 = arith.constant 32 : i32
          %add3A_691 = arith.addi %mul3A_669, %add3A_690 : i32
          %get3A_692 = arith.index_cast %add3A_691 : i32 to index
          %get3A_693 = tpu.vector_load %arg9[%get3A_692] {strides = array<i32>} : memref<21760xf32, #tpu.memory_space<vmem>>, vector<16xf32>,
          %add3A_694 = arith.constant 32 : i32
          %add3A_695 = arith.addi %add3A_673, %add3A_694 : i32
          %swap3A_696 = arith.index_cast %add3A_695 : i32 to index
          %swap3A_697 = tpu.vector_load %arg11[%swap3A_696] {strides = array<i32>} : memref<21760xf32, #tpu.memory_space<vmem>>, vector<16xf32>,
          tpu.vector_store %arg11[%swap3A_696], %get3A_693 {strides = array<i32>} : memref<21760xf32, #tpu.memory_space<vmem>>, vector<16xf32>,
          %add3A_698 = arith.constant 48 : i32
          %add3A_699 = arith.addi %mul3A_669, %add3A_698 : i32
          %get3A_700 = arith.index_cast %add3A_699 : i32 to index
          %get3A_701 = tpu.vector_load %arg9[%get3A_700] {strides = array<i32>} : memref<21760xf32, #tpu.memory_space<vmem>>, vector<16xf32>,
          %add3A_702 = arith.constant 48 : i32
          %add3A_703 = arith.addi %add3A_673, %add3A_702 : i32
          %swap3A_704 = arith.index_cast %add3A_703 : i32 to index
          %swap3A_705 = tpu.vector_load %arg11[%swap3A_704] {strides = array<i32>} : memref<21760xf32, #tpu.memory_space<vmem>>, vector<16xf32>,
          tpu.vector_store %arg11[%swap3A_704], %get3A_701 {strides = array<i32>} : memref<21760xf32, #tpu.memory_space<vmem>>, vector<16xf32>,
          %add3A_706 = arith.constant 64 : i32
          %add3A_707 = arith.addi %mul3A_669, %add3A_706 : i32
          %get3A_708 = arith.index_cast %add3A_707 : i32 to index
          %get3A_709 = tpu.vector_load %arg9[%get3A_708] {strides = array<i32>} : memref<21760xf32, #tpu.memory_space<vmem>>, vector<16xf32>,
          %add3A_710 = arith.constant 64 : i32
          %add3A_711 = arith.addi %add3A_673, %add3A_710 : i32
          %swap3A_712 = arith.index_cast %add3A_711 : i32 to index
          %swap3A_713 = tpu.vector_load %arg11[%swap3A_712] {strides = array<i32>} : memref<21760xf32, #tpu.memory_space<vmem>>, vector<16xf32>,
          tpu.vector_store %arg11[%swap3A_712], %get3A_709 {strides = array<i32>} : memref<21760xf32, #tpu.memory_space<vmem>>, vector<16xf32>,
          %add3A_714 = arith.constant 80 : i32
          %add3A_715 = arith.addi %mul3A_669, %add3A_714 : i32
          %get3A_716 = arith.index_cast %add3A_715 : i32 to index
          %get3A_717 = tpu.vector_load %arg9[%get3A_716] {strides = array<i32>} : memref<21760xf32, #tpu.memory_space<vmem>>, vector<16xf32>,
          %add3A_718 = arith.constant 80 : i32
          %add3A_719 = arith.addi %add3A_673, %add3A_718 : i32
          %swap3A_720 = arith.index_cast %add3A_719 : i32 to index
          %swap3A_721 = tpu.vector_load %arg11[%swap3A_720] {strides = array<i32>} : memref<21760xf32, #tpu.memory_space<vmem>>, vector<16xf32>,
          tpu.vector_store %arg11[%swap3A_720], %get3A_717 {strides = array<i32>} : memref<21760xf32, #tpu.memory_space<vmem>>, vector<16xf32>,
          %add3A_722 = arith.constant 96 : i32
          %add3A_723 = arith.addi %mul3A_669, %add3A_722 : i32
          %get3A_724 = arith.index_cast %add3A_723 : i32 to index
          %get3A_725 = tpu.vector_load %arg9[%get3A_724] {strides = array<i32>} : memref<21760xf32, #tpu.memory_space<vmem>>, vector<16xf32>,
          %add3A_726 = arith.constant 96 : i32
          %add3A_727 = arith.addi %add3A_673, %add3A_726 : i32
          %swap3A_728 = arith.index_cast %add3A_727 : i32 to index
          %swap3A_729 = tpu.vector_load %arg11[%swap3A_728] {strides = array<i32>} : memref<21760xf32, #tpu.memory_space<vmem>>, vector<16xf32>,
          tpu.vector_store %arg11[%swap3A_728], %get3A_725 {strides = array<i32>} : memref<21760xf32, #tpu.memory_space<vmem>>, vector<16xf32>,
          %add3A_730 = arith.constant 112 : i32
          %add3A_731 = arith.addi %mul3A_669, %add3A_730 : i32
          %get3A_732 = arith.index_cast %add3A_731 : i32 to index
          %get3A_733 = tpu.vector_load %arg9[%get3A_732] {strides = array<i32>} : memref<21760xf32, #tpu.memory_space<vmem>>, vector<16xf32>,
          %add3A_734 = arith.constant 112 : i32
          %add3A_735 = arith.addi %add3A_673, %add3A_734 : i32
          %swap3A_736 = arith.index_cast %add3A_735 : i32 to index
          %swap3A_737 = tpu.vector_load %arg11[%swap3A_736] {strides = array<i32>} : memref<21760xf32, #tpu.memory_space<vmem>>, vector<16xf32>,
          tpu.vector_store %arg11[%swap3A_736], %get3A_733 {strides = array<i32>} : memref<21760xf32, #tpu.memory_space<vmem>>, vector<16xf32>,
        }
        %scan3A_370 = arith.constant 42 : i32
        %get3A_371 = arith.constant 10752 : index
        %get3A_372 = tpu.vector_load %arg9[%get3A_371] {strides = array<i32>} : memref<21760xf32, #tpu.memory_space<vmem>>, vector<16xf32>,
        %swap3A = arith.constant 21504 : index
        %swap3A_373 = tpu.vector_load %arg11[%swap3A] {strides = array<i32>} : memref<21760xf32, #tpu.memory_space<vmem>>, vector<16xf32>,
        tpu.vector_store %arg11[%swap3A], %get3A_372 {strides = array<i32>} : memref<21760xf32, #tpu.memory_space<vmem>>, vector<16xf32>,
        %get3A_374 = arith.constant 10768 : index
        %get3A_375 = tpu.vector_load %arg9[%get3A_374] {strides = array<i32>} : memref<21760xf32, #tpu.memory_space<vmem>>, vector<16xf32>,
        %swap3A_376 = arith.constant 21520 : index
        %swap3A_377 = tpu.vector_load %arg11[%swap3A_376] {strides = array<i32>} : memref<21760xf32, #tpu.memory_space<vmem>>, vector<16xf32>,
        tpu.vector_store %arg11[%swap3A_376], %get3A_375 {strides = array<i32>} : memref<21760xf32, #tpu.memory_space<vmem>>, vector<16xf32>,
        %get3A_378 = arith.constant 10784 : index
        %get3A_379 = tpu.vector_load %arg9[%get3A_378] {strides = array<i32>} : memref<21760xf32, #tpu.memory_space<vmem>>, vector<16xf32>,
        %swap3A_380 = arith.constant 21536 : index
        %swap3A_381 = tpu.vector_load %arg11[%swap3A_380] {strides = array<i32>} : memref<21760xf32, #tpu.memory_space<vmem>>, vector<16xf32>,
        tpu.vector_store %arg11[%swap3A_380], %get3A_379 {strides = array<i32>} : memref<21760xf32, #tpu.memory_space<vmem>>, vector<16xf32>,
        %get3A_382 = arith.constant 10800 : index
        %get3A_383 = tpu.vector_load %arg9[%get3A_382] {strides = array<i32>} : memref<21760xf32, #tpu.memory_space<vmem>>, vector<16xf32>,
        %swap3A_384 = arith.constant 21552 : index
        %swap3A_385 = tpu.vector_load %arg11[%swap3A_384] {strides = array<i32>} : memref<21760xf32, #tpu.memory_space<vmem>>, vector<16xf32>,
        tpu.vector_store %arg11[%swap3A_384], %get3A_383 {strides = array<i32>} : memref<21760xf32, #tpu.memory_space<vmem>>, vector<16xf32>,
        %get3A_386 = arith.constant 10816 : index
        %get3A_387 = tpu.vector_load %arg9[%get3A_386] {strides = array<i32>} : memref<21760xf32, #tpu.memory_space<vmem>>, vector<16xf32>,
        %swap3A_388 = arith.constant 21568 : index
        %swap3A_389 = tpu.vector_load %arg11[%swap3A_388] {strides = array<i32>} : memref<21760xf32, #tpu.memory_space<vmem>>, vector<16xf32>,
        tpu.vector_store %arg11[%swap3A_388], %get3A_387 {strides = array<i32>} : memref<21760xf32, #tpu.memory_space<vmem>>, vector<16xf32>,
        %get3A_390 = arith.constant 10832 : index
        %get3A_391 = tpu.vector_load %arg9[%get3A_390] {strides = array<i32>} : memref<21760xf32, #tpu.memory_space<vmem>>, vector<16xf32>,
        %swap3A_392 = arith.constant 21584 : index
        %swap3A_393 = tpu.vector_load %arg11[%swap3A_392] {strides = array<i32>} : memref<21760xf32, #tpu.memory_space<vmem>>, vector<16xf32>,
        tpu.vector_store %arg11[%swap3A_392], %get3A_391 {strides = array<i32>} : memref<21760xf32, #tpu.memory_space<vmem>>, vector<16xf32>,
        %get3A_394 = arith.constant 10848 : index
        %get3A_395 = tpu.vector_load %arg9[%get3A_394] {strides = array<i32>} : memref<21760xf32, #tpu.memory_space<vmem>>, vector<16xf32>,
        %swap3A_396 = arith.constant 21600 : index
        %swap3A_397 = tpu.vector_load %arg11[%swap3A_396] {strides = array<i32>} : memref<21760xf32, #tpu.memory_space<vmem>>, vector<16xf32>,
        tpu.vector_store %arg11[%swap3A_396], %get3A_395 {strides = array<i32>} : memref<21760xf32, #tpu.memory_space<vmem>>, vector<16xf32>,
        %get3A_398 = arith.constant 10864 : index
        %get3A_399 = tpu.vector_load %arg9[%get3A_398] {strides = array<i32>} : memref<21760xf32, #tpu.memory_space<vmem>>, vector<16xf32>,
        %swap3A_400 = arith.constant 21616 : index
        %swap3A_401 = tpu.vector_load %arg11[%swap3A_400] {strides = array<i32>} : memref<21760xf32, #tpu.memory_space<vmem>>, vector<16xf32>,
        tpu.vector_store %arg11[%swap3A_400], %get3A_399 {strides = array<i32>} : memref<21760xf32, #tpu.memory_space<vmem>>, vector<16xf32>,
        %get3A_402 = arith.constant 21632 : index
        %get3A_403 = tpu.vector_load %arg9[%get3A_402] {strides = array<i32>} : memref<21760xf32, #tpu.memory_space<vmem>>, vector<16xf32>,
        %swap3A_404 = arith.constant 21632 : index
        %swap3A_405 = tpu.vector_load %arg11[%swap3A_404] {strides = array<i32>} : memref<21760xf32, #tpu.memory_space<vmem>>, vector<16xf32>,
        tpu.vector_store %arg11[%swap3A_404], %get3A_403 {strides = array<i32>} : memref<21760xf32, #tpu.memory_space<vmem>>, vector<16xf32>,
        %get3A_406 = arith.constant 21648 : index
        %get3A_407 = tpu.vector_load %arg9[%get3A_406] {strides = array<i32>} : memref<21760xf32, #tpu.memory_space<vmem>>, vector<16xf32>,
        %swap3A_408 = arith.constant 21648 : index
        %swap3A_409 = tpu.vector_load %arg11[%swap3A_408] {strides = array<i32>} : memref<21760xf32, #tpu.memory_space<vmem>>, vector<16xf32>,
        tpu.vector_store %arg11[%swap3A_408], %get3A_407 {strides = array<i32>} : memref<21760xf32, #tpu.memory_space<vmem>>, vector<16xf32>,
        %get3A_410 = arith.constant 21664 : index
        %get3A_411 = tpu.vector_load %arg9[%get3A_410] {strides = array<i32>} : memref<21760xf32, #tpu.memory_space<vmem>>, vector<16xf32>,
        %swap3A_412 = arith.constant 21664 : index
        %swap3A_413 = tpu.vector_load %arg11[%swap3A_412] {strides = array<i32>} : memref<21760xf32, #tpu.memory_space<vmem>>, vector<16xf32>,
        tpu.vector_store %arg11[%swap3A_412], %get3A_411 {strides = array<i32>} : memref<21760xf32, #tpu.memory_space<vmem>>, vector<16xf32>,
        %get3A_414 = arith.constant 21680 : index
        %get3A_415 = tpu.vector_load %arg9[%get3A_414] {strides = array<i32>} : memref<21760xf32, #tpu.memory_space<vmem>>, vector<16xf32>,
        %swap3A_416 = arith.constant 21680 : index
        %swap3A_417 = tpu.vector_load %arg11[%swap3A_416] {strides = array<i32>} : memref<21760xf32, #tpu.memory_space<vmem>>, vector<16xf32>,
        tpu.vector_store %arg11[%swap3A_416], %get3A_415 {strides = array<i32>} : memref<21760xf32, #tpu.memory_space<vmem>>, vector<16xf32>,
        %get3A_418 = arith.constant 21696 : index
        %get3A_419 = tpu.vector_load %arg9[%get3A_418] {strides = array<i32>} : memref<21760xf32, #tpu.memory_space<vmem>>, vector<16xf32>,
        %swap3A_420 = arith.constant 21696 : index
        %swap3A_421 = tpu.vector_load %arg11[%swap3A_420] {strides = array<i32>} : memref<21760xf32, #tpu.memory_space<vmem>>, vector<16xf32>,
        tpu.vector_store %arg11[%swap3A_420], %get3A_419 {strides = array<i32>} : memref<21760xf32, #tpu.memory_space<vmem>>, vector<16xf32>,
        %get3A_422 = arith.constant 21712 : index
        %get3A_423 = tpu.vector_load %arg9[%get3A_422] {strides = array<i32>} : memref<21760xf32, #tpu.memory_space<vmem>>, vector<16xf32>,
        %swap3A_424 = arith.constant 21712 : index
        %swap3A_425 = tpu.vector_load %arg11[%swap3A_424] {strides = array<i32>} : memref<21760xf32, #tpu.memory_space<vmem>>, vector<16xf32>,
        tpu.vector_store %arg11[%swap3A_424], %get3A_423 {strides = array<i32>} : memref<21760xf32, #tpu.memory_space<vmem>>, vector<16xf32>,
        %get3A_426 = arith.constant 21728 : index
        %get3A_427 = tpu.vector_load %arg9[%get3A_426] {strides = array<i32>} : memref<21760xf32, #tpu.memory_space<vmem>>, vector<16xf32>,
        %swap3A_428 = arith.constant 21728 : index
        %swap3A_429 = tpu.vector_load %arg11[%swap3A_428] {strides = array<i32>} : memref<21760xf32, #tpu.memory_space<vmem>>, vector<16xf32>,
        tpu.vector_store %arg11[%swap3A_428], %get3A_427 {strides = array<i32>} : memref<21760xf32, #tpu.memory_space<vmem>>, vector<16xf32>,
        %get3A_430 = arith.constant 21744 : index
        %get3A_431 = tpu.vector_load %arg9[%get3A_430] {strides = array<i32>} : memref<21760xf32, #tpu.memory_space<vmem>>, vector<16xf32>,
        %swap3A_432 = arith.constant 21744 : index
        %swap3A_433 = tpu.vector_load %arg11[%swap3A_432] {strides = array<i32>} : memref<21760xf32, #tpu.memory_space<vmem>>, vector<16xf32>,
        tpu.vector_store %arg11[%swap3A_432], %get3A_431 {strides = array<i32>} : memref<21760xf32, #tpu.memory_space<vmem>>, vector<16xf32>,
        %add3A_434 = arith.constant 0 : i32
        %add3A_435 = arith.addi %add3A_269, %add3A_434 : i32
        %dma_start3A = arith.constant 0 : i32
        %dma_start3A_436 = tpu.memref_slice %arg11[%dma_start3A] : memref<21760xf32, #tpu.memory_space<vmem>> -> memref<21760xf32, #tpu.memory_space<vmem>>
        %dma_start3A_437 = tpu.memref_slice %arg5[%add3A_435] : memref<13056000xf32, #tpu.memory_space<hbm>> -> memref<21760xf32, #tpu.memory_space<hbm>>
        %dma_start3A_438 = tpu.memref_slice %arg5[%add3A_435] : memref<13056000xf32, #tpu.memory_space<hbm>> -> memref<21760xf32, #tpu.memory_space<hbm>>
        %dma_start3A_439 = arith.constant 0 : i32
        %dma_start3A_440 = tpu.memref_slice %arg11[%dma_start3A_439] : memref<21760xf32, #tpu.memory_space<vmem>> -> memref<21760xf32, #tpu.memory_space<vmem>>
        tpu.enqueue_dma source(%dma_start3A_440 : memref<21760xf32, #tpu.memory_space<vmem>>) target(%dma_start3A_438 : memref<21760xf32, #tpu.memory_space<hbm>>) target_semaphore(%arg16 : memref<!tpu.dma_semaphore, #tpu.memory_space<semaphore_mem>>)
      } else {
      }
      %eq3A_344 = arith.constant 1 : i32
      %eq3A_345 = arith.cmpi eq, %reduce_sum3A_265, %eq3A_344 : i32
      %convert_element_type3A_346 = arith.extui %eq3A_345 : i1 to i32
      %cond3A_347 = arith.constant 0 : i32
      %cond3A_348 = arith.cmpi ne, %convert_element_type3A_346, %cond3A_347 : i32
      scf.if %cond3A_348 {
        %scan3A_365 = arith.constant 0 : i32
        %scan3A_366 = arith.constant 0 : i32
        %scan3A_367 = arith.constant 21 : i32
        %scan3A_368 = arith.addi %scan3A_366, %scan3A_367 : i32
        %scan3A_369 = arith.constant 1 : i32
        scf.for %scan3A_378 = %scan3A_366 to %scan3A_368 step %scan3A_369  : i32 {
          %mul3A_379 = arith.constant 2 : i32
          %mul3A_380 = arith.muli %scan3A_378, %mul3A_379 : i32
          %add3A_381 = arith.constant 0 : i32
          %add3A_382 = arith.addi %mul3A_380, %add3A_381 : i32
          %add3A_383 = arith.constant 0 : i32
          %add3A_384 = arith.addi %add3A_383, %add3A_382 : i32
          %mul3A_385 = arith.constant 128 : i32
          %mul3A_386 = arith.muli %add3A_384, %mul3A_385 : i32
          %mul3A_387 = arith.constant 256 : i32
          %mul3A_388 = arith.muli %add3A_382, %mul3A_387 : i32
          %add3A_389 = arith.constant 0 : i32
          %add3A_390 = arith.addi %mul3A_388, %add3A_389 : i32
          %add3A_391 = arith.constant 0 : i32
          %add3A_392 = arith.addi %mul3A_386, %add3A_391 : i32
          %get3A_393 = arith.index_cast %add3A_392 : i32 to index
          %get3A_394 = tpu.vector_load %arg9[%get3A_393] {strides = array<i32>} : memref<21760xf32, #tpu.memory_space<vmem>>, vector<16xf32>,
          %add3A_395 = arith.constant 0 : i32
          %add3A_396 = arith.addi %add3A_390, %add3A_395 : i32
          %swap3A = arith.index_cast %add3A_396 : i32 to index
          %swap3A_397 = tpu.vector_load %arg11[%swap3A] {strides = array<i32>} : memref<21760xf32, #tpu.memory_space<vmem>>, vector<16xf32>,
          tpu.vector_store %arg11[%swap3A], %get3A_394 {strides = array<i32>} : memref<21760xf32, #tpu.memory_space<vmem>>, vector<16xf32>,
          %add3A_398 = arith.constant 16 : i32
          %add3A_399 = arith.addi %mul3A_386, %add3A_398 : i32
          %get3A_400 = arith.index_cast %add3A_399 : i32 to index
          %get3A_401 = tpu.vector_load %arg9[%get3A_400] {strides = array<i32>} : memref<21760xf32, #tpu.memory_space<vmem>>, vector<16xf32>,
          %add3A_402 = arith.constant 16 : i32
          %add3A_403 = arith.addi %add3A_390, %add3A_402 : i32
          %swap3A_404 = arith.index_cast %add3A_403 : i32 to index
          %swap3A_405 = tpu.vector_load %arg11[%swap3A_404] {strides = array<i32>} : memref<21760xf32, #tpu.memory_space<vmem>>, vector<16xf32>,
          tpu.vector_store %arg11[%swap3A_404], %get3A_401 {strides = array<i32>} : memref<21760xf32, #tpu.memory_space<vmem>>, vector<16xf32>,
          %add3A_406 = arith.constant 32 : i32
          %add3A_407 = arith.addi %mul3A_386, %add3A_406 : i32
          %get3A_408 = arith.index_cast %add3A_407 : i32 to index
          %get3A_409 = tpu.vector_load %arg9[%get3A_408] {strides = array<i32>} : memref<21760xf32, #tpu.memory_space<vmem>>, vector<16xf32>,
          %add3A_410 = arith.constant 32 : i32
          %add3A_411 = arith.addi %add3A_390, %add3A_410 : i32
          %swap3A_412 = arith.index_cast %add3A_411 : i32 to index
          %swap3A_413 = tpu.vector_load %arg11[%swap3A_412] {strides = array<i32>} : memref<21760xf32, #tpu.memory_space<vmem>>, vector<16xf32>,
          tpu.vector_store %arg11[%swap3A_412], %get3A_409 {strides = array<i32>} : memref<21760xf32, #tpu.memory_space<vmem>>, vector<16xf32>,
          %add3A_414 = arith.constant 48 : i32
          %add3A_415 = arith.addi %mul3A_386, %add3A_414 : i32
          %get3A_416 = arith.index_cast %add3A_415 : i32 to index
          %get3A_417 = tpu.vector_load %arg9[%get3A_416] {strides = array<i32>} : memref<21760xf32, #tpu.memory_space<vmem>>, vector<16xf32>,
          %add3A_418 = arith.constant 48 : i32
          %add3A_419 = arith.addi %add3A_390, %add3A_418 : i32
          %swap3A_420 = arith.index_cast %add3A_419 : i32 to index
          %swap3A_421 = tpu.vector_load %arg11[%swap3A_420] {strides = array<i32>} : memref<21760xf32, #tpu.memory_space<vmem>>, vector<16xf32>,
          tpu.vector_store %arg11[%swap3A_420], %get3A_417 {strides = array<i32>} : memref<21760xf32, #tpu.memory_space<vmem>>, vector<16xf32>,
          %add3A_422 = arith.constant 64 : i32
          %add3A_423 = arith.addi %mul3A_386, %add3A_422 : i32
          %get3A_424 = arith.index_cast %add3A_423 : i32 to index
          %get3A_425 = tpu.vector_load %arg9[%get3A_424] {strides = array<i32>} : memref<21760xf32, #tpu.memory_space<vmem>>, vector<16xf32>,
          %add3A_426 = arith.constant 64 : i32
          %add3A_427 = arith.addi %add3A_390, %add3A_426 : i32
          %swap3A_428 = arith.index_cast %add3A_427 : i32 to index
          %swap3A_429 = tpu.vector_load %arg11[%swap3A_428] {strides = array<i32>} : memref<21760xf32, #tpu.memory_space<vmem>>, vector<16xf32>,
          tpu.vector_store %arg11[%swap3A_428], %get3A_425 {strides = array<i32>} : memref<21760xf32, #tpu.memory_space<vmem>>, vector<16xf32>,
          %add3A_430 = arith.constant 80 : i32
          %add3A_431 = arith.addi %mul3A_386, %add3A_430 : i32
          %get3A_432 = arith.index_cast %add3A_431 : i32 to index
          %get3A_433 = tpu.vector_load %arg9[%get3A_432] {strides = array<i32>} : memref<21760xf32, #tpu.memory_space<vmem>>, vector<16xf32>,
          %add3A_434 = arith.constant 80 : i32
          %add3A_435 = arith.addi %add3A_390, %add3A_434 : i32
          %swap3A_436 = arith.index_cast %add3A_435 : i32 to index
          %swap3A_437 = tpu.vector_load %arg11[%swap3A_436] {strides = array<i32>} : memref<21760xf32, #tpu.memory_space<vmem>>, vector<16xf32>,
          tpu.vector_store %arg11[%swap3A_436], %get3A_433 {strides = array<i32>} : memref<21760xf32, #tpu.memory_space<vmem>>, vector<16xf32>,
          %add3A_438 = arith.constant 96 : i32
          %add3A_439 = arith.addi %mul3A_386, %add3A_438 : i32
          %get3A_440 = arith.index_cast %add3A_439 : i32 to index
          %get3A_441 = tpu.vector_load %arg9[%get3A_440] {strides = array<i32>} : memref<21760xf32, #tpu.memory_space<vmem>>, vector<16xf32>,
          %add3A_442 = arith.constant 96 : i32
          %add3A_443 = arith.addi %add3A_390, %add3A_442 : i32
          %swap3A_444 = arith.index_cast %add3A_443 : i32 to index
          %swap3A_445 = tpu.vector_load %arg11[%swap3A_444] {strides = array<i32>} : memref<21760xf32, #tpu.memory_space<vmem>>, vector<16xf32>,
          tpu.vector_store %arg11[%swap3A_444], %get3A_441 {strides = array<i32>} : memref<21760xf32, #tpu.memory_space<vmem>>, vector<16xf32>,
          %add3A_446 = arith.constant 112 : i32
          %add3A_447 = arith.addi %mul3A_386, %add3A_446 : i32
          %get3A_448 = arith.index_cast %add3A_447 : i32 to index
          %get3A_449 = tpu.vector_load %arg9[%get3A_448] {strides = array<i32>} : memref<21760xf32, #tpu.memory_space<vmem>>, vector<16xf32>,
          %add3A_450 = arith.constant 112 : i32
          %add3A_451 = arith.addi %add3A_390, %add3A_450 : i32
          %swap3A_452 = arith.index_cast %add3A_451 : i32 to index
          %swap3A_453 = tpu.vector_load %arg11[%swap3A_452] {strides = array<i32>} : memref<21760xf32, #tpu.memory_space<vmem>>, vector<16xf32>,
          tpu.vector_store %arg11[%swap3A_452], %get3A_449 {strides = array<i32>} : memref<21760xf32, #tpu.memory_space<vmem>>, vector<16xf32>,
          %add3A_454 = arith.constant 42 : i32
          %add3A_455 = arith.addi %add3A_454, %add3A_382 : i32
          %mul3A_456 = arith.constant 128 : i32
          %mul3A_457 = arith.muli %add3A_455, %mul3A_456 : i32
          %mul3A_458 = arith.constant 256 : i32
          %mul3A_459 = arith.muli %add3A_382, %mul3A_458 : i32
          %add3A_460 = arith.constant 128 : i32
          %add3A_461 = arith.addi %mul3A_459, %add3A_460 : i32
          %add3A_462 = arith.constant 0 : i32
          %add3A_463 = arith.addi %mul3A_457, %add3A_462 : i32
          %get3A_464 = arith.index_cast %add3A_463 : i32 to index
          %get3A_465 = tpu.vector_load %arg9[%get3A_464] {strides = array<i32>} : memref<21760xf32, #tpu.memory_space<vmem>>, vector<16xf32>,
          %add3A_466 = arith.constant 0 : i32
          %add3A_467 = arith.addi %add3A_461, %add3A_466 : i32
          %swap3A_468 = arith.index_cast %add3A_467 : i32 to index
          %swap3A_469 = tpu.vector_load %arg11[%swap3A_468] {strides = array<i32>} : memref<21760xf32, #tpu.memory_space<vmem>>, vector<16xf32>,
          tpu.vector_store %arg11[%swap3A_468], %get3A_465 {strides = array<i32>} : memref<21760xf32, #tpu.memory_space<vmem>>, vector<16xf32>,
          %add3A_470 = arith.constant 16 : i32
          %add3A_471 = arith.addi %mul3A_457, %add3A_470 : i32
          %get3A_472 = arith.index_cast %add3A_471 : i32 to index
          %get3A_473 = tpu.vector_load %arg9[%get3A_472] {strides = array<i32>} : memref<21760xf32, #tpu.memory_space<vmem>>, vector<16xf32>,
          %add3A_474 = arith.constant 16 : i32
          %add3A_475 = arith.addi %add3A_461, %add3A_474 : i32
          %swap3A_476 = arith.index_cast %add3A_475 : i32 to index
          %swap3A_477 = tpu.vector_load %arg11[%swap3A_476] {strides = array<i32>} : memref<21760xf32, #tpu.memory_space<vmem>>, vector<16xf32>,
          tpu.vector_store %arg11[%swap3A_476], %get3A_473 {strides = array<i32>} : memref<21760xf32, #tpu.memory_space<vmem>>, vector<16xf32>,
          %add3A_478 = arith.constant 32 : i32
          %add3A_479 = arith.addi %mul3A_457, %add3A_478 : i32
          %get3A_480 = arith.index_cast %add3A_479 : i32 to index
          %get3A_481 = tpu.vector_load %arg9[%get3A_480] {strides = array<i32>} : memref<21760xf32, #tpu.memory_space<vmem>>, vector<16xf32>,
          %add3A_482 = arith.constant 32 : i32
          %add3A_483 = arith.addi %add3A_461, %add3A_482 : i32
          %swap3A_484 = arith.index_cast %add3A_483 : i32 to index
          %swap3A_485 = tpu.vector_load %arg11[%swap3A_484] {strides = array<i32>} : memref<21760xf32, #tpu.memory_space<vmem>>, vector<16xf32>,
          tpu.vector_store %arg11[%swap3A_484], %get3A_481 {strides = array<i32>} : memref<21760xf32, #tpu.memory_space<vmem>>, vector<16xf32>,
          %add3A_486 = arith.constant 48 : i32
          %add3A_487 = arith.addi %mul3A_457, %add3A_486 : i32
          %get3A_488 = arith.index_cast %add3A_487 : i32 to index
          %get3A_489 = tpu.vector_load %arg9[%get3A_488] {strides = array<i32>} : memref<21760xf32, #tpu.memory_space<vmem>>, vector<16xf32>,
          %add3A_490 = arith.constant 48 : i32
          %add3A_491 = arith.addi %add3A_461, %add3A_490 : i32
          %swap3A_492 = arith.index_cast %add3A_491 : i32 to index
          %swap3A_493 = tpu.vector_load %arg11[%swap3A_492] {strides = array<i32>} : memref<21760xf32, #tpu.memory_space<vmem>>, vector<16xf32>,
          tpu.vector_store %arg11[%swap3A_492], %get3A_489 {strides = array<i32>} : memref<21760xf32, #tpu.memory_space<vmem>>, vector<16xf32>,
          %add3A_494 = arith.constant 64 : i32
          %add3A_495 = arith.addi %mul3A_457, %add3A_494 : i32
          %get3A_496 = arith.index_cast %add3A_495 : i32 to index
          %get3A_497 = tpu.vector_load %arg9[%get3A_496] {strides = array<i32>} : memref<21760xf32, #tpu.memory_space<vmem>>, vector<16xf32>,
          %add3A_498 = arith.constant 64 : i32
          %add3A_499 = arith.addi %add3A_461, %add3A_498 : i32
          %swap3A_500 = arith.index_cast %add3A_499 : i32 to index
          %swap3A_501 = tpu.vector_load %arg11[%swap3A_500] {strides = array<i32>} : memref<21760xf32, #tpu.memory_space<vmem>>, vector<16xf32>,
          tpu.vector_store %arg11[%swap3A_500], %get3A_497 {strides = array<i32>} : memref<21760xf32, #tpu.memory_space<vmem>>, vector<16xf32>,
          %add3A_502 = arith.constant 80 : i32
          %add3A_503 = arith.addi %mul3A_457, %add3A_502 : i32
          %get3A_504 = arith.index_cast %add3A_503 : i32 to index
          %get3A_505 = tpu.vector_load %arg9[%get3A_504] {strides = array<i32>} : memref<21760xf32, #tpu.memory_space<vmem>>, vector<16xf32>,
          %add3A_506 = arith.constant 80 : i32
          %add3A_507 = arith.addi %add3A_461, %add3A_506 : i32
          %swap3A_508 = arith.index_cast %add3A_507 : i32 to index
          %swap3A_509 = tpu.vector_load %arg11[%swap3A_508] {strides = array<i32>} : memref<21760xf32, #tpu.memory_space<vmem>>, vector<16xf32>,
          tpu.vector_store %arg11[%swap3A_508], %get3A_505 {strides = array<i32>} : memref<21760xf32, #tpu.memory_space<vmem>>, vector<16xf32>,
          %add3A_510 = arith.constant 96 : i32
          %add3A_511 = arith.addi %mul3A_457, %add3A_510 : i32
          %get3A_512 = arith.index_cast %add3A_511 : i32 to index
          %get3A_513 = tpu.vector_load %arg9[%get3A_512] {strides = array<i32>} : memref<21760xf32, #tpu.memory_space<vmem>>, vector<16xf32>,
          %add3A_514 = arith.constant 96 : i32
          %add3A_515 = arith.addi %add3A_461, %add3A_514 : i32
          %swap3A_516 = arith.index_cast %add3A_515 : i32 to index
          %swap3A_517 = tpu.vector_load %arg11[%swap3A_516] {strides = array<i32>} : memref<21760xf32, #tpu.memory_space<vmem>>, vector<16xf32>,
          tpu.vector_store %arg11[%swap3A_516], %get3A_513 {strides = array<i32>} : memref<21760xf32, #tpu.memory_space<vmem>>, vector<16xf32>,
          %add3A_518 = arith.constant 112 : i32
          %add3A_519 = arith.addi %mul3A_457, %add3A_518 : i32
          %get3A_520 = arith.index_cast %add3A_519 : i32 to index
          %get3A_521 = tpu.vector_load %arg9[%get3A_520] {strides = array<i32>} : memref<21760xf32, #tpu.memory_space<vmem>>, vector<16xf32>,
          %add3A_522 = arith.constant 112 : i32
          %add3A_523 = arith.addi %add3A_461, %add3A_522 : i32
          %swap3A_524 = arith.index_cast %add3A_523 : i32 to index
          %swap3A_525 = tpu.vector_load %arg11[%swap3A_524] {strides = array<i32>} : memref<21760xf32, #tpu.memory_space<vmem>>, vector<16xf32>,
          tpu.vector_store %arg11[%swap3A_524], %get3A_521 {strides = array<i32>} : memref<21760xf32, #tpu.memory_space<vmem>>, vector<16xf32>,
          %mul3A_526 = arith.constant 2 : i32
          %mul3A_527 = arith.muli %scan3A_378, %mul3A_526 : i32
          %add3A_528 = arith.constant 1 : i32
          %add3A_529 = arith.addi %mul3A_527, %add3A_528 : i32
          %add3A_530 = arith.constant 0 : i32
          %add3A_531 = arith.addi %add3A_530, %add3A_529 : i32
          %mul3A_532 = arith.constant 128 : i32
          %mul3A_533 = arith.muli %add3A_531, %mul3A_532 : i32
          %mul3A_534 = arith.constant 256 : i32
          %mul3A_535 = arith.muli %add3A_529, %mul3A_534 : i32
          %add3A_536 = arith.constant 0 : i32
          %add3A_537 = arith.addi %mul3A_535, %add3A_536 : i32
          %add3A_538 = arith.constant 0 : i32
          %add3A_539 = arith.addi %mul3A_533, %add3A_538 : i32
          %get3A_540 = arith.index_cast %add3A_539 : i32 to index
          %get3A_541 = tpu.vector_load %arg9[%get3A_540] {strides = array<i32>} : memref<21760xf32, #tpu.memory_space<vmem>>, vector<16xf32>,
          %add3A_542 = arith.constant 0 : i32
          %add3A_543 = arith.addi %add3A_537, %add3A_542 : i32
          %swap3A_544 = arith.index_cast %add3A_543 : i32 to index
          %swap3A_545 = tpu.vector_load %arg11[%swap3A_544] {strides = array<i32>} : memref<21760xf32, #tpu.memory_space<vmem>>, vector<16xf32>,
          tpu.vector_store %arg11[%swap3A_544], %get3A_541 {strides = array<i32>} : memref<21760xf32, #tpu.memory_space<vmem>>, vector<16xf32>,
          %add3A_546 = arith.constant 16 : i32
          %add3A_547 = arith.addi %mul3A_533, %add3A_546 : i32
          %get3A_548 = arith.index_cast %add3A_547 : i32 to index
          %get3A_549 = tpu.vector_load %arg9[%get3A_548] {strides = array<i32>} : memref<21760xf32, #tpu.memory_space<vmem>>, vector<16xf32>,
          %add3A_550 = arith.constant 16 : i32
          %add3A_551 = arith.addi %add3A_537, %add3A_550 : i32
          %swap3A_552 = arith.index_cast %add3A_551 : i32 to index
          %swap3A_553 = tpu.vector_load %arg11[%swap3A_552] {strides = array<i32>} : memref<21760xf32, #tpu.memory_space<vmem>>, vector<16xf32>,
          tpu.vector_store %arg11[%swap3A_552], %get3A_549 {strides = array<i32>} : memref<21760xf32, #tpu.memory_space<vmem>>, vector<16xf32>,
          %add3A_554 = arith.constant 32 : i32
          %add3A_555 = arith.addi %mul3A_533, %add3A_554 : i32
          %get3A_556 = arith.index_cast %add3A_555 : i32 to index
          %get3A_557 = tpu.vector_load %arg9[%get3A_556] {strides = array<i32>} : memref<21760xf32, #tpu.memory_space<vmem>>, vector<16xf32>,
          %add3A_558 = arith.constant 32 : i32
          %add3A_559 = arith.addi %add3A_537, %add3A_558 : i32
          %swap3A_560 = arith.index_cast %add3A_559 : i32 to index
          %swap3A_561 = tpu.vector_load %arg11[%swap3A_560] {strides = array<i32>} : memref<21760xf32, #tpu.memory_space<vmem>>, vector<16xf32>,
          tpu.vector_store %arg11[%swap3A_560], %get3A_557 {strides = array<i32>} : memref<21760xf32, #tpu.memory_space<vmem>>, vector<16xf32>,
          %add3A_562 = arith.constant 48 : i32
          %add3A_563 = arith.addi %mul3A_533, %add3A_562 : i32
          %get3A_564 = arith.index_cast %add3A_563 : i32 to index
          %get3A_565 = tpu.vector_load %arg9[%get3A_564] {strides = array<i32>} : memref<21760xf32, #tpu.memory_space<vmem>>, vector<16xf32>,
          %add3A_566 = arith.constant 48 : i32
          %add3A_567 = arith.addi %add3A_537, %add3A_566 : i32
          %swap3A_568 = arith.index_cast %add3A_567 : i32 to index
          %swap3A_569 = tpu.vector_load %arg11[%swap3A_568] {strides = array<i32>} : memref<21760xf32, #tpu.memory_space<vmem>>, vector<16xf32>,
          tpu.vector_store %arg11[%swap3A_568], %get3A_565 {strides = array<i32>} : memref<21760xf32, #tpu.memory_space<vmem>>, vector<16xf32>,
          %add3A_570 = arith.constant 64 : i32
          %add3A_571 = arith.addi %mul3A_533, %add3A_570 : i32
          %get3A_572 = arith.index_cast %add3A_571 : i32 to index
          %get3A_573 = tpu.vector_load %arg9[%get3A_572] {strides = array<i32>} : memref<21760xf32, #tpu.memory_space<vmem>>, vector<16xf32>,
          %add3A_574 = arith.constant 64 : i32
          %add3A_575 = arith.addi %add3A_537, %add3A_574 : i32
          %swap3A_576 = arith.index_cast %add3A_575 : i32 to index
          %swap3A_577 = tpu.vector_load %arg11[%swap3A_576] {strides = array<i32>} : memref<21760xf32, #tpu.memory_space<vmem>>, vector<16xf32>,
          tpu.vector_store %arg11[%swap3A_576], %get3A_573 {strides = array<i32>} : memref<21760xf32, #tpu.memory_space<vmem>>, vector<16xf32>,
          %add3A_578 = arith.constant 80 : i32
          %add3A_579 = arith.addi %mul3A_533, %add3A_578 : i32
          %get3A_580 = arith.index_cast %add3A_579 : i32 to index
          %get3A_581 = tpu.vector_load %arg9[%get3A_580] {strides = array<i32>} : memref<21760xf32, #tpu.memory_space<vmem>>, vector<16xf32>,
          %add3A_582 = arith.constant 80 : i32
          %add3A_583 = arith.addi %add3A_537, %add3A_582 : i32
          %swap3A_584 = arith.index_cast %add3A_583 : i32 to index
          %swap3A_585 = tpu.vector_load %arg11[%swap3A_584] {strides = array<i32>} : memref<21760xf32, #tpu.memory_space<vmem>>, vector<16xf32>,
          tpu.vector_store %arg11[%swap3A_584], %get3A_581 {strides = array<i32>} : memref<21760xf32, #tpu.memory_space<vmem>>, vector<16xf32>,
          %add3A_586 = arith.constant 96 : i32
          %add3A_587 = arith.addi %mul3A_533, %add3A_586 : i32
          %get3A_588 = arith.index_cast %add3A_587 : i32 to index
          %get3A_589 = tpu.vector_load %arg9[%get3A_588] {strides = array<i32>} : memref<21760xf32, #tpu.memory_space<vmem>>, vector<16xf32>,
          %add3A_590 = arith.constant 96 : i32
          %add3A_591 = arith.addi %add3A_537, %add3A_590 : i32
          %swap3A_592 = arith.index_cast %add3A_591 : i32 to index
          %swap3A_593 = tpu.vector_load %arg11[%swap3A_592] {strides = array<i32>} : memref<21760xf32, #tpu.memory_space<vmem>>, vector<16xf32>,
          tpu.vector_store %arg11[%swap3A_592], %get3A_589 {strides = array<i32>} : memref<21760xf32, #tpu.memory_space<vmem>>, vector<16xf32>,
          %add3A_594 = arith.constant 112 : i32
          %add3A_595 = arith.addi %mul3A_533, %add3A_594 : i32
          %get3A_596 = arith.index_cast %add3A_595 : i32 to index
          %get3A_597 = tpu.vector_load %arg9[%get3A_596] {strides = array<i32>} : memref<21760xf32, #tpu.memory_space<vmem>>, vector<16xf32>,
          %add3A_598 = arith.constant 112 : i32
          %add3A_599 = arith.addi %add3A_537, %add3A_598 : i32
          %swap3A_600 = arith.index_cast %add3A_599 : i32 to index
          %swap3A_601 = tpu.vector_load %arg11[%swap3A_600] {strides = array<i32>} : memref<21760xf32, #tpu.memory_space<vmem>>, vector<16xf32>,
          tpu.vector_store %arg11[%swap3A_600], %get3A_597 {strides = array<i32>} : memref<21760xf32, #tpu.memory_space<vmem>>, vector<16xf32>,
          %add3A_602 = arith.constant 42 : i32
          %add3A_603 = arith.addi %add3A_602, %add3A_529 : i32
          %mul3A_604 = arith.constant 128 : i32
          %mul3A_605 = arith.muli %add3A_603, %mul3A_604 : i32
          %mul3A_606 = arith.constant 256 : i32
          %mul3A_607 = arith.muli %add3A_529, %mul3A_606 : i32
          %add3A_608 = arith.constant 128 : i32
          %add3A_609 = arith.addi %mul3A_607, %add3A_608 : i32
          %add3A_610 = arith.constant 0 : i32
          %add3A_611 = arith.addi %mul3A_605, %add3A_610 : i32
          %get3A_612 = arith.index_cast %add3A_611 : i32 to index
          %get3A_613 = tpu.vector_load %arg9[%get3A_612] {strides = array<i32>} : memref<21760xf32, #tpu.memory_space<vmem>>, vector<16xf32>,
          %add3A_614 = arith.constant 0 : i32
          %add3A_615 = arith.addi %add3A_609, %add3A_614 : i32
          %swap3A_616 = arith.index_cast %add3A_615 : i32 to index
          %swap3A_617 = tpu.vector_load %arg11[%swap3A_616] {strides = array<i32>} : memref<21760xf32, #tpu.memory_space<vmem>>, vector<16xf32>,
          tpu.vector_store %arg11[%swap3A_616], %get3A_613 {strides = array<i32>} : memref<21760xf32, #tpu.memory_space<vmem>>, vector<16xf32>,
          %add3A_618 = arith.constant 16 : i32
          %add3A_619 = arith.addi %mul3A_605, %add3A_618 : i32
          %get3A_620 = arith.index_cast %add3A_619 : i32 to index
          %get3A_621 = tpu.vector_load %arg9[%get3A_620] {strides = array<i32>} : memref<21760xf32, #tpu.memory_space<vmem>>, vector<16xf32>,
          %add3A_622 = arith.constant 16 : i32
          %add3A_623 = arith.addi %add3A_609, %add3A_622 : i32
          %swap3A_624 = arith.index_cast %add3A_623 : i32 to index
          %swap3A_625 = tpu.vector_load %arg11[%swap3A_624] {strides = array<i32>} : memref<21760xf32, #tpu.memory_space<vmem>>, vector<16xf32>,
          tpu.vector_store %arg11[%swap3A_624], %get3A_621 {strides = array<i32>} : memref<21760xf32, #tpu.memory_space<vmem>>, vector<16xf32>,
          %add3A_626 = arith.constant 32 : i32
          %add3A_627 = arith.addi %mul3A_605, %add3A_626 : i32
          %get3A_628 = arith.index_cast %add3A_627 : i32 to index
          %get3A_629 = tpu.vector_load %arg9[%get3A_628] {strides = array<i32>} : memref<21760xf32, #tpu.memory_space<vmem>>, vector<16xf32>,
          %add3A_630 = arith.constant 32 : i32
          %add3A_631 = arith.addi %add3A_609, %add3A_630 : i32
          %swap3A_632 = arith.index_cast %add3A_631 : i32 to index
          %swap3A_633 = tpu.vector_load %arg11[%swap3A_632] {strides = array<i32>} : memref<21760xf32, #tpu.memory_space<vmem>>, vector<16xf32>,
          tpu.vector_store %arg11[%swap3A_632], %get3A_629 {strides = array<i32>} : memref<21760xf32, #tpu.memory_space<vmem>>, vector<16xf32>,
          %add3A_634 = arith.constant 48 : i32
          %add3A_635 = arith.addi %mul3A_605, %add3A_634 : i32
          %get3A_636 = arith.index_cast %add3A_635 : i32 to index
          %get3A_637 = tpu.vector_load %arg9[%get3A_636] {strides = array<i32>} : memref<21760xf32, #tpu.memory_space<vmem>>, vector<16xf32>,
          %add3A_638 = arith.constant 48 : i32
          %add3A_639 = arith.addi %add3A_609, %add3A_638 : i32
          %swap3A_640 = arith.index_cast %add3A_639 : i32 to index
          %swap3A_641 = tpu.vector_load %arg11[%swap3A_640] {strides = array<i32>} : memref<21760xf32, #tpu.memory_space<vmem>>, vector<16xf32>,
          tpu.vector_store %arg11[%swap3A_640], %get3A_637 {strides = array<i32>} : memref<21760xf32, #tpu.memory_space<vmem>>, vector<16xf32>,
          %add3A_642 = arith.constant 64 : i32
          %add3A_643 = arith.addi %mul3A_605, %add3A_642 : i32
          %get3A_644 = arith.index_cast %add3A_643 : i32 to index
          %get3A_645 = tpu.vector_load %arg9[%get3A_644] {strides = array<i32>} : memref<21760xf32, #tpu.memory_space<vmem>>, vector<16xf32>,
          %add3A_646 = arith.constant 64 : i32
          %add3A_647 = arith.addi %add3A_609, %add3A_646 : i32
          %swap3A_648 = arith.index_cast %add3A_647 : i32 to index
          %swap3A_649 = tpu.vector_load %arg11[%swap3A_648] {strides = array<i32>} : memref<21760xf32, #tpu.memory_space<vmem>>, vector<16xf32>,
          tpu.vector_store %arg11[%swap3A_648], %get3A_645 {strides = array<i32>} : memref<21760xf32, #tpu.memory_space<vmem>>, vector<16xf32>,
          %add3A_650 = arith.constant 80 : i32
          %add3A_651 = arith.addi %mul3A_605, %add3A_650 : i32
          %get3A_652 = arith.index_cast %add3A_651 : i32 to index
          %get3A_653 = tpu.vector_load %arg9[%get3A_652] {strides = array<i32>} : memref<21760xf32, #tpu.memory_space<vmem>>, vector<16xf32>,
          %add3A_654 = arith.constant 80 : i32
          %add3A_655 = arith.addi %add3A_609, %add3A_654 : i32
          %swap3A_656 = arith.index_cast %add3A_655 : i32 to index
          %swap3A_657 = tpu.vector_load %arg11[%swap3A_656] {strides = array<i32>} : memref<21760xf32, #tpu.memory_space<vmem>>, vector<16xf32>,
          tpu.vector_store %arg11[%swap3A_656], %get3A_653 {strides = array<i32>} : memref<21760xf32, #tpu.memory_space<vmem>>, vector<16xf32>,
          %add3A_658 = arith.constant 96 : i32
          %add3A_659 = arith.addi %mul3A_605, %add3A_658 : i32
          %get3A_660 = arith.index_cast %add3A_659 : i32 to index
          %get3A_661 = tpu.vector_load %arg9[%get3A_660] {strides = array<i32>} : memref<21760xf32, #tpu.memory_space<vmem>>, vector<16xf32>,
          %add3A_662 = arith.constant 96 : i32
          %add3A_663 = arith.addi %add3A_609, %add3A_662 : i32
          %swap3A_664 = arith.index_cast %add3A_663 : i32 to index
          %swap3A_665 = tpu.vector_load %arg11[%swap3A_664] {strides = array<i32>} : memref<21760xf32, #tpu.memory_space<vmem>>, vector<16xf32>,
          tpu.vector_store %arg11[%swap3A_664], %get3A_661 {strides = array<i32>} : memref<21760xf32, #tpu.memory_space<vmem>>, vector<16xf32>,
          %add3A_666 = arith.constant 112 : i32
          %add3A_667 = arith.addi %mul3A_605, %add3A_666 : i32
          %get3A_668 = arith.index_cast %add3A_667 : i32 to index
          %get3A_669 = tpu.vector_load %arg9[%get3A_668] {strides = array<i32>} : memref<21760xf32, #tpu.memory_space<vmem>>, vector<16xf32>,
          %add3A_670 = arith.constant 112 : i32
          %add3A_671 = arith.addi %add3A_609, %add3A_670 : i32
          %swap3A_672 = arith.index_cast %add3A_671 : i32 to index
          %swap3A_673 = tpu.vector_load %arg11[%swap3A_672] {strides = array<i32>} : memref<21760xf32, #tpu.memory_space<vmem>>, vector<16xf32>,
          tpu.vector_store %arg11[%swap3A_672], %get3A_669 {strides = array<i32>} : memref<21760xf32, #tpu.memory_space<vmem>>, vector<16xf32>,
        }
        %scan3A_370 = arith.constant 21 : i32
        %add3A_371 = arith.constant 11008 : i32
        %add3A_372 = arith.addi %add3A_269, %add3A_371 : i32
        %dma_start3A = arith.constant 0 : i32
        %dma_start3A_373 = tpu.memref_slice %arg11[%dma_start3A] : memref<21760xf32, #tpu.memory_space<vmem>> -> memref<10752xf32, #tpu.memory_space<vmem>>
        %dma_start3A_374 = tpu.memref_slice %arg5[%add3A_372] : memref<13056000xf32, #tpu.memory_space<hbm>> -> memref<10752xf32, #tpu.memory_space<hbm>>
        %dma_start3A_375 = tpu.memref_slice %arg5[%add3A_372] : memref<13056000xf32, #tpu.memory_space<hbm>> -> memref<10752xf32, #tpu.memory_space<hbm>>
        %dma_start3A_376 = arith.constant 0 : i32
        %dma_start3A_377 = tpu.memref_slice %arg11[%dma_start3A_376] : memref<21760xf32, #tpu.memory_space<vmem>> -> memref<10752xf32, #tpu.memory_space<vmem>>
        tpu.enqueue_dma source(%dma_start3A_377 : memref<10752xf32, #tpu.memory_space<vmem>>) target(%dma_start3A_375 : memref<10752xf32, #tpu.memory_space<hbm>>) target_semaphore(%arg16 : memref<!tpu.dma_semaphore, #tpu.memory_space<semaphore_mem>>)
      } else {
      }
      %eq3A_349 = arith.constant 2 : i32
      %eq3A_350 = arith.cmpi eq, %reduce_sum3A_265, %eq3A_349 : i32
      %convert_element_type3A_351 = arith.extui %eq3A_350 : i1 to i32
      %cond3A_352 = arith.constant 0 : i32
      %cond3A_353 = arith.cmpi ne, %convert_element_type3A_351, %cond3A_352 : i32
      scf.if %cond3A_353 {
        %scan3A_365 = arith.constant 0 : i32
        %scan3A_366 = arith.constant 0 : i32
        %scan3A_367 = arith.constant 5 : i32
        %scan3A_368 = arith.addi %scan3A_366, %scan3A_367 : i32
        %scan3A_369 = arith.constant 1 : i32
        scf.for %scan3A_378 = %scan3A_366 to %scan3A_368 step %scan3A_369  : i32 {
          %mul3A_379 = arith.constant 2 : i32
          %mul3A_380 = arith.muli %scan3A_378, %mul3A_379 : i32
          %add3A_381 = arith.constant 0 : i32
          %add3A_382 = arith.addi %mul3A_380, %add3A_381 : i32
          %add3A_383 = arith.constant 0 : i32
          %add3A_384 = arith.addi %add3A_383, %add3A_382 : i32
          %mul3A_385 = arith.constant 128 : i32
          %mul3A_386 = arith.muli %add3A_384, %mul3A_385 : i32
          %mul3A_387 = arith.constant 256 : i32
          %mul3A_388 = arith.muli %add3A_382, %mul3A_387 : i32
          %add3A_389 = arith.constant 0 : i32
          %add3A_390 = arith.addi %mul3A_388, %add3A_389 : i32
          %add3A_391 = arith.constant 0 : i32
          %add3A_392 = arith.addi %mul3A_386, %add3A_391 : i32
          %get3A_393 = arith.index_cast %add3A_392 : i32 to index
          %get3A_394 = tpu.vector_load %arg9[%get3A_393] {strides = array<i32>} : memref<21760xf32, #tpu.memory_space<vmem>>, vector<16xf32>,
          %add3A_395 = arith.constant 0 : i32
          %add3A_396 = arith.addi %add3A_390, %add3A_395 : i32
          %swap3A = arith.index_cast %add3A_396 : i32 to index
          %swap3A_397 = tpu.vector_load %arg11[%swap3A] {strides = array<i32>} : memref<21760xf32, #tpu.memory_space<vmem>>, vector<16xf32>,
          tpu.vector_store %arg11[%swap3A], %get3A_394 {strides = array<i32>} : memref<21760xf32, #tpu.memory_space<vmem>>, vector<16xf32>,
          %add3A_398 = arith.constant 16 : i32
          %add3A_399 = arith.addi %mul3A_386, %add3A_398 : i32
          %get3A_400 = arith.index_cast %add3A_399 : i32 to index
          %get3A_401 = tpu.vector_load %arg9[%get3A_400] {strides = array<i32>} : memref<21760xf32, #tpu.memory_space<vmem>>, vector<16xf32>,
          %add3A_402 = arith.constant 16 : i32
          %add3A_403 = arith.addi %add3A_390, %add3A_402 : i32
          %swap3A_404 = arith.index_cast %add3A_403 : i32 to index
          %swap3A_405 = tpu.vector_load %arg11[%swap3A_404] {strides = array<i32>} : memref<21760xf32, #tpu.memory_space<vmem>>, vector<16xf32>,
          tpu.vector_store %arg11[%swap3A_404], %get3A_401 {strides = array<i32>} : memref<21760xf32, #tpu.memory_space<vmem>>, vector<16xf32>,
          %add3A_406 = arith.constant 32 : i32
          %add3A_407 = arith.addi %mul3A_386, %add3A_406 : i32
          %get3A_408 = arith.index_cast %add3A_407 : i32 to index
          %get3A_409 = tpu.vector_load %arg9[%get3A_408] {strides = array<i32>} : memref<21760xf32, #tpu.memory_space<vmem>>, vector<16xf32>,
          %add3A_410 = arith.constant 32 : i32
          %add3A_411 = arith.addi %add3A_390, %add3A_410 : i32
          %swap3A_412 = arith.index_cast %add3A_411 : i32 to index
          %swap3A_413 = tpu.vector_load %arg11[%swap3A_412] {strides = array<i32>} : memref<21760xf32, #tpu.memory_space<vmem>>, vector<16xf32>,
          tpu.vector_store %arg11[%swap3A_412], %get3A_409 {strides = array<i32>} : memref<21760xf32, #tpu.memory_space<vmem>>, vector<16xf32>,
          %add3A_414 = arith.constant 48 : i32
          %add3A_415 = arith.addi %mul3A_386, %add3A_414 : i32
          %get3A_416 = arith.index_cast %add3A_415 : i32 to index
          %get3A_417 = tpu.vector_load %arg9[%get3A_416] {strides = array<i32>} : memref<21760xf32, #tpu.memory_space<vmem>>, vector<16xf32>,
          %add3A_418 = arith.constant 48 : i32
          %add3A_419 = arith.addi %add3A_390, %add3A_418 : i32
          %swap3A_420 = arith.index_cast %add3A_419 : i32 to index
          %swap3A_421 = tpu.vector_load %arg11[%swap3A_420] {strides = array<i32>} : memref<21760xf32, #tpu.memory_space<vmem>>, vector<16xf32>,
          tpu.vector_store %arg11[%swap3A_420], %get3A_417 {strides = array<i32>} : memref<21760xf32, #tpu.memory_space<vmem>>, vector<16xf32>,
          %add3A_422 = arith.constant 64 : i32
          %add3A_423 = arith.addi %mul3A_386, %add3A_422 : i32
          %get3A_424 = arith.index_cast %add3A_423 : i32 to index
          %get3A_425 = tpu.vector_load %arg9[%get3A_424] {strides = array<i32>} : memref<21760xf32, #tpu.memory_space<vmem>>, vector<16xf32>,
          %add3A_426 = arith.constant 64 : i32
          %add3A_427 = arith.addi %add3A_390, %add3A_426 : i32
          %swap3A_428 = arith.index_cast %add3A_427 : i32 to index
          %swap3A_429 = tpu.vector_load %arg11[%swap3A_428] {strides = array<i32>} : memref<21760xf32, #tpu.memory_space<vmem>>, vector<16xf32>,
          tpu.vector_store %arg11[%swap3A_428], %get3A_425 {strides = array<i32>} : memref<21760xf32, #tpu.memory_space<vmem>>, vector<16xf32>,
          %add3A_430 = arith.constant 80 : i32
          %add3A_431 = arith.addi %mul3A_386, %add3A_430 : i32
          %get3A_432 = arith.index_cast %add3A_431 : i32 to index
          %get3A_433 = tpu.vector_load %arg9[%get3A_432] {strides = array<i32>} : memref<21760xf32, #tpu.memory_space<vmem>>, vector<16xf32>,
          %add3A_434 = arith.constant 80 : i32
          %add3A_435 = arith.addi %add3A_390, %add3A_434 : i32
          %swap3A_436 = arith.index_cast %add3A_435 : i32 to index
          %swap3A_437 = tpu.vector_load %arg11[%swap3A_436] {strides = array<i32>} : memref<21760xf32, #tpu.memory_space<vmem>>, vector<16xf32>,
          tpu.vector_store %arg11[%swap3A_436], %get3A_433 {strides = array<i32>} : memref<21760xf32, #tpu.memory_space<vmem>>, vector<16xf32>,
          %add3A_438 = arith.constant 96 : i32
          %add3A_439 = arith.addi %mul3A_386, %add3A_438 : i32
          %get3A_440 = arith.index_cast %add3A_439 : i32 to index
          %get3A_441 = tpu.vector_load %arg9[%get3A_440] {strides = array<i32>} : memref<21760xf32, #tpu.memory_space<vmem>>, vector<16xf32>,
          %add3A_442 = arith.constant 96 : i32
          %add3A_443 = arith.addi %add3A_390, %add3A_442 : i32
          %swap3A_444 = arith.index_cast %add3A_443 : i32 to index
          %swap3A_445 = tpu.vector_load %arg11[%swap3A_444] {strides = array<i32>} : memref<21760xf32, #tpu.memory_space<vmem>>, vector<16xf32>,
          tpu.vector_store %arg11[%swap3A_444], %get3A_441 {strides = array<i32>} : memref<21760xf32, #tpu.memory_space<vmem>>, vector<16xf32>,
          %add3A_446 = arith.constant 112 : i32
          %add3A_447 = arith.addi %mul3A_386, %add3A_446 : i32
          %get3A_448 = arith.index_cast %add3A_447 : i32 to index
          %get3A_449 = tpu.vector_load %arg9[%get3A_448] {strides = array<i32>} : memref<21760xf32, #tpu.memory_space<vmem>>, vector<16xf32>,
          %add3A_450 = arith.constant 112 : i32
          %add3A_451 = arith.addi %add3A_390, %add3A_450 : i32
          %swap3A_452 = arith.index_cast %add3A_451 : i32 to index
          %swap3A_453 = tpu.vector_load %arg11[%swap3A_452] {strides = array<i32>} : memref<21760xf32, #tpu.memory_space<vmem>>, vector<16xf32>,
          tpu.vector_store %arg11[%swap3A_452], %get3A_449 {strides = array<i32>} : memref<21760xf32, #tpu.memory_space<vmem>>, vector<16xf32>,
          %add3A_454 = arith.constant 10 : i32
          %add3A_455 = arith.addi %add3A_454, %add3A_382 : i32
          %mul3A_456 = arith.constant 128 : i32
          %mul3A_457 = arith.muli %add3A_455, %mul3A_456 : i32
          %mul3A_458 = arith.constant 256 : i32
          %mul3A_459 = arith.muli %add3A_382, %mul3A_458 : i32
          %add3A_460 = arith.constant 128 : i32
          %add3A_461 = arith.addi %mul3A_459, %add3A_460 : i32
          %add3A_462 = arith.constant 0 : i32
          %add3A_463 = arith.addi %mul3A_457, %add3A_462 : i32
          %get3A_464 = arith.index_cast %add3A_463 : i32 to index
          %get3A_465 = tpu.vector_load %arg9[%get3A_464] {strides = array<i32>} : memref<21760xf32, #tpu.memory_space<vmem>>, vector<16xf32>,
          %add3A_466 = arith.constant 0 : i32
          %add3A_467 = arith.addi %add3A_461, %add3A_466 : i32
          %swap3A_468 = arith.index_cast %add3A_467 : i32 to index
          %swap3A_469 = tpu.vector_load %arg11[%swap3A_468] {strides = array<i32>} : memref<21760xf32, #tpu.memory_space<vmem>>, vector<16xf32>,
          tpu.vector_store %arg11[%swap3A_468], %get3A_465 {strides = array<i32>} : memref<21760xf32, #tpu.memory_space<vmem>>, vector<16xf32>,
          %add3A_470 = arith.constant 16 : i32
          %add3A_471 = arith.addi %mul3A_457, %add3A_470 : i32
          %get3A_472 = arith.index_cast %add3A_471 : i32 to index
          %get3A_473 = tpu.vector_load %arg9[%get3A_472] {strides = array<i32>} : memref<21760xf32, #tpu.memory_space<vmem>>, vector<16xf32>,
          %add3A_474 = arith.constant 16 : i32
          %add3A_475 = arith.addi %add3A_461, %add3A_474 : i32
          %swap3A_476 = arith.index_cast %add3A_475 : i32 to index
          %swap3A_477 = tpu.vector_load %arg11[%swap3A_476] {strides = array<i32>} : memref<21760xf32, #tpu.memory_space<vmem>>, vector<16xf32>,
          tpu.vector_store %arg11[%swap3A_476], %get3A_473 {strides = array<i32>} : memref<21760xf32, #tpu.memory_space<vmem>>, vector<16xf32>,
          %add3A_478 = arith.constant 32 : i32
          %add3A_479 = arith.addi %mul3A_457, %add3A_478 : i32
          %get3A_480 = arith.index_cast %add3A_479 : i32 to index
          %get3A_481 = tpu.vector_load %arg9[%get3A_480] {strides = array<i32>} : memref<21760xf32, #tpu.memory_space<vmem>>, vector<16xf32>,
          %add3A_482 = arith.constant 32 : i32
          %add3A_483 = arith.addi %add3A_461, %add3A_482 : i32
          %swap3A_484 = arith.index_cast %add3A_483 : i32 to index
          %swap3A_485 = tpu.vector_load %arg11[%swap3A_484] {strides = array<i32>} : memref<21760xf32, #tpu.memory_space<vmem>>, vector<16xf32>,
          tpu.vector_store %arg11[%swap3A_484], %get3A_481 {strides = array<i32>} : memref<21760xf32, #tpu.memory_space<vmem>>, vector<16xf32>,
          %add3A_486 = arith.constant 48 : i32
          %add3A_487 = arith.addi %mul3A_457, %add3A_486 : i32
          %get3A_488 = arith.index_cast %add3A_487 : i32 to index
          %get3A_489 = tpu.vector_load %arg9[%get3A_488] {strides = array<i32>} : memref<21760xf32, #tpu.memory_space<vmem>>, vector<16xf32>,
          %add3A_490 = arith.constant 48 : i32
          %add3A_491 = arith.addi %add3A_461, %add3A_490 : i32
          %swap3A_492 = arith.index_cast %add3A_491 : i32 to index
          %swap3A_493 = tpu.vector_load %arg11[%swap3A_492] {strides = array<i32>} : memref<21760xf32, #tpu.memory_space<vmem>>, vector<16xf32>,
          tpu.vector_store %arg11[%swap3A_492], %get3A_489 {strides = array<i32>} : memref<21760xf32, #tpu.memory_space<vmem>>, vector<16xf32>,
          %add3A_494 = arith.constant 64 : i32
          %add3A_495 = arith.addi %mul3A_457, %add3A_494 : i32
          %get3A_496 = arith.index_cast %add3A_495 : i32 to index
          %get3A_497 = tpu.vector_load %arg9[%get3A_496] {strides = array<i32>} : memref<21760xf32, #tpu.memory_space<vmem>>, vector<16xf32>,
          %add3A_498 = arith.constant 64 : i32
          %add3A_499 = arith.addi %add3A_461, %add3A_498 : i32
          %swap3A_500 = arith.index_cast %add3A_499 : i32 to index
          %swap3A_501 = tpu.vector_load %arg11[%swap3A_500] {strides = array<i32>} : memref<21760xf32, #tpu.memory_space<vmem>>, vector<16xf32>,
          tpu.vector_store %arg11[%swap3A_500], %get3A_497 {strides = array<i32>} : memref<21760xf32, #tpu.memory_space<vmem>>, vector<16xf32>,
          %add3A_502 = arith.constant 80 : i32
          %add3A_503 = arith.addi %mul3A_457, %add3A_502 : i32
          %get3A_504 = arith.index_cast %add3A_503 : i32 to index
          %get3A_505 = tpu.vector_load %arg9[%get3A_504] {strides = array<i32>} : memref<21760xf32, #tpu.memory_space<vmem>>, vector<16xf32>,
          %add3A_506 = arith.constant 80 : i32
          %add3A_507 = arith.addi %add3A_461, %add3A_506 : i32
          %swap3A_508 = arith.index_cast %add3A_507 : i32 to index
          %swap3A_509 = tpu.vector_load %arg11[%swap3A_508] {strides = array<i32>} : memref<21760xf32, #tpu.memory_space<vmem>>, vector<16xf32>,
          tpu.vector_store %arg11[%swap3A_508], %get3A_505 {strides = array<i32>} : memref<21760xf32, #tpu.memory_space<vmem>>, vector<16xf32>,
          %add3A_510 = arith.constant 96 : i32
          %add3A_511 = arith.addi %mul3A_457, %add3A_510 : i32
          %get3A_512 = arith.index_cast %add3A_511 : i32 to index
          %get3A_513 = tpu.vector_load %arg9[%get3A_512] {strides = array<i32>} : memref<21760xf32, #tpu.memory_space<vmem>>, vector<16xf32>,
          %add3A_514 = arith.constant 96 : i32
          %add3A_515 = arith.addi %add3A_461, %add3A_514 : i32
          %swap3A_516 = arith.index_cast %add3A_515 : i32 to index
          %swap3A_517 = tpu.vector_load %arg11[%swap3A_516] {strides = array<i32>} : memref<21760xf32, #tpu.memory_space<vmem>>, vector<16xf32>,
          tpu.vector_store %arg11[%swap3A_516], %get3A_513 {strides = array<i32>} : memref<21760xf32, #tpu.memory_space<vmem>>, vector<16xf32>,
          %add3A_518 = arith.constant 112 : i32
          %add3A_519 = arith.addi %mul3A_457, %add3A_518 : i32
          %get3A_520 = arith.index_cast %add3A_519 : i32 to index
          %get3A_521 = tpu.vector_load %arg9[%get3A_520] {strides = array<i32>} : memref<21760xf32, #tpu.memory_space<vmem>>, vector<16xf32>,
          %add3A_522 = arith.constant 112 : i32
          %add3A_523 = arith.addi %add3A_461, %add3A_522 : i32
          %swap3A_524 = arith.index_cast %add3A_523 : i32 to index
          %swap3A_525 = tpu.vector_load %arg11[%swap3A_524] {strides = array<i32>} : memref<21760xf32, #tpu.memory_space<vmem>>, vector<16xf32>,
          tpu.vector_store %arg11[%swap3A_524], %get3A_521 {strides = array<i32>} : memref<21760xf32, #tpu.memory_space<vmem>>, vector<16xf32>,
          %mul3A_526 = arith.constant 2 : i32
          %mul3A_527 = arith.muli %scan3A_378, %mul3A_526 : i32
          %add3A_528 = arith.constant 1 : i32
          %add3A_529 = arith.addi %mul3A_527, %add3A_528 : i32
          %add3A_530 = arith.constant 0 : i32
          %add3A_531 = arith.addi %add3A_530, %add3A_529 : i32
          %mul3A_532 = arith.constant 128 : i32
          %mul3A_533 = arith.muli %add3A_531, %mul3A_532 : i32
          %mul3A_534 = arith.constant 256 : i32
          %mul3A_535 = arith.muli %add3A_529, %mul3A_534 : i32
          %add3A_536 = arith.constant 0 : i32
          %add3A_537 = arith.addi %mul3A_535, %add3A_536 : i32
          %add3A_538 = arith.constant 0 : i32
          %add3A_539 = arith.addi %mul3A_533, %add3A_538 : i32
          %get3A_540 = arith.index_cast %add3A_539 : i32 to index
          %get3A_541 = tpu.vector_load %arg9[%get3A_540] {strides = array<i32>} : memref<21760xf32, #tpu.memory_space<vmem>>, vector<16xf32>,
          %add3A_542 = arith.constant 0 : i32
          %add3A_543 = arith.addi %add3A_537, %add3A_542 : i32
          %swap3A_544 = arith.index_cast %add3A_543 : i32 to index
          %swap3A_545 = tpu.vector_load %arg11[%swap3A_544] {strides = array<i32>} : memref<21760xf32, #tpu.memory_space<vmem>>, vector<16xf32>,
          tpu.vector_store %arg11[%swap3A_544], %get3A_541 {strides = array<i32>} : memref<21760xf32, #tpu.memory_space<vmem>>, vector<16xf32>,
          %add3A_546 = arith.constant 16 : i32
          %add3A_547 = arith.addi %mul3A_533, %add3A_546 : i32
          %get3A_548 = arith.index_cast %add3A_547 : i32 to index
          %get3A_549 = tpu.vector_load %arg9[%get3A_548] {strides = array<i32>} : memref<21760xf32, #tpu.memory_space<vmem>>, vector<16xf32>,
          %add3A_550 = arith.constant 16 : i32
          %add3A_551 = arith.addi %add3A_537, %add3A_550 : i32
          %swap3A_552 = arith.index_cast %add3A_551 : i32 to index
          %swap3A_553 = tpu.vector_load %arg11[%swap3A_552] {strides = array<i32>} : memref<21760xf32, #tpu.memory_space<vmem>>, vector<16xf32>,
          tpu.vector_store %arg11[%swap3A_552], %get3A_549 {strides = array<i32>} : memref<21760xf32, #tpu.memory_space<vmem>>, vector<16xf32>,
          %add3A_554 = arith.constant 32 : i32
          %add3A_555 = arith.addi %mul3A_533, %add3A_554 : i32
          %get3A_556 = arith.index_cast %add3A_555 : i32 to index
          %get3A_557 = tpu.vector_load %arg9[%get3A_556] {strides = array<i32>} : memref<21760xf32, #tpu.memory_space<vmem>>, vector<16xf32>,
          %add3A_558 = arith.constant 32 : i32
          %add3A_559 = arith.addi %add3A_537, %add3A_558 : i32
          %swap3A_560 = arith.index_cast %add3A_559 : i32 to index
          %swap3A_561 = tpu.vector_load %arg11[%swap3A_560] {strides = array<i32>} : memref<21760xf32, #tpu.memory_space<vmem>>, vector<16xf32>,
          tpu.vector_store %arg11[%swap3A_560], %get3A_557 {strides = array<i32>} : memref<21760xf32, #tpu.memory_space<vmem>>, vector<16xf32>,
          %add3A_562 = arith.constant 48 : i32
          %add3A_563 = arith.addi %mul3A_533, %add3A_562 : i32
          %get3A_564 = arith.index_cast %add3A_563 : i32 to index
          %get3A_565 = tpu.vector_load %arg9[%get3A_564] {strides = array<i32>} : memref<21760xf32, #tpu.memory_space<vmem>>, vector<16xf32>,
          %add3A_566 = arith.constant 48 : i32
          %add3A_567 = arith.addi %add3A_537, %add3A_566 : i32
          %swap3A_568 = arith.index_cast %add3A_567 : i32 to index
          %swap3A_569 = tpu.vector_load %arg11[%swap3A_568] {strides = array<i32>} : memref<21760xf32, #tpu.memory_space<vmem>>, vector<16xf32>,
          tpu.vector_store %arg11[%swap3A_568], %get3A_565 {strides = array<i32>} : memref<21760xf32, #tpu.memory_space<vmem>>, vector<16xf32>,
          %add3A_570 = arith.constant 64 : i32
          %add3A_571 = arith.addi %mul3A_533, %add3A_570 : i32
          %get3A_572 = arith.index_cast %add3A_571 : i32 to index
          %get3A_573 = tpu.vector_load %arg9[%get3A_572] {strides = array<i32>} : memref<21760xf32, #tpu.memory_space<vmem>>, vector<16xf32>,
          %add3A_574 = arith.constant 64 : i32
          %add3A_575 = arith.addi %add3A_537, %add3A_574 : i32
          %swap3A_576 = arith.index_cast %add3A_575 : i32 to index
          %swap3A_577 = tpu.vector_load %arg11[%swap3A_576] {strides = array<i32>} : memref<21760xf32, #tpu.memory_space<vmem>>, vector<16xf32>,
          tpu.vector_store %arg11[%swap3A_576], %get3A_573 {strides = array<i32>} : memref<21760xf32, #tpu.memory_space<vmem>>, vector<16xf32>,
          %add3A_578 = arith.constant 80 : i32
          %add3A_579 = arith.addi %mul3A_533, %add3A_578 : i32
          %get3A_580 = arith.index_cast %add3A_579 : i32 to index
          %get3A_581 = tpu.vector_load %arg9[%get3A_580] {strides = array<i32>} : memref<21760xf32, #tpu.memory_space<vmem>>, vector<16xf32>,
          %add3A_582 = arith.constant 80 : i32
          %add3A_583 = arith.addi %add3A_537, %add3A_582 : i32
          %swap3A_584 = arith.index_cast %add3A_583 : i32 to index
          %swap3A_585 = tpu.vector_load %arg11[%swap3A_584] {strides = array<i32>} : memref<21760xf32, #tpu.memory_space<vmem>>, vector<16xf32>,
          tpu.vector_store %arg11[%swap3A_584], %get3A_581 {strides = array<i32>} : memref<21760xf32, #tpu.memory_space<vmem>>, vector<16xf32>,
          %add3A_586 = arith.constant 96 : i32
          %add3A_587 = arith.addi %mul3A_533, %add3A_586 : i32
          %get3A_588 = arith.index_cast %add3A_587 : i32 to index
          %get3A_589 = tpu.vector_load %arg9[%get3A_588] {strides = array<i32>} : memref<21760xf32, #tpu.memory_space<vmem>>, vector<16xf32>,
          %add3A_590 = arith.constant 96 : i32
          %add3A_591 = arith.addi %add3A_537, %add3A_590 : i32
          %swap3A_592 = arith.index_cast %add3A_591 : i32 to index
          %swap3A_593 = tpu.vector_load %arg11[%swap3A_592] {strides = array<i32>} : memref<21760xf32, #tpu.memory_space<vmem>>, vector<16xf32>,
          tpu.vector_store %arg11[%swap3A_592], %get3A_589 {strides = array<i32>} : memref<21760xf32, #tpu.memory_space<vmem>>, vector<16xf32>,
          %add3A_594 = arith.constant 112 : i32
          %add3A_595 = arith.addi %mul3A_533, %add3A_594 : i32
          %get3A_596 = arith.index_cast %add3A_595 : i32 to index
          %get3A_597 = tpu.vector_load %arg9[%get3A_596] {strides = array<i32>} : memref<21760xf32, #tpu.memory_space<vmem>>, vector<16xf32>,
          %add3A_598 = arith.constant 112 : i32
          %add3A_599 = arith.addi %add3A_537, %add3A_598 : i32
          %swap3A_600 = arith.index_cast %add3A_599 : i32 to index
          %swap3A_601 = tpu.vector_load %arg11[%swap3A_600] {strides = array<i32>} : memref<21760xf32, #tpu.memory_space<vmem>>, vector<16xf32>,
          tpu.vector_store %arg11[%swap3A_600], %get3A_597 {strides = array<i32>} : memref<21760xf32, #tpu.memory_space<vmem>>, vector<16xf32>,
          %add3A_602 = arith.constant 10 : i32
          %add3A_603 = arith.addi %add3A_602, %add3A_529 : i32
          %mul3A_604 = arith.constant 128 : i32
          %mul3A_605 = arith.muli %add3A_603, %mul3A_604 : i32
          %mul3A_606 = arith.constant 256 : i32
          %mul3A_607 = arith.muli %add3A_529, %mul3A_606 : i32
          %add3A_608 = arith.constant 128 : i32
          %add3A_609 = arith.addi %mul3A_607, %add3A_608 : i32
          %add3A_610 = arith.constant 0 : i32
          %add3A_611 = arith.addi %mul3A_605, %add3A_610 : i32
          %get3A_612 = arith.index_cast %add3A_611 : i32 to index
          %get3A_613 = tpu.vector_load %arg9[%get3A_612] {strides = array<i32>} : memref<21760xf32, #tpu.memory_space<vmem>>, vector<16xf32>,
          %add3A_614 = arith.constant 0 : i32
          %add3A_615 = arith.addi %add3A_609, %add3A_614 : i32
          %swap3A_616 = arith.index_cast %add3A_615 : i32 to index
          %swap3A_617 = tpu.vector_load %arg11[%swap3A_616] {strides = array<i32>} : memref<21760xf32, #tpu.memory_space<vmem>>, vector<16xf32>,
          tpu.vector_store %arg11[%swap3A_616], %get3A_613 {strides = array<i32>} : memref<21760xf32, #tpu.memory_space<vmem>>, vector<16xf32>,
          %add3A_618 = arith.constant 16 : i32
          %add3A_619 = arith.addi %mul3A_605, %add3A_618 : i32
          %get3A_620 = arith.index_cast %add3A_619 : i32 to index
          %get3A_621 = tpu.vector_load %arg9[%get3A_620] {strides = array<i32>} : memref<21760xf32, #tpu.memory_space<vmem>>, vector<16xf32>,
          %add3A_622 = arith.constant 16 : i32
          %add3A_623 = arith.addi %add3A_609, %add3A_622 : i32
          %swap3A_624 = arith.index_cast %add3A_623 : i32 to index
          %swap3A_625 = tpu.vector_load %arg11[%swap3A_624] {strides = array<i32>} : memref<21760xf32, #tpu.memory_space<vmem>>, vector<16xf32>,
          tpu.vector_store %arg11[%swap3A_624], %get3A_621 {strides = array<i32>} : memref<21760xf32, #tpu.memory_space<vmem>>, vector<16xf32>,
          %add3A_626 = arith.constant 32 : i32
          %add3A_627 = arith.addi %mul3A_605, %add3A_626 : i32
          %get3A_628 = arith.index_cast %add3A_627 : i32 to index
          %get3A_629 = tpu.vector_load %arg9[%get3A_628] {strides = array<i32>} : memref<21760xf32, #tpu.memory_space<vmem>>, vector<16xf32>,
          %add3A_630 = arith.constant 32 : i32
          %add3A_631 = arith.addi %add3A_609, %add3A_630 : i32
          %swap3A_632 = arith.index_cast %add3A_631 : i32 to index
          %swap3A_633 = tpu.vector_load %arg11[%swap3A_632] {strides = array<i32>} : memref<21760xf32, #tpu.memory_space<vmem>>, vector<16xf32>,
          tpu.vector_store %arg11[%swap3A_632], %get3A_629 {strides = array<i32>} : memref<21760xf32, #tpu.memory_space<vmem>>, vector<16xf32>,
          %add3A_634 = arith.constant 48 : i32
          %add3A_635 = arith.addi %mul3A_605, %add3A_634 : i32
          %get3A_636 = arith.index_cast %add3A_635 : i32 to index
          %get3A_637 = tpu.vector_load %arg9[%get3A_636] {strides = array<i32>} : memref<21760xf32, #tpu.memory_space<vmem>>, vector<16xf32>,
          %add3A_638 = arith.constant 48 : i32
          %add3A_639 = arith.addi %add3A_609, %add3A_638 : i32
          %swap3A_640 = arith.index_cast %add3A_639 : i32 to index
          %swap3A_641 = tpu.vector_load %arg11[%swap3A_640] {strides = array<i32>} : memref<21760xf32, #tpu.memory_space<vmem>>, vector<16xf32>,
          tpu.vector_store %arg11[%swap3A_640], %get3A_637 {strides = array<i32>} : memref<21760xf32, #tpu.memory_space<vmem>>, vector<16xf32>,
          %add3A_642 = arith.constant 64 : i32
          %add3A_643 = arith.addi %mul3A_605, %add3A_642 : i32
          %get3A_644 = arith.index_cast %add3A_643 : i32 to index
          %get3A_645 = tpu.vector_load %arg9[%get3A_644] {strides = array<i32>} : memref<21760xf32, #tpu.memory_space<vmem>>, vector<16xf32>,
          %add3A_646 = arith.constant 64 : i32
          %add3A_647 = arith.addi %add3A_609, %add3A_646 : i32
          %swap3A_648 = arith.index_cast %add3A_647 : i32 to index
          %swap3A_649 = tpu.vector_load %arg11[%swap3A_648] {strides = array<i32>} : memref<21760xf32, #tpu.memory_space<vmem>>, vector<16xf32>,
          tpu.vector_store %arg11[%swap3A_648], %get3A_645 {strides = array<i32>} : memref<21760xf32, #tpu.memory_space<vmem>>, vector<16xf32>,
          %add3A_650 = arith.constant 80 : i32
          %add3A_651 = arith.addi %mul3A_605, %add3A_650 : i32
          %get3A_652 = arith.index_cast %add3A_651 : i32 to index
          %get3A_653 = tpu.vector_load %arg9[%get3A_652] {strides = array<i32>} : memref<21760xf32, #tpu.memory_space<vmem>>, vector<16xf32>,
          %add3A_654 = arith.constant 80 : i32
          %add3A_655 = arith.addi %add3A_609, %add3A_654 : i32
          %swap3A_656 = arith.index_cast %add3A_655 : i32 to index
          %swap3A_657 = tpu.vector_load %arg11[%swap3A_656] {strides = array<i32>} : memref<21760xf32, #tpu.memory_space<vmem>>, vector<16xf32>,
          tpu.vector_store %arg11[%swap3A_656], %get3A_653 {strides = array<i32>} : memref<21760xf32, #tpu.memory_space<vmem>>, vector<16xf32>,
          %add3A_658 = arith.constant 96 : i32
          %add3A_659 = arith.addi %mul3A_605, %add3A_658 : i32
          %get3A_660 = arith.index_cast %add3A_659 : i32 to index
          %get3A_661 = tpu.vector_load %arg9[%get3A_660] {strides = array<i32>} : memref<21760xf32, #tpu.memory_space<vmem>>, vector<16xf32>,
          %add3A_662 = arith.constant 96 : i32
          %add3A_663 = arith.addi %add3A_609, %add3A_662 : i32
          %swap3A_664 = arith.index_cast %add3A_663 : i32 to index
          %swap3A_665 = tpu.vector_load %arg11[%swap3A_664] {strides = array<i32>} : memref<21760xf32, #tpu.memory_space<vmem>>, vector<16xf32>,
          tpu.vector_store %arg11[%swap3A_664], %get3A_661 {strides = array<i32>} : memref<21760xf32, #tpu.memory_space<vmem>>, vector<16xf32>,
          %add3A_666 = arith.constant 112 : i32
          %add3A_667 = arith.addi %mul3A_605, %add3A_666 : i32
          %get3A_668 = arith.index_cast %add3A_667 : i32 to index
          %get3A_669 = tpu.vector_load %arg9[%get3A_668] {strides = array<i32>} : memref<21760xf32, #tpu.memory_space<vmem>>, vector<16xf32>,
          %add3A_670 = arith.constant 112 : i32
          %add3A_671 = arith.addi %add3A_609, %add3A_670 : i32
          %swap3A_672 = arith.index_cast %add3A_671 : i32 to index
          %swap3A_673 = tpu.vector_load %arg11[%swap3A_672] {strides = array<i32>} : memref<21760xf32, #tpu.memory_space<vmem>>, vector<16xf32>,
          tpu.vector_store %arg11[%swap3A_672], %get3A_669 {strides = array<i32>} : memref<21760xf32, #tpu.memory_space<vmem>>, vector<16xf32>,
        }
        %scan3A_370 = arith.constant 5 : i32
        %add3A_371 = arith.constant 19200 : i32
        %add3A_372 = arith.addi %add3A_269, %add3A_371 : i32
        %dma_start3A = arith.constant 0 : i32
        %dma_start3A_373 = tpu.memref_slice %arg11[%dma_start3A] : memref<21760xf32, #tpu.memory_space<vmem>> -> memref<2560xf32, #tpu.memory_space<vmem>>
        %dma_start3A_374 = tpu.memref_slice %arg5[%add3A_372] : memref<13056000xf32, #tpu.memory_space<hbm>> -> memref<2560xf32, #tpu.memory_space<hbm>>
        %dma_start3A_375 = tpu.memref_slice %arg5[%add3A_372] : memref<13056000xf32, #tpu.memory_space<hbm>> -> memref<2560xf32, #tpu.memory_space<hbm>>
        %dma_start3A_376 = arith.constant 0 : i32
        %dma_start3A_377 = tpu.memref_slice %arg11[%dma_start3A_376] : memref<21760xf32, #tpu.memory_space<vmem>> -> memref<2560xf32, #tpu.memory_space<vmem>>
        tpu.enqueue_dma source(%dma_start3A_377 : memref<2560xf32, #tpu.memory_space<vmem>>) target(%dma_start3A_375 : memref<2560xf32, #tpu.memory_space<hbm>>) target_semaphore(%arg16 : memref<!tpu.dma_semaphore, #tpu.memory_space<semaphore_mem>>)
      } else {
      }
      %eq3A_354 = arith.constant 3 : i32
      %eq3A_355 = arith.cmpi eq, %reduce_sum3A_265, %eq3A_354 : i32
      %convert_element_type3A_356 = arith.extui %eq3A_355 : i1 to i32
      %cond3A_357 = arith.constant 0 : i32
      %cond3A_358 = arith.cmpi ne, %convert_element_type3A_356, %cond3A_357 : i32
      scf.if %cond3A_358 {
        %scan3A_365 = arith.constant 0 : i32
        %scan3A_366 = arith.constant 0 : i32
        %mul3A_367 = arith.constant 2 : i32
        %mul3A_368 = arith.muli %scan3A_366, %mul3A_367 : i32
        %add3A_369 = arith.constant 0 : i32
        %add3A_370 = arith.addi %mul3A_368, %add3A_369 : i32
        %add3A_371 = arith.constant 0 : i32
        %add3A_372 = arith.addi %add3A_371, %add3A_370 : i32
        %mul3A_373 = arith.constant 128 : i32
        %mul3A_374 = arith.muli %add3A_372, %mul3A_373 : i32
        %mul3A_375 = arith.constant 256 : i32
        %mul3A_376 = arith.muli %add3A_370, %mul3A_375 : i32
        %add3A_377 = arith.constant 0 : i32
        %add3A_378 = arith.addi %mul3A_376, %add3A_377 : i32
        %add3A_379 = arith.constant 0 : i32
        %add3A_380 = arith.addi %mul3A_374, %add3A_379 : i32
        %get3A_381 = arith.index_cast %add3A_380 : i32 to index
        %get3A_382 = tpu.vector_load %arg9[%get3A_381] {strides = array<i32>} : memref<21760xf32, #tpu.memory_space<vmem>>, vector<16xf32>,
        %add3A_383 = arith.constant 0 : i32
        %add3A_384 = arith.addi %add3A_378, %add3A_383 : i32
        %swap3A = arith.index_cast %add3A_384 : i32 to index
        %swap3A_385 = tpu.vector_load %arg11[%swap3A] {strides = array<i32>} : memref<21760xf32, #tpu.memory_space<vmem>>, vector<16xf32>,
        tpu.vector_store %arg11[%swap3A], %get3A_382 {strides = array<i32>} : memref<21760xf32, #tpu.memory_space<vmem>>, vector<16xf32>,
        %add3A_386 = arith.constant 16 : i32
        %add3A_387 = arith.addi %mul3A_374, %add3A_386 : i32
        %get3A_388 = arith.index_cast %add3A_387 : i32 to index
        %get3A_389 = tpu.vector_load %arg9[%get3A_388] {strides = array<i32>} : memref<21760xf32, #tpu.memory_space<vmem>>, vector<16xf32>,
        %add3A_390 = arith.constant 16 : i32
        %add3A_391 = arith.addi %add3A_378, %add3A_390 : i32
        %swap3A_392 = arith.index_cast %add3A_391 : i32 to index
        %swap3A_393 = tpu.vector_load %arg11[%swap3A_392] {strides = array<i32>} : memref<21760xf32, #tpu.memory_space<vmem>>, vector<16xf32>,
        tpu.vector_store %arg11[%swap3A_392], %get3A_389 {strides = array<i32>} : memref<21760xf32, #tpu.memory_space<vmem>>, vector<16xf32>,
        %add3A_394 = arith.constant 32 : i32
        %add3A_395 = arith.addi %mul3A_374, %add3A_394 : i32
        %get3A_396 = arith.index_cast %add3A_395 : i32 to index
        %get3A_397 = tpu.vector_load %arg9[%get3A_396] {strides = array<i32>} : memref<21760xf32, #tpu.memory_space<vmem>>, vector<16xf32>,
        %add3A_398 = arith.constant 32 : i32
        %add3A_399 = arith.addi %add3A_378, %add3A_398 : i32
        %swap3A_400 = arith.index_cast %add3A_399 : i32 to index
        %swap3A_401 = tpu.vector_load %arg11[%swap3A_400] {strides = array<i32>} : memref<21760xf32, #tpu.memory_space<vmem>>, vector<16xf32>,
        tpu.vector_store %arg11[%swap3A_400], %get3A_397 {strides = array<i32>} : memref<21760xf32, #tpu.memory_space<vmem>>, vector<16xf32>,
        %add3A_402 = arith.constant 48 : i32
        %add3A_403 = arith.addi %mul3A_374, %add3A_402 : i32
        %get3A_404 = arith.index_cast %add3A_403 : i32 to index
        %get3A_405 = tpu.vector_load %arg9[%get3A_404] {strides = array<i32>} : memref<21760xf32, #tpu.memory_space<vmem>>, vector<16xf32>,
        %add3A_406 = arith.constant 48 : i32
        %add3A_407 = arith.addi %add3A_378, %add3A_406 : i32
        %swap3A_408 = arith.index_cast %add3A_407 : i32 to index
        %swap3A_409 = tpu.vector_load %arg11[%swap3A_408] {strides = array<i32>} : memref<21760xf32, #tpu.memory_space<vmem>>, vector<16xf32>,
        tpu.vector_store %arg11[%swap3A_408], %get3A_405 {strides = array<i32>} : memref<21760xf32, #tpu.memory_space<vmem>>, vector<16xf32>,
        %add3A_410 = arith.constant 64 : i32
        %add3A_411 = arith.addi %mul3A_374, %add3A_410 : i32
        %get3A_412 = arith.index_cast %add3A_411 : i32 to index
        %get3A_413 = tpu.vector_load %arg9[%get3A_412] {strides = array<i32>} : memref<21760xf32, #tpu.memory_space<vmem>>, vector<16xf32>,
        %add3A_414 = arith.constant 64 : i32
        %add3A_415 = arith.addi %add3A_378, %add3A_414 : i32
        %swap3A_416 = arith.index_cast %add3A_415 : i32 to index
        %swap3A_417 = tpu.vector_load %arg11[%swap3A_416] {strides = array<i32>} : memref<21760xf32, #tpu.memory_space<vmem>>, vector<16xf32>,
        tpu.vector_store %arg11[%swap3A_416], %get3A_413 {strides = array<i32>} : memref<21760xf32, #tpu.memory_space<vmem>>, vector<16xf32>,
        %add3A_418 = arith.constant 80 : i32
        %add3A_419 = arith.addi %mul3A_374, %add3A_418 : i32
        %get3A_420 = arith.index_cast %add3A_419 : i32 to index
        %get3A_421 = tpu.vector_load %arg9[%get3A_420] {strides = array<i32>} : memref<21760xf32, #tpu.memory_space<vmem>>, vector<16xf32>,
        %add3A_422 = arith.constant 80 : i32
        %add3A_423 = arith.addi %add3A_378, %add3A_422 : i32
        %swap3A_424 = arith.index_cast %add3A_423 : i32 to index
        %swap3A_425 = tpu.vector_load %arg11[%swap3A_424] {strides = array<i32>} : memref<21760xf32, #tpu.memory_space<vmem>>, vector<16xf32>,
        tpu.vector_store %arg11[%swap3A_424], %get3A_421 {strides = array<i32>} : memref<21760xf32, #tpu.memory_space<vmem>>, vector<16xf32>,
        %add3A_426 = arith.constant 96 : i32
        %add3A_427 = arith.addi %mul3A_374, %add3A_426 : i32
        %get3A_428 = arith.index_cast %add3A_427 : i32 to index
        %get3A_429 = tpu.vector_load %arg9[%get3A_428] {strides = array<i32>} : memref<21760xf32, #tpu.memory_space<vmem>>, vector<16xf32>,
        %add3A_430 = arith.constant 96 : i32
        %add3A_431 = arith.addi %add3A_378, %add3A_430 : i32
        %swap3A_432 = arith.index_cast %add3A_431 : i32 to index
        %swap3A_433 = tpu.vector_load %arg11[%swap3A_432] {strides = array<i32>} : memref<21760xf32, #tpu.memory_space<vmem>>, vector<16xf32>,
        tpu.vector_store %arg11[%swap3A_432], %get3A_429 {strides = array<i32>} : memref<21760xf32, #tpu.memory_space<vmem>>, vector<16xf32>,
        %add3A_434 = arith.constant 112 : i32
        %add3A_435 = arith.addi %mul3A_374, %add3A_434 : i32
        %get3A_436 = arith.index_cast %add3A_435 : i32 to index
        %get3A_437 = tpu.vector_load %arg9[%get3A_436] {strides = array<i32>} : memref<21760xf32, #tpu.memory_space<vmem>>, vector<16xf32>,
        %add3A_438 = arith.constant 112 : i32
        %add3A_439 = arith.addi %add3A_378, %add3A_438 : i32
        %swap3A_440 = arith.index_cast %add3A_439 : i32 to index
        %swap3A_441 = tpu.vector_load %arg11[%swap3A_440] {strides = array<i32>} : memref<21760xf32, #tpu.memory_space<vmem>>, vector<16xf32>,
        tpu.vector_store %arg11[%swap3A_440], %get3A_437 {strides = array<i32>} : memref<21760xf32, #tpu.memory_space<vmem>>, vector<16xf32>,
        %add3A_442 = arith.constant 2 : i32
        %add3A_443 = arith.addi %add3A_442, %add3A_370 : i32
        %mul3A_444 = arith.constant 128 : i32
        %mul3A_445 = arith.muli %add3A_443, %mul3A_444 : i32
        %mul3A_446 = arith.constant 256 : i32
        %mul3A_447 = arith.muli %add3A_370, %mul3A_446 : i32
        %add3A_448 = arith.constant 128 : i32
        %add3A_449 = arith.addi %mul3A_447, %add3A_448 : i32
        %add3A_450 = arith.constant 0 : i32
        %add3A_451 = arith.addi %mul3A_445, %add3A_450 : i32
        %get3A_452 = arith.index_cast %add3A_451 : i32 to index
        %get3A_453 = tpu.vector_load %arg9[%get3A_452] {strides = array<i32>} : memref<21760xf32, #tpu.memory_space<vmem>>, vector<16xf32>,
        %add3A_454 = arith.constant 0 : i32
        %add3A_455 = arith.addi %add3A_449, %add3A_454 : i32
        %swap3A_456 = arith.index_cast %add3A_455 : i32 to index
        %swap3A_457 = tpu.vector_load %arg11[%swap3A_456] {strides = array<i32>} : memref<21760xf32, #tpu.memory_space<vmem>>, vector<16xf32>,
        tpu.vector_store %arg11[%swap3A_456], %get3A_453 {strides = array<i32>} : memref<21760xf32, #tpu.memory_space<vmem>>, vector<16xf32>,
        %add3A_458 = arith.constant 16 : i32
        %add3A_459 = arith.addi %mul3A_445, %add3A_458 : i32
        %get3A_460 = arith.index_cast %add3A_459 : i32 to index
        %get3A_461 = tpu.vector_load %arg9[%get3A_460] {strides = array<i32>} : memref<21760xf32, #tpu.memory_space<vmem>>, vector<16xf32>,
        %add3A_462 = arith.constant 16 : i32
        %add3A_463 = arith.addi %add3A_449, %add3A_462 : i32
        %swap3A_464 = arith.index_cast %add3A_463 : i32 to index
        %swap3A_465 = tpu.vector_load %arg11[%swap3A_464] {strides = array<i32>} : memref<21760xf32, #tpu.memory_space<vmem>>, vector<16xf32>,
        tpu.vector_store %arg11[%swap3A_464], %get3A_461 {strides = array<i32>} : memref<21760xf32, #tpu.memory_space<vmem>>, vector<16xf32>,
        %add3A_466 = arith.constant 32 : i32
        %add3A_467 = arith.addi %mul3A_445, %add3A_466 : i32
        %get3A_468 = arith.index_cast %add3A_467 : i32 to index
        %get3A_469 = tpu.vector_load %arg9[%get3A_468] {strides = array<i32>} : memref<21760xf32, #tpu.memory_space<vmem>>, vector<16xf32>,
        %add3A_470 = arith.constant 32 : i32
        %add3A_471 = arith.addi %add3A_449, %add3A_470 : i32
        %swap3A_472 = arith.index_cast %add3A_471 : i32 to index
        %swap3A_473 = tpu.vector_load %arg11[%swap3A_472] {strides = array<i32>} : memref<21760xf32, #tpu.memory_space<vmem>>, vector<16xf32>,
        tpu.vector_store %arg11[%swap3A_472], %get3A_469 {strides = array<i32>} : memref<21760xf32, #tpu.memory_space<vmem>>, vector<16xf32>,
        %add3A_474 = arith.constant 48 : i32
        %add3A_475 = arith.addi %mul3A_445, %add3A_474 : i32
        %get3A_476 = arith.index_cast %add3A_475 : i32 to index
        %get3A_477 = tpu.vector_load %arg9[%get3A_476] {strides = array<i32>} : memref<21760xf32, #tpu.memory_space<vmem>>, vector<16xf32>,
        %add3A_478 = arith.constant 48 : i32
        %add3A_479 = arith.addi %add3A_449, %add3A_478 : i32
        %swap3A_480 = arith.index_cast %add3A_479 : i32 to index
        %swap3A_481 = tpu.vector_load %arg11[%swap3A_480] {strides = array<i32>} : memref<21760xf32, #tpu.memory_space<vmem>>, vector<16xf32>,
        tpu.vector_store %arg11[%swap3A_480], %get3A_477 {strides = array<i32>} : memref<21760xf32, #tpu.memory_space<vmem>>, vector<16xf32>,
        %add3A_482 = arith.constant 64 : i32
        %add3A_483 = arith.addi %mul3A_445, %add3A_482 : i32
        %get3A_484 = arith.index_cast %add3A_483 : i32 to index
        %get3A_485 = tpu.vector_load %arg9[%get3A_484] {strides = array<i32>} : memref<21760xf32, #tpu.memory_space<vmem>>, vector<16xf32>,
        %add3A_486 = arith.constant 64 : i32
        %add3A_487 = arith.addi %add3A_449, %add3A_486 : i32
        %swap3A_488 = arith.index_cast %add3A_487 : i32 to index
        %swap3A_489 = tpu.vector_load %arg11[%swap3A_488] {strides = array<i32>} : memref<21760xf32, #tpu.memory_space<vmem>>, vector<16xf32>,
        tpu.vector_store %arg11[%swap3A_488], %get3A_485 {strides = array<i32>} : memref<21760xf32, #tpu.memory_space<vmem>>, vector<16xf32>,
        %add3A_490 = arith.constant 80 : i32
        %add3A_491 = arith.addi %mul3A_445, %add3A_490 : i32
        %get3A_492 = arith.index_cast %add3A_491 : i32 to index
        %get3A_493 = tpu.vector_load %arg9[%get3A_492] {strides = array<i32>} : memref<21760xf32, #tpu.memory_space<vmem>>, vector<16xf32>,
        %add3A_494 = arith.constant 80 : i32
        %add3A_495 = arith.addi %add3A_449, %add3A_494 : i32
        %swap3A_496 = arith.index_cast %add3A_495 : i32 to index
        %swap3A_497 = tpu.vector_load %arg11[%swap3A_496] {strides = array<i32>} : memref<21760xf32, #tpu.memory_space<vmem>>, vector<16xf32>,
        tpu.vector_store %arg11[%swap3A_496], %get3A_493 {strides = array<i32>} : memref<21760xf32, #tpu.memory_space<vmem>>, vector<16xf32>,
        %add3A_498 = arith.constant 96 : i32
        %add3A_499 = arith.addi %mul3A_445, %add3A_498 : i32
        %get3A_500 = arith.index_cast %add3A_499 : i32 to index
        %get3A_501 = tpu.vector_load %arg9[%get3A_500] {strides = array<i32>} : memref<21760xf32, #tpu.memory_space<vmem>>, vector<16xf32>,
        %add3A_502 = arith.constant 96 : i32
        %add3A_503 = arith.addi %add3A_449, %add3A_502 : i32
        %swap3A_504 = arith.index_cast %add3A_503 : i32 to index
        %swap3A_505 = tpu.vector_load %arg11[%swap3A_504] {strides = array<i32>} : memref<21760xf32, #tpu.memory_space<vmem>>, vector<16xf32>,
        tpu.vector_store %arg11[%swap3A_504], %get3A_501 {strides = array<i32>} : memref<21760xf32, #tpu.memory_space<vmem>>, vector<16xf32>,
        %add3A_506 = arith.constant 112 : i32
        %add3A_507 = arith.addi %mul3A_445, %add3A_506 : i32
        %get3A_508 = arith.index_cast %add3A_507 : i32 to index
        %get3A_509 = tpu.vector_load %arg9[%get3A_508] {strides = array<i32>} : memref<21760xf32, #tpu.memory_space<vmem>>, vector<16xf32>,
        %add3A_510 = arith.constant 112 : i32
        %add3A_511 = arith.addi %add3A_449, %add3A_510 : i32
        %swap3A_512 = arith.index_cast %add3A_511 : i32 to index
        %swap3A_513 = tpu.vector_load %arg11[%swap3A_512] {strides = array<i32>} : memref<21760xf32, #tpu.memory_space<vmem>>, vector<16xf32>,
        tpu.vector_store %arg11[%swap3A_512], %get3A_509 {strides = array<i32>} : memref<21760xf32, #tpu.memory_space<vmem>>, vector<16xf32>,
        %mul3A_514 = arith.constant 2 : i32
        %mul3A_515 = arith.muli %scan3A_366, %mul3A_514 : i32
        %add3A_516 = arith.constant 1 : i32
        %add3A_517 = arith.addi %mul3A_515, %add3A_516 : i32
        %add3A_518 = arith.constant 0 : i32
        %add3A_519 = arith.addi %add3A_518, %add3A_517 : i32
        %mul3A_520 = arith.constant 128 : i32
        %mul3A_521 = arith.muli %add3A_519, %mul3A_520 : i32
        %mul3A_522 = arith.constant 256 : i32
        %mul3A_523 = arith.muli %add3A_517, %mul3A_522 : i32
        %add3A_524 = arith.constant 0 : i32
        %add3A_525 = arith.addi %mul3A_523, %add3A_524 : i32
        %add3A_526 = arith.constant 0 : i32
        %add3A_527 = arith.addi %mul3A_521, %add3A_526 : i32
        %get3A_528 = arith.index_cast %add3A_527 : i32 to index
        %get3A_529 = tpu.vector_load %arg9[%get3A_528] {strides = array<i32>} : memref<21760xf32, #tpu.memory_space<vmem>>, vector<16xf32>,
        %add3A_530 = arith.constant 0 : i32
        %add3A_531 = arith.addi %add3A_525, %add3A_530 : i32
        %swap3A_532 = arith.index_cast %add3A_531 : i32 to index
        %swap3A_533 = tpu.vector_load %arg11[%swap3A_532] {strides = array<i32>} : memref<21760xf32, #tpu.memory_space<vmem>>, vector<16xf32>,
        tpu.vector_store %arg11[%swap3A_532], %get3A_529 {strides = array<i32>} : memref<21760xf32, #tpu.memory_space<vmem>>, vector<16xf32>,
        %add3A_534 = arith.constant 16 : i32
        %add3A_535 = arith.addi %mul3A_521, %add3A_534 : i32
        %get3A_536 = arith.index_cast %add3A_535 : i32 to index
        %get3A_537 = tpu.vector_load %arg9[%get3A_536] {strides = array<i32>} : memref<21760xf32, #tpu.memory_space<vmem>>, vector<16xf32>,
        %add3A_538 = arith.constant 16 : i32
        %add3A_539 = arith.addi %add3A_525, %add3A_538 : i32
        %swap3A_540 = arith.index_cast %add3A_539 : i32 to index
        %swap3A_541 = tpu.vector_load %arg11[%swap3A_540] {strides = array<i32>} : memref<21760xf32, #tpu.memory_space<vmem>>, vector<16xf32>,
        tpu.vector_store %arg11[%swap3A_540], %get3A_537 {strides = array<i32>} : memref<21760xf32, #tpu.memory_space<vmem>>, vector<16xf32>,
        %add3A_542 = arith.constant 32 : i32
        %add3A_543 = arith.addi %mul3A_521, %add3A_542 : i32
        %get3A_544 = arith.index_cast %add3A_543 : i32 to index
        %get3A_545 = tpu.vector_load %arg9[%get3A_544] {strides = array<i32>} : memref<21760xf32, #tpu.memory_space<vmem>>, vector<16xf32>,
        %add3A_546 = arith.constant 32 : i32
        %add3A_547 = arith.addi %add3A_525, %add3A_546 : i32
        %swap3A_548 = arith.index_cast %add3A_547 : i32 to index
        %swap3A_549 = tpu.vector_load %arg11[%swap3A_548] {strides = array<i32>} : memref<21760xf32, #tpu.memory_space<vmem>>, vector<16xf32>,
        tpu.vector_store %arg11[%swap3A_548], %get3A_545 {strides = array<i32>} : memref<21760xf32, #tpu.memory_space<vmem>>, vector<16xf32>,
        %add3A_550 = arith.constant 48 : i32
        %add3A_551 = arith.addi %mul3A_521, %add3A_550 : i32
        %get3A_552 = arith.index_cast %add3A_551 : i32 to index
        %get3A_553 = tpu.vector_load %arg9[%get3A_552] {strides = array<i32>} : memref<21760xf32, #tpu.memory_space<vmem>>, vector<16xf32>,
        %add3A_554 = arith.constant 48 : i32
        %add3A_555 = arith.addi %add3A_525, %add3A_554 : i32
        %swap3A_556 = arith.index_cast %add3A_555 : i32 to index
        %swap3A_557 = tpu.vector_load %arg11[%swap3A_556] {strides = array<i32>} : memref<21760xf32, #tpu.memory_space<vmem>>, vector<16xf32>,
        tpu.vector_store %arg11[%swap3A_556], %get3A_553 {strides = array<i32>} : memref<21760xf32, #tpu.memory_space<vmem>>, vector<16xf32>,
        %add3A_558 = arith.constant 64 : i32
        %add3A_559 = arith.addi %mul3A_521, %add3A_558 : i32
        %get3A_560 = arith.index_cast %add3A_559 : i32 to index
        %get3A_561 = tpu.vector_load %arg9[%get3A_560] {strides = array<i32>} : memref<21760xf32, #tpu.memory_space<vmem>>, vector<16xf32>,
        %add3A_562 = arith.constant 64 : i32
        %add3A_563 = arith.addi %add3A_525, %add3A_562 : i32
        %swap3A_564 = arith.index_cast %add3A_563 : i32 to index
        %swap3A_565 = tpu.vector_load %arg11[%swap3A_564] {strides = array<i32>} : memref<21760xf32, #tpu.memory_space<vmem>>, vector<16xf32>,
        tpu.vector_store %arg11[%swap3A_564], %get3A_561 {strides = array<i32>} : memref<21760xf32, #tpu.memory_space<vmem>>, vector<16xf32>,
        %add3A_566 = arith.constant 80 : i32
        %add3A_567 = arith.addi %mul3A_521, %add3A_566 : i32
        %get3A_568 = arith.index_cast %add3A_567 : i32 to index
        %get3A_569 = tpu.vector_load %arg9[%get3A_568] {strides = array<i32>} : memref<21760xf32, #tpu.memory_space<vmem>>, vector<16xf32>,
        %add3A_570 = arith.constant 80 : i32
        %add3A_571 = arith.addi %add3A_525, %add3A_570 : i32
        %swap3A_572 = arith.index_cast %add3A_571 : i32 to index
        %swap3A_573 = tpu.vector_load %arg11[%swap3A_572] {strides = array<i32>} : memref<21760xf32, #tpu.memory_space<vmem>>, vector<16xf32>,
        tpu.vector_store %arg11[%swap3A_572], %get3A_569 {strides = array<i32>} : memref<21760xf32, #tpu.memory_space<vmem>>, vector<16xf32>,
        %add3A_574 = arith.constant 96 : i32
        %add3A_575 = arith.addi %mul3A_521, %add3A_574 : i32
        %get3A_576 = arith.index_cast %add3A_575 : i32 to index
        %get3A_577 = tpu.vector_load %arg9[%get3A_576] {strides = array<i32>} : memref<21760xf32, #tpu.memory_space<vmem>>, vector<16xf32>,
        %add3A_578 = arith.constant 96 : i32
        %add3A_579 = arith.addi %add3A_525, %add3A_578 : i32
        %swap3A_580 = arith.index_cast %add3A_579 : i32 to index
        %swap3A_581 = tpu.vector_load %arg11[%swap3A_580] {strides = array<i32>} : memref<21760xf32, #tpu.memory_space<vmem>>, vector<16xf32>,
        tpu.vector_store %arg11[%swap3A_580], %get3A_577 {strides = array<i32>} : memref<21760xf32, #tpu.memory_space<vmem>>, vector<16xf32>,
        %add3A_582 = arith.constant 112 : i32
        %add3A_583 = arith.addi %mul3A_521, %add3A_582 : i32
        %get3A_584 = arith.index_cast %add3A_583 : i32 to index
        %get3A_585 = tpu.vector_load %arg9[%get3A_584] {strides = array<i32>} : memref<21760xf32, #tpu.memory_space<vmem>>, vector<16xf32>,
        %add3A_586 = arith.constant 112 : i32
        %add3A_587 = arith.addi %add3A_525, %add3A_586 : i32
        %swap3A_588 = arith.index_cast %add3A_587 : i32 to index
        %swap3A_589 = tpu.vector_load %arg11[%swap3A_588] {strides = array<i32>} : memref<21760xf32, #tpu.memory_space<vmem>>, vector<16xf32>,
        tpu.vector_store %arg11[%swap3A_588], %get3A_585 {strides = array<i32>} : memref<21760xf32, #tpu.memory_space<vmem>>, vector<16xf32>,
        %add3A_590 = arith.constant 2 : i32
        %add3A_591 = arith.addi %add3A_590, %add3A_517 : i32
        %mul3A_592 = arith.constant 128 : i32
        %mul3A_593 = arith.muli %add3A_591, %mul3A_592 : i32
        %mul3A_594 = arith.constant 256 : i32
        %mul3A_595 = arith.muli %add3A_517, %mul3A_594 : i32
        %add3A_596 = arith.constant 128 : i32
        %add3A_597 = arith.addi %mul3A_595, %add3A_596 : i32
        %add3A_598 = arith.constant 0 : i32
        %add3A_599 = arith.addi %mul3A_593, %add3A_598 : i32
        %get3A_600 = arith.index_cast %add3A_599 : i32 to index
        %get3A_601 = tpu.vector_load %arg9[%get3A_600] {strides = array<i32>} : memref<21760xf32, #tpu.memory_space<vmem>>, vector<16xf32>,
        %add3A_602 = arith.constant 0 : i32
        %add3A_603 = arith.addi %add3A_597, %add3A_602 : i32
        %swap3A_604 = arith.index_cast %add3A_603 : i32 to index
        %swap3A_605 = tpu.vector_load %arg11[%swap3A_604] {strides = array<i32>} : memref<21760xf32, #tpu.memory_space<vmem>>, vector<16xf32>,
        tpu.vector_store %arg11[%swap3A_604], %get3A_601 {strides = array<i32>} : memref<21760xf32, #tpu.memory_space<vmem>>, vector<16xf32>,
        %add3A_606 = arith.constant 16 : i32
        %add3A_607 = arith.addi %mul3A_593, %add3A_606 : i32
        %get3A_608 = arith.index_cast %add3A_607 : i32 to index
        %get3A_609 = tpu.vector_load %arg9[%get3A_608] {strides = array<i32>} : memref<21760xf32, #tpu.memory_space<vmem>>, vector<16xf32>,
        %add3A_610 = arith.constant 16 : i32
        %add3A_611 = arith.addi %add3A_597, %add3A_610 : i32
        %swap3A_612 = arith.index_cast %add3A_611 : i32 to index
        %swap3A_613 = tpu.vector_load %arg11[%swap3A_612] {strides = array<i32>} : memref<21760xf32, #tpu.memory_space<vmem>>, vector<16xf32>,
        tpu.vector_store %arg11[%swap3A_612], %get3A_609 {strides = array<i32>} : memref<21760xf32, #tpu.memory_space<vmem>>, vector<16xf32>,
        %add3A_614 = arith.constant 32 : i32
        %add3A_615 = arith.addi %mul3A_593, %add3A_614 : i32
        %get3A_616 = arith.index_cast %add3A_615 : i32 to index
        %get3A_617 = tpu.vector_load %arg9[%get3A_616] {strides = array<i32>} : memref<21760xf32, #tpu.memory_space<vmem>>, vector<16xf32>,
        %add3A_618 = arith.constant 32 : i32
        %add3A_619 = arith.addi %add3A_597, %add3A_618 : i32
        %swap3A_620 = arith.index_cast %add3A_619 : i32 to index
        %swap3A_621 = tpu.vector_load %arg11[%swap3A_620] {strides = array<i32>} : memref<21760xf32, #tpu.memory_space<vmem>>, vector<16xf32>,
        tpu.vector_store %arg11[%swap3A_620], %get3A_617 {strides = array<i32>} : memref<21760xf32, #tpu.memory_space<vmem>>, vector<16xf32>,
        %add3A_622 = arith.constant 48 : i32
        %add3A_623 = arith.addi %mul3A_593, %add3A_622 : i32
        %get3A_624 = arith.index_cast %add3A_623 : i32 to index
        %get3A_625 = tpu.vector_load %arg9[%get3A_624] {strides = array<i32>} : memref<21760xf32, #tpu.memory_space<vmem>>, vector<16xf32>,
        %add3A_626 = arith.constant 48 : i32
        %add3A_627 = arith.addi %add3A_597, %add3A_626 : i32
        %swap3A_628 = arith.index_cast %add3A_627 : i32 to index
        %swap3A_629 = tpu.vector_load %arg11[%swap3A_628] {strides = array<i32>} : memref<21760xf32, #tpu.memory_space<vmem>>, vector<16xf32>,
        tpu.vector_store %arg11[%swap3A_628], %get3A_625 {strides = array<i32>} : memref<21760xf32, #tpu.memory_space<vmem>>, vector<16xf32>,
        %add3A_630 = arith.constant 64 : i32
        %add3A_631 = arith.addi %mul3A_593, %add3A_630 : i32
        %get3A_632 = arith.index_cast %add3A_631 : i32 to index
        %get3A_633 = tpu.vector_load %arg9[%get3A_632] {strides = array<i32>} : memref<21760xf32, #tpu.memory_space<vmem>>, vector<16xf32>,
        %add3A_634 = arith.constant 64 : i32
        %add3A_635 = arith.addi %add3A_597, %add3A_634 : i32
        %swap3A_636 = arith.index_cast %add3A_635 : i32 to index
        %swap3A_637 = tpu.vector_load %arg11[%swap3A_636] {strides = array<i32>} : memref<21760xf32, #tpu.memory_space<vmem>>, vector<16xf32>,
        tpu.vector_store %arg11[%swap3A_636], %get3A_633 {strides = array<i32>} : memref<21760xf32, #tpu.memory_space<vmem>>, vector<16xf32>,
        %add3A_638 = arith.constant 80 : i32
        %add3A_639 = arith.addi %mul3A_593, %add3A_638 : i32
        %get3A_640 = arith.index_cast %add3A_639 : i32 to index
        %get3A_641 = tpu.vector_load %arg9[%get3A_640] {strides = array<i32>} : memref<21760xf32, #tpu.memory_space<vmem>>, vector<16xf32>,
        %add3A_642 = arith.constant 80 : i32
        %add3A_643 = arith.addi %add3A_597, %add3A_642 : i32
        %swap3A_644 = arith.index_cast %add3A_643 : i32 to index
        %swap3A_645 = tpu.vector_load %arg11[%swap3A_644] {strides = array<i32>} : memref<21760xf32, #tpu.memory_space<vmem>>, vector<16xf32>,
        tpu.vector_store %arg11[%swap3A_644], %get3A_641 {strides = array<i32>} : memref<21760xf32, #tpu.memory_space<vmem>>, vector<16xf32>,
        %add3A_646 = arith.constant 96 : i32
        %add3A_647 = arith.addi %mul3A_593, %add3A_646 : i32
        %get3A_648 = arith.index_cast %add3A_647 : i32 to index
        %get3A_649 = tpu.vector_load %arg9[%get3A_648] {strides = array<i32>} : memref<21760xf32, #tpu.memory_space<vmem>>, vector<16xf32>,
        %add3A_650 = arith.constant 96 : i32
        %add3A_651 = arith.addi %add3A_597, %add3A_650 : i32
        %swap3A_652 = arith.index_cast %add3A_651 : i32 to index
        %swap3A_653 = tpu.vector_load %arg11[%swap3A_652] {strides = array<i32>} : memref<21760xf32, #tpu.memory_space<vmem>>, vector<16xf32>,
        tpu.vector_store %arg11[%swap3A_652], %get3A_649 {strides = array<i32>} : memref<21760xf32, #tpu.memory_space<vmem>>, vector<16xf32>,
        %add3A_654 = arith.constant 112 : i32
        %add3A_655 = arith.addi %mul3A_593, %add3A_654 : i32
        %get3A_656 = arith.index_cast %add3A_655 : i32 to index
        %get3A_657 = tpu.vector_load %arg9[%get3A_656] {strides = array<i32>} : memref<21760xf32, #tpu.memory_space<vmem>>, vector<16xf32>,
        %add3A_658 = arith.constant 112 : i32
        %add3A_659 = arith.addi %add3A_597, %add3A_658 : i32
        %swap3A_660 = arith.index_cast %add3A_659 : i32 to index
        %swap3A_661 = tpu.vector_load %arg11[%swap3A_660] {strides = array<i32>} : memref<21760xf32, #tpu.memory_space<vmem>>, vector<16xf32>,
        tpu.vector_store %arg11[%swap3A_660], %get3A_657 {strides = array<i32>} : memref<21760xf32, #tpu.memory_space<vmem>>, vector<16xf32>,
        %scan3A_662 = arith.constant 1 : i32
        %add3A_663 = arith.constant 21248 : i32
        %add3A_664 = arith.addi %add3A_269, %add3A_663 : i32
        %dma_start3A = arith.constant 0 : i32
        %dma_start3A_665 = tpu.memref_slice %arg11[%dma_start3A] : memref<21760xf32, #tpu.memory_space<vmem>> -> memref<512xf32, #tpu.memory_space<vmem>>
        %dma_start3A_666 = tpu.memref_slice %arg5[%add3A_664] : memref<13056000xf32, #tpu.memory_space<hbm>> -> memref<512xf32, #tpu.memory_space<hbm>>
        %dma_start3A_667 = tpu.memref_slice %arg5[%add3A_664] : memref<13056000xf32, #tpu.memory_space<hbm>> -> memref<512xf32, #tpu.memory_space<hbm>>
        %dma_start3A_668 = arith.constant 0 : i32
        %dma_start3A_669 = tpu.memref_slice %arg11[%dma_start3A_668] : memref<21760xf32, #tpu.memory_space<vmem>> -> memref<512xf32, #tpu.memory_space<vmem>>
        tpu.enqueue_dma source(%dma_start3A_669 : memref<512xf32, #tpu.memory_space<vmem>>) target(%dma_start3A_667 : memref<512xf32, #tpu.memory_space<hbm>>) target_semaphore(%arg16 : memref<!tpu.dma_semaphore, #tpu.memory_space<semaphore_mem>>)
      } else {
      }
      %add3A_359 = arith.constant 1 : i32
      %add3A_360 = arith.addi %while3A_128, %add3A_359 : i32
      %lt3A_361 = arith.cmpi slt, %add3A_360, %sub3A : i32
      %convert_element_type3A_362 = arith.extui %lt3A_361 : i1 to i32
      %cond3A_363 = arith.constant 0 : i32
      %cond3A_364 = arith.cmpi ne, %convert_element_type3A_362, %cond3A_363 : i32
      scf.if %cond3A_364 {
        %add3A_365 = arith.constant 1 : i32
        %add3A_366 = arith.addi %add3A_129, %add3A_365 : i32
        %shift_right_arithmetic3A_367 = arith.constant 4 : i32
        %shift_right_arithmetic3A_368 = arith.shrsi %add3A_366, %shift_right_arithmetic3A_367 : i32
        %shift_left3A_369 = arith.constant 4 : i32
        %shift_left3A_370 = arith.shli %shift_right_arithmetic3A_368, %shift_left3A_369 : i32
        %get3A_371 = arith.index_cast %shift_left3A_370 : i32 to index
        %get3A_372 = tpu.vector_load %arg6[%get3A_371] {strides = array<i32>} : memref<304xf32, #tpu.memory_space<vmem>>, vector<16xf32>,
        %lt3A_373 = arith.cmpf olt, %get3A_1, %get3A_372 : vector<16xf32>
        %select_n3A_374 = arith.select %lt3A_373, %add3A_20, %broadcast_in_dim3A_17 : vector<16xi1>, vector<16xi32>
        %add3A_375 = arith.constant 0 : i32
        %add3A_376 = vector.broadcast %add3A_375 : i32 to vector<16xi32>
        %add3A_377 = arith.addi %add3A_376, %select_n3A_374 : vector<16xi32>
        %lt3A_378 = arith.cmpf olt, %get3A_3, %get3A_372 : vector<16xf32>
        %select_n3A_379 = arith.select %lt3A_378, %add3A_20, %broadcast_in_dim3A_17 : vector<16xi1>, vector<16xi32>
        %add3A_380 = arith.addi %add3A_377, %select_n3A_379 : vector<16xi32>
        %lt3A_381 = arith.cmpf olt, %get3A_5, %get3A_372 : vector<16xf32>
        %select_n3A_382 = arith.select %lt3A_381, %add3A_20, %broadcast_in_dim3A_17 : vector<16xi1>, vector<16xi32>
        %add3A_383 = arith.addi %add3A_380, %select_n3A_382 : vector<16xi32>
        %lt3A_384 = arith.cmpf olt, %get3A_7, %get3A_372 : vector<16xf32>
        %select_n3A_385 = arith.select %lt3A_384, %add3A_20, %broadcast_in_dim3A_17 : vector<16xi1>, vector<16xi32>
        %add3A_386 = arith.addi %add3A_383, %select_n3A_385 : vector<16xi32>
        %sub3A_387 = arith.subi %add3A_366, %shift_left3A_370 : i32
        %add3A_388 = vector.broadcast %sub3A_387 : i32 to vector<16xi32>
        %add3A_389 = arith.addi %broadcast_in_dim3A_17, %add3A_388 : vector<16xi32>
        %eq3A_390 = arith.cmpi eq, %iota3A, %add3A_389 : vector<16xi32>
        %select_n3A_391 = arith.select %eq3A_390, %add3A_386, %broadcast_in_dim3A_17 : vector<16xi1>, vector<16xi32>
        %reduce_sum3A_392 = arith.constant true
        %reduce_sum3A_393 = vector.broadcast %reduce_sum3A_392 : i1 to vector<16xi1>
        %reduce_sum3A_394 = tpu.scan <sum>, %select_n3A_391 masked %reduce_sum3A_393 : vector<16xi32>, vector<16xi1> -> vector<16xi32>
        %reduce_sum3A_395 = vector.extract %reduce_sum3A_394[15] : i32 from vector<16xi32>
        %eq3A_396 = arith.constant 0 : i32
        %eq3A_397 = arith.cmpi eq, %reduce_sum3A_395, %eq3A_396 : i32
        %convert_element_type3A_398 = arith.extui %eq3A_397 : i1 to i32
        %cond3A_399 = arith.constant 0 : i32
        %cond3A_400 = arith.cmpi ne, %convert_element_type3A_398, %cond3A_399 : i32
        scf.if %cond3A_400 {
          %mul3A_416 = arith.constant 43520 : i32
          %mul3A_417 = arith.muli %add3A_366, %mul3A_416 : i32
          %add3A_418 = arith.constant 0 : i32
          %add3A_419 = arith.addi %mul3A_417, %add3A_418 : i32
          %add3A_420 = arith.constant 10880 : i32
          %add3A_421 = arith.addi %add3A_419, %add3A_420 : i32
          %dma_start3A = arith.constant 0 : i32
          %dma_start3A_422 = tpu.memref_slice %arg9[%dma_start3A] : memref<21760xf32, #tpu.memory_space<vmem>> -> memref<10880xf32, #tpu.memory_space<vmem>>
          %dma_start3A_423 = tpu.memref_slice %arg2[%add3A_421] : memref<13056000xf32, #tpu.memory_space<hbm>> -> memref<10880xf32, #tpu.memory_space<hbm>>
          %dma_start3A_424 = arith.constant 0 : i32
          %dma_start3A_425 = tpu.memref_slice %arg9[%dma_start3A_424] : memref<21760xf32, #tpu.memory_space<vmem>> -> memref<10880xf32, #tpu.memory_space<vmem>>
          %dma_start3A_426 = tpu.memref_slice %arg2[%add3A_421] : memref<13056000xf32, #tpu.memory_space<hbm>> -> memref<10880xf32, #tpu.memory_space<hbm>>
          tpu.enqueue_dma source(%dma_start3A_426 : memref<10880xf32, #tpu.memory_space<hbm>>) target(%dma_start3A_425 : memref<10880xf32, #tpu.memory_space<vmem>>) target_semaphore(%arg14 : memref<!tpu.dma_semaphore, #tpu.memory_space<semaphore_mem>>)
          %mul3A_427 = arith.constant 43520 : i32
          %mul3A_428 = arith.muli %add3A_366, %mul3A_427 : i32
          %add3A_429 = arith.constant 21760 : i32
          %add3A_430 = arith.addi %mul3A_428, %add3A_429 : i32
          %add3A_431 = arith.constant 10880 : i32
          %add3A_432 = arith.addi %add3A_430, %add3A_431 : i32
          %dma_start3A_433 = arith.constant 10880 : i32
          %dma_start3A_434 = tpu.memref_slice %arg9[%dma_start3A_433] : memref<21760xf32, #tpu.memory_space<vmem>> -> memref<10880xf32, #tpu.memory_space<vmem>>
          %dma_start3A_435 = tpu.memref_slice %arg2[%add3A_432] : memref<13056000xf32, #tpu.memory_space<hbm>> -> memref<10880xf32, #tpu.memory_space<hbm>>
          %dma_start3A_436 = arith.constant 10880 : i32
          %dma_start3A_437 = tpu.memref_slice %arg9[%dma_start3A_436] : memref<21760xf32, #tpu.memory_space<vmem>> -> memref<10880xf32, #tpu.memory_space<vmem>>
          %dma_start3A_438 = tpu.memref_slice %arg2[%add3A_432] : memref<13056000xf32, #tpu.memory_space<hbm>> -> memref<10880xf32, #tpu.memory_space<hbm>>
          tpu.enqueue_dma source(%dma_start3A_438 : memref<10880xf32, #tpu.memory_space<hbm>>) target(%dma_start3A_437 : memref<10880xf32, #tpu.memory_space<vmem>>) target_semaphore(%arg14 : memref<!tpu.dma_semaphore, #tpu.memory_space<semaphore_mem>>)
        } else {
        }
        %eq3A_401 = arith.constant 1 : i32
        %eq3A_402 = arith.cmpi eq, %reduce_sum3A_395, %eq3A_401 : i32
        %convert_element_type3A_403 = arith.extui %eq3A_402 : i1 to i32
        %cond3A_404 = arith.constant 0 : i32
        %cond3A_405 = arith.cmpi ne, %convert_element_type3A_403, %cond3A_404 : i32
        scf.if %cond3A_405 {
          %mul3A_416 = arith.constant 43520 : i32
          %mul3A_417 = arith.muli %add3A_366, %mul3A_416 : i32
          %add3A_418 = arith.constant 0 : i32
          %add3A_419 = arith.addi %mul3A_417, %add3A_418 : i32
          %add3A_420 = arith.constant 16384 : i32
          %add3A_421 = arith.addi %add3A_419, %add3A_420 : i32
          %dma_start3A = arith.constant 0 : i32
          %dma_start3A_422 = tpu.memref_slice %arg9[%dma_start3A] : memref<21760xf32, #tpu.memory_space<vmem>> -> memref<5376xf32, #tpu.memory_space<vmem>>
          %dma_start3A_423 = tpu.memref_slice %arg2[%add3A_421] : memref<13056000xf32, #tpu.memory_space<hbm>> -> memref<5376xf32, #tpu.memory_space<hbm>>
          %dma_start3A_424 = arith.constant 0 : i32
          %dma_start3A_425 = tpu.memref_slice %arg9[%dma_start3A_424] : memref<21760xf32, #tpu.memory_space<vmem>> -> memref<5376xf32, #tpu.memory_space<vmem>>
          %dma_start3A_426 = tpu.memref_slice %arg2[%add3A_421] : memref<13056000xf32, #tpu.memory_space<hbm>> -> memref<5376xf32, #tpu.memory_space<hbm>>
          tpu.enqueue_dma source(%dma_start3A_426 : memref<5376xf32, #tpu.memory_space<hbm>>) target(%dma_start3A_425 : memref<5376xf32, #tpu.memory_space<vmem>>) target_semaphore(%arg14 : memref<!tpu.dma_semaphore, #tpu.memory_space<semaphore_mem>>)
          %mul3A_427 = arith.constant 43520 : i32
          %mul3A_428 = arith.muli %add3A_366, %mul3A_427 : i32
          %add3A_429 = arith.constant 21760 : i32
          %add3A_430 = arith.addi %mul3A_428, %add3A_429 : i32
          %add3A_431 = arith.constant 16384 : i32
          %add3A_432 = arith.addi %add3A_430, %add3A_431 : i32
          %dma_start3A_433 = arith.constant 5376 : i32
          %dma_start3A_434 = tpu.memref_slice %arg9[%dma_start3A_433] : memref<21760xf32, #tpu.memory_space<vmem>> -> memref<5376xf32, #tpu.memory_space<vmem>>
          %dma_start3A_435 = tpu.memref_slice %arg2[%add3A_432] : memref<13056000xf32, #tpu.memory_space<hbm>> -> memref<5376xf32, #tpu.memory_space<hbm>>
          %dma_start3A_436 = arith.constant 5376 : i32
          %dma_start3A_437 = tpu.memref_slice %arg9[%dma_start3A_436] : memref<21760xf32, #tpu.memory_space<vmem>> -> memref<5376xf32, #tpu.memory_space<vmem>>
          %dma_start3A_438 = tpu.memref_slice %arg2[%add3A_432] : memref<13056000xf32, #tpu.memory_space<hbm>> -> memref<5376xf32, #tpu.memory_space<hbm>>
          tpu.enqueue_dma source(%dma_start3A_438 : memref<5376xf32, #tpu.memory_space<hbm>>) target(%dma_start3A_437 : memref<5376xf32, #tpu.memory_space<vmem>>) target_semaphore(%arg14 : memref<!tpu.dma_semaphore, #tpu.memory_space<semaphore_mem>>)
        } else {
        }
        %eq3A_406 = arith.constant 2 : i32
        %eq3A_407 = arith.cmpi eq, %reduce_sum3A_395, %eq3A_406 : i32
        %convert_element_type3A_408 = arith.extui %eq3A_407 : i1 to i32
        %cond3A_409 = arith.constant 0 : i32
        %cond3A_410 = arith.cmpi ne, %convert_element_type3A_408, %cond3A_409 : i32
        scf.if %cond3A_410 {
          %mul3A_416 = arith.constant 43520 : i32
          %mul3A_417 = arith.muli %add3A_366, %mul3A_416 : i32
          %add3A_418 = arith.constant 0 : i32
          %add3A_419 = arith.addi %mul3A_417, %add3A_418 : i32
          %add3A_420 = arith.constant 20480 : i32
          %add3A_421 = arith.addi %add3A_419, %add3A_420 : i32
          %dma_start3A = arith.constant 0 : i32
          %dma_start3A_422 = tpu.memref_slice %arg9[%dma_start3A] : memref<21760xf32, #tpu.memory_space<vmem>> -> memref<1280xf32, #tpu.memory_space<vmem>>
          %dma_start3A_423 = tpu.memref_slice %arg2[%add3A_421] : memref<13056000xf32, #tpu.memory_space<hbm>> -> memref<1280xf32, #tpu.memory_space<hbm>>
          %dma_start3A_424 = arith.constant 0 : i32
          %dma_start3A_425 = tpu.memref_slice %arg9[%dma_start3A_424] : memref<21760xf32, #tpu.memory_space<vmem>> -> memref<1280xf32, #tpu.memory_space<vmem>>
          %dma_start3A_426 = tpu.memref_slice %arg2[%add3A_421] : memref<13056000xf32, #tpu.memory_space<hbm>> -> memref<1280xf32, #tpu.memory_space<hbm>>
          tpu.enqueue_dma source(%dma_start3A_426 : memref<1280xf32, #tpu.memory_space<hbm>>) target(%dma_start3A_425 : memref<1280xf32, #tpu.memory_space<vmem>>) target_semaphore(%arg14 : memref<!tpu.dma_semaphore, #tpu.memory_space<semaphore_mem>>)
          %mul3A_427 = arith.constant 43520 : i32
          %mul3A_428 = arith.muli %add3A_366, %mul3A_427 : i32
          %add3A_429 = arith.constant 21760 : i32
          %add3A_430 = arith.addi %mul3A_428, %add3A_429 : i32
          %add3A_431 = arith.constant 20480 : i32
          %add3A_432 = arith.addi %add3A_430, %add3A_431 : i32
          %dma_start3A_433 = arith.constant 1280 : i32
          %dma_start3A_434 = tpu.memref_slice %arg9[%dma_start3A_433] : memref<21760xf32, #tpu.memory_space<vmem>> -> memref<1280xf32, #tpu.memory_space<vmem>>
          %dma_start3A_435 = tpu.memref_slice %arg2[%add3A_432] : memref<13056000xf32, #tpu.memory_space<hbm>> -> memref<1280xf32, #tpu.memory_space<hbm>>
          %dma_start3A_436 = arith.constant 1280 : i32
          %dma_start3A_437 = tpu.memref_slice %arg9[%dma_start3A_436] : memref<21760xf32, #tpu.memory_space<vmem>> -> memref<1280xf32, #tpu.memory_space<vmem>>
          %dma_start3A_438 = tpu.memref_slice %arg2[%add3A_432] : memref<13056000xf32, #tpu.memory_space<hbm>> -> memref<1280xf32, #tpu.memory_space<hbm>>
          tpu.enqueue_dma source(%dma_start3A_438 : memref<1280xf32, #tpu.memory_space<hbm>>) target(%dma_start3A_437 : memref<1280xf32, #tpu.memory_space<vmem>>) target_semaphore(%arg14 : memref<!tpu.dma_semaphore, #tpu.memory_space<semaphore_mem>>)
        } else {
        }
        %eq3A_411 = arith.constant 3 : i32
        %eq3A_412 = arith.cmpi eq, %reduce_sum3A_395, %eq3A_411 : i32
        %convert_element_type3A_413 = arith.extui %eq3A_412 : i1 to i32
        %cond3A_414 = arith.constant 0 : i32
        %cond3A_415 = arith.cmpi ne, %convert_element_type3A_413, %cond3A_414 : i32
        scf.if %cond3A_415 {
          %mul3A_416 = arith.constant 43520 : i32
          %mul3A_417 = arith.muli %add3A_366, %mul3A_416 : i32
          %add3A_418 = arith.constant 0 : i32
          %add3A_419 = arith.addi %mul3A_417, %add3A_418 : i32
          %add3A_420 = arith.constant 21504 : i32
          %add3A_421 = arith.addi %add3A_419, %add3A_420 : i32
          %dma_start3A = arith.constant 0 : i32
          %dma_start3A_422 = tpu.memref_slice %arg9[%dma_start3A] : memref<21760xf32, #tpu.memory_space<vmem>> -> memref<256xf32, #tpu.memory_space<vmem>>
          %dma_start3A_423 = tpu.memref_slice %arg2[%add3A_421] : memref<13056000xf32, #tpu.memory_space<hbm>> -> memref<256xf32, #tpu.memory_space<hbm>>
          %dma_start3A_424 = arith.constant 0 : i32
          %dma_start3A_425 = tpu.memref_slice %arg9[%dma_start3A_424] : memref<21760xf32, #tpu.memory_space<vmem>> -> memref<256xf32, #tpu.memory_space<vmem>>
          %dma_start3A_426 = tpu.memref_slice %arg2[%add3A_421] : memref<13056000xf32, #tpu.memory_space<hbm>> -> memref<256xf32, #tpu.memory_space<hbm>>
          tpu.enqueue_dma source(%dma_start3A_426 : memref<256xf32, #tpu.memory_space<hbm>>) target(%dma_start3A_425 : memref<256xf32, #tpu.memory_space<vmem>>) target_semaphore(%arg14 : memref<!tpu.dma_semaphore, #tpu.memory_space<semaphore_mem>>)
          %mul3A_427 = arith.constant 43520 : i32
          %mul3A_428 = arith.muli %add3A_366, %mul3A_427 : i32
          %add3A_429 = arith.constant 21760 : i32
          %add3A_430 = arith.addi %mul3A_428, %add3A_429 : i32
          %add3A_431 = arith.constant 21504 : i32
          %add3A_432 = arith.addi %add3A_430, %add3A_431 : i32
          %dma_start3A_433 = arith.constant 256 : i32
          %dma_start3A_434 = tpu.memref_slice %arg9[%dma_start3A_433] : memref<21760xf32, #tpu.memory_space<vmem>> -> memref<256xf32, #tpu.memory_space<vmem>>
          %dma_start3A_435 = tpu.memref_slice %arg2[%add3A_432] : memref<13056000xf32, #tpu.memory_space<hbm>> -> memref<256xf32, #tpu.memory_space<hbm>>
          %dma_start3A_436 = arith.constant 256 : i32
          %dma_start3A_437 = tpu.memref_slice %arg9[%dma_start3A_436] : memref<21760xf32, #tpu.memory_space<vmem>> -> memref<256xf32, #tpu.memory_space<vmem>>
          %dma_start3A_438 = tpu.memref_slice %arg2[%add3A_432] : memref<13056000xf32, #tpu.memory_space<hbm>> -> memref<256xf32, #tpu.memory_space<hbm>>
          tpu.enqueue_dma source(%dma_start3A_438 : memref<256xf32, #tpu.memory_space<hbm>>) target(%dma_start3A_437 : memref<256xf32, #tpu.memory_space<vmem>>) target_semaphore(%arg14 : memref<!tpu.dma_semaphore, #tpu.memory_space<semaphore_mem>>)
        } else {
        }
      } else {
      }
    }
    %dma_wait3A = arith.constant 0 : i32
    %dma_wait3A_113 = tpu.memref_slice %arg10[%dma_wait3A] : memref<21760xf32, #tpu.memory_space<vmem>> -> memref<21760xf32, #tpu.memory_space<vmem>>
    %dma_wait3A_114 = arith.constant 0 : i32
    %dma_wait3A_115 = tpu.memref_slice %arg5[%dma_wait3A_114] : memref<13056000xf32, #tpu.memory_space<hbm>> -> memref<21760xf32, #tpu.memory_space<hbm>>
    %dma_wait3A_116 = arith.constant 0 : i32
    %dma_wait3A_117 = tpu.memref_slice %arg5[%dma_wait3A_116] : memref<13056000xf32, #tpu.memory_space<hbm>> -> memref<21760xf32, #tpu.memory_space<hbm>>
    %dma_wait3A_118 = arith.constant 0 : i32
    %dma_wait3A_119 = tpu.memref_slice %arg10[%dma_wait3A_118] : memref<21760xf32, #tpu.memory_space<vmem>> -> memref<21760xf32, #tpu.memory_space<vmem>>
    tpu.wait_dma2 semaphore(%arg15 : memref<!tpu.dma_semaphore, #tpu.memory_space<semaphore_mem>>) src(%dma_wait3A_119 : memref<21760xf32, #tpu.memory_space<vmem>>) dst(%dma_wait3A_117 : memref<21760xf32, #tpu.memory_space<hbm>>)
    %dma_wait3A_120 = arith.constant 0 : i32
    %dma_wait3A_121 = tpu.memref_slice %arg11[%dma_wait3A_120] : memref<21760xf32, #tpu.memory_space<vmem>> -> memref<21760xf32, #tpu.memory_space<vmem>>
    %dma_wait3A_122 = arith.constant 0 : i32
    %dma_wait3A_123 = tpu.memref_slice %arg5[%dma_wait3A_122] : memref<13056000xf32, #tpu.memory_space<hbm>> -> memref<21760xf32, #tpu.memory_space<hbm>>
    %dma_wait3A_124 = arith.constant 0 : i32
    %dma_wait3A_125 = tpu.memref_slice %arg5[%dma_wait3A_124] : memref<13056000xf32, #tpu.memory_space<hbm>> -> memref<21760xf32, #tpu.memory_space<hbm>>
    %dma_wait3A_126 = arith.constant 0 : i32
    %dma_wait3A_127 = tpu.memref_slice %arg11[%dma_wait3A_126] : memref<21760xf32, #tpu.memory_space<vmem>> -> memref<21760xf32, #tpu.memory_space<vmem>>
    tpu.wait_dma2 semaphore(%arg16 : memref<!tpu.dma_semaphore, #tpu.memory_space<semaphore_mem>>) src(%dma_wait3A_127 : memref<21760xf32, #tpu.memory_space<vmem>>) dst(%dma_wait3A_125 : memref<21760xf32, #tpu.memory_space<hbm>>)
    return
  }
}

</mosaic_0001>

<sc_bundles>
// kernel: kernel.3.cloned.1.call-start
scs
__scs_entry_jumppad:
0x0: {  	(pc) =	sbr.rel $0x88, $3  }
0x1: {  	(tag) =	ssettag $0x0;
	lr =	simm.s32 $0x1  }
0x2: {  	[smem:$0x3F9E] =	sst lr;
	_ =	strace $0xD0000000  }
0x3: {  	_ = 	snop  }
0x4: {  	_ = 	snop  }
0x5: {  	_ = 	snop  }
0x6: {  	_ = 	snop  }
0x7: {  	_ = 	snop  }
__scs_overlays_trampoline_lowered:
0x8: {  	[smem:$0x3FAD] =	sst s0  }
0x9: {  	[smem:$0x3FAE] =	sst s1  }
0xa: {  	[smem:$0x3FAF] =	sst s2  }
0xb: {  	[smem:$0x3FB0] =	sst s3  }
0xc: {  	[smem:$0x3FB1] =	sst s4  }
0xd: {  	[smem:$0x3FB2] =	sst s5  }
0xe: {  	[smem:$0x3FB3] =	sst s6  }
0xf: {  	[smem:$0x3FB4] =	sst s7  }
0x10: {  	[smem:$0x3FB5] =	sst s8  }
0x11: {  	[smem:$0x3FB6] =	sst s9;
	s0 =	simm.s32 @!p0 $0x0  }
0x12: {  	s1 =	sld [smem:$0x3F9C];
	s0 =	simm.s32 @p0 $0x1  }
0x13: {  	[smem:$0x3FB7] =	sst s0;
	s0 =	simm.s32 @!p1 $0x0  }
0x14: {  	s2 =	sld [smem:$0x3F9B];
	s0 =	simm.s32 @p1 $0x1  }
0x15: {  	[smem:$0x3FB8] =	sst s0;
	s0 =	simm.s32 @!p2 $0x0  }
0x16: {  	s3 =	sld [smem:$0x3FDB];
	s0 =	simm.s32 @p2 $0x1  }
0x17: {  	s4 =	simm.s32 $0x1BF5;
	[smem:$0x3FBA] =	sst s0  }
0x18: {  	s0 =	sld [smem:$0x3F9D];
	_ =	swait.ge [sflag:s4], $0x0  }
0x19: {  	s7 =	sld [smem:$0x3F9E]  }
0x1a: {  	s8 =	sadd.s32 $0xFFFFE003, lr  }
0x1b: {  	s9 =	sadd.s32 $0xFFFFFEF7, lr;
	s5 =	simm.s32 $0xFFFFFFFF;
	p2 =	slt.u32 s8, $0xFFFFF086  }
0x1c: {  	p1 =	slt.u32 s9, $0xF7A;
	s5 =	simm.s32 @!p2 $0x0  }
0x1d: {  	s5 =	simm.s32 @p1 $0x1;
	p0 =	seq.s32 s7, s2  }
0x1e: {  	s7 =	smul.u32 @!p0 $0xF7A, s2;
	p2 =	seq.s32 @!p0 s5, $0x0  }
0x1f: {  	s9 =	smul.u32 $0xF7A, s1;
	s8 =	simm.s32 @!p0 $0x1BF5;
	p2 =	por !p2, p0  }
0x20: {  	[sflag:s8] =	ssyncset.s32 @!p0 $0xFFFFF086;
	s6 =	sadd.s32 @!p0 s3, s7;
	s7 =	simm.s32 @!p0 $0x108  }
0x21: {  	s3 =	sadd.s32 s3, s9;
	s6 =	sadd.s32 @!p0 $0x88, s6;
	s7 =	simm.s32 @p2 $0x1082  }
0x22: {  	[simem:s7], [sflag:s8] =	dma.local @!p0 [hbm:s6], $0xF7A  }
0x23: {  	s9 =	sor.u32 $0xD0000000, s2;
	s6 =	simm.s32 $0x108;
	_ =	swait.ge @!p0 [sflag:s8], $0x0  }
0x24: {  	s3 =	sadd.s32 $0x88, s3;
	s6 =	simm.s32 @!p1 $0x1082;
	[sflag:s4] =	ssyncset.s32 $0xFFFFF086  }
0x25: {  	[simem:s6], [sflag:s4] =	dma.local [hbm:s3], $0xF7A  }
0x26: {  	[smem:$0x3F9E] =	sst s1;
	(tag) =	ssettag s2;
	_ =	strace s9  }
0x27: {  	s1 =	sld [smem:$0x3FAE]  }
0x28: {  	s2 =	sld [smem:$0x3FAF]  }
0x29: {  	s4 =	sld [smem:$0x3FB1]  }
0x2a: {  	p0 =	seq.s32 s5, $0x0;
	s5 =	sld [smem:$0x3FB2]  }
0x2b: {  	s6 =	sld [smem:$0x3FB3]  }
0x2c: {  	s7 =	sld [smem:$0x3FB4]  }
0x2d: {  	s3 =	simm.s32 $0x108;
	s8 =	sld [smem:$0x3FB5]  }
0x2e: {  	s3 =	simm.s32 @!p0 $0x1082;
	s9 =	sld [smem:$0x3FB6]  }
0x2f: {  	lr =	sadd.s32 s0, s3;
	s0 =	sld [smem:$0x3FAD]  }
0x30: {  	s3 =	sld [smem:$0x3FB0]  }
0x31: {  	[smem:$0x3FB9] =	sst s10  }
0x32: {  	s10 =	sld [smem:$0x3FB7];
	_ =	sdelay $0x3  }
0x33: {  	p0 =	seq.s32 s10, $0x1;
	s10 =	sld [smem:$0x3FB9];
	_ =	sdelay $0x3  }
0x34: {  	[smem:$0x3FB9] =	sst s10  }
0x35: {  	s10 =	sld [smem:$0x3FB8];
	_ =	sdelay $0x3  }
0x36: {  	p1 =	seq.s32 s10, $0x1;
	s10 =	sld [smem:$0x3FB9];
	_ =	sdelay $0x3  }
0x37: {  	[smem:$0x3FB9] =	sst s10  }
0x38: {  	s10 =	sld [smem:$0x3FBA]  }
0x39: {  	_ = 	snop;
	(pc) =	sbr.ind lr, $3  }
0x3a: {  	_ = 	snop  }
0x3b: {  	_ = 	snop  }
0x3c: {  	p2 =	seq.s32 s10, $0x1;
	s10 =	sld [smem:$0x3FB9]  }
0x3d: {  	_ =	shalt  }
0x3e: {  	_ =	shalt  }
0x3f: {  	_ =	shalt  }
0x40: {  	_ =	shalt  }
0x41: {  	_ =	shalt  }
0x42: {  	_ =	shalt  }
0x43: {  	_ =	shalt  }
0x44: {  	_ =	shalt  }
0x45: {  	_ =	shalt  }
0x46: {  	_ =	shalt  }
0x47: {  	_ =	shalt  }
0x48: {  	_ =	shalt  }
0x49: {  	_ =	shalt  }
0x4a: {  	_ =	shalt  }
0x4b: {  	_ =	shalt  }
0x4c: {  	_ =	shalt  }
0x4d: {  	_ =	shalt  }
0x4e: {  	_ =	shalt  }
0x4f: {  	_ =	shalt  }
0x50: {  	_ =	shalt  }
0x51: {  	_ =	shalt  }
0x52: {  	_ =	shalt  }
0x53: {  	_ =	shalt  }
0x54: {  	_ =	shalt  }
0x55: {  	_ =	shalt  }
0x56: {  	_ =	shalt  }
0x57: {  	_ =	shalt  }
0x58: {  	_ =	shalt  }
0x59: {  	_ =	shalt  }
0x5a: {  	_ =	shalt  }
0x5b: {  	_ =	shalt  }
0x5c: {  	_ =	shalt  }
0x5d: {  	_ =	shalt  }
0x5e: {  	_ =	shalt  }
0x5f: {  	_ =	shalt  }
0x60: {  	_ =	shalt  }
0x61: {  	_ =	shalt  }
0x62: {  	_ =	shalt  }
0x63: {  	_ =	shalt  }
0x64: {  	_ =	shalt  }
0x65: {  	_ =	shalt  }
0x66: {  	_ =	shalt  }
0x67: {  	_ =	shalt  }
0x68: {  	_ =	shalt  }
0x69: {  	_ =	shalt  }
0x6a: {  	_ =	shalt  }
0x6b: {  	_ =	shalt  }
0x6c: {  	_ =	shalt  }
0x6d: {  	_ =	shalt  }
0x6e: {  	_ =	shalt  }
0x6f: {  	_ =	shalt  }
0x70: {  	_ =	shalt  }
0x71: {  	_ =	shalt  }
0x72: {  	_ =	shalt  }
0x73: {  	_ =	shalt  }
0x74: {  	_ =	shalt  }
0x75: {  	_ =	shalt  }
0x76: {  	_ =	shalt  }
0x77: {  	_ =	shalt  }
0x78: {  	_ =	shalt  }
0x79: {  	_ =	shalt  }
0x7a: {  	_ =	shalt  }
0x7b: {  	_ =	shalt  }
0x7c: {  	_ =	shalt  }
0x7d: {  	_ =	shalt  }
0x7e: {  	_ =	shalt  }
0x7f: {  	_ =	shalt  }
0x80: {  	_ =	shalt  }
0x81: {  	_ =	shalt  }
0x82: {  	_ =	shalt  }
0x83: {  	_ =	shalt  }
0x84: {  	_ =	shalt  }
0x85: {  	_ =	shalt  }
0x86: {  	_ =	shalt  }
0x87: {  	_ =	shalt  }
.Lfunc_end0:
.L_simem_size_0:
called_computation_lowered:
.L_overlay_start_0:
0x88: {  	s2 =	sld [smem:$0x3FD9]  }
0x89: {  	s3 =	sld [smem:$0x3FFE];
	_ =	sdelay $0x1  }
0x8a: {  	s1 =	srdreg.scid  }
0x8b: {  	s0 =	sand.u32 $0x1, s1  }
0x8c: {  	s17 =	sshll.u32 s0, $0xA;
	s2 =	sadd.s32 s3, s2  }
0x8d: {  	s2 =	sadd.s32 s2, s17  }
0x8e: {  	[smem:$0x3FC5] =	sst s2  }
0x8f: {  	_ = 	snop  }
0x90: {  	s2 =	sld [smem:$0x3FD0];
	(tm) =	ssettm $0x1  }
0x91: {  	s18 =	sld [smem:$0x3FFB];
	_ =	sdelay $0x3  }
0x92: {  	_ =	strace s18  }
0x93: {  	s3 =	sld [smem:$0x3FFC];
	_ =	sdelay $0x3  }
0x94: {  	_ =	strace s3  }
0x95: {  	s3 =	sld [smem:$0x3FFD];
	_ =	sdelay $0x3  }
0x96: {  	_ =	strace s3  }
0x97: {  	_ =	strace $0x8FFFFFFF  }
0x98: {  	s19 =	sld [smem:$0x3FDB];
	_ =	sdelay $0x1  }
0x99: {  	s4 =	simm.s32 $_scs_section_size  }
0x9a: {  	s5 =	simm.s32 $_size__tile_overlayer_lowered;
	s6 =	simm.s32 $_tile_overlayer_lowered  }
0x9b: {  	s22 =	simm.s32 $0x1BFF;
	s21 =	sshll.u32 s6, $0x1;
	s3 =	sadd.s32 s4, s19  }
0x9c: {  	s7 =	simm.s32 $0x0;
	s20 =	sshll.u32 s5, $0x1;
	s5 =	sadd.s32 s21, s3  }
0x9d: {  	[timem:s7], [sflag:s22] =	dma.local [hbm:s5], s20  }
0x9e: {  	_ =	swait.ge [sflag:s22], s20  }
0x9f: {  	s4 =	ssub.s32 $0x0, s20;
	[sflag:s22] =	ssyncset.done $0x0  }
0xa0: {  	[sflag:s22] =	ssyncadd.s32 s4;
	_ =	sdelay $0x1  }
0xa1: {  	s23 =	simm.s32 $0x1B8B  }
0xa2: {  	_ =	swait.ge [sflag:s23], $0x1  }
0xa3: {  	[sflag:s23] =	ssyncset.done $0x0  }
0xa4: {  	s25 =	simm.s32 $0x1B8E;
	s24 =	sld [smem:$0x3FFE];
	[sflag:s23] =	ssyncadd.s32 $0xFFFFFFFF  }
0xa5: {  	s26 =	simm.s32 $execute0_lowered;
	[smem:$0x3FD2] =	sst s25  }
0xa6: {  	s5 =	sshll.u32 s26, $0x1;
	_ =	strace $0x80000046;
	[dreg:$0x1] =	wrdreg $0xFFFFFFFF  }
0xa7: {  	s28 =	simm.s32 $_size_execute0_lowered;
	s3 =	sadd.s32 s3, s5;
	[dreg:$0x0] =	wrdreg $0x0  }
0xa8: {  	s5 =	sshll.u32 s28, $0x1;
	[dreg:$0x2] =	wrdreg s3  }
0xa9: {  	[dreg:$0x3] =	wrdreg s5  }
0xaa: {  	[dreg:$0x4] =	wrdreg $0xC0  }
0xab: {  	_ =	task [dreg:s7], $0x5FFFF  }
0xac: {  	[dreg:$0x1] =	wrdreg $0xFFFFFFFF  }
0xad: {  	[dreg:$0x0] =	wrdreg $0x60  }
0xae: {  	[dreg:$0x2] =	wrdreg s24  }
0xaf: {  	[dreg:$0x3] =	wrdreg s2  }
0xb0: {  	[dreg:$0x4] =	wrdreg $0x9  }
0xb1: {  	_ =	task.clear_ibuf [dreg:s7], $0x5FFFF;
	_ =	strace $0x90000046  }
0xb2: {  	s29 =	simm.s32 $0x9;
	_ =	strace $0x80000048  }
0xb3: {  	_ =	swait.ge [sflag:s29], $0x1  }
0xb4: {  	[sflag:s29] =	ssyncadd.s32 $0xFFFFFFFF  }
0xb5: {  	_ =	strace $0x90000048  }
0xb6: {  	_ =	sfence  }
0xb7: {  	s30 =	sld [smem:$0x0];
	_ =	sdelay $0x2  }
0xb8: {  	s31 =	sshll.u32 s1, $0xD;
	s1 =	sshrl.u32 s1, $0x2  }
0xb9: {  	s3 =	sand.u32 $0x4000, s31;
	s1 =	sadd.s32 s1, s30  }
0xba: {  	s0 =	sor.u32 s3, s0;
	s1 =	sshll.u32 s1, $0x11  }
0xbb: {  	s0 =	sor.u32 s1, s0  }
0xbc: {  	s0 =	sadd.s32 $0x8F2B, s0  }
0xbd: {  	[sflag:s0] =	ssyncadd.remote.s32 $0x1  }
0xbe: {  	_ =	sfence.sel $0xFFFF  }
0xbf: {  	[dreg:$0x0] =	wrdreg $0xFFFFFFFF;
	(pc) =	sbr.abs _section_cstart, $3  }
0xc0: {  	[dreg:$0x1] =	wrdreg $0xFFFFFFFF  }
0xc1: {  	_ =	task.clear_ibuf [dreg:s7], $0x2FFFF;
	_ =	strace $0x9FFFFFFF  }
0xc2: {  	(tm) =	ssettm $0x7FFFFFFF  }
0xc3: {  	_ =	shalt  }
tec
execute0_lowered:
.L_overlay_start_1:
0x0: {  	(tag) =	ssettag $0x1  }
0x1: {  	s0 =	srdreg.scid;
	s2 =	stileid.u32  }
0x2: {  	s1 =	rddreg [dreg:$0x0];
	s21 =	simm.s32 $0x5;
	s23 =	simm.s32 $0xAC00  }
0x3: {  	s24 =	simm.s32 $0x10100;
	s25 =	simm.s32 $0x3;
	s28 =	simm.s32 $0x0  }
0x4: {  	s0 =	sand.u32 $0x1, s0;
	s3 =	sshll.u32 s2, $0x1;
	s2 =	rddreg [dreg:$0x1]  }
0x5: {  	s5 =	sadd.s32 $0x600, s1;
	s7 =	sadd.s32 $0x18EE00, s1;
	s4 =	sor.u32 s0, s3  }
0x6: {  	s3 =	simm.s32 $0x0;
	s0 =	ssub.s32 $0x2, s0;
	s6 =	smul.u32 $0x4B, s4  }
0x7: {  	s1 =	sadd.s32 $0x400, s1;
	[smem:$0x7FF] =	sst s3;
	s29 =	sshrl.u32 s0, $0x1  }
0x8: {  	_ =	strace $0x80000047;
	[dreg:$0x3] =	wrdreg s7;
	s4 =	sshrl.u32 s6, $0x3  }
0x9: {  	s0 =	ssub.s32 s0, s29;
	s26 =	sadd.s32 $0x4B, s6;
	s8 =	smul.u32 $0xAA00, s4  }
0xa: {  	[dreg:$0x4] =	wrdreg s1;
	s20 =	smax.u32 s0, $0x1;
	s1 =	sshrl.u32 s26, $0x3  }
0xb: {  	s10 =	sand.u32 $0x1F0, s4;
	s30 =	sand.u32 $0xF, s4;
	s9 =	sshrl.u32 s8, $0x3  }
0xc: {  	s26 =	simm.s32 $0x4;
	s8 =	ssub.s32 s1, s4;
	s9 =	sadd.s32 s5, s9  }
.Ltmp0:
0xd: {  	p0 =	slt.s32 s8, $0x1;
	s31 =	sadd.s32 $0xAA0, s9;
	(pc) =	sbr.rel .LBB2_1-.Ltmp0, $4  }
0xe: {  	s12 =	sadd.s32 $0xA80, s9;
	s13 =	sadd.s32 $0x1520, s9;
	s14 =	sadd.s32 $0xA00, s9  }
0xf: {  	s15 =	sadd.s32 $0x14A0, s9;
	s16 =	sadd.s32 $0x800, s9;
	s0 =	simm.s32 @!p0 $0x0  }
0x10: {  	v0 =	vlaneseq.u32;
	v2 =	vmov s30;
	s17 =	sadd.s32 $0x12A0, s9;
	[dreg:$0x5] =	wrdreg s31;
	s0 =	simm.s32 @p0 $0x1  }
0x11: {  	v1 =	vimm.f32 $1.000000000e+05;
	vm0 =	veq.s32 v2, v0;
	v2 =	vimm.s32 $0x0;
	s18 =	sadd.s32 $0x550, s9;
	s19 =	sadd.s32 $0xFF0, s9;
	[smem:$0x7FD] =	sst s0  }
.LBB2_24:
0x12: {  	s28 =	sadd.s32 $0x1, s28  }
0x13: {  	_ =	swait.ge [sflag:s25], $0x5500;
	p0 =	sne.s32 s28, s20  }
.Ltmp1:
0x14: {  	[sflag:s25] =	ssyncset.done $0x0;
	(pc) =	sbr.rel @!p0 .LBB2_25-.Ltmp1, $4  }
0x15: {  	[sflag:s25] =	ssyncadd.s32 $0xFFFFAB00  }
0x16: {  	_ =	swait.ge [sflag:s26], $0x5500  }
0x17: {  	[sflag:s26] =	ssyncset.done $0x0  }
0x18: {  	[sflag:s26] =	ssyncadd.s32 $0xFFFFAB00  }
.LBB2_1:
0x19: {  	s0 =	rddreg [dreg:$0x3]  }
0x1a: {  	[tilespmem:s3], [sflag:$0x5] =	stream.linear.gather [hbm4b:s0+s3], $0x180, $0x38;
	[tilespmem:$0x1AB00] =	vst v63  }
0x1b: {  	_ =	swait.ge [sflag:s21], $0x180  }
0x1c: {  	[sflag:s21] =	ssyncset.done $0x0  }
0x1d: {  	s1 =	simm.s32 $0x180;
	s31 =	rddreg [dreg:$0x4];
	[sflag:s21] =	ssyncadd.s32 $0xFFFFFE80  }
0x1e: {  	[tilespmem:s1], [sflag:$0x5] =	stream.linear.gather [hbm4b:s31+s3], $0x80, $0x38;
	[tilespmem:$0x1AB00] =	vst v63  }
0x1f: {  	_ =	swait.ge [sflag:s21], $0x80  }
0x20: {  	[sflag:s21] =	ssyncset.done $0x0  }
0x21: {  	[sflag:s21] =	ssyncadd.s32 $0xFFFFFF80  }
0x22: {  	v3 =	vld [tilespmem:$0x180]  }
0x23: {  	v4 =	vld [tilespmem:$0x190]  }
0x24: {  	v5 =	vld [tilespmem:$0x1A0]  }
0x25: {  	s0 =	simm.s32 $0x40;
	s1 =	simm.s32 $0x0;
	v6 =	vld [tilespmem:$0x1B0]  }
.LBB2_2:
0x26: {  	p0 =	sne.s32 s0, $0x153C0;
	[tilespmem:s1+$0x15600] =	vst v1;
	s1 =	smov.u32 s0;
	s0 =	sadd.s32 $0x40, s0  }
.Ltmp2:
0x27: {  	(pc) =	sbr.rel @p0 .LBB2_2-.Ltmp2, $2  }
0x28: {  	_ =	sdelay $0x2  }
0x29: {  	s1 =	sshra.s32 s1, $0x2  }
0x2a: {  	[tilespmem:s1+$0x15600] =	vst v1  }
0x2b: {  	v7 =	vld [tilespmem:s10+$0x0];
	_ =	sdelay $0x4  }
0x2c: {  	vm1 =	vlt.f32 v3, v7;
	vm2 =	vlt.f32 v4, v7  }
0x2d: {  	v8 =	vsel vm1, $0x1, v2;
	v9 =	vsel vm2, $0x1, v2;
	vm1 =	vlt.f32 v5, v7  }
0x2e: {  	v8 =	vadd.s32 v9, v8;
	v61 =	vsel vm1, $0x1, v2;
	vm1 =	vlt.f32 v6, v7  }
0x2f: {  	v7 =	vadd.s32 v61, v8;
	v8 =	vsel vm1, $0x1, v2  }
0x30: {  	v7 =	vadd.s32 v8, v7  }
0x31: {  	v7 =	vnsel vm0, $0x0, v7  }
0x32: {  	(xrf0) =	vadd.scan.msk.s32 $0xffff, v7;
	_ =	sdelay $0x5  }
0x33: {  	v7, _, _ =	vpop (xrf0)  }
0x34: {  	(v2sf) =	vpush v7, $0xF;
	_ =	sdelay $0xe  }
0x35: {  	s0 =	spop (v2sf)  }
0x36: {  	p0 =	sne.s32 s0, $0x0  }
0x37: {  	s0 =	simm.s32 @!p0 $0x0;
	s1 =	simm.s32 @!p0 $0x200  }
0x38: {  	[tilespmem:s1], [sflag:$0x1] =	stream.linear.gather @!p0 [hbm4b:s9+s0], $0x2A80, $0x38;
	[tilespmem:$0x1AB00] =	vst v63  }
0x39: {  	s6 =	rddreg [dreg:$0x5];
	s1 =	simm.s32 @!p0 $0x2C80  }
0x3a: {  	[tilespmem:s1], [sflag:$0x1] =	stream.linear.gather @!p0 [hbm4b:s6+s0], $0x2A80, $0x38;
	[tilespmem:$0x1AB00] =	vst v63  }
0x3b: {  	v7 =	vld [tilespmem:s10+$0x0];
	_ =	sdelay $0x4  }
0x3c: {  	vm1 =	vlt.f32 v3, v7;
	vm2 =	vlt.f32 v4, v7  }
0x3d: {  	v8 =	vsel vm1, $0x1, v2;
	v62 =	vsel vm2, $0x1, v2;
	vm1 =	vlt.f32 v5, v7  }
0x3e: {  	v8 =	vadd.s32 v62, v8;
	v63 =	vsel vm1, $0x1, v2;
	vm1 =	vlt.f32 v6, v7  }
0x3f: {  	v7 =	vadd.s32 v63, v8;
	v8 =	vsel vm1, $0x1, v2  }
0x40: {  	v7 =	vadd.s32 v8, v7  }
0x41: {  	v7 =	vnsel vm0, $0x0, v7  }
0x42: {  	(xrf0) =	vadd.scan.msk.s32 $0xffff, v7;
	_ =	sdelay $0x5  }
0x43: {  	v7, _, _ =	vpop (xrf0)  }
0x44: {  	(v2sf) =	vpush v7, $0xF;
	_ =	sdelay $0xe  }
0x45: {  	s0 =	spop (v2sf)  }
0x46: {  	p0 =	sgt.s32 s0, $0x1  }
0x47: {  	p1 =	seq.s32 @p0 s0, $0x2  }
0x48: {  	p2 =	por !p1, !p0  }
0x49: {  	s1 =	simm.s32 @!p2 $0x0;
	s6 =	simm.s32 @!p2 $0x5700  }
0x4a: {  	[tilespmem:s6], [sflag:$0x2] =	stream.linear.gather @!p2 [hbm4b:s14+s1], $0x500, $0x38;
	[tilespmem:$0x1AB00] =	vst v63  }
0x4b: {  	s6 =	simm.s32 @!p2 $0x5C00  }
0x4c: {  	[tilespmem:s6], [sflag:$0x2] =	stream.linear.gather @!p2 [hbm4b:s15+s1], $0x500, $0x38;
	[tilespmem:$0x1AB00] =	vst v63  }
0x4d: {  	p2 =	por p1, !p0  }
0x4e: {  	p2 =	seq.s32 @!p2 s0, $0x3  }
0x4f: {  	p1 =	por @p0 !p2, p1  }
0x50: {  	p1 =	por p1, !p0  }
0x51: {  	s1 =	simm.s32 @!p1 $0x0;
	s6 =	simm.s32 @!p1 $0x5700  }
0x52: {  	[tilespmem:s6], [sflag:$0x2] =	stream.linear.gather @!p1 [hbm4b:s12+s1], $0x100, $0x38;
	[tilespmem:$0x1AB00] =	vst v63  }
0x53: {  	s6 =	simm.s32 @!p1 $0x5800  }
0x54: {  	[tilespmem:s6], [sflag:$0x2] =	stream.linear.gather @!p1 [hbm4b:s13+s1], $0x100, $0x38;
	[tilespmem:$0x1AB00] =	vst v63  }
0x55: {  	p1 =	seq.s32 @!p0 s0, $0x0  }
0x56: {  	p2 =	por !p1, p0  }
0x57: {  	s1 =	simm.s32 @!p2 $0x0;
	s6 =	simm.s32 @!p2 $0x5700  }
0x58: {  	[tilespmem:s6], [sflag:$0x2] =	stream.linear.gather @!p2 [hbm4b:s18+s1], $0x2A80, $0x38;
	[tilespmem:$0x1AB00] =	vst v63  }
0x59: {  	s6 =	simm.s32 @!p2 $0x8180  }
0x5a: {  	[tilespmem:s6], [sflag:$0x2] =	stream.linear.gather @!p2 [hbm4b:s19+s1], $0x2A80, $0x38;
	[tilespmem:$0x1AB00] =	vst v63  }
0x5b: {  	p2 =	por p1, p0  }
0x5c: {  	p2 =	seq.s32 @!p2 s0, $0x1  }
0x5d: {  	p1 =	por @!p0 !p2, p1  }
0x5e: {  	p0 =	por p1, p0  }
0x5f: {  	s31 =	sld [smem:$0x7FD];
	s0 =	simm.s32 @!p0 $0x0;
	s1 =	simm.s32 @!p0 $0x5700  }
0x60: {  	[tilespmem:s1], [sflag:$0x2] =	stream.linear.gather @!p0 [hbm4b:s16+s0], $0x1500, $0x38;
	[tilespmem:$0x1AB00] =	vst v63  }
0x61: {  	s1 =	simm.s32 @!p0 $0x6C00  }
0x62: {  	[tilespmem:s1], [sflag:$0x2] =	stream.linear.gather @!p0 [hbm4b:s17+s0], $0x1500, $0x38;
	[tilespmem:$0x1AB00] =	vst v63  }
0x63: {  	p0 =	seq.s32 s31, $0x1  }
.Ltmp3:
0x64: {  	_ = 	snop;
	(pc) =	sbr.rel @!p0 .LBB2_4-.Ltmp3, $4  }
.Ltmp4:
0x65: {  	_ = 	snop;
	(pc) =	sbr.rel @p0 .LBB2_24-.Ltmp4, $4  }
0x66: {  	_ = 	snop  }
0x67: {  	_ = 	snop  }
0x68: {  	s29 =	simm.s32 $0x0  }
0x69: {  	_ = 	snop  }
.LBB2_23:
0x6a: {  	s0 =	sadd.s32 $0x1, s30  }
0x6b: {  	s1 =	sand.u32 $0x7FFFFFF0, s0  }
0x6c: {  	v7 =	vld [tilespmem:s1+$0x0];
	_ =	sdelay $0x4  }
0x6d: {  	vm1 =	vlt.f32 v3, v7;
	vm2 =	vlt.f32 v4, v7  }
0x6e: {  	v8 =	vsel vm1, $0x1, v2;
	v9 =	vsel vm2, $0x1, v2;
	vm1 =	vlt.f32 v5, v7  }
0x6f: {  	s31 =	sand.u32 $0xF, s0;
	v8 =	vadd.s32 v9, v8;
	v62 =	vsel vm1, $0x1, v2;
	vm1 =	vlt.f32 v6, v7  }
0x70: {  	v63 =	vmov s31;
	v7 =	vadd.s32 v62, v8;
	v8 =	vsel vm1, $0x1, v2  }
0x71: {  	vm1 =	veq.s32 v63, v0;
	v7 =	vadd.s32 v8, v7  }
0x72: {  	v7 =	vnsel vm1, $0x0, v7  }
0x73: {  	(xrf0) =	vadd.scan.msk.s32 $0xffff, v7;
	_ =	sdelay $0x5  }
0x74: {  	v7, _, _ =	vpop (xrf0)  }
0x75: {  	(v2sf) =	vpush v7, $0xF;
	_ =	sdelay $0xe  }
0x76: {  	s1 =	spop (v2sf)  }
0x77: {  	p0 =	sgt.s32 s1, $0x1  }
0x78: {  	p2 =	seq.s32 @p0 s1, $0x2  }
0x79: {  	p1 =	por !p2, !p0  }
0x7a: {  	s6 =	smul.u32 @!p1 $0xAA00, s0  }
0x7b: {  	p3 =	por p2, !p0  }
0x7c: {  	p3 =	seq.s32 @!p3 s1, $0x3;
	s6 =	sshrl.u32 @!p1 s6, $0x3  }
0x7d: {  	s11 =	simm.s32 @!p1 $0x0;
	p2 =	por @p0 !p3, p2;
	s6 =	sadd.s32 @!p1 s5, s6  }
0x7e: {  	s22 =	simm.s32 @!p1 $0x5700;
	p2 =	por p2, !p0;
	s7 =	sadd.s32 @!p1 $0xA00, s6  }
0x7f: {  	[tilespmem:s22], [sflag:$0x2] =	stream.linear.gather @!p1 [hbm4b:s7+s11], $0x500, $0x38;
	[tilespmem:$0x1AB00] =	vst v63  }
0x80: {  	s6 =	sadd.s32 @!p1 $0x14A0, s6;
	s7 =	simm.s32 @!p1 $0x5C00;
	s22 =	smul.u32 @!p2 $0xAA00, s0  }
0x81: {  	[tilespmem:s7], [sflag:$0x2] =	stream.linear.gather @!p1 [hbm4b:s6+s11], $0x500, $0x38;
	[tilespmem:$0x1AB00] =	vst v63  }
0x82: {  	s6 =	sshrl.u32 @!p2 s22, $0x3  }
0x83: {  	s6 =	sadd.s32 @!p2 s5, s6  }
0x84: {  	s11 =	simm.s32 @!p2 $0x0;
	s22 =	simm.s32 @!p2 $0x5700;
	s7 =	sadd.s32 @!p2 $0xA80, s6  }
0x85: {  	[tilespmem:s22], [sflag:$0x2] =	stream.linear.gather @!p2 [hbm4b:s7+s11], $0x100, $0x38;
	[tilespmem:$0x1AB00] =	vst v63  }
0x86: {  	s6 =	sadd.s32 @!p2 $0x1520, s6;
	s7 =	simm.s32 @!p2 $0x5800  }
0x87: {  	[tilespmem:s7], [sflag:$0x2] =	stream.linear.gather @!p2 [hbm4b:s6+s11], $0x100, $0x38;
	[tilespmem:$0x1AB00] =	vst v63  }
0x88: {  	p2 =	seq.s32 @!p0 s1, $0x0  }
0x89: {  	p1 =	por !p2, p0  }
0x8a: {  	p3 =	por p2, p0;
	s6 =	smul.u32 @!p1 $0xAA00, s0  }
0x8b: {  	p3 =	seq.s32 @!p3 s1, $0x1  }
0x8c: {  	p2 =	por @!p0 !p3, p2;
	s6 =	sshrl.u32 @!p1 s6, $0x3  }
0x8d: {  	s7 =	simm.s32 @!p1 $0x0;
	p0 =	por p2, p0;
	s1 =	sadd.s32 @!p1 s5, s6  }
0x8e: {  	s11 =	simm.s32 @!p1 $0x5700;
	s0 =	smul.u32 @!p0 $0xAA00, s0;
	s6 =	sadd.s32 @!p1 $0x550, s1  }
0x8f: {  	[tilespmem:s11], [sflag:$0x2] =	stream.linear.gather @!p1 [hbm4b:s6+s7], $0x2A80, $0x38;
	[tilespmem:$0x1AB00] =	vst v63  }
0x90: {  	s0 =	sshrl.u32 @!p0 s0, $0x3  }
0x91: {  	s1 =	sadd.s32 @!p1 $0xFF0, s1;
	s6 =	simm.s32 @!p1 $0x8180;
	s0 =	sadd.s32 @!p0 s5, s0  }
0x92: {  	[tilespmem:s6], [sflag:$0x2] =	stream.linear.gather @!p1 [hbm4b:s1+s7], $0x2A80, $0x38;
	[tilespmem:$0x1AB00] =	vst v63  }
0x93: {  	s1 =	sadd.s32 @!p0 $0x800, s0;
	s6 =	simm.s32 @!p0 $0x0;
	s7 =	simm.s32 @!p0 $0x5700  }
0x94: {  	[tilespmem:s7], [sflag:$0x2] =	stream.linear.gather @!p0 [hbm4b:s1+s6], $0x1500, $0x38;
	[tilespmem:$0x1AB00] =	vst v63  }
0x95: {  	s0 =	sadd.s32 @!p0 $0x12A0, s0;
	s1 =	simm.s32 @!p0 $0x6C00  }
0x96: {  	[tilespmem:s1], [sflag:$0x2] =	stream.linear.gather @!p0 [hbm4b:s0+s6], $0x1500, $0x38;
	[tilespmem:$0x1AB00] =	vst v63  }
.LBB2_4:
0x97: {  	p0 =	seq.s32 s29, $0x0  }
0x98: {  	s0 =	simm.s32 @!p0 $0x3  }
0x99: {  	_ =	swait.ge @!p0 [sflag:s0], $0x5500  }
0x9a: {  	s30 =	sadd.s32 s4, s29;
	[sflag:s0] =	ssyncset.done @!p0 $0x0  }
0x9b: {  	s1 =	sand.u32 $0x7FFFFFF0, s30;
	[sflag:s0] =	ssyncadd.s32 @!p0 $0xFFFFAB00  }
0x9c: {  	v7 =	vld [tilespmem:s1+$0x0];
	_ =	sdelay $0x4  }
0x9d: {  	vm1 =	vlt.f32 v3, v7;
	vm2 =	vlt.f32 v4, v7  }
0x9e: {  	v8 =	vsel vm1, $0x1, v2;
	v9 =	vsel vm2, $0x1, v2;
	vm1 =	vlt.f32 v5, v7  }
0x9f: {  	s7 =	sand.u32 $0xF, s30;
	v8 =	vadd.s32 v9, v8;
	v60 =	vsel vm1, $0x1, v2;
	vm1 =	vlt.f32 v6, v7  }
0xa0: {  	v61 =	vmov s7;
	v7 =	vadd.s32 v60, v8;
	v8 =	vsel vm1, $0x1, v2  }
0xa1: {  	vm1 =	veq.s32 v61, v0;
	v7 =	vadd.s32 v8, v7  }
0xa2: {  	v7 =	vnsel vm1, $0x0, v7  }
0xa3: {  	(xrf0) =	vadd.scan.msk.s32 $0xffff, v7;
	_ =	sdelay $0x5  }
0xa4: {  	v7, _, _ =	vpop (xrf0)  }
0xa5: {  	(v2sf) =	vpush v7, $0xF;
	_ =	sdelay $0xe  }
0xa6: {  	s11 =	spop (v2sf)  }
0xa7: {  	s31 =	smul.u32 $0xAA00, s30;
	s6 =	sadd.s32 $0xFFFFFFFF, s11  }
0xa8: {  	p1 =	sgt.u32 s6, $0x3  }
0xa9: {  	s6 =	sshrl.u32 @!p1 s31, $0x3  }
0xaa: {  	s22 =	simm.s32 @!p1 $0x0;
	s7 =	simm.s32 @!p1 $0x15600;
	s6 =	sadd.s32 @!p1 s2, s6  }
0xab: {  	[hbm4b:s6+s22] =	stream.linear.scatter @!p1 [tilespmem:s7], [sflag:$0x3], $0x5500, $0x38;
	[tilespmem:$0x1AB00] =	vst v63  }
0xac: {  	v7 =	vld [tilespmem:s1+$0x0];
	_ =	sdelay $0x4  }
0xad: {  	vm2 =	vlt.f32 v3, v7;
	vm3 =	vlt.f32 v4, v7  }
0xae: {  	v8 =	vsel vm2, $0x1, v2;
	v62 =	vsel vm3, $0x1, v2;
	vm2 =	vlt.f32 v5, v7  }
0xaf: {  	v8 =	vadd.s32 v62, v8;
	v63 =	vsel vm2, $0x1, v2;
	vm2 =	vlt.f32 v6, v7  }
0xb0: {  	v7 =	vadd.s32 v63, v8;
	v8 =	vsel vm2, $0x1, v2  }
0xb1: {  	v7 =	vadd.s32 v8, v7  }
0xb2: {  	v7 =	vnsel vm1, $0x0, v7  }
0xb3: {  	(xrf0) =	vadd.scan.msk.s32 $0xffff, v7;
	_ =	sdelay $0x5  }
0xb4: {  	v7, _, _ =	vpop (xrf0)  }
0xb5: {  	(v2sf) =	vpush v7, $0xF;
	_ =	sdelay $0xe  }
0xb6: {  	p2 =	sne.s32 s11, $0x0;
	s22 =	spop (v2sf)  }
.Ltmp5:
0xb7: {  	p1 =	sne.s32 s22, $0x0;
	(pc) =	sbr.rel @p2 .LBB2_8-.Ltmp5, $4  }
0xb8: {  	s6 =	simm.s32 @!p1 $0x1  }
0xb9: {  	_ =	swait.ge @!p1 [sflag:s6], $0x5500  }
0xba: {  	[sflag:s6] =	ssyncset.done @!p1 $0x0  }
0xbb: {  	[sflag:s6] =	ssyncadd.s32 @!p1 $0xFFFFAB00  }
0xbc: {  	s6 =	simm.s32 $0x0  }
0xbd: {  	v7 =	vld [tilespmem:s6+$0x200];
	_ =	sdelay $0x3  }
0xbe: {  	s0 =	simm.s32 $0xAD00  }
0xbf: {  	[tilespmem:s0+$0xFFFFFF00] =	vst v7  }
0xc0: {  	v7 =	vld [tilespmem:s6+$0x210];
	_ =	sdelay $0x4  }
0xc1: {  	[tilespmem:s0+$0xFFFFFF10] =	vst v7  }
0xc2: {  	v7 =	vld [tilespmem:s6+$0x220];
	_ =	sdelay $0x4  }
0xc3: {  	[tilespmem:s0+$0xFFFFFF20] =	vst v7  }
0xc4: {  	v7 =	vld [tilespmem:s6+$0x230];
	_ =	sdelay $0x4  }
0xc5: {  	[tilespmem:s0+$0xFFFFFF30] =	vst v7  }
0xc6: {  	v7 =	vld [tilespmem:s6+$0x240];
	_ =	sdelay $0x4  }
0xc7: {  	[tilespmem:s0+$0xFFFFFF40] =	vst v7  }
0xc8: {  	v7 =	vld [tilespmem:s6+$0x250];
	_ =	sdelay $0x4  }
0xc9: {  	[tilespmem:s0+$0xFFFFFF50] =	vst v7  }
0xca: {  	v7 =	vld [tilespmem:s6+$0x260];
	_ =	sdelay $0x4  }
0xcb: {  	[tilespmem:s0+$0xFFFFFF60] =	vst v7  }
0xcc: {  	v7 =	vld [tilespmem:s6+$0x270];
	_ =	sdelay $0x4  }
0xcd: {  	[tilespmem:s0+$0xFFFFFF70] =	vst v7  }
0xce: {  	v7 =	vld [tilespmem:s6+$0x2C80];
	_ =	sdelay $0x4  }
0xcf: {  	[tilespmem:s0+$0xFFFFFF80] =	vst v7  }
0xd0: {  	v7 =	vld [tilespmem:s6+$0x2C90];
	_ =	sdelay $0x4  }
0xd1: {  	[tilespmem:s0+$0xFFFFFF90] =	vst v7  }
0xd2: {  	v7 =	vld [tilespmem:s6+$0x2CA0];
	_ =	sdelay $0x4  }
0xd3: {  	[tilespmem:s0+$0xFFFFFFA0] =	vst v7  }
0xd4: {  	v7 =	vld [tilespmem:s6+$0x2CB0];
	_ =	sdelay $0x4  }
0xd5: {  	[tilespmem:s0+$0xFFFFFFB0] =	vst v7  }
0xd6: {  	v7 =	vld [tilespmem:s6+$0x2CC0];
	_ =	sdelay $0x4  }
0xd7: {  	[tilespmem:s0+$0xFFFFFFC0] =	vst v7  }
0xd8: {  	v7 =	vld [tilespmem:s6+$0x2CD0];
	_ =	sdelay $0x4  }
0xd9: {  	[tilespmem:s0+$0xFFFFFFD0] =	vst v7  }
0xda: {  	v7 =	vld [tilespmem:s6+$0x2CE0];
	_ =	sdelay $0x4  }
0xdb: {  	[tilespmem:s0+$0xFFFFFFE0] =	vst v7  }
0xdc: {  	v7 =	vld [tilespmem:s6+$0x2CF0];
	_ =	sdelay $0x4  }
0xdd: {  	[tilespmem:s0+$0xFFFFFFF0] =	vst v7  }
0xde: {  	v7 =	vld [tilespmem:s6+$0x280];
	_ =	sdelay $0x4  }
0xdf: {  	[tilespmem:s0+$0x0] =	vst v7  }
0xe0: {  	v7 =	vld [tilespmem:s6+$0x290];
	_ =	sdelay $0x4  }
0xe1: {  	[tilespmem:s0+$0x10] =	vst v7  }
0xe2: {  	v7 =	vld [tilespmem:s6+$0x2A0];
	_ =	sdelay $0x4  }
0xe3: {  	[tilespmem:s0+$0x20] =	vst v7  }
0xe4: {  	v7 =	vld [tilespmem:s6+$0x2B0];
	_ =	sdelay $0x4  }
0xe5: {  	[tilespmem:s0+$0x30] =	vst v7  }
0xe6: {  	v7 =	vld [tilespmem:s6+$0x2C0];
	_ =	sdelay $0x4  }
0xe7: {  	[tilespmem:s0+$0x40] =	vst v7  }
0xe8: {  	v7 =	vld [tilespmem:s6+$0x2D0];
	_ =	sdelay $0x4  }
0xe9: {  	[tilespmem:s0+$0x50] =	vst v7  }
0xea: {  	v7 =	vld [tilespmem:s6+$0x2E0];
	_ =	sdelay $0x4  }
0xeb: {  	[tilespmem:s0+$0x60] =	vst v7  }
0xec: {  	v7 =	vld [tilespmem:s6+$0x2F0];
	_ =	sdelay $0x4  }
0xed: {  	[tilespmem:s0+$0x70] =	vst v7  }
0xee: {  	v7 =	vld [tilespmem:s6+$0x2D00];
	_ =	sdelay $0x4  }
0xef: {  	[tilespmem:s0+$0x80] =	vst v7  }
0xf0: {  	v7 =	vld [tilespmem:s6+$0x2D10];
	_ =	sdelay $0x4  }
0xf1: {  	[tilespmem:s0+$0x90] =	vst v7  }
0xf2: {  	v7 =	vld [tilespmem:s6+$0x2D20];
	_ =	sdelay $0x4  }
0xf3: {  	[tilespmem:s0+$0xA0] =	vst v7  }
0xf4: {  	v7 =	vld [tilespmem:s6+$0x2D30];
	_ =	sdelay $0x4  }
0xf5: {  	[tilespmem:s0+$0xB0] =	vst v7  }
0xf6: {  	v7 =	vld [tilespmem:s6+$0x2D40];
	_ =	sdelay $0x4  }
0xf7: {  	[tilespmem:s0+$0xC0] =	vst v7  }
0xf8: {  	v7 =	vld [tilespmem:s6+$0x2D50];
	_ =	sdelay $0x4  }
0xf9: {  	[tilespmem:s0+$0xD0] =	vst v7  }
0xfa: {  	v7 =	vld [tilespmem:s6+$0x2D60];
	_ =	sdelay $0x4  }
0xfb: {  	[tilespmem:s0+$0xE0] =	vst v7  }
0xfc: {  	v7 =	vld [tilespmem:s6+$0x2D70];
	_ =	sdelay $0x4  }
0xfd: {  	s22 =	simm.s32 $0x100;
	s6 =	simm.s32 $0x800;
	[tilespmem:s0+$0xF0] =	vst v7  }
.LBB2_6:
0xfe: {  	p1 =	sne.s32 s6, $0xA400;
	v7 =	vld [tilespmem:s22+$0x200];
	_ =	sdelay $0x3  }
0xff: {  	s0 =	sadd.s32 $0x200, s0  }
0x100: {  	[tilespmem:s0+$0xFFFFFF00] =	vst v7  }
0x101: {  	v7 =	vld [tilespmem:s22+$0x210];
	_ =	sdelay $0x4  }
0x102: {  	[tilespmem:s0+$0xFFFFFF10] =	vst v7  }
0x103: {  	v7 =	vld [tilespmem:s22+$0x220];
	_ =	sdelay $0x4  }
0x104: {  	[tilespmem:s0+$0xFFFFFF20] =	vst v7  }
0x105: {  	v7 =	vld [tilespmem:s22+$0x230];
	_ =	sdelay $0x4  }
0x106: {  	[tilespmem:s0+$0xFFFFFF30] =	vst v7  }
0x107: {  	v7 =	vld [tilespmem:s22+$0x240];
	_ =	sdelay $0x4  }
0x108: {  	[tilespmem:s0+$0xFFFFFF40] =	vst v7  }
0x109: {  	v7 =	vld [tilespmem:s22+$0x250];
	_ =	sdelay $0x4  }
0x10a: {  	[tilespmem:s0+$0xFFFFFF50] =	vst v7  }
0x10b: {  	v7 =	vld [tilespmem:s22+$0x260];
	_ =	sdelay $0x4  }
0x10c: {  	[tilespmem:s0+$0xFFFFFF60] =	vst v7  }
0x10d: {  	v7 =	vld [tilespmem:s22+$0x270];
	_ =	sdelay $0x4  }
0x10e: {  	[tilespmem:s0+$0xFFFFFF70] =	vst v7  }
0x10f: {  	v7 =	vld [tilespmem:s22+$0x2C80];
	_ =	sdelay $0x4  }
0x110: {  	[tilespmem:s0+$0xFFFFFF80] =	vst v7  }
0x111: {  	v7 =	vld [tilespmem:s22+$0x2C90];
	_ =	sdelay $0x4  }
0x112: {  	[tilespmem:s0+$0xFFFFFF90] =	vst v7  }
0x113: {  	v7 =	vld [tilespmem:s22+$0x2CA0];
	_ =	sdelay $0x4  }
0x114: {  	[tilespmem:s0+$0xFFFFFFA0] =	vst v7  }
0x115: {  	v7 =	vld [tilespmem:s22+$0x2CB0];
	_ =	sdelay $0x4  }
0x116: {  	[tilespmem:s0+$0xFFFFFFB0] =	vst v7  }
0x117: {  	v7 =	vld [tilespmem:s22+$0x2CC0];
	_ =	sdelay $0x4  }
0x118: {  	[tilespmem:s0+$0xFFFFFFC0] =	vst v7  }
0x119: {  	v7 =	vld [tilespmem:s22+$0x2CD0];
	_ =	sdelay $0x4  }
0x11a: {  	[tilespmem:s0+$0xFFFFFFD0] =	vst v7  }
0x11b: {  	v7 =	vld [tilespmem:s22+$0x2CE0];
	_ =	sdelay $0x4  }
0x11c: {  	[tilespmem:s0+$0xFFFFFFE0] =	vst v7  }
0x11d: {  	v7 =	vld [tilespmem:s22+$0x2CF0];
	_ =	sdelay $0x4  }
0x11e: {  	[tilespmem:s0+$0xFFFFFFF0] =	vst v7  }
0x11f: {  	v7 =	vld [tilespmem:s22+$0x280];
	_ =	sdelay $0x4  }
0x120: {  	[tilespmem:s0+$0x0] =	vst v7  }
0x121: {  	v7 =	vld [tilespmem:s22+$0x290];
	_ =	sdelay $0x4  }
0x122: {  	[tilespmem:s0+$0x10] =	vst v7  }
0x123: {  	v7 =	vld [tilespmem:s22+$0x2A0];
	_ =	sdelay $0x4  }
0x124: {  	[tilespmem:s0+$0x20] =	vst v7  }
0x125: {  	v7 =	vld [tilespmem:s22+$0x2B0];
	_ =	sdelay $0x4  }
0x126: {  	[tilespmem:s0+$0x30] =	vst v7  }
0x127: {  	v7 =	vld [tilespmem:s22+$0x2C0];
	_ =	sdelay $0x4  }
0x128: {  	[tilespmem:s0+$0x40] =	vst v7  }
0x129: {  	v7 =	vld [tilespmem:s22+$0x2D0];
	_ =	sdelay $0x4  }
0x12a: {  	[tilespmem:s0+$0x50] =	vst v7  }
0x12b: {  	v7 =	vld [tilespmem:s22+$0x2E0];
	_ =	sdelay $0x4  }
0x12c: {  	[tilespmem:s0+$0x60] =	vst v7  }
0x12d: {  	v7 =	vld [tilespmem:s22+$0x2F0];
	_ =	sdelay $0x4  }
0x12e: {  	[tilespmem:s0+$0x70] =	vst v7  }
0x12f: {  	v7 =	vld [tilespmem:s22+$0x2D00];
	_ =	sdelay $0x4  }
0x130: {  	[tilespmem:s0+$0x80] =	vst v7  }
0x131: {  	v7 =	vld [tilespmem:s22+$0x2D10];
	_ =	sdelay $0x4  }
0x132: {  	[tilespmem:s0+$0x90] =	vst v7  }
0x133: {  	v7 =	vld [tilespmem:s22+$0x2D20];
	_ =	sdelay $0x4  }
0x134: {  	[tilespmem:s0+$0xA0] =	vst v7  }
0x135: {  	v7 =	vld [tilespmem:s22+$0x2D30];
	_ =	sdelay $0x4  }
0x136: {  	[tilespmem:s0+$0xB0] =	vst v7  }
0x137: {  	v7 =	vld [tilespmem:s22+$0x2D40];
	_ =	sdelay $0x4  }
0x138: {  	[tilespmem:s0+$0xC0] =	vst v7  }
0x139: {  	v7 =	vld [tilespmem:s22+$0x2D50];
	_ =	sdelay $0x4  }
0x13a: {  	[tilespmem:s0+$0xD0] =	vst v7  }
0x13b: {  	v7 =	vld [tilespmem:s22+$0x2D60];
	_ =	sdelay $0x4  }
0x13c: {  	[tilespmem:s0+$0xE0] =	vst v7  }
0x13d: {  	v7 =	vld [tilespmem:s22+$0x2D70]  }
.Ltmp6:
0x13e: {  	(pc) =	sbr.rel @p1 .LBB2_6-.Ltmp6, $2  }
0x13f: {  	_ =	sdelay $0x2  }
0x140: {  	s22 =	sshra.s32 s6, $0x2;
	s6 =	sadd.s32 $0x400, s6;
	[tilespmem:s0+$0xF0] =	vst v7  }
0x141: {  	v7 =	vld [tilespmem:s22+$0x200];
	_ =	sdelay $0x3  }
0x142: {  	s0 =	sadd.s32 $0x200, s0  }
0x143: {  	[tilespmem:s0+$0xFFFFFF00] =	vst v7  }
0x144: {  	v7 =	vld [tilespmem:s22+$0x210];
	_ =	sdelay $0x4  }
0x145: {  	[tilespmem:s0+$0xFFFFFF10] =	vst v7  }
0x146: {  	v7 =	vld [tilespmem:s22+$0x220];
	_ =	sdelay $0x4  }
0x147: {  	[tilespmem:s0+$0xFFFFFF20] =	vst v7  }
0x148: {  	v7 =	vld [tilespmem:s22+$0x230];
	_ =	sdelay $0x4  }
0x149: {  	[tilespmem:s0+$0xFFFFFF30] =	vst v7  }
0x14a: {  	v7 =	vld [tilespmem:s22+$0x240];
	_ =	sdelay $0x4  }
0x14b: {  	[tilespmem:s0+$0xFFFFFF40] =	vst v7  }
0x14c: {  	v7 =	vld [tilespmem:s22+$0x250];
	_ =	sdelay $0x4  }
0x14d: {  	[tilespmem:s0+$0xFFFFFF50] =	vst v7  }
0x14e: {  	v7 =	vld [tilespmem:s22+$0x260];
	_ =	sdelay $0x4  }
0x14f: {  	[tilespmem:s0+$0xFFFFFF60] =	vst v7  }
0x150: {  	v7 =	vld [tilespmem:s22+$0x270];
	_ =	sdelay $0x4  }
0x151: {  	[tilespmem:s0+$0xFFFFFF70] =	vst v7  }
0x152: {  	v7 =	vld [tilespmem:s22+$0x2C80];
	_ =	sdelay $0x4  }
0x153: {  	[tilespmem:s0+$0xFFFFFF80] =	vst v7  }
0x154: {  	v7 =	vld [tilespmem:s22+$0x2C90];
	_ =	sdelay $0x4  }
0x155: {  	[tilespmem:s0+$0xFFFFFF90] =	vst v7  }
0x156: {  	v7 =	vld [tilespmem:s22+$0x2CA0];
	_ =	sdelay $0x4  }
0x157: {  	[tilespmem:s0+$0xFFFFFFA0] =	vst v7  }
0x158: {  	v7 =	vld [tilespmem:s22+$0x2CB0];
	_ =	sdelay $0x4  }
0x159: {  	[tilespmem:s0+$0xFFFFFFB0] =	vst v7  }
0x15a: {  	v7 =	vld [tilespmem:s22+$0x2CC0];
	_ =	sdelay $0x4  }
0x15b: {  	[tilespmem:s0+$0xFFFFFFC0] =	vst v7  }
0x15c: {  	v7 =	vld [tilespmem:s22+$0x2CD0];
	_ =	sdelay $0x4  }
0x15d: {  	[tilespmem:s0+$0xFFFFFFD0] =	vst v7  }
0x15e: {  	v7 =	vld [tilespmem:s22+$0x2CE0];
	_ =	sdelay $0x4  }
0x15f: {  	[tilespmem:s0+$0xFFFFFFE0] =	vst v7  }
0x160: {  	v7 =	vld [tilespmem:s22+$0x2CF0];
	_ =	sdelay $0x4  }
0x161: {  	[tilespmem:s0+$0xFFFFFFF0] =	vst v7  }
0x162: {  	v7 =	vld [tilespmem:s22+$0x280];
	_ =	sdelay $0x4  }
0x163: {  	[tilespmem:s0+$0x0] =	vst v7  }
0x164: {  	v7 =	vld [tilespmem:s22+$0x290];
	_ =	sdelay $0x4  }
0x165: {  	[tilespmem:s0+$0x10] =	vst v7  }
0x166: {  	v7 =	vld [tilespmem:s22+$0x2A0];
	_ =	sdelay $0x4  }
0x167: {  	[tilespmem:s0+$0x20] =	vst v7  }
0x168: {  	v7 =	vld [tilespmem:s22+$0x2B0];
	_ =	sdelay $0x4  }
0x169: {  	[tilespmem:s0+$0x30] =	vst v7  }
0x16a: {  	v7 =	vld [tilespmem:s22+$0x2C0];
	_ =	sdelay $0x4  }
0x16b: {  	[tilespmem:s0+$0x40] =	vst v7  }
0x16c: {  	v7 =	vld [tilespmem:s22+$0x2D0];
	_ =	sdelay $0x4  }
0x16d: {  	[tilespmem:s0+$0x50] =	vst v7  }
0x16e: {  	v7 =	vld [tilespmem:s22+$0x2E0];
	_ =	sdelay $0x4  }
0x16f: {  	[tilespmem:s0+$0x60] =	vst v7  }
0x170: {  	v7 =	vld [tilespmem:s22+$0x2F0];
	_ =	sdelay $0x4  }
0x171: {  	[tilespmem:s0+$0x70] =	vst v7  }
0x172: {  	v7 =	vld [tilespmem:s22+$0x2D00];
	_ =	sdelay $0x4  }
0x173: {  	[tilespmem:s0+$0x80] =	vst v7  }
0x174: {  	v7 =	vld [tilespmem:s22+$0x2D10];
	_ =	sdelay $0x4  }
0x175: {  	[tilespmem:s0+$0x90] =	vst v7  }
0x176: {  	v7 =	vld [tilespmem:s22+$0x2D20];
	_ =	sdelay $0x4  }
0x177: {  	[tilespmem:s0+$0xA0] =	vst v7  }
0x178: {  	v7 =	vld [tilespmem:s22+$0x2D30];
	_ =	sdelay $0x4  }
0x179: {  	[tilespmem:s0+$0xB0] =	vst v7  }
0x17a: {  	v7 =	vld [tilespmem:s22+$0x2D40];
	_ =	sdelay $0x4  }
0x17b: {  	[tilespmem:s0+$0xC0] =	vst v7  }
0x17c: {  	v7 =	vld [tilespmem:s22+$0x2D50];
	_ =	sdelay $0x4  }
0x17d: {  	[tilespmem:s0+$0xD0] =	vst v7  }
0x17e: {  	v7 =	vld [tilespmem:s22+$0x2D60];
	_ =	sdelay $0x4  }
0x17f: {  	[tilespmem:s0+$0xE0] =	vst v7  }
0x180: {  	v7 =	vld [tilespmem:s22+$0x2D70];
	_ =	sdelay $0x4  }
0x181: {  	[tilespmem:s0+$0xF0] =	vst v7  }
0x182: {  	v7 =	vld [tilespmem:$0x2C00]  }
0x183: {  	v8 =	vld [tilespmem:$0x2C10]  }
0x184: {  	v9 =	vld [tilespmem:$0x2C20]  }
0x185: {  	v10 =	vld [tilespmem:$0x2C30]  }
0x186: {  	v11 =	vld [tilespmem:$0x2C40]  }
0x187: {  	[tilespmem:$0x10000] =	vst v7;
	v7 =	vld [tilespmem:$0x2C50]  }
0x188: {  	v58 =	vld [tilespmem:$0x2C70];
	[tilespmem:$0x10010] =	vst v8  }
0x189: {  	v59 =	vld [tilespmem:$0x5680];
	[tilespmem:$0x10020] =	vst v9  }
0x18a: {  	v60 =	vld [tilespmem:$0x5690];
	[tilespmem:$0x10030] =	vst v10  }
0x18b: {  	v8 =	vld [tilespmem:$0x2C60];
	[tilespmem:$0x10040] =	vst v11  }
0x18c: {  	[tilespmem:$0x10050] =	vst v7;
	v7 =	vld [tilespmem:$0x56A0]  }
0x18d: {  	v61 =	vld [tilespmem:$0x56C0];
	[tilespmem:$0x10070] =	vst v58  }
0x18e: {  	v62 =	vld [tilespmem:$0x56D0];
	[tilespmem:$0x10080] =	vst v59  }
0x18f: {  	v63 =	vld [tilespmem:$0x56E0];
	[tilespmem:$0x10090] =	vst v60  }
0x190: {  	[tilespmem:$0x10060] =	vst v8;
	v8 =	vld [tilespmem:$0x56B0]  }
0x191: {  	[tilespmem:$0x100A0] =	vst v7;
	v7 =	vld [tilespmem:$0x56F0]  }
0x192: {  	[tilespmem:$0x100C0] =	vst v61  }
0x193: {  	[tilespmem:$0x100D0] =	vst v62  }
0x194: {  	[tilespmem:$0x100E0] =	vst v63  }
0x195: {  	s22 =	sshrl.u32 s31, $0x3;
	[tilespmem:$0x100B0] =	vst v8  }
0x196: {  	s0 =	sadd.s32 s2, s22;
	[tilespmem:$0x100F0] =	vst v7  }
0x197: {  	[hbm4b:s0+s3] =	stream.linear.scatter [tilespmem:s23], [sflag:$0x3], $0x5500, $0x38;
	[tilespmem:$0x1AB00] =	vst v63  }
.LBB2_8:
0x198: {  	s29 =	sadd.s32 $0x1, s29  }
0x199: {  	p2 =	sge.s32 s29, s8  }
0x19a: {  	s0 =	sadd.s32 @!p2 $0x1, s30  }
0x19b: {  	s6 =	sand.u32 @!p2 $0x7FFFFFF0, s0  }
0x19c: {  	v7 =	vld @!p2 [tilespmem:s6+$0x0];
	_ =	sdelay $0x4  }
0x19d: {  	v8 =	vimm.s32 @!p2 $0x0;
	vm2 =	vlt.f32 @!p2 v3, v7;
	vm3 =	vlt.f32 @!p2 v4, v7  }
0x19e: {  	v9 =	vsel @!p2 vm2, $0x1, v8;
	v10 =	vsel @!p2 vm3, $0x1, v8;
	vm2 =	vlt.f32 @!p2 v5, v7  }
0x19f: {  	v9 =	vadd.s32 @!p2 v10, v9;
	v10 =	vsel @!p2 vm2, $0x1, v8  }
0x1a0: {  	s6 =	sand.u32 @!p2 $0xF, s0;
	vm2 =	vlt.f32 @!p2 v6, v7;
	v9 =	vadd.s32 @!p2 v10, v9  }
0x1a1: {  	v7 =	vsel @!p2 vm2, $0x1, v8;
	v8 =	vmov @!p2 s6;
	v10 =	vlaneseq.u32 @!p2  }
0x1a2: {  	v7 =	vadd.s32 @!p2 v7, v9;
	vm2 =	veq.s32 @!p2 v8, v10  }
0x1a3: {  	v7 =	vnsel @!p2 vm2, $0x0, v7  }
0x1a4: {  	(xrf0) =	vadd.scan.msk.s32 @!p2 $0xffff, v7;
	_ =	sdelay $0x5  }
0x1a5: {  	v7, _, _ =	vpop @!p2 (xrf0)  }
0x1a6: {  	(v2sf) =	vpush @!p2 v7, $0xF;
	_ =	sdelay $0xe  }
0x1a7: {  	s6 =	spop @!p2 (v2sf)  }
0x1a8: {  	p1 =	sne.s32 @!p2 s6, $0x0  }
0x1a9: {  	p1 =	por p1, p2  }
0x1aa: {  	s6 =	simm.s32 @!p2 $0x0;
	s0 =	smul.u32 @!p1 $0xAA00, s0  }
0x1ab: {  	s6 =	simm.s32 @p2 $0x1  }
0x1ac: {  	[smem:$0x7F5] =	sst s6;
	s0 =	sshrl.u32 @!p1 s0, $0x3  }
0x1ad: {  	s6 =	simm.s32 @!p1 $0x0;
	s7 =	simm.s32 @!p1 $0x200;
	s0 =	sadd.s32 @!p1 s5, s0  }
0x1ae: {  	[tilespmem:s7], [sflag:$0x1] =	stream.linear.gather @!p1 [hbm4b:s0+s6], $0x2A80, $0x38;
	[tilespmem:$0x1AB00] =	vst v63  }
0x1af: {  	s0 =	sadd.s32 @!p1 $0xAA0, s0;
	s7 =	simm.s32 @!p1 $0x2C80  }
0x1b0: {  	[tilespmem:s7], [sflag:$0x1] =	stream.linear.gather @!p1 [hbm4b:s0+s6], $0x2A80, $0x38;
	[tilespmem:$0x1AB00] =	vst v63  }
0x1b1: {  	s0 =	simm.s32 @!p0 $0x4  }
0x1b2: {  	_ =	swait.ge @!p0 [sflag:s0], $0x5500  }
0x1b3: {  	[sflag:s0] =	ssyncset.done @!p0 $0x0  }
0x1b4: {  	[sflag:s0] =	ssyncadd.s32 @!p0 $0xFFFFAB00  }
0x1b5: {  	v7 =	vld [tilespmem:s1+$0x0];
	_ =	sdelay $0x4  }
0x1b6: {  	vm2 =	vlt.f32 v3, v7;
	vm3 =	vlt.f32 v4, v7  }
0x1b7: {  	v8 =	vsel vm2, $0x1, v2;
	v60 =	vsel vm3, $0x1, v2;
	vm2 =	vlt.f32 v5, v7  }
0x1b8: {  	v8 =	vadd.s32 v60, v8;
	v61 =	vsel vm2, $0x1, v2;
	vm2 =	vlt.f32 v6, v7  }
0x1b9: {  	v7 =	vadd.s32 v61, v8;
	v8 =	vsel vm2, $0x1, v2  }
0x1ba: {  	v7 =	vadd.s32 v8, v7  }
0x1bb: {  	v7 =	vnsel vm1, $0x0, v7  }
0x1bc: {  	(xrf0) =	vadd.scan.msk.s32 $0xffff, v7;
	_ =	sdelay $0x5  }
0x1bd: {  	v7, _, _ =	vpop (xrf0)  }
0x1be: {  	(v2sf) =	vpush v7, $0xF;
	_ =	sdelay $0xe  }
0x1bf: {  	s22 =	spop (v2sf)  }
0x1c0: {  	p3 =	sgt.s32 s22, $0x2  }
0x1c1: {  	p0 =	seq.s32 @p3 s22, $0x3  }
0x1c2: {  	s0 =	sadd.s32 $0x5500, s31;
	p2 =	por !p0, !p3;
	p1 =	por p0, !p3  }
0x1c3: {  	s6 =	sshrl.u32 @!p2 s0, $0x3;
	s7 =	simm.s32 @!p2 $0x0;
	p1 =	seq.s32 @!p1 s22, $0x4  }
0x1c4: {  	s11 =	simm.s32 @!p2 $0x15600;
	s6 =	sadd.s32 @!p2 s2, s6;
	p0 =	por @p3 !p1, p0  }
0x1c5: {  	[hbm4b:s6+s7] =	stream.linear.scatter @!p2 [tilespmem:s11], [sflag:$0x4], $0x5300, $0x38;
	[tilespmem:$0x1AB00] =	vst v63  }
0x1c6: {  	s6 =	simm.s32 @!p0 $0x0  }
0x1c7: {  	s6 =	simm.s32 @p0 $0x1  }
0x1c8: {  	p0 =	por p0, !p3;
	[smem:$0x7F6] =	sst s6  }
0x1c9: {  	[smem:$0x7FA] =	sst s1;
	s1 =	simm.s32 @!p0 $0x0  }
0x1ca: {  	s1 =	simm.s32 @p0 $0x1  }
0x1cb: {  	s6 =	sshrl.u32 @!p0 s0, $0x3;
	s7 =	simm.s32 @!p0 $0x0;
	[smem:$0x7F7] =	sst s1  }
0x1cc: {  	s11 =	simm.s32 @!p0 $0x15600;
	s6 =	sadd.s32 @!p0 s2, s6;
	s1 =	sld [smem:$0x7FA]  }
0x1cd: {  	[hbm4b:s6+s7] =	stream.linear.scatter @!p0 [tilespmem:s11], [sflag:$0x4], $0x5500, $0x38;
	[tilespmem:$0x1AB00] =	vst v63  }
0x1ce: {  	p0 =	seq.s32 @!p3 s22, $0x1  }
0x1cf: {  	p1 =	por !p0, p3  }
0x1d0: {  	p5 =	por p0, p3;
	[smem:$0x7FA] =	sst s1;
	s1 =	simm.s32 @!p1 $0x0  }
0x1d1: {  	p6 =	seq.s32 @!p5 s22, $0x2;
	s6 =	sshrl.u32 @!p1 s0, $0x3;
	s1 =	simm.s32 @p1 $0x1  }
0x1d2: {  	s7 =	simm.s32 @!p1 $0x0;
	s11 =	simm.s32 @!p1 $0x15600;
	[smem:$0x7F8] =	sst s1  }
0x1d3: {  	p0 =	por @!p3 !p6, p0;
	s6 =	sadd.s32 @!p1 s2, s6;
	s1 =	sld [smem:$0x7FA]  }
0x1d4: {  	[hbm4b:s6+s7] =	stream.linear.scatter @!p1 [tilespmem:s11], [sflag:$0x4], $0x2B00, $0x38;
	[tilespmem:$0x1AB00] =	vst v63  }
0x1d5: {  	s6 =	simm.s32 @!p0 $0x0  }
0x1d6: {  	s6 =	simm.s32 @p0 $0x1  }
0x1d7: {  	p0 =	por p0, p3;
	[smem:$0x7F9] =	sst s6  }
0x1d8: {  	[smem:$0x7FA] =	sst s1;
	s1 =	simm.s32 @!p0 $0x0  }
0x1d9: {  	s1 =	simm.s32 @p0 $0x1  }
0x1da: {  	[smem:$0x7FB] =	sst s1  }
0x1db: {  	s6 =	sshrl.u32 @!p0 s0, $0x3;
	s1 =	sld [smem:$0x7FA]  }
0x1dc: {  	s7 =	simm.s32 @!p0 $0x0;
	s11 =	simm.s32 @!p0 $0x15600;
	s6 =	sadd.s32 @!p0 s2, s6  }
0x1dd: {  	[hbm4b:s6+s7] =	stream.linear.scatter @!p0 [tilespmem:s11], [sflag:$0x4], $0x4B00, $0x38;
	[tilespmem:$0x1AB00] =	vst v63  }
0x1de: {  	v7 =	vld [tilespmem:s1+$0x0];
	_ =	sdelay $0x4  }
0x1df: {  	vm2 =	vlt.f32 v3, v7;
	vm3 =	vlt.f32 v4, v7  }
0x1e0: {  	v8 =	vsel vm2, $0x1, v2;
	v62 =	vsel vm3, $0x1, v2;
	vm2 =	vlt.f32 v5, v7  }
0x1e1: {  	v8 =	vadd.s32 v62, v8;
	v63 =	vsel vm2, $0x1, v2;
	vm2 =	vlt.f32 v6, v7  }
0x1e2: {  	v7 =	vadd.s32 v63, v8;
	v8 =	vsel vm2, $0x1, v2  }
0x1e3: {  	v7 =	vadd.s32 v8, v7  }
0x1e4: {  	v7 =	vnsel vm1, $0x0, v7  }
0x1e5: {  	(xrf0) =	vadd.scan.msk.s32 $0xffff, v7;
	_ =	sdelay $0x5  }
0x1e6: {  	v7, _, _ =	vpop (xrf0)  }
0x1e7: {  	(v2sf) =	vpush v7, $0xF;
	_ =	sdelay $0xe  }
0x1e8: {  	s1 =	spop (v2sf)  }
0x1e9: {  	p0 =	sgt.s32 s1, $0x1  }
0x1ea: {  	p6 =	seq.s32 @p0 s1, $0x2  }
0x1eb: {  	p5 =	por !p6, !p0;
	p4 =	por p6, !p0  }
0x1ec: {  	s6 =	simm.s32 @!p5 $0x2;
	p4 =	seq.s32 @!p4 s1, $0x3  }
0x1ed: {  	p4 =	por @p0 !p4, p6;
	_ =	swait.ge @!p5 [sflag:s6], $0xA00  }
0x1ee: {  	[sflag:s6] =	ssyncset.done @!p5 $0x0;
	p4 =	por p4, !p0  }
0x1ef: {  	[sflag:s6] =	ssyncadd.s32 @!p5 $0xFFFFF600;
	s6 =	simm.s32 @!p4 $0x2;
	p5 =	seq.s32 @!p0 s1, $0x0  }
0x1f0: {  	_ =	swait.ge @!p4 [sflag:s6], $0x200;
	p1 =	por p5, p0  }
0x1f1: {  	p6 =	por !p5, p0;
	[sflag:s6] =	ssyncset.done @!p4 $0x0;
	p1 =	seq.s32 @!p1 s1, $0x1  }
0x1f2: {  	[sflag:s6] =	ssyncadd.s32 @!p4 $0xFFFFFE00;
	s6 =	simm.s32 @!p6 $0x2;
	p1 =	por @!p0 !p1, p5  }
0x1f3: {  	_ =	swait.ge @!p6 [sflag:s6], $0x5500;
	p0 =	por p1, p0;
	p1 =	seq.s32 s22, $0x1  }
.Ltmp7:
0x1f4: {  	[sflag:s6] =	ssyncset.done @!p6 $0x0;
	(pc) =	sbr.rel @p1 .LBB2_13-.Ltmp7, $4  }
0x1f5: {  	s1 =	simm.s32 @!p0 $0x2;
	[sflag:s6] =	ssyncadd.s32 @!p6 $0xFFFFAB00  }
0x1f6: {  	s7 =	simm.s32 @!p2 $0x0;
	_ =	swait.ge @!p0 [sflag:s1], $0x2A00  }
0x1f7: {  	s7 =	simm.s32 @p2 $0x1;
	s6 =	simm.s32 $0x0;
	[sflag:s1] =	ssyncset.done @!p0 $0x0  }
0x1f8: {  	[smem:$0x7FC] =	sst s7;
	[sflag:s1] =	ssyncadd.s32 @!p0 $0xFFFFD600;
	s1 =	simm.s32 $0x10200  }
0x1f9: {  	p0 =	sne.s32 s22, $0x0;
	s7 =	sld [smem:$0x7F6]  }
.Ltmp8:
0x1fa: {  	s11 =	sld [smem:$0x7F7];
	(pc) =	sbr.rel @p0 .LBB2_16-.Ltmp8, $2  }
0x1fb: {  	s22 =	sld [smem:$0x7F9];
	_ =	sdelay $0x2  }
0x1fc: {  	p1 =	seq.s32 s7, $0x1;
	p2 =	seq.s32 s11, $0x1;
	p5 =	seq.s32 s22, $0x1  }
0x1fd: {  	s22 =	sshra.s32 s6, $0x2  }
0x1fe: {  	v7 =	vld [tilespmem:s22+$0x5700];
	_ =	sdelay $0x4  }
0x1ff: {  	[tilespmem:s1+$0xFFFFFF00] =	vst v7  }
0x200: {  	v7 =	vld [tilespmem:s22+$0x5710];
	_ =	sdelay $0x4  }
0x201: {  	[tilespmem:s1+$0xFFFFFF10] =	vst v7  }
0x202: {  	v7 =	vld [tilespmem:s22+$0x5720];
	_ =	sdelay $0x4  }
0x203: {  	[tilespmem:s1+$0xFFFFFF20] =	vst v7  }
0x204: {  	v7 =	vld [tilespmem:s22+$0x5730];
	_ =	sdelay $0x4  }
0x205: {  	[tilespmem:s1+$0xFFFFFF30] =	vst v7  }
0x206: {  	v7 =	vld [tilespmem:s22+$0x5740];
	_ =	sdelay $0x4  }
0x207: {  	[tilespmem:s1+$0xFFFFFF40] =	vst v7  }
0x208: {  	v7 =	vld [tilespmem:s22+$0x5750];
	_ =	sdelay $0x4  }
0x209: {  	[tilespmem:s1+$0xFFFFFF50] =	vst v7  }
0x20a: {  	v7 =	vld [tilespmem:s22+$0x5760];
	_ =	sdelay $0x4  }
0x20b: {  	[tilespmem:s1+$0xFFFFFF60] =	vst v7  }
0x20c: {  	v7 =	vld [tilespmem:s22+$0x5770];
	_ =	sdelay $0x4  }
0x20d: {  	[tilespmem:s1+$0xFFFFFF70] =	vst v7  }
0x20e: {  	v7 =	vld [tilespmem:s22+$0x8180];
	_ =	sdelay $0x4  }
0x20f: {  	[tilespmem:s1+$0xFFFFFF80] =	vst v7  }
0x210: {  	v7 =	vld [tilespmem:s22+$0x8190];
	_ =	sdelay $0x4  }
0x211: {  	[tilespmem:s1+$0xFFFFFF90] =	vst v7  }
0x212: {  	v7 =	vld [tilespmem:s22+$0x81A0];
	_ =	sdelay $0x4  }
0x213: {  	[tilespmem:s1+$0xFFFFFFA0] =	vst v7  }
0x214: {  	v7 =	vld [tilespmem:s22+$0x81B0];
	_ =	sdelay $0x4  }
0x215: {  	[tilespmem:s1+$0xFFFFFFB0] =	vst v7  }
0x216: {  	v7 =	vld [tilespmem:s22+$0x81C0];
	_ =	sdelay $0x4  }
0x217: {  	[tilespmem:s1+$0xFFFFFFC0] =	vst v7  }
0x218: {  	v7 =	vld [tilespmem:s22+$0x81D0];
	_ =	sdelay $0x4  }
0x219: {  	[tilespmem:s1+$0xFFFFFFD0] =	vst v7  }
0x21a: {  	v7 =	vld [tilespmem:s22+$0x81E0];
	_ =	sdelay $0x4  }
0x21b: {  	[tilespmem:s1+$0xFFFFFFE0] =	vst v7  }
0x21c: {  	v7 =	vld [tilespmem:s22+$0x81F0];
	_ =	sdelay $0x4  }
0x21d: {  	[tilespmem:s1+$0xFFFFFFF0] =	vst v7  }
0x21e: {  	v7 =	vld [tilespmem:s22+$0x5780];
	_ =	sdelay $0x4  }
0x21f: {  	[tilespmem:s1+$0x0] =	vst v7  }
0x220: {  	v7 =	vld [tilespmem:s22+$0x5790];
	_ =	sdelay $0x4  }
0x221: {  	[tilespmem:s1+$0x10] =	vst v7  }
0x222: {  	v7 =	vld [tilespmem:s22+$0x57A0];
	_ =	sdelay $0x4  }
0x223: {  	[tilespmem:s1+$0x20] =	vst v7  }
0x224: {  	v7 =	vld [tilespmem:s22+$0x57B0];
	_ =	sdelay $0x4  }
0x225: {  	[tilespmem:s1+$0x30] =	vst v7  }
0x226: {  	v7 =	vld [tilespmem:s22+$0x57C0];
	_ =	sdelay $0x4  }
0x227: {  	[tilespmem:s1+$0x40] =	vst v7  }
0x228: {  	v7 =	vld [tilespmem:s22+$0x57D0];
	_ =	sdelay $0x4  }
0x229: {  	[tilespmem:s1+$0x50] =	vst v7  }
0x22a: {  	v7 =	vld [tilespmem:s22+$0x57E0];
	_ =	sdelay $0x4  }
0x22b: {  	[tilespmem:s1+$0x60] =	vst v7  }
0x22c: {  	v7 =	vld [tilespmem:s22+$0x57F0];
	_ =	sdelay $0x4  }
0x22d: {  	[tilespmem:s1+$0x70] =	vst v7  }
0x22e: {  	v7 =	vld [tilespmem:s22+$0x8200];
	_ =	sdelay $0x4  }
0x22f: {  	[tilespmem:s1+$0x80] =	vst v7  }
0x230: {  	v7 =	vld [tilespmem:s22+$0x8210];
	_ =	sdelay $0x4  }
0x231: {  	[tilespmem:s1+$0x90] =	vst v7  }
0x232: {  	v7 =	vld [tilespmem:s22+$0x8220];
	_ =	sdelay $0x4  }
0x233: {  	[tilespmem:s1+$0xA0] =	vst v7  }
0x234: {  	v7 =	vld [tilespmem:s22+$0x8230];
	_ =	sdelay $0x4  }
0x235: {  	[tilespmem:s1+$0xB0] =	vst v7  }
0x236: {  	v7 =	vld [tilespmem:s22+$0x8240];
	_ =	sdelay $0x4  }
0x237: {  	[tilespmem:s1+$0xC0] =	vst v7  }
0x238: {  	v7 =	vld [tilespmem:s22+$0x8250];
	_ =	sdelay $0x4  }
0x239: {  	[tilespmem:s1+$0xD0] =	vst v7  }
0x23a: {  	v7 =	vld [tilespmem:s22+$0x8260];
	_ =	sdelay $0x4  }
0x23b: {  	[tilespmem:s1+$0xE0] =	vst v7  }
0x23c: {  	v7 =	vld [tilespmem:s22+$0x8270];
	_ =	sdelay $0x3  }
0x23d: {  	s11 =	sadd.s32 $0x400, s6  }
0x23e: {  	s6 =	sadd.s32 $0x400, s11;
	s22 =	sshra.s32 s11, $0x2;
	[tilespmem:s1+$0xF0] =	vst v7  }
.LBB2_11:
0x23f: {  	p0 =	sne.s32 s6, $0xA400;
	v7 =	vld [tilespmem:s22+$0x5700];
	_ =	sdelay $0x3  }
0x240: {  	s1 =	sadd.s32 $0x200, s1  }
0x241: {  	[tilespmem:s1+$0xFFFFFF00] =	vst v7  }
0x242: {  	v7 =	vld [tilespmem:s22+$0x5710];
	_ =	sdelay $0x4  }
0x243: {  	[tilespmem:s1+$0xFFFFFF10] =	vst v7  }
0x244: {  	v7 =	vld [tilespmem:s22+$0x5720];
	_ =	sdelay $0x4  }
0x245: {  	[tilespmem:s1+$0xFFFFFF20] =	vst v7  }
0x246: {  	v7 =	vld [tilespmem:s22+$0x5730];
	_ =	sdelay $0x4  }
0x247: {  	[tilespmem:s1+$0xFFFFFF30] =	vst v7  }
0x248: {  	v7 =	vld [tilespmem:s22+$0x5740];
	_ =	sdelay $0x4  }
0x249: {  	[tilespmem:s1+$0xFFFFFF40] =	vst v7  }
0x24a: {  	v7 =	vld [tilespmem:s22+$0x5750];
	_ =	sdelay $0x4  }
0x24b: {  	[tilespmem:s1+$0xFFFFFF50] =	vst v7  }
0x24c: {  	v7 =	vld [tilespmem:s22+$0x5760];
	_ =	sdelay $0x4  }
0x24d: {  	[tilespmem:s1+$0xFFFFFF60] =	vst v7  }
0x24e: {  	v7 =	vld [tilespmem:s22+$0x5770];
	_ =	sdelay $0x4  }
0x24f: {  	[tilespmem:s1+$0xFFFFFF70] =	vst v7  }
0x250: {  	v7 =	vld [tilespmem:s22+$0x8180];
	_ =	sdelay $0x4  }
0x251: {  	[tilespmem:s1+$0xFFFFFF80] =	vst v7  }
0x252: {  	v7 =	vld [tilespmem:s22+$0x8190];
	_ =	sdelay $0x4  }
0x253: {  	[tilespmem:s1+$0xFFFFFF90] =	vst v7  }
0x254: {  	v7 =	vld [tilespmem:s22+$0x81A0];
	_ =	sdelay $0x4  }
0x255: {  	[tilespmem:s1+$0xFFFFFFA0] =	vst v7  }
0x256: {  	v7 =	vld [tilespmem:s22+$0x81B0];
	_ =	sdelay $0x4  }
0x257: {  	[tilespmem:s1+$0xFFFFFFB0] =	vst v7  }
0x258: {  	v7 =	vld [tilespmem:s22+$0x81C0];
	_ =	sdelay $0x4  }
0x259: {  	[tilespmem:s1+$0xFFFFFFC0] =	vst v7  }
0x25a: {  	v7 =	vld [tilespmem:s22+$0x81D0];
	_ =	sdelay $0x4  }
0x25b: {  	[tilespmem:s1+$0xFFFFFFD0] =	vst v7  }
0x25c: {  	v7 =	vld [tilespmem:s22+$0x81E0];
	_ =	sdelay $0x4  }
0x25d: {  	[tilespmem:s1+$0xFFFFFFE0] =	vst v7  }
0x25e: {  	v7 =	vld [tilespmem:s22+$0x81F0];
	_ =	sdelay $0x4  }
0x25f: {  	[tilespmem:s1+$0xFFFFFFF0] =	vst v7  }
0x260: {  	v7 =	vld [tilespmem:s22+$0x5780];
	_ =	sdelay $0x4  }
0x261: {  	[tilespmem:s1+$0x0] =	vst v7  }
0x262: {  	v7 =	vld [tilespmem:s22+$0x5790];
	_ =	sdelay $0x4  }
0x263: {  	[tilespmem:s1+$0x10] =	vst v7  }
0x264: {  	v7 =	vld [tilespmem:s22+$0x57A0];
	_ =	sdelay $0x4  }
0x265: {  	[tilespmem:s1+$0x20] =	vst v7  }
0x266: {  	v7 =	vld [tilespmem:s22+$0x57B0];
	_ =	sdelay $0x4  }
0x267: {  	[tilespmem:s1+$0x30] =	vst v7  }
0x268: {  	v7 =	vld [tilespmem:s22+$0x57C0];
	_ =	sdelay $0x4  }
0x269: {  	[tilespmem:s1+$0x40] =	vst v7  }
0x26a: {  	v7 =	vld [tilespmem:s22+$0x57D0];
	_ =	sdelay $0x4  }
0x26b: {  	[tilespmem:s1+$0x50] =	vst v7  }
0x26c: {  	v7 =	vld [tilespmem:s22+$0x57E0];
	_ =	sdelay $0x4  }
0x26d: {  	[tilespmem:s1+$0x60] =	vst v7  }
0x26e: {  	v7 =	vld [tilespmem:s22+$0x57F0];
	_ =	sdelay $0x4  }
0x26f: {  	[tilespmem:s1+$0x70] =	vst v7  }
0x270: {  	v7 =	vld [tilespmem:s22+$0x8200];
	_ =	sdelay $0x4  }
0x271: {  	[tilespmem:s1+$0x80] =	vst v7  }
0x272: {  	v7 =	vld [tilespmem:s22+$0x8210];
	_ =	sdelay $0x4  }
0x273: {  	[tilespmem:s1+$0x90] =	vst v7  }
0x274: {  	v7 =	vld [tilespmem:s22+$0x8220];
	_ =	sdelay $0x4  }
0x275: {  	[tilespmem:s1+$0xA0] =	vst v7  }
0x276: {  	v7 =	vld [tilespmem:s22+$0x8230];
	_ =	sdelay $0x4  }
0x277: {  	[tilespmem:s1+$0xB0] =	vst v7  }
0x278: {  	v7 =	vld [tilespmem:s22+$0x8240];
	_ =	sdelay $0x4  }
0x279: {  	[tilespmem:s1+$0xC0] =	vst v7  }
0x27a: {  	v7 =	vld [tilespmem:s22+$0x8250];
	_ =	sdelay $0x4  }
0x27b: {  	[tilespmem:s1+$0xD0] =	vst v7  }
0x27c: {  	v7 =	vld [tilespmem:s22+$0x8260];
	_ =	sdelay $0x4  }
0x27d: {  	[tilespmem:s1+$0xE0] =	vst v7  }
0x27e: {  	v7 =	vld [tilespmem:s22+$0x8270]  }
.Ltmp9:
0x27f: {  	(pc) =	sbr.rel @p0 .LBB2_11-.Ltmp9, $2  }
0x280: {  	_ =	sdelay $0x2  }
0x281: {  	s22 =	sshra.s32 s6, $0x2;
	s6 =	sadd.s32 $0x400, s6;
	[tilespmem:s1+$0xF0] =	vst v7  }
0x282: {  	v7 =	vld [tilespmem:s22+$0x5700];
	_ =	sdelay $0x3  }
0x283: {  	s1 =	sadd.s32 $0x200, s1  }
0x284: {  	[tilespmem:s1+$0xFFFFFF00] =	vst v7  }
0x285: {  	v7 =	vld [tilespmem:s22+$0x5710];
	_ =	sdelay $0x4  }
0x286: {  	[tilespmem:s1+$0xFFFFFF10] =	vst v7  }
0x287: {  	v7 =	vld [tilespmem:s22+$0x5720];
	_ =	sdelay $0x4  }
0x288: {  	[tilespmem:s1+$0xFFFFFF20] =	vst v7  }
0x289: {  	v7 =	vld [tilespmem:s22+$0x5730];
	_ =	sdelay $0x4  }
0x28a: {  	[tilespmem:s1+$0xFFFFFF30] =	vst v7  }
0x28b: {  	v7 =	vld [tilespmem:s22+$0x5740];
	_ =	sdelay $0x4  }
0x28c: {  	[tilespmem:s1+$0xFFFFFF40] =	vst v7  }
0x28d: {  	v7 =	vld [tilespmem:s22+$0x5750];
	_ =	sdelay $0x4  }
0x28e: {  	[tilespmem:s1+$0xFFFFFF50] =	vst v7  }
0x28f: {  	v7 =	vld [tilespmem:s22+$0x5760];
	_ =	sdelay $0x4  }
0x290: {  	[tilespmem:s1+$0xFFFFFF60] =	vst v7  }
0x291: {  	v7 =	vld [tilespmem:s22+$0x5770];
	_ =	sdelay $0x4  }
0x292: {  	[tilespmem:s1+$0xFFFFFF70] =	vst v7  }
0x293: {  	v7 =	vld [tilespmem:s22+$0x8180];
	_ =	sdelay $0x4  }
0x294: {  	[tilespmem:s1+$0xFFFFFF80] =	vst v7  }
0x295: {  	v7 =	vld [tilespmem:s22+$0x8190];
	_ =	sdelay $0x4  }
0x296: {  	[tilespmem:s1+$0xFFFFFF90] =	vst v7  }
0x297: {  	v7 =	vld [tilespmem:s22+$0x81A0];
	_ =	sdelay $0x4  }
0x298: {  	[tilespmem:s1+$0xFFFFFFA0] =	vst v7  }
0x299: {  	v7 =	vld [tilespmem:s22+$0x81B0];
	_ =	sdelay $0x4  }
0x29a: {  	[tilespmem:s1+$0xFFFFFFB0] =	vst v7  }
0x29b: {  	v7 =	vld [tilespmem:s22+$0x81C0];
	_ =	sdelay $0x4  }
0x29c: {  	[tilespmem:s1+$0xFFFFFFC0] =	vst v7  }
0x29d: {  	v7 =	vld [tilespmem:s22+$0x81D0];
	_ =	sdelay $0x4  }
0x29e: {  	[tilespmem:s1+$0xFFFFFFD0] =	vst v7  }
0x29f: {  	v7 =	vld [tilespmem:s22+$0x81E0];
	_ =	sdelay $0x4  }
0x2a0: {  	[tilespmem:s1+$0xFFFFFFE0] =	vst v7  }
0x2a1: {  	v7 =	vld [tilespmem:s22+$0x81F0];
	_ =	sdelay $0x4  }
0x2a2: {  	[tilespmem:s1+$0xFFFFFFF0] =	vst v7  }
0x2a3: {  	v7 =	vld [tilespmem:s22+$0x5780];
	_ =	sdelay $0x4  }
0x2a4: {  	[tilespmem:s1+$0x0] =	vst v7  }
0x2a5: {  	v7 =	vld [tilespmem:s22+$0x5790];
	_ =	sdelay $0x4  }
0x2a6: {  	[tilespmem:s1+$0x10] =	vst v7  }
0x2a7: {  	v7 =	vld [tilespmem:s22+$0x57A0];
	_ =	sdelay $0x4  }
0x2a8: {  	[tilespmem:s1+$0x20] =	vst v7  }
0x2a9: {  	v7 =	vld [tilespmem:s22+$0x57B0];
	_ =	sdelay $0x4  }
0x2aa: {  	[tilespmem:s1+$0x30] =	vst v7  }
0x2ab: {  	v7 =	vld [tilespmem:s22+$0x57C0];
	_ =	sdelay $0x4  }
0x2ac: {  	[tilespmem:s1+$0x40] =	vst v7  }
0x2ad: {  	v7 =	vld [tilespmem:s22+$0x57D0];
	_ =	sdelay $0x4  }
0x2ae: {  	[tilespmem:s1+$0x50] =	vst v7  }
0x2af: {  	v7 =	vld [tilespmem:s22+$0x57E0];
	_ =	sdelay $0x4  }
0x2b0: {  	[tilespmem:s1+$0x60] =	vst v7  }
0x2b1: {  	v7 =	vld [tilespmem:s22+$0x57F0];
	_ =	sdelay $0x4  }
0x2b2: {  	[tilespmem:s1+$0x70] =	vst v7  }
0x2b3: {  	v7 =	vld [tilespmem:s22+$0x8200];
	_ =	sdelay $0x4  }
0x2b4: {  	[tilespmem:s1+$0x80] =	vst v7  }
0x2b5: {  	v7 =	vld [tilespmem:s22+$0x8210];
	_ =	sdelay $0x4  }
0x2b6: {  	[tilespmem:s1+$0x90] =	vst v7  }
0x2b7: {  	v7 =	vld [tilespmem:s22+$0x8220];
	_ =	sdelay $0x4  }
0x2b8: {  	[tilespmem:s1+$0xA0] =	vst v7  }
0x2b9: {  	v7 =	vld [tilespmem:s22+$0x8230];
	_ =	sdelay $0x4  }
0x2ba: {  	[tilespmem:s1+$0xB0] =	vst v7  }
0x2bb: {  	v7 =	vld [tilespmem:s22+$0x8240];
	_ =	sdelay $0x4  }
0x2bc: {  	[tilespmem:s1+$0xC0] =	vst v7  }
0x2bd: {  	v7 =	vld [tilespmem:s22+$0x8250];
	_ =	sdelay $0x4  }
0x2be: {  	[tilespmem:s1+$0xD0] =	vst v7  }
0x2bf: {  	v7 =	vld [tilespmem:s22+$0x8260];
	_ =	sdelay $0x4  }
0x2c0: {  	[tilespmem:s1+$0xE0] =	vst v7  }
0x2c1: {  	v7 =	vld [tilespmem:s22+$0x8270];
	_ =	sdelay $0x4  }
0x2c2: {  	[tilespmem:s1+$0xF0] =	vst v7  }
0x2c3: {  	v7 =	vld [tilespmem:$0x8100]  }
0x2c4: {  	v8 =	vld [tilespmem:$0x8110]  }
0x2c5: {  	v9 =	vld [tilespmem:$0x8120]  }
0x2c6: {  	v10 =	vld [tilespmem:$0x8130]  }
0x2c7: {  	v11 =	vld [tilespmem:$0x8140]  }
0x2c8: {  	[tilespmem:$0x15500] =	vst v7;
	v7 =	vld [tilespmem:$0x8150]  }
0x2c9: {  	v58 =	vld [tilespmem:$0x8170];
	[tilespmem:$0x15510] =	vst v8  }
0x2ca: {  	v59 =	vld [tilespmem:$0xAB80];
	[tilespmem:$0x15520] =	vst v9  }
0x2cb: {  	v60 =	vld [tilespmem:$0xAB90];
	[tilespmem:$0x15530] =	vst v10  }
0x2cc: {  	v8 =	vld [tilespmem:$0x8160];
	[tilespmem:$0x15540] =	vst v11  }
0x2cd: {  	[tilespmem:$0x15550] =	vst v7;
	v7 =	vld [tilespmem:$0xABA0]  }
0x2ce: {  	v61 =	vld [tilespmem:$0xABC0];
	[tilespmem:$0x15570] =	vst v58  }
0x2cf: {  	v62 =	vld [tilespmem:$0xABD0];
	[tilespmem:$0x15580] =	vst v59  }
0x2d0: {  	v63 =	vld [tilespmem:$0xABE0];
	[tilespmem:$0x15590] =	vst v60  }
0x2d1: {  	[tilespmem:$0x15560] =	vst v8;
	v8 =	vld [tilespmem:$0xABB0]  }
0x2d2: {  	[tilespmem:$0x155A0] =	vst v7;
	v7 =	vld [tilespmem:$0xABF0]  }
0x2d3: {  	[tilespmem:$0x155C0] =	vst v61  }
.Ltmp10:
0x2d4: {  	[tilespmem:$0x155D0] =	vst v62;
	(pc) =	sbr.rel .LBB2_16-.Ltmp10, $4  }
0x2d5: {  	[tilespmem:$0x155E0] =	vst v63  }
0x2d6: {  	s0 =	sshrl.u32 s0, $0x3;
	[tilespmem:$0x155B0] =	vst v8  }
0x2d7: {  	s0 =	sadd.s32 s2, s0;
	[tilespmem:$0x155F0] =	vst v7  }
0x2d8: {  	[hbm4b:s0+s3] =	stream.linear.scatter [tilespmem:s24], [sflag:$0x4], $0x5500, $0x38;
	[tilespmem:$0x1AB00] =	vst v63  }
.LBB2_13:
0x2d9: {  	s0 =	sshra.s32 s6, $0x2  }
0x2da: {  	v7 =	vld [tilespmem:s0+$0x5700];
	_ =	sdelay $0x4  }
0x2db: {  	[tilespmem:s1+$0xFFFFFF00] =	vst v7  }
0x2dc: {  	v7 =	vld [tilespmem:s0+$0x5710];
	_ =	sdelay $0x4  }
0x2dd: {  	[tilespmem:s1+$0xFFFFFF10] =	vst v7  }
0x2de: {  	v7 =	vld [tilespmem:s0+$0x5720];
	_ =	sdelay $0x4  }
0x2df: {  	[tilespmem:s1+$0xFFFFFF20] =	vst v7  }
0x2e0: {  	v7 =	vld [tilespmem:s0+$0x5730];
	_ =	sdelay $0x4  }
0x2e1: {  	[tilespmem:s1+$0xFFFFFF30] =	vst v7  }
0x2e2: {  	v7 =	vld [tilespmem:s0+$0x5740];
	_ =	sdelay $0x4  }
0x2e3: {  	[tilespmem:s1+$0xFFFFFF40] =	vst v7  }
0x2e4: {  	v7 =	vld [tilespmem:s0+$0x5750];
	_ =	sdelay $0x4  }
0x2e5: {  	[tilespmem:s1+$0xFFFFFF50] =	vst v7  }
0x2e6: {  	v7 =	vld [tilespmem:s0+$0x5760];
	_ =	sdelay $0x4  }
0x2e7: {  	[tilespmem:s1+$0xFFFFFF60] =	vst v7  }
0x2e8: {  	v7 =	vld [tilespmem:s0+$0x5770];
	_ =	sdelay $0x4  }
0x2e9: {  	[tilespmem:s1+$0xFFFFFF70] =	vst v7  }
0x2ea: {  	v7 =	vld [tilespmem:s0+$0x6C00];
	_ =	sdelay $0x4  }
0x2eb: {  	[tilespmem:s1+$0xFFFFFF80] =	vst v7  }
0x2ec: {  	v7 =	vld [tilespmem:s0+$0x6C10];
	_ =	sdelay $0x4  }
0x2ed: {  	[tilespmem:s1+$0xFFFFFF90] =	vst v7  }
0x2ee: {  	v7 =	vld [tilespmem:s0+$0x6C20];
	_ =	sdelay $0x4  }
0x2ef: {  	[tilespmem:s1+$0xFFFFFFA0] =	vst v7  }
0x2f0: {  	v7 =	vld [tilespmem:s0+$0x6C30];
	_ =	sdelay $0x4  }
0x2f1: {  	[tilespmem:s1+$0xFFFFFFB0] =	vst v7  }
0x2f2: {  	v7 =	vld [tilespmem:s0+$0x6C40];
	_ =	sdelay $0x4  }
0x2f3: {  	[tilespmem:s1+$0xFFFFFFC0] =	vst v7  }
0x2f4: {  	v7 =	vld [tilespmem:s0+$0x6C50];
	_ =	sdelay $0x4  }
0x2f5: {  	[tilespmem:s1+$0xFFFFFFD0] =	vst v7  }
0x2f6: {  	v7 =	vld [tilespmem:s0+$0x6C60];
	_ =	sdelay $0x4  }
0x2f7: {  	[tilespmem:s1+$0xFFFFFFE0] =	vst v7  }
0x2f8: {  	v7 =	vld [tilespmem:s0+$0x6C70];
	_ =	sdelay $0x4  }
0x2f9: {  	[tilespmem:s1+$0xFFFFFFF0] =	vst v7  }
0x2fa: {  	v7 =	vld [tilespmem:s0+$0x5780];
	_ =	sdelay $0x4  }
0x2fb: {  	[tilespmem:s1+$0x0] =	vst v7  }
0x2fc: {  	v7 =	vld [tilespmem:s0+$0x5790];
	_ =	sdelay $0x4  }
0x2fd: {  	[tilespmem:s1+$0x10] =	vst v7  }
0x2fe: {  	v7 =	vld [tilespmem:s0+$0x57A0];
	_ =	sdelay $0x4  }
0x2ff: {  	[tilespmem:s1+$0x20] =	vst v7  }
0x300: {  	v7 =	vld [tilespmem:s0+$0x57B0];
	_ =	sdelay $0x4  }
0x301: {  	[tilespmem:s1+$0x30] =	vst v7  }
0x302: {  	v7 =	vld [tilespmem:s0+$0x57C0];
	_ =	sdelay $0x4  }
0x303: {  	[tilespmem:s1+$0x40] =	vst v7  }
0x304: {  	v7 =	vld [tilespmem:s0+$0x57D0];
	_ =	sdelay $0x4  }
0x305: {  	[tilespmem:s1+$0x50] =	vst v7  }
0x306: {  	v7 =	vld [tilespmem:s0+$0x57E0];
	_ =	sdelay $0x4  }
0x307: {  	[tilespmem:s1+$0x60] =	vst v7  }
0x308: {  	v7 =	vld [tilespmem:s0+$0x57F0];
	_ =	sdelay $0x4  }
0x309: {  	[tilespmem:s1+$0x70] =	vst v7  }
0x30a: {  	v7 =	vld [tilespmem:s0+$0x6C80];
	_ =	sdelay $0x4  }
0x30b: {  	[tilespmem:s1+$0x80] =	vst v7  }
0x30c: {  	v7 =	vld [tilespmem:s0+$0x6C90];
	_ =	sdelay $0x4  }
0x30d: {  	[tilespmem:s1+$0x90] =	vst v7  }
0x30e: {  	v7 =	vld [tilespmem:s0+$0x6CA0];
	_ =	sdelay $0x4  }
0x30f: {  	[tilespmem:s1+$0xA0] =	vst v7  }
0x310: {  	v7 =	vld [tilespmem:s0+$0x6CB0];
	_ =	sdelay $0x4  }
0x311: {  	[tilespmem:s1+$0xB0] =	vst v7  }
0x312: {  	v7 =	vld [tilespmem:s0+$0x6CC0];
	_ =	sdelay $0x4  }
0x313: {  	[tilespmem:s1+$0xC0] =	vst v7  }
0x314: {  	v7 =	vld [tilespmem:s0+$0x6CD0];
	_ =	sdelay $0x4  }
0x315: {  	[tilespmem:s1+$0xD0] =	vst v7  }
0x316: {  	v7 =	vld [tilespmem:s0+$0x6CE0];
	_ =	sdelay $0x4  }
0x317: {  	[tilespmem:s1+$0xE0] =	vst v7  }
0x318: {  	v7 =	vld [tilespmem:s0+$0x6CF0];
	_ =	sdelay $0x3  }
0x319: {  	s22 =	sadd.s32 $0x400, s6  }
0x31a: {  	s6 =	sadd.s32 $0x400, s22;
	s0 =	sshra.s32 s22, $0x2;
	[tilespmem:s1+$0xF0] =	vst v7  }
.LBB2_14:
0x31b: {  	p0 =	sne.s32 s6, $0x5000;
	v7 =	vld [tilespmem:s0+$0x5700];
	_ =	sdelay $0x3  }
0x31c: {  	s1 =	sadd.s32 $0x200, s1  }
0x31d: {  	[tilespmem:s1+$0xFFFFFF00] =	vst v7  }
0x31e: {  	v7 =	vld [tilespmem:s0+$0x5710];
	_ =	sdelay $0x4  }
0x31f: {  	[tilespmem:s1+$0xFFFFFF10] =	vst v7  }
0x320: {  	v7 =	vld [tilespmem:s0+$0x5720];
	_ =	sdelay $0x4  }
0x321: {  	[tilespmem:s1+$0xFFFFFF20] =	vst v7  }
0x322: {  	v7 =	vld [tilespmem:s0+$0x5730];
	_ =	sdelay $0x4  }
0x323: {  	[tilespmem:s1+$0xFFFFFF30] =	vst v7  }
0x324: {  	v7 =	vld [tilespmem:s0+$0x5740];
	_ =	sdelay $0x4  }
0x325: {  	[tilespmem:s1+$0xFFFFFF40] =	vst v7  }
0x326: {  	v7 =	vld [tilespmem:s0+$0x5750];
	_ =	sdelay $0x4  }
0x327: {  	[tilespmem:s1+$0xFFFFFF50] =	vst v7  }
0x328: {  	v7 =	vld [tilespmem:s0+$0x5760];
	_ =	sdelay $0x4  }
0x329: {  	[tilespmem:s1+$0xFFFFFF60] =	vst v7  }
0x32a: {  	v7 =	vld [tilespmem:s0+$0x5770];
	_ =	sdelay $0x4  }
0x32b: {  	[tilespmem:s1+$0xFFFFFF70] =	vst v7  }
0x32c: {  	v7 =	vld [tilespmem:s0+$0x6C00];
	_ =	sdelay $0x4  }
0x32d: {  	[tilespmem:s1+$0xFFFFFF80] =	vst v7  }
0x32e: {  	v7 =	vld [tilespmem:s0+$0x6C10];
	_ =	sdelay $0x4  }
0x32f: {  	[tilespmem:s1+$0xFFFFFF90] =	vst v7  }
0x330: {  	v7 =	vld [tilespmem:s0+$0x6C20];
	_ =	sdelay $0x4  }
0x331: {  	[tilespmem:s1+$0xFFFFFFA0] =	vst v7  }
0x332: {  	v7 =	vld [tilespmem:s0+$0x6C30];
	_ =	sdelay $0x4  }
0x333: {  	[tilespmem:s1+$0xFFFFFFB0] =	vst v7  }
0x334: {  	v7 =	vld [tilespmem:s0+$0x6C40];
	_ =	sdelay $0x4  }
0x335: {  	[tilespmem:s1+$0xFFFFFFC0] =	vst v7  }
0x336: {  	v7 =	vld [tilespmem:s0+$0x6C50];
	_ =	sdelay $0x4  }
0x337: {  	[tilespmem:s1+$0xFFFFFFD0] =	vst v7  }
0x338: {  	v7 =	vld [tilespmem:s0+$0x6C60];
	_ =	sdelay $0x4  }
0x339: {  	[tilespmem:s1+$0xFFFFFFE0] =	vst v7  }
0x33a: {  	v7 =	vld [tilespmem:s0+$0x6C70];
	_ =	sdelay $0x4  }
0x33b: {  	[tilespmem:s1+$0xFFFFFFF0] =	vst v7  }
0x33c: {  	v7 =	vld [tilespmem:s0+$0x5780];
	_ =	sdelay $0x4  }
0x33d: {  	[tilespmem:s1+$0x0] =	vst v7  }
0x33e: {  	v7 =	vld [tilespmem:s0+$0x5790];
	_ =	sdelay $0x4  }
0x33f: {  	[tilespmem:s1+$0x10] =	vst v7  }
0x340: {  	v7 =	vld [tilespmem:s0+$0x57A0];
	_ =	sdelay $0x4  }
0x341: {  	[tilespmem:s1+$0x20] =	vst v7  }
0x342: {  	v7 =	vld [tilespmem:s0+$0x57B0];
	_ =	sdelay $0x4  }
0x343: {  	[tilespmem:s1+$0x30] =	vst v7  }
0x344: {  	v7 =	vld [tilespmem:s0+$0x57C0];
	_ =	sdelay $0x4  }
0x345: {  	[tilespmem:s1+$0x40] =	vst v7  }
0x346: {  	v7 =	vld [tilespmem:s0+$0x57D0];
	_ =	sdelay $0x4  }
0x347: {  	[tilespmem:s1+$0x50] =	vst v7  }
0x348: {  	v7 =	vld [tilespmem:s0+$0x57E0];
	_ =	sdelay $0x4  }
0x349: {  	[tilespmem:s1+$0x60] =	vst v7  }
0x34a: {  	v7 =	vld [tilespmem:s0+$0x57F0];
	_ =	sdelay $0x4  }
0x34b: {  	[tilespmem:s1+$0x70] =	vst v7  }
0x34c: {  	v7 =	vld [tilespmem:s0+$0x6C80];
	_ =	sdelay $0x4  }
0x34d: {  	[tilespmem:s1+$0x80] =	vst v7  }
0x34e: {  	v7 =	vld [tilespmem:s0+$0x6C90];
	_ =	sdelay $0x4  }
0x34f: {  	[tilespmem:s1+$0x90] =	vst v7  }
0x350: {  	v7 =	vld [tilespmem:s0+$0x6CA0];
	_ =	sdelay $0x4  }
0x351: {  	[tilespmem:s1+$0xA0] =	vst v7  }
0x352: {  	v7 =	vld [tilespmem:s0+$0x6CB0];
	_ =	sdelay $0x4  }
0x353: {  	[tilespmem:s1+$0xB0] =	vst v7  }
0x354: {  	v7 =	vld [tilespmem:s0+$0x6CC0];
	_ =	sdelay $0x4  }
0x355: {  	[tilespmem:s1+$0xC0] =	vst v7  }
0x356: {  	v7 =	vld [tilespmem:s0+$0x6CD0];
	_ =	sdelay $0x4  }
0x357: {  	[tilespmem:s1+$0xD0] =	vst v7  }
0x358: {  	v7 =	vld [tilespmem:s0+$0x6CE0];
	_ =	sdelay $0x4  }
0x359: {  	[tilespmem:s1+$0xE0] =	vst v7  }
0x35a: {  	v7 =	vld [tilespmem:s0+$0x6CF0]  }
.Ltmp11:
0x35b: {  	(pc) =	sbr.rel @p0 .LBB2_14-.Ltmp11, $2  }
0x35c: {  	_ =	sdelay $0x2  }
0x35d: {  	s0 =	sshra.s32 s6, $0x2;
	s6 =	sadd.s32 $0x400, s6;
	[tilespmem:s1+$0xF0] =	vst v7  }
0x35e: {  	v7 =	vld [tilespmem:s0+$0x5700];
	_ =	sdelay $0x3  }
0x35f: {  	s1 =	sadd.s32 $0x200, s1  }
0x360: {  	[tilespmem:s1+$0xFFFFFF00] =	vst v7  }
0x361: {  	v7 =	vld [tilespmem:s0+$0x5710];
	_ =	sdelay $0x4  }
0x362: {  	[tilespmem:s1+$0xFFFFFF10] =	vst v7  }
0x363: {  	v7 =	vld [tilespmem:s0+$0x5720];
	_ =	sdelay $0x4  }
0x364: {  	[tilespmem:s1+$0xFFFFFF20] =	vst v7  }
0x365: {  	v7 =	vld [tilespmem:s0+$0x5730];
	_ =	sdelay $0x4  }
0x366: {  	[tilespmem:s1+$0xFFFFFF30] =	vst v7  }
0x367: {  	v7 =	vld [tilespmem:s0+$0x5740];
	_ =	sdelay $0x4  }
0x368: {  	[tilespmem:s1+$0xFFFFFF40] =	vst v7  }
0x369: {  	v7 =	vld [tilespmem:s0+$0x5750];
	_ =	sdelay $0x4  }
0x36a: {  	[tilespmem:s1+$0xFFFFFF50] =	vst v7  }
0x36b: {  	v7 =	vld [tilespmem:s0+$0x5760];
	_ =	sdelay $0x4  }
0x36c: {  	[tilespmem:s1+$0xFFFFFF60] =	vst v7  }
0x36d: {  	v7 =	vld [tilespmem:s0+$0x5770];
	_ =	sdelay $0x4  }
0x36e: {  	[tilespmem:s1+$0xFFFFFF70] =	vst v7  }
0x36f: {  	v7 =	vld [tilespmem:s0+$0x6C00];
	_ =	sdelay $0x4  }
0x370: {  	[tilespmem:s1+$0xFFFFFF80] =	vst v7  }
0x371: {  	v7 =	vld [tilespmem:s0+$0x6C10];
	_ =	sdelay $0x4  }
0x372: {  	[tilespmem:s1+$0xFFFFFF90] =	vst v7  }
0x373: {  	v7 =	vld [tilespmem:s0+$0x6C20];
	_ =	sdelay $0x4  }
0x374: {  	[tilespmem:s1+$0xFFFFFFA0] =	vst v7  }
0x375: {  	v7 =	vld [tilespmem:s0+$0x6C30];
	_ =	sdelay $0x4  }
0x376: {  	[tilespmem:s1+$0xFFFFFFB0] =	vst v7  }
0x377: {  	v7 =	vld [tilespmem:s0+$0x6C40];
	_ =	sdelay $0x4  }
0x378: {  	[tilespmem:s1+$0xFFFFFFC0] =	vst v7  }
0x379: {  	v7 =	vld [tilespmem:s0+$0x6C50];
	_ =	sdelay $0x4  }
0x37a: {  	[tilespmem:s1+$0xFFFFFFD0] =	vst v7  }
0x37b: {  	v7 =	vld [tilespmem:s0+$0x6C60];
	_ =	sdelay $0x4  }
0x37c: {  	[tilespmem:s1+$0xFFFFFFE0] =	vst v7  }
0x37d: {  	v7 =	vld [tilespmem:s0+$0x6C70];
	_ =	sdelay $0x4  }
0x37e: {  	[tilespmem:s1+$0xFFFFFFF0] =	vst v7  }
0x37f: {  	v7 =	vld [tilespmem:s0+$0x5780];
	_ =	sdelay $0x4  }
0x380: {  	[tilespmem:s1+$0x0] =	vst v7  }
0x381: {  	v7 =	vld [tilespmem:s0+$0x5790];
	_ =	sdelay $0x4  }
0x382: {  	[tilespmem:s1+$0x10] =	vst v7  }
0x383: {  	v7 =	vld [tilespmem:s0+$0x57A0];
	_ =	sdelay $0x4  }
0x384: {  	[tilespmem:s1+$0x20] =	vst v7  }
0x385: {  	v7 =	vld [tilespmem:s0+$0x57B0];
	_ =	sdelay $0x4  }
0x386: {  	[tilespmem:s1+$0x30] =	vst v7  }
0x387: {  	v7 =	vld [tilespmem:s0+$0x57C0];
	_ =	sdelay $0x4  }
0x388: {  	[tilespmem:s1+$0x40] =	vst v7  }
0x389: {  	v7 =	vld [tilespmem:s0+$0x57D0];
	_ =	sdelay $0x4  }
0x38a: {  	[tilespmem:s1+$0x50] =	vst v7  }
0x38b: {  	v7 =	vld [tilespmem:s0+$0x57E0];
	_ =	sdelay $0x4  }
0x38c: {  	[tilespmem:s1+$0x60] =	vst v7  }
0x38d: {  	v7 =	vld [tilespmem:s0+$0x57F0];
	_ =	sdelay $0x4  }
0x38e: {  	[tilespmem:s1+$0x70] =	vst v7  }
0x38f: {  	v7 =	vld [tilespmem:s0+$0x6C80];
	_ =	sdelay $0x4  }
0x390: {  	[tilespmem:s1+$0x80] =	vst v7  }
0x391: {  	v7 =	vld [tilespmem:s0+$0x6C90];
	_ =	sdelay $0x4  }
0x392: {  	[tilespmem:s1+$0x90] =	vst v7  }
0x393: {  	v7 =	vld [tilespmem:s0+$0x6CA0];
	_ =	sdelay $0x4  }
0x394: {  	[tilespmem:s1+$0xA0] =	vst v7  }
0x395: {  	v7 =	vld [tilespmem:s0+$0x6CB0];
	_ =	sdelay $0x4  }
0x396: {  	[tilespmem:s1+$0xB0] =	vst v7  }
0x397: {  	v7 =	vld [tilespmem:s0+$0x6CC0];
	_ =	sdelay $0x4  }
0x398: {  	[tilespmem:s1+$0xC0] =	vst v7  }
0x399: {  	v7 =	vld [tilespmem:s0+$0x6CD0];
	_ =	sdelay $0x4  }
0x39a: {  	[tilespmem:s1+$0xD0] =	vst v7  }
0x39b: {  	v7 =	vld [tilespmem:s0+$0x6CE0];
	_ =	sdelay $0x4  }
0x39c: {  	[tilespmem:s1+$0xE0] =	vst v7  }
0x39d: {  	s7 =	sld [smem:$0x7F6];
	v7 =	vld [tilespmem:s0+$0x6CF0]  }
0x39e: {  	s11 =	sld [smem:$0x7F7]  }
0x39f: {  	s22 =	sld [smem:$0x7F9]  }
0x3a0: {  	s6 =	sshrl.u32 s31, $0x3  }
0x3a1: {  	p1 =	seq.s32 s7, $0x1;
	s0 =	sadd.s32 s2, s6  }
0x3a2: {  	p2 =	seq.s32 s11, $0x1;
	p5 =	seq.s32 s22, $0x1;
	s0 =	sadd.s32 $0x1000, s0;
	[tilespmem:s1+$0xF0] =	vst v7  }
0x3a3: {  	[hbm4b:s0+s3] =	stream.linear.scatter [tilespmem:s24], [sflag:$0x4], $0x2A00, $0x38;
	[tilespmem:$0x1AB00] =	vst v63  }
.LBB2_16:
0x3a4: {  	s0 =	sld [smem:$0x7FB]  }
0x3a5: {  	s7 =	sld [smem:$0x7FC]  }
0x3a6: {  	p6 =	por @!p2 $0x0, $0x0;
	p0 =	por !p1, !p3;
	p1 =	por $0x0, $0x0  }
0x3a7: {  	p6 =	por @!p0 p1, p1;
	p0 =	seq.s32 s0, $0x1  }
0x3a8: {  	p4 =	por @!p0 $0x1, $0x1;
	p0 =	por !p5, p3;
	p5 =	seq.s32 s7, $0x1  }
0x3a9: {  	p1 =	por @!p5 $0x0, $0x0  }
0x3aa: {  	s0 =	simm.s32 @!p1 $0x0  }
0x3ab: {  	s11 =	sld [smem:$0x7F8];
	s0 =	simm.s32 @p1 $0x1  }
0x3ac: {  	[smem:$0x7F3] =	sst s0  }
0x3ad: {  	s0 =	simm.s32 @!p6 $0x0;
	s22 =	sld [smem:$0x7F3]  }
0x3ae: {  	p2 =	por $0x0, $0x0;
	s0 =	simm.s32 @p6 $0x1  }
0x3af: {  	p4 =	por @!p0 p2, p2;
	[smem:$0x7F1] =	sst s0;
	s0 =	simm.s32 @!p0 $0x0  }
0x3b0: {  	p1 =	seq.s32 s11, $0x1;
	s0 =	simm.s32 @p0 $0x1;
	p0 =	seq.s32 s22, $0x1  }
0x3b1: {  	p6 =	por @!p5 p0, p0;
	p0 =	por @!p1 $0x0, $0x0  }
0x3b2: {  	p4 =	por @!p1 p0, p0  }
0x3b3: {  	p6 =	por @!p3 p4, p4  }
.Ltmp12:
0x3b4: {  	_ = 	snop;
	(pc) =	sbr.rel @!p6 .LBB2_20-.Ltmp12, $4  }
0x3b5: {  	_ = 	snop  }
0x3b6: {  	[smem:$0x7F2] =	sst s0;
	s0 =	simm.s32 @!p0 $0x0  }
0x3b7: {  	s0 =	simm.s32 @p0 $0x1  }
0x3b8: {  	[smem:$0x7F4] =	sst s0  }
0x3b9: {  	s1 =	simm.s32 $0x0  }
0x3ba: {  	v7 =	vld [tilespmem:s1+$0x5700];
	_ =	sdelay $0x3  }
0x3bb: {  	s0 =	simm.s32 $0x10200  }
0x3bc: {  	[tilespmem:s0+$0xFFFFFF00] =	vst v7  }
0x3bd: {  	v7 =	vld [tilespmem:s1+$0x5710];
	_ =	sdelay $0x4  }
0x3be: {  	[tilespmem:s0+$0xFFFFFF10] =	vst v7  }
0x3bf: {  	v7 =	vld [tilespmem:s1+$0x5720];
	_ =	sdelay $0x4  }
0x3c0: {  	[tilespmem:s0+$0xFFFFFF20] =	vst v7  }
0x3c1: {  	v7 =	vld [tilespmem:s1+$0x5730];
	_ =	sdelay $0x4  }
0x3c2: {  	[tilespmem:s0+$0xFFFFFF30] =	vst v7  }
0x3c3: {  	v7 =	vld [tilespmem:s1+$0x5740];
	_ =	sdelay $0x4  }
0x3c4: {  	[tilespmem:s0+$0xFFFFFF40] =	vst v7  }
0x3c5: {  	v7 =	vld [tilespmem:s1+$0x5750];
	_ =	sdelay $0x4  }
0x3c6: {  	[tilespmem:s0+$0xFFFFFF50] =	vst v7  }
0x3c7: {  	v7 =	vld [tilespmem:s1+$0x5760];
	_ =	sdelay $0x4  }
0x3c8: {  	[tilespmem:s0+$0xFFFFFF60] =	vst v7  }
0x3c9: {  	v7 =	vld [tilespmem:s1+$0x5770];
	_ =	sdelay $0x4  }
0x3ca: {  	[tilespmem:s0+$0xFFFFFF70] =	vst v7  }
0x3cb: {  	v7 =	vld [tilespmem:s1+$0x5C00];
	_ =	sdelay $0x4  }
0x3cc: {  	[tilespmem:s0+$0xFFFFFF80] =	vst v7  }
0x3cd: {  	v7 =	vld [tilespmem:s1+$0x5C10];
	_ =	sdelay $0x4  }
0x3ce: {  	[tilespmem:s0+$0xFFFFFF90] =	vst v7  }
0x3cf: {  	v7 =	vld [tilespmem:s1+$0x5C20];
	_ =	sdelay $0x4  }
0x3d0: {  	[tilespmem:s0+$0xFFFFFFA0] =	vst v7  }
0x3d1: {  	v7 =	vld [tilespmem:s1+$0x5C30];
	_ =	sdelay $0x4  }
0x3d2: {  	[tilespmem:s0+$0xFFFFFFB0] =	vst v7  }
0x3d3: {  	v7 =	vld [tilespmem:s1+$0x5C40];
	_ =	sdelay $0x4  }
0x3d4: {  	[tilespmem:s0+$0xFFFFFFC0] =	vst v7  }
0x3d5: {  	v7 =	vld [tilespmem:s1+$0x5C50];
	_ =	sdelay $0x4  }
0x3d6: {  	[tilespmem:s0+$0xFFFFFFD0] =	vst v7  }
0x3d7: {  	v7 =	vld [tilespmem:s1+$0x5C60];
	_ =	sdelay $0x4  }
0x3d8: {  	[tilespmem:s0+$0xFFFFFFE0] =	vst v7  }
0x3d9: {  	v7 =	vld [tilespmem:s1+$0x5C70];
	_ =	sdelay $0x4  }
0x3da: {  	[tilespmem:s0+$0xFFFFFFF0] =	vst v7  }
0x3db: {  	v7 =	vld [tilespmem:s1+$0x5780];
	_ =	sdelay $0x4  }
0x3dc: {  	[tilespmem:s0+$0x0] =	vst v7  }
0x3dd: {  	v7 =	vld [tilespmem:s1+$0x5790];
	_ =	sdelay $0x4  }
0x3de: {  	[tilespmem:s0+$0x10] =	vst v7  }
0x3df: {  	v7 =	vld [tilespmem:s1+$0x57A0];
	_ =	sdelay $0x4  }
0x3e0: {  	[tilespmem:s0+$0x20] =	vst v7  }
0x3e1: {  	v7 =	vld [tilespmem:s1+$0x57B0];
	_ =	sdelay $0x4  }
0x3e2: {  	[tilespmem:s0+$0x30] =	vst v7  }
0x3e3: {  	v7 =	vld [tilespmem:s1+$0x57C0];
	_ =	sdelay $0x4  }
0x3e4: {  	[tilespmem:s0+$0x40] =	vst v7  }
0x3e5: {  	v7 =	vld [tilespmem:s1+$0x57D0];
	_ =	sdelay $0x4  }
0x3e6: {  	[tilespmem:s0+$0x50] =	vst v7  }
0x3e7: {  	v7 =	vld [tilespmem:s1+$0x57E0];
	_ =	sdelay $0x4  }
0x3e8: {  	[tilespmem:s0+$0x60] =	vst v7  }
0x3e9: {  	v7 =	vld [tilespmem:s1+$0x57F0];
	_ =	sdelay $0x4  }
0x3ea: {  	[tilespmem:s0+$0x70] =	vst v7  }
0x3eb: {  	v7 =	vld [tilespmem:s1+$0x5C80];
	_ =	sdelay $0x4  }
0x3ec: {  	[tilespmem:s0+$0x80] =	vst v7  }
0x3ed: {  	v7 =	vld [tilespmem:s1+$0x5C90];
	_ =	sdelay $0x4  }
0x3ee: {  	[tilespmem:s0+$0x90] =	vst v7  }
0x3ef: {  	v7 =	vld [tilespmem:s1+$0x5CA0];
	_ =	sdelay $0x4  }
0x3f0: {  	[tilespmem:s0+$0xA0] =	vst v7  }
0x3f1: {  	v7 =	vld [tilespmem:s1+$0x5CB0];
	_ =	sdelay $0x4  }
0x3f2: {  	[tilespmem:s0+$0xB0] =	vst v7  }
0x3f3: {  	v7 =	vld [tilespmem:s1+$0x5CC0];
	_ =	sdelay $0x4  }
0x3f4: {  	[tilespmem:s0+$0xC0] =	vst v7  }
0x3f5: {  	v7 =	vld [tilespmem:s1+$0x5CD0];
	_ =	sdelay $0x4  }
0x3f6: {  	[tilespmem:s0+$0xD0] =	vst v7  }
0x3f7: {  	v7 =	vld [tilespmem:s1+$0x5CE0];
	_ =	sdelay $0x4  }
0x3f8: {  	[tilespmem:s0+$0xE0] =	vst v7  }
0x3f9: {  	v7 =	vld [tilespmem:s1+$0x5CF0];
	_ =	sdelay $0x4  }
0x3fa: {  	s6 =	simm.s32 $0x800;
	s1 =	simm.s32 $0x100;
	[tilespmem:s0+$0xF0] =	vst v7  }
.LBB2_18:
0x3fb: {  	p6 =	sne.s32 s6, $0x1000;
	v7 =	vld [tilespmem:s1+$0x5700];
	_ =	sdelay $0x3  }
0x3fc: {  	s0 =	sadd.s32 $0x200, s0  }
0x3fd: {  	[tilespmem:s0+$0xFFFFFF00] =	vst v7  }
0x3fe: {  	v7 =	vld [tilespmem:s1+$0x5710];
	_ =	sdelay $0x4  }
0x3ff: {  	[tilespmem:s0+$0xFFFFFF10] =	vst v7  }
0x400: {  	v7 =	vld [tilespmem:s1+$0x5720];
	_ =	sdelay $0x4  }
0x401: {  	[tilespmem:s0+$0xFFFFFF20] =	vst v7  }
0x402: {  	v7 =	vld [tilespmem:s1+$0x5730];
	_ =	sdelay $0x4  }
0x403: {  	[tilespmem:s0+$0xFFFFFF30] =	vst v7  }
0x404: {  	v7 =	vld [tilespmem:s1+$0x5740];
	_ =	sdelay $0x4  }
0x405: {  	[tilespmem:s0+$0xFFFFFF40] =	vst v7  }
0x406: {  	v7 =	vld [tilespmem:s1+$0x5750];
	_ =	sdelay $0x4  }
0x407: {  	[tilespmem:s0+$0xFFFFFF50] =	vst v7  }
0x408: {  	v7 =	vld [tilespmem:s1+$0x5760];
	_ =	sdelay $0x4  }
0x409: {  	[tilespmem:s0+$0xFFFFFF60] =	vst v7  }
0x40a: {  	v7 =	vld [tilespmem:s1+$0x5770];
	_ =	sdelay $0x4  }
0x40b: {  	[tilespmem:s0+$0xFFFFFF70] =	vst v7  }
0x40c: {  	v7 =	vld [tilespmem:s1+$0x5C00];
	_ =	sdelay $0x4  }
0x40d: {  	[tilespmem:s0+$0xFFFFFF80] =	vst v7  }
0x40e: {  	v7 =	vld [tilespmem:s1+$0x5C10];
	_ =	sdelay $0x4  }
0x40f: {  	[tilespmem:s0+$0xFFFFFF90] =	vst v7  }
0x410: {  	v7 =	vld [tilespmem:s1+$0x5C20];
	_ =	sdelay $0x4  }
0x411: {  	[tilespmem:s0+$0xFFFFFFA0] =	vst v7  }
0x412: {  	v7 =	vld [tilespmem:s1+$0x5C30];
	_ =	sdelay $0x4  }
0x413: {  	[tilespmem:s0+$0xFFFFFFB0] =	vst v7  }
0x414: {  	v7 =	vld [tilespmem:s1+$0x5C40];
	_ =	sdelay $0x4  }
0x415: {  	[tilespmem:s0+$0xFFFFFFC0] =	vst v7  }
0x416: {  	v7 =	vld [tilespmem:s1+$0x5C50];
	_ =	sdelay $0x4  }
0x417: {  	[tilespmem:s0+$0xFFFFFFD0] =	vst v7  }
0x418: {  	v7 =	vld [tilespmem:s1+$0x5C60];
	_ =	sdelay $0x4  }
0x419: {  	[tilespmem:s0+$0xFFFFFFE0] =	vst v7  }
0x41a: {  	v7 =	vld [tilespmem:s1+$0x5C70];
	_ =	sdelay $0x4  }
0x41b: {  	[tilespmem:s0+$0xFFFFFFF0] =	vst v7  }
0x41c: {  	v7 =	vld [tilespmem:s1+$0x5780];
	_ =	sdelay $0x4  }
0x41d: {  	[tilespmem:s0+$0x0] =	vst v7  }
0x41e: {  	v7 =	vld [tilespmem:s1+$0x5790];
	_ =	sdelay $0x4  }
0x41f: {  	[tilespmem:s0+$0x10] =	vst v7  }
0x420: {  	v7 =	vld [tilespmem:s1+$0x57A0];
	_ =	sdelay $0x4  }
0x421: {  	[tilespmem:s0+$0x20] =	vst v7  }
0x422: {  	v7 =	vld [tilespmem:s1+$0x57B0];
	_ =	sdelay $0x4  }
0x423: {  	[tilespmem:s0+$0x30] =	vst v7  }
0x424: {  	v7 =	vld [tilespmem:s1+$0x57C0];
	_ =	sdelay $0x4  }
0x425: {  	[tilespmem:s0+$0x40] =	vst v7  }
0x426: {  	v7 =	vld [tilespmem:s1+$0x57D0];
	_ =	sdelay $0x4  }
0x427: {  	[tilespmem:s0+$0x50] =	vst v7  }
0x428: {  	v7 =	vld [tilespmem:s1+$0x57E0];
	_ =	sdelay $0x4  }
0x429: {  	[tilespmem:s0+$0x60] =	vst v7  }
0x42a: {  	v7 =	vld [tilespmem:s1+$0x57F0];
	_ =	sdelay $0x4  }
0x42b: {  	[tilespmem:s0+$0x70] =	vst v7  }
0x42c: {  	v7 =	vld [tilespmem:s1+$0x5C80];
	_ =	sdelay $0x4  }
0x42d: {  	[tilespmem:s0+$0x80] =	vst v7  }
0x42e: {  	v7 =	vld [tilespmem:s1+$0x5C90];
	_ =	sdelay $0x4  }
0x42f: {  	[tilespmem:s0+$0x90] =	vst v7  }
0x430: {  	v7 =	vld [tilespmem:s1+$0x5CA0];
	_ =	sdelay $0x4  }
0x431: {  	[tilespmem:s0+$0xA0] =	vst v7  }
0x432: {  	v7 =	vld [tilespmem:s1+$0x5CB0];
	_ =	sdelay $0x4  }
0x433: {  	[tilespmem:s0+$0xB0] =	vst v7  }
0x434: {  	v7 =	vld [tilespmem:s1+$0x5CC0];
	_ =	sdelay $0x4  }
0x435: {  	[tilespmem:s0+$0xC0] =	vst v7  }
0x436: {  	v7 =	vld [tilespmem:s1+$0x5CD0];
	_ =	sdelay $0x4  }
0x437: {  	[tilespmem:s0+$0xD0] =	vst v7  }
0x438: {  	v7 =	vld [tilespmem:s1+$0x5CE0];
	_ =	sdelay $0x4  }
0x439: {  	[tilespmem:s0+$0xE0] =	vst v7  }
0x43a: {  	v7 =	vld [tilespmem:s1+$0x5CF0]  }
.Ltmp13:
0x43b: {  	(pc) =	sbr.rel @p6 .LBB2_18-.Ltmp13, $2  }
0x43c: {  	_ =	sdelay $0x2  }
0x43d: {  	s1 =	sshra.s32 s6, $0x2;
	s6 =	sadd.s32 $0x400, s6;
	[tilespmem:s0+$0xF0] =	vst v7  }
0x43e: {  	v7 =	vld [tilespmem:s1+$0x5700];
	_ =	sdelay $0x3  }
0x43f: {  	s0 =	sadd.s32 $0x200, s0  }
0x440: {  	[tilespmem:s0+$0xFFFFFF00] =	vst v7  }
0x441: {  	v7 =	vld [tilespmem:s1+$0x5710];
	_ =	sdelay $0x4  }
0x442: {  	[tilespmem:s0+$0xFFFFFF10] =	vst v7  }
0x443: {  	v7 =	vld [tilespmem:s1+$0x5720];
	_ =	sdelay $0x4  }
0x444: {  	[tilespmem:s0+$0xFFFFFF20] =	vst v7  }
0x445: {  	v7 =	vld [tilespmem:s1+$0x5730];
	_ =	sdelay $0x4  }
0x446: {  	[tilespmem:s0+$0xFFFFFF30] =	vst v7  }
0x447: {  	v7 =	vld [tilespmem:s1+$0x5740];
	_ =	sdelay $0x4  }
0x448: {  	[tilespmem:s0+$0xFFFFFF40] =	vst v7  }
0x449: {  	v7 =	vld [tilespmem:s1+$0x5750];
	_ =	sdelay $0x4  }
0x44a: {  	[tilespmem:s0+$0xFFFFFF50] =	vst v7  }
0x44b: {  	v7 =	vld [tilespmem:s1+$0x5760];
	_ =	sdelay $0x4  }
0x44c: {  	[tilespmem:s0+$0xFFFFFF60] =	vst v7  }
0x44d: {  	v7 =	vld [tilespmem:s1+$0x5770];
	_ =	sdelay $0x4  }
0x44e: {  	[tilespmem:s0+$0xFFFFFF70] =	vst v7  }
0x44f: {  	v7 =	vld [tilespmem:s1+$0x5C00];
	_ =	sdelay $0x4  }
0x450: {  	[tilespmem:s0+$0xFFFFFF80] =	vst v7  }
0x451: {  	v7 =	vld [tilespmem:s1+$0x5C10];
	_ =	sdelay $0x4  }
0x452: {  	[tilespmem:s0+$0xFFFFFF90] =	vst v7  }
0x453: {  	v7 =	vld [tilespmem:s1+$0x5C20];
	_ =	sdelay $0x4  }
0x454: {  	[tilespmem:s0+$0xFFFFFFA0] =	vst v7  }
0x455: {  	v7 =	vld [tilespmem:s1+$0x5C30];
	_ =	sdelay $0x4  }
0x456: {  	[tilespmem:s0+$0xFFFFFFB0] =	vst v7  }
0x457: {  	v7 =	vld [tilespmem:s1+$0x5C40];
	_ =	sdelay $0x4  }
0x458: {  	[tilespmem:s0+$0xFFFFFFC0] =	vst v7  }
0x459: {  	v7 =	vld [tilespmem:s1+$0x5C50];
	_ =	sdelay $0x4  }
0x45a: {  	[tilespmem:s0+$0xFFFFFFD0] =	vst v7  }
0x45b: {  	v7 =	vld [tilespmem:s1+$0x5C60];
	_ =	sdelay $0x4  }
0x45c: {  	[tilespmem:s0+$0xFFFFFFE0] =	vst v7  }
0x45d: {  	v7 =	vld [tilespmem:s1+$0x5C70];
	_ =	sdelay $0x4  }
0x45e: {  	[tilespmem:s0+$0xFFFFFFF0] =	vst v7  }
0x45f: {  	v7 =	vld [tilespmem:s1+$0x5780];
	_ =	sdelay $0x4  }
0x460: {  	[tilespmem:s0+$0x0] =	vst v7  }
0x461: {  	v7 =	vld [tilespmem:s1+$0x5790];
	_ =	sdelay $0x4  }
0x462: {  	[tilespmem:s0+$0x10] =	vst v7  }
0x463: {  	v7 =	vld [tilespmem:s1+$0x57A0];
	_ =	sdelay $0x4  }
0x464: {  	[tilespmem:s0+$0x20] =	vst v7  }
0x465: {  	v7 =	vld [tilespmem:s1+$0x57B0];
	_ =	sdelay $0x4  }
0x466: {  	[tilespmem:s0+$0x30] =	vst v7  }
0x467: {  	v7 =	vld [tilespmem:s1+$0x57C0];
	_ =	sdelay $0x4  }
0x468: {  	[tilespmem:s0+$0x40] =	vst v7  }
0x469: {  	v7 =	vld [tilespmem:s1+$0x57D0];
	_ =	sdelay $0x4  }
0x46a: {  	[tilespmem:s0+$0x50] =	vst v7  }
0x46b: {  	v7 =	vld [tilespmem:s1+$0x57E0];
	_ =	sdelay $0x4  }
0x46c: {  	[tilespmem:s0+$0x60] =	vst v7  }
0x46d: {  	v7 =	vld [tilespmem:s1+$0x57F0];
	_ =	sdelay $0x4  }
0x46e: {  	[tilespmem:s0+$0x70] =	vst v7  }
0x46f: {  	v7 =	vld [tilespmem:s1+$0x5C80];
	_ =	sdelay $0x4  }
0x470: {  	[tilespmem:s0+$0x80] =	vst v7  }
0x471: {  	v7 =	vld [tilespmem:s1+$0x5C90];
	_ =	sdelay $0x4  }
0x472: {  	[tilespmem:s0+$0x90] =	vst v7  }
0x473: {  	v7 =	vld [tilespmem:s1+$0x5CA0];
	_ =	sdelay $0x4  }
0x474: {  	[tilespmem:s0+$0xA0] =	vst v7  }
0x475: {  	v7 =	vld [tilespmem:s1+$0x5CB0];
	_ =	sdelay $0x4  }
0x476: {  	[tilespmem:s0+$0xB0] =	vst v7  }
0x477: {  	v7 =	vld [tilespmem:s1+$0x5CC0];
	_ =	sdelay $0x4  }
0x478: {  	[tilespmem:s0+$0xC0] =	vst v7  }
0x479: {  	v7 =	vld [tilespmem:s1+$0x5CD0];
	_ =	sdelay $0x4  }
0x47a: {  	[tilespmem:s0+$0xD0] =	vst v7  }
0x47b: {  	v7 =	vld [tilespmem:s1+$0x5CE0];
	_ =	sdelay $0x4  }
0x47c: {  	[tilespmem:s0+$0xE0] =	vst v7  }
0x47d: {  	v7 =	vld [tilespmem:s1+$0x5CF0];
	_ =	sdelay $0x2  }
0x47e: {  	s11 =	sshrl.u32 s31, $0x3  }
0x47f: {  	s1 =	sadd.s32 s2, s11  }
0x480: {  	s22 =	sadd.s32 $0x1400, s1;
	[tilespmem:s0+$0xF0] =	vst v7  }
0x481: {  	[hbm4b:s22+s3] =	stream.linear.scatter [tilespmem:s24], [sflag:$0x4], $0xA00, $0x38;
	[tilespmem:$0x1AB00] =	vst v63  }
.LBB2_20:
0x482: {  	s0 =	sld [smem:$0x7FB]  }
0x483: {  	s6 =	sld [smem:$0x7F2]  }
0x484: {  	s7 =	sld [smem:$0x7F1]  }
0x485: {  	s11 =	sld [smem:$0x7F8]  }
0x486: {  	p2 =	por p5, p5;
	p5 =	por @!p5 $0x1, $0x1;
	s22 =	sld [smem:$0x7F4]  }
0x487: {  	p6 =	por $0x0, $0x0;
	p0 =	seq.s32 s0, $0x1;
	p1 =	seq.s32 s7, $0x1  }
0x488: {  	p4 =	por @!p0 $0x0, $0x0;
	p0 =	seq.s32 s6, $0x1;
	p1 =	por @!p2 p5, p5  }
0x489: {  	p2 =	seq.s32 s22, $0x1;
	p4 =	por @!p0 p6, p6;
	p0 =	seq.s32 s11, $0x1  }
0x48a: {  	p4 =	por @!p0 p2, p2  }
0x48b: {  	p1 =	por @!p3 p4, p4  }
.Ltmp14:
0x48c: {  	_ = 	snop;
	(pc) =	sbr.rel @!p1 .LBB2_22-.Ltmp14, $1  }
0x48d: {  	_ =	sdelay $0x3  }
0x48e: {  	v7 =	vld [tilespmem:$0x5700]  }
0x48f: {  	v8 =	vld [tilespmem:$0x5710]  }
0x490: {  	v9 =	vld [tilespmem:$0x5720]  }
0x491: {  	v10 =	vld [tilespmem:$0x5730]  }
0x492: {  	v11 =	vld [tilespmem:$0x5740]  }
0x493: {  	[tilespmem:$0x10100] =	vst v7;
	v7 =	vld [tilespmem:$0x5750]  }
0x494: {  	[tilespmem:$0x10110] =	vst v8;
	v8 =	vld [tilespmem:$0x5760]  }
0x495: {  	v49 =	vld [tilespmem:$0x5770];
	[tilespmem:$0x10120] =	vst v9  }
0x496: {  	v50 =	vld [tilespmem:$0x5800];
	[tilespmem:$0x10130] =	vst v10  }
0x497: {  	v51 =	vld [tilespmem:$0x5810];
	[tilespmem:$0x10140] =	vst v11  }
0x498: {  	[tilespmem:$0x10150] =	vst v7;
	v7 =	vld [tilespmem:$0x5820]  }
0x499: {  	[tilespmem:$0x10160] =	vst v8;
	v8 =	vld [tilespmem:$0x5830]  }
0x49a: {  	v52 =	vld [tilespmem:$0x5840];
	[tilespmem:$0x10170] =	vst v49  }
0x49b: {  	v53 =	vld [tilespmem:$0x5850];
	[tilespmem:$0x10180] =	vst v50  }
0x49c: {  	v54 =	vld [tilespmem:$0x5860];
	[tilespmem:$0x10190] =	vst v51  }
0x49d: {  	[tilespmem:$0x101A0] =	vst v7;
	v7 =	vld [tilespmem:$0x5870]  }
0x49e: {  	[tilespmem:$0x101B0] =	vst v8;
	v8 =	vld [tilespmem:$0x5780]  }
0x49f: {  	v55 =	vld [tilespmem:$0x5790];
	[tilespmem:$0x101C0] =	vst v52  }
0x4a0: {  	v56 =	vld [tilespmem:$0x57A0];
	[tilespmem:$0x101D0] =	vst v53  }
0x4a1: {  	v57 =	vld [tilespmem:$0x57B0];
	[tilespmem:$0x101E0] =	vst v54  }
0x4a2: {  	[tilespmem:$0x101F0] =	vst v7;
	v7 =	vld [tilespmem:$0x57C0]  }
0x4a3: {  	[tilespmem:$0x10200] =	vst v8;
	v8 =	vld [tilespmem:$0x57D0]  }
0x4a4: {  	v58 =	vld [tilespmem:$0x57E0];
	[tilespmem:$0x10210] =	vst v55  }
0x4a5: {  	v59 =	vld [tilespmem:$0x57F0];
	[tilespmem:$0x10220] =	vst v56  }
0x4a6: {  	v60 =	vld [tilespmem:$0x5880];
	[tilespmem:$0x10230] =	vst v57  }
0x4a7: {  	[tilespmem:$0x10240] =	vst v7;
	v7 =	vld [tilespmem:$0x5890]  }
0x4a8: {  	[tilespmem:$0x10250] =	vst v8;
	v8 =	vld [tilespmem:$0x58A0]  }
0x4a9: {  	v61 =	vld [tilespmem:$0x58B0];
	[tilespmem:$0x10260] =	vst v58  }
0x4aa: {  	v62 =	vld [tilespmem:$0x58C0];
	[tilespmem:$0x10270] =	vst v59  }
0x4ab: {  	v63 =	vld [tilespmem:$0x58D0];
	[tilespmem:$0x10280] =	vst v60  }
0x4ac: {  	[tilespmem:$0x10290] =	vst v7;
	v7 =	vld [tilespmem:$0x58E0]  }
0x4ad: {  	[tilespmem:$0x102A0] =	vst v8;
	v8 =	vld [tilespmem:$0x58F0]  }
0x4ae: {  	[tilespmem:$0x102B0] =	vst v61  }
0x4af: {  	[tilespmem:$0x102C0] =	vst v62  }
0x4b0: {  	s0 =	sshrl.u32 s31, $0x3;
	[tilespmem:$0x102D0] =	vst v63  }
0x4b1: {  	s0 =	sadd.s32 s2, s0;
	[tilespmem:$0x102E0] =	vst v7  }
0x4b2: {  	s0 =	sadd.s32 $0x1500, s0;
	[tilespmem:$0x102F0] =	vst v8  }
0x4b3: {  	[hbm4b:s0+s3] =	stream.linear.scatter [tilespmem:s24], [sflag:$0x4], $0x200, $0x38;
	[tilespmem:$0x1AB00] =	vst v63  }
.LBB2_22:
0x4b4: {  	s0 =	sld [smem:$0x7F5];
	_ =	sdelay $0x2  }
0x4b5: {  	p0 =	seq.s32 s0, $0x1  }
.Ltmp15:
0x4b6: {  	_ = 	snop;
	(pc) =	sbr.rel @!p0 .LBB2_23-.Ltmp15, $4  }
.Ltmp16:
0x4b7: {  	_ = 	snop;
	(pc) =	sbr.rel @p0 .LBB2_24-.Ltmp16, $4  }
0x4b8: {  	_ = 	snop  }
0x4b9: {  	_ = 	snop  }
0x4ba: {  	_ = 	snop  }
0x4bb: {  	_ = 	snop  }
.LBB2_25:
0x4bc: {  	_ =	sfence.sel $0x180000  }
0x4bd: {  	[bflag:$0x0] =	sbarrier.arrive $0xFFFF  }
0x4be: {  	_ =	strace $0x90000047  }
0x4bf: {  	s0 =	stileid.u32;
	[bflag:$0x2] =	sbarrier.arrive $0xFFFF  }
0x4c0: {  	p0 =	sne.s32 s0, $0x0;
	s0 =	rddreg [dreg:$0x2]  }
0x4c1: {  	s0 =	sadd.s32 @!p0 $0x100000, s0  }
0x4c2: {  	[sflag:s0] =	ssyncadd.tile.s32 @!p0 $0x1;
	_ =	shalt  }
.Lfunc_end2:
_tile_overlayer_lowered:
.L_overlay_start_2:
0x4c3: {  	(tag) =	ssettag $0x2  }
0x4c4: {  	s0 =	rddreg [dreg:$0x0];
	s2 =	stileid.u32  }
0x4c5: {  	s1 =	rddreg [dreg:$0x1];
	p0 =	sne.s32 s2, $0x0  }
0x4c6: {  	s3 =	rddreg [dreg:$0x2];
	[bflag:$0x3] =	sbarrier.arrive $0xFFFF;
	s2 =	simm.s32 @!p0 $0x1C05  }
0x4c7: {  	[timem:s3], [sflag:s2] =	dma.local @!p0 [hbm:s0], s1  }
0x4c8: {  	s0 =	simm.s32 @!p0 $0x5  }
0x4c9: {  	_ =	swait.ge @!p0 [sflag:s0], s1  }
0x4ca: {  	s1 =	ssub.s32 @!p0 $0x0, s1;
	[sflag:s0] =	ssyncset.done @!p0 $0x0  }
0x4cb: {  	[sflag:s0] =	ssyncadd.s32 @!p0 s1  }
0x4cc: {  	[bflag:$0x3] =	sbarrier.arrive $0xFFFF  }
0x4cd: {  	_ =	shalt  }

</sc_bundles>
